<compile_context>
chip_gen: v7x
topology: tpu7x:2x2x1
jax: 0.10.2.dev20260603
libtpu: 0.0.44.dev20260713+nightly
codegen_flags: <defaults>
</compile_context>

<pallas_src>
import functools

import jax
import jax.numpy as jnp
from jax import lax
from jax.experimental import pallas as pl
from jax.experimental.pallas import tpu as pltpu
from jax.experimental.pallas import tpu_sc as plsc

N = 10000
E = 320000
D_IN = 128
HID = 64
HEADS = 2

NC = 2
NS = 16
NW = NC * NS
BLK = 128
E_TOT = E + N
EPT = -(-E_TOT // (NW * BLK)) * BLK
E_PAD = EPT * NW
NBLK = EPT // BLK
NPAD = 10240
RPT = NPAD // NS
NP1 = N + 8

f32 = jnp.float32
i32 = jnp.int32



def _mm_block(i):
    return (i, 0)


def _w_block(i):
    return (0, 0)


RB = 1000


def _ka_body(x_ref, w_ref, asr_ref, adr_ref, h_ref, s_ref, d_ref):
    h = jnp.dot(x_ref[...], w_ref[...], preferred_element_type=f32)
    h_ref[...] = h
    s_ref[...] = jnp.dot(h, asr_ref[...], preferred_element_type=f32)
    d_ref[...] = jnp.dot(h, adr_ref[...], preferred_element_type=f32)


def _dense_pre(x, W1, Asrc, Adst):
    return pl.pallas_call(
        _ka_body,
        grid=(N // RB,),
        in_specs=[pl.BlockSpec((RB, D_IN), _mm_block),
                  pl.BlockSpec((D_IN, HEADS * HID), _w_block),
                  pl.BlockSpec((HEADS * HID, HEADS), _w_block),
                  pl.BlockSpec((HEADS * HID, HEADS), _w_block)],
        out_specs=[pl.BlockSpec((RB, HEADS * HID), _mm_block),
                   pl.BlockSpec((RB, HEADS), _mm_block),
                   pl.BlockSpec((RB, HEADS), _mm_block)],
        out_shape=[jax.ShapeDtypeStruct((N, HEADS * HID), f32),
                   jax.ShapeDtypeStruct((N, HEADS), f32),
                   jax.ShapeDtypeStruct((N, HEADS), f32)],
    )(x, W1, Asrc, Adst)


def _kb_body(p0_ref, p1_ref, dn_ref, b1_ref, w2_ref, av_ref, h2_ref, sa_ref):
    den = jnp.sum(dn_ref[...], axis=0)
    p = p0_ref[...] + p1_ref[...]
    den0 = den[:, 0:1] + 1e-16
    den1 = den[:, 1:2] + 1e-16
    h1 = jnp.concatenate([p[:, :HID] / den0, p[:, HID:] / den1], axis=1)
    h1 = h1 + b1_ref[...]
    h1 = jnp.where(h1 > 0, h1, jnp.exp(h1) - 1.0)
    h2 = jnp.dot(h1, w2_ref[...], preferred_element_type=f32)
    h2_ref[...] = h2
    sa_ref[...] = jnp.dot(h2, av_ref[...], preferred_element_type=f32)


def _dense_mid(p0, p1, dn, b1, W2, av):
    return pl.pallas_call(
        _kb_body,
        grid=(N // RB,),
        in_specs=[pl.BlockSpec((RB, HEADS * HID), _mm_block),
                  pl.BlockSpec((RB, HEADS * HID), _mm_block),
                  pl.BlockSpec((NW, RB, HEADS), lambda i: (0, i, 0)),
                  pl.BlockSpec((1, HEADS * HID), _w_block),
                  pl.BlockSpec((HEADS * HID, HID), _w_block),
                  pl.BlockSpec((HID, 2), _w_block)],
        out_specs=[pl.BlockSpec((RB, HID), _mm_block),
                   pl.BlockSpec((RB, 2), _mm_block)],
        out_shape=[jax.ShapeDtypeStruct((N, HID), f32),
                   jax.ShapeDtypeStruct((N, 2), f32)],
    )(p0, p1, dn, b1, W2, av)


def _kc_body(q0_ref, q1_ref, dn_ref, b2_ref, wl_ref, bl_ref, o_ref):
    den = jnp.sum(dn_ref[...], axis=0) + 1e-16
    h2 = (q0_ref[...] + q1_ref[...]) / den + b2_ref[...]
    o_ref[...] = jnp.dot(h2, wl_ref[...], preferred_element_type=f32) + bl_ref[...]


def _dense_post(q0, q1, dn, b2, Wlin, blin):
    return pl.pallas_call(
        _kc_body,
        grid=(N // RB,),
        in_specs=[pl.BlockSpec((RB, HID), _mm_block),
                  pl.BlockSpec((RB, HID), _mm_block),
                  pl.BlockSpec((NW, RB, 1), lambda i: (0, i, 0)),
                  pl.BlockSpec((1, HID), _w_block),
                  pl.BlockSpec((HID, 1), _w_block),
                  pl.BlockSpec((1, 1), _w_block)],
        out_specs=pl.BlockSpec((RB, 1), _mm_block),
        out_shape=jax.ShapeDtypeStruct((N, 1), f32),
    )(q0, q1, dn, b2, Wlin, blin)



def _sc_mesh():
    return plsc.VectorSubcoreMesh(
        core_axis_name="c", subcore_axis_name="s",
        num_cores=NC, num_subcores=NS)


def _make_sc_pre_kernel(H):

    @functools.partial(
        pl.kernel,
        out_type=[jax.ShapeDtypeStruct((NW * H * EPT,), f32),
                  jax.ShapeDtypeStruct((NW * NPAD * H,), f32)],
        mesh=_sc_mesh(),
        compiler_params=pltpu.CompilerParams(needs_layout_passes=False),
        scratch_types=[
            pltpu.VMEM((NP1 * H,), f32),
            pltpu.VMEM((NP1 * H,), f32),
            pltpu.VMEM((BLK,), i32),
            pltpu.VMEM((BLK,), i32),
            pltpu.VMEM((H * EPT,), f32),
            pltpu.VMEM((NPAD * H,), f32),
            pltpu.SemaphoreType.DMA,
        ],
    )
    def pre_kernel(as_hbm, ad_hbm, src_hbm, dst_hbm, ex_hbm, den_hbm,
                   as_tab, ad_tab, sidx, didx, exbuf, denp, isem):
        c = lax.axis_index("c")
        s = lax.axis_index("s")
        w = c * NS + s

        pltpu.sync_copy(as_hbm, as_tab)
        pltpu.sync_copy(ad_hbm, ad_tab)

        zv = jnp.zeros((16,), f32)

        def zero_body(i, carry):
            denp[pl.ds(i * 16, 16)] = zv
            return carry

        lax.fori_loop(0, NPAD * H // 16, zero_body, 0)

        tile_off = w * EPT

        def block_body(b, carry):
            off = tile_off + b * BLK
            c1 = pltpu.async_copy(src_hbm.at[pl.ds(off, BLK)], sidx, isem)
            c2 = pltpu.async_copy(dst_hbm.at[pl.ds(off, BLK)], didx, isem)
            c1.wait()
            c2.wait()
            for g in range(BLK // 16):
                sv = sidx[pl.ds(g * 16, 16)]
                dv = didx[pl.ds(g * 16, 16)]
                for h in range(H):
                    a = plsc.load_gather(as_tab, [sv * H + h])
                    bt = plsc.load_gather(ad_tab, [dv * H + h])
                    e = a + bt
                    e = jnp.where(e >= 0, e, e * 0.2)
                    ex = jnp.exp(e)
                    exbuf[pl.ds(h * EPT + b * BLK + g * 16, 16)] = ex
                    plsc.addupdate_scatter(denp, [dv * H + h], ex)
            return carry

        lax.fori_loop(0, NBLK, block_body, 0)

        pltpu.sync_copy(exbuf, ex_hbm.at[pl.ds(w * H * EPT, H * EPT)])
        pltpu.sync_copy(denp, den_hbm.at[pl.ds(w * NPAD * H, NPAD * H)])

    return pre_kernel


def _make_sc_main_kernel(H):
    CPH = 8 // H

    @functools.partial(
        pl.kernel,
        out_type=jax.ShapeDtypeStruct((NC, NPAD, 128), f32),
        mesh=_sc_mesh(),
        compiler_params=pltpu.CompilerParams(needs_layout_passes=False),
        scratch_types=[
            pltpu.VMEM((BLK,), i32),
            pltpu.VMEM((BLK,), i32),
            pltpu.VMEM((BLK, 128), f32),
            pltpu.VMEM((H * BLK,), f32),
            pltpu.VMEM_SHARED((NPAD, 128), f32),
            pltpu.SemaphoreType.DMA,
            pltpu.SemaphoreType.DMA,
        ],
    )
    def main_kernel(h_hbm, ex_hbm, src_hbm, dst_hbm, z_hbm, out_hbm,
                    sidx, didx, rows, exs, acc, sem, isem):
        c = lax.axis_index("c")
        s = lax.axis_index("s")
        w = c * NS + s
        r0 = s * RPT

        pltpu.sync_copy(z_hbm.at[pl.ds(r0, RPT)], acc.at[pl.ds(r0, RPT)])
        plsc.subcore_barrier()

        tile_off = w * EPT

        def block_body(b, carry):
            off = tile_off + b * BLK
            c1 = pltpu.async_copy(src_hbm.at[pl.ds(off, BLK)], sidx, isem)
            c2 = pltpu.async_copy(dst_hbm.at[pl.ds(off, BLK)], didx, isem)
            ecs = [pltpu.async_copy(
                ex_hbm.at[pl.ds(w * H * EPT + h * EPT + b * BLK, BLK)],
                exs.at[pl.ds(h * BLK, BLK)], isem) for h in range(H)]
            c1.wait()
            gcp = pltpu.async_copy(h_hbm.at[sidx], rows, sem)
            c2.wait()
            for ec in ecs:
                ec.wait()
            gcp.wait()

            def scale_body(g2, carry2):
                for e2 in range(16):
                    ridx = g2 * 16 + e2
                    for h in range(H):
                        sp = plsc.load_gather(
                            exs, [jnp.full((16,), h * BLK, i32) + ridx])
                        for j in range(CPH):
                            col = (h * CPH + j) * 16
                            rows[ridx, pl.ds(col, 16)] = (
                                rows[ridx, pl.ds(col, 16)] * sp)
                return carry2

            lax.fori_loop(0, BLK // 16, scale_body, 0)

            pltpu.sync_copy(rows, acc.at[didx], add=True)
            return carry

        lax.fori_loop(0, NBLK, block_body, 0)

        plsc.subcore_barrier()
        pltpu.sync_copy(acc.at[pl.ds(r0, RPT)], out_hbm.at[c, pl.ds(r0, RPT)])

    return main_kernel


_sc_pre1 = _make_sc_pre_kernel(HEADS)
_sc_pre2 = _make_sc_pre_kernel(1)
_sc_main1 = _make_sc_main_kernel(HEADS)
_sc_main2 = _make_sc_main_kernel(1)



def kernel(x, edge_index, W1, a_src1, a_dst1, b1, W2, a_src2, a_dst2, b2,
           Wlin, blin):
    loop = jnp.arange(N, dtype=i32)
    npad = E_PAD - E_TOT
    srcp = jnp.concatenate([
        edge_index[0].astype(i32), loop, jnp.full((npad,), N, i32)])
    dstp = jnp.concatenate([
        edge_index[1].astype(i32), loop, jnp.zeros((npad,), i32)])

    Asrc1 = jnp.zeros((HEADS * HID, HEADS), f32)
    Adst1 = jnp.zeros((HEADS * HID, HEADS), f32)
    for h in range(HEADS):
        Asrc1 = Asrc1.at[h * HID:(h + 1) * HID, h].set(a_src1[h])
        Adst1 = Adst1.at[h * HID:(h + 1) * HID, h].set(a_dst1[h])

    zpad = jnp.zeros((NPAD, 128), f32)

    h1, as1, ad1 = _dense_pre(x, W1, Asrc1, Adst1)
    as1f = jnp.concatenate(
        [as1, jnp.full((8, HEADS), -1e30, f32)]).reshape(-1)
    ad1f = jnp.concatenate([ad1, jnp.zeros((8, HEADS), f32)]).reshape(-1)
    ex1, dn1 = _sc_pre1(as1f, ad1f, srcp, dstp)
    h1p = jnp.concatenate([h1, jnp.zeros((8, HEADS * HID), f32)])
    p = _sc_main1(h1p, ex1, srcp, dstp, zpad)
    dn1r = dn1.reshape(NW, NPAD, HEADS)[:, :N]

    av2 = jnp.stack([a_src2[0], a_dst2[0]], axis=1)
    h2, sa2 = _dense_mid(p[0, :N], p[1, :N], dn1r, b1.reshape(1, -1), W2,
                         av2)
    as2f = jnp.concatenate([sa2[:, 0], jnp.full((8,), -1e30, f32)])
    ad2f = jnp.concatenate([sa2[:, 1], jnp.zeros((8,), f32)])
    ex2, dn2 = _sc_pre2(as2f, ad2f, srcp, dstp)
    h2p = jnp.zeros((NP1, 128), f32).at[:N, :HID].set(h2)
    q = _sc_main2(h2p, ex2, srcp, dstp, zpad)
    dn2r = dn2.reshape(NW, NPAD, 1)[:, :N]

    out = _dense_post(q[0, :N, :HID], q[1, :N, :HID], dn2r,
                      b2.reshape(1, -1), Wlin, blin.reshape(1, 1))
    return out[:, 0]

# --- scband reference (transcript-rebuilt; emitter-appended) ---
"""Pipeline reference for scband-gatregression-13597866459796 (READ-ONLY COPY).

The authoritative reference and input builder live on the scoring server;
editing this copy changes nothing except your own understanding.
"""

import jax, jax.numpy as jnp
import numpy as np

N = 10000
E = 320000
D_IN = 128
HID = 64
HEADS = 2


def setup_inputs(seed: int = 0) -> dict:
    key = jax.random.key(seed)
    ks = jax.random.split(key, 14)
    x = jax.random.normal(ks[0], (N, D_IN), dtype=jnp.float32)
    edge_index = jax.random.randint(ks[1], (2, E), 0, N)
    s = 0.05
    W1 = jax.random.normal(ks[2], (D_IN, HEADS * HID), dtype=jnp.float32) * s
    a_src1 = jax.random.normal(ks[3], (HEADS, HID), dtype=jnp.float32) * s
    a_dst1 = jax.random.normal(ks[4], (HEADS, HID), dtype=jnp.float32) * s
    b1 = jnp.zeros((HEADS * HID,), dtype=jnp.float32)
    W2 = jax.random.normal(ks[5], (HEADS * HID, 1 * HID), dtype=jnp.float32) * s
    a_src2 = jax.random.normal(ks[6], (1, HID), dtype=jnp.float32) * s
    a_dst2 = jax.random.normal(ks[7], (1, HID), dtype=jnp.float32) * s
    b2 = jnp.zeros((HID,), dtype=jnp.float32)
    Wlin = jax.random.normal(ks[8], (HID, 1), dtype=jnp.float32) * s
    blin = jnp.zeros((1,), dtype=jnp.float32)
    return {"x": x, "edge_index": edge_index, "W1": W1, "a_src1": a_src1,
            "a_dst1": a_dst1, "b1": b1, "W2": W2, "a_src2": a_src2,
            "a_dst2": a_dst2, "b2": b2, "Wlin": Wlin, "blin": blin}


def _gat_conv(x, src, dst, W, att_src, att_dst, bias, heads, out_ch, concat):
    n = x.shape[0]
    h = (x @ W).reshape(n, heads, out_ch)
    a_s = (h * att_src[None, :, :]).sum(-1)  # [N, H]
    a_d = (h * att_dst[None, :, :]).sum(-1)  # [N, H]
    e = a_s[src] + a_d[dst]                   # [E, H]
    e = jax.nn.leaky_relu(e, negative_slope=0.2)
    e_max = jax.ops.segment_max(e, dst, num_segments=n)
    e_max = jnp.where(jnp.isfinite(e_max), e_max, 0.0)
    e_max = jax.lax.stop_gradient(e_max)
    ex = jnp.exp(e - e_max[dst])
    denom = jax.ops.segment_sum(ex, dst, num_segments=n)
    alpha = ex / (denom[dst] + 1e-16)         # [E, H]
    msg = h[src] * alpha[:, :, None]          # [E, H, C]
    out = jax.ops.segment_sum(msg, dst, num_segments=n)  # [N, H, C]
    if concat:
        out = out.reshape(n, heads * out_ch)
    else:
        out = out.mean(axis=1)
    return out + bias


def reference(x, edge_index, W1, a_src1, a_dst1, b1, W2, a_src2, a_dst2, b2, Wlin, blin):
    n = x.shape[0]
    loop = jnp.arange(n, dtype=edge_index.dtype)
    src = jnp.concatenate([edge_index[0], loop])  # add self-loops (PyG default)
    dst = jnp.concatenate([edge_index[1], loop])
    h = _gat_conv(x, src, dst, W1, a_src1, a_dst1, b1, HEADS, HID, True)
    h = jax.nn.elu(h)
    h = _gat_conv(h, src, dst, W2, a_src2, a_dst2, b2, 1, HID, False)
    out = h @ Wlin + blin
    return out[:, 0]

if __name__ == "__main__":
    import jax
    _d = setup_inputs()
    print(jax.jit(kernel)(*tuple(_d.values())))

</pallas_src>

<mosaic_0001>
#map = affine_map<(d0, d1) -> (0)>
module attributes {stable_mosaic.version = 14 : i64} {
  func.func @pre_kernel(%arg0: i32, %arg1: i32, %arg2: memref<20016xf32, #tpu.memory_space<hbm>>, %arg3: memref<20016xf32, #tpu.memory_space<hbm>>, %arg4: memref<331776xi32, #tpu.memory_space<hbm>>, %arg5: memref<331776xi32, #tpu.memory_space<hbm>>, %arg6: memref<663552xf32, #tpu.memory_space<hbm>>, %arg7: memref<655360xf32, #tpu.memory_space<hbm>>, %arg8: memref<20016xf32, #tpu.memory_space<vmem>>, %arg9: memref<20016xf32, #tpu.memory_space<vmem>>, %arg10: memref<128xi32, #tpu.memory_space<vmem>>, %arg11: memref<128xi32, #tpu.memory_space<vmem>>, %arg12: memref<20736xf32, #tpu.memory_space<vmem>>, %arg13: memref<20480xf32, #tpu.memory_space<vmem>>, %arg14: memref<!tpu.dma_semaphore, #tpu.memory_space<semaphore_mem>>) attributes {dimension_semantics = [#tpu.dimension_semantics<core_parallel>, #tpu.dimension_semantics<subcore_parallel>], iteration_bounds = array<i64: 2, 16>, scalar_prefetch = 0 : i64, scratch_operands = 7 : i64, tpu.core_type = #tpu.core_type<sc_vector_subcore>, window_params = [{transform_indices = #map}, {transform_indices = #map}, {transform_indices = #map}, {transform_indices = #map}, {transform_indices = #map}, {transform_indices = #map}]} {
    %mul3A = arith.constant 16 : i32
    %mul3A_0 = arith.muli %arg0, %mul3A : i32
    %add3A = arith.addi %mul3A_0, %arg1 : i32
    "tpu.region"() ({
      %run_scoped3A = tpu.sem_alloc : memref<!tpu.dma_semaphore, #tpu.memory_space<semaphore_mem>>
      tpu.enqueue_dma source(%arg2 : memref<20016xf32, #tpu.memory_space<hbm>>) target(%arg8 : memref<20016xf32, #tpu.memory_space<vmem>>) target_semaphore(%run_scoped3A : memref<!tpu.dma_semaphore, #tpu.memory_space<semaphore_mem>>)
      tpu.wait_dma2 semaphore(%run_scoped3A : memref<!tpu.dma_semaphore, #tpu.memory_space<semaphore_mem>>) src(%arg2 : memref<20016xf32, #tpu.memory_space<hbm>>) dst(%arg8 : memref<20016xf32, #tpu.memory_space<vmem>>)
      tpu.yield
    }) : () -> ()
    "tpu.region"() ({
      %run_scoped3A = tpu.sem_alloc : memref<!tpu.dma_semaphore, #tpu.memory_space<semaphore_mem>>
      tpu.enqueue_dma source(%arg3 : memref<20016xf32, #tpu.memory_space<hbm>>) target(%arg9 : memref<20016xf32, #tpu.memory_space<vmem>>) target_semaphore(%run_scoped3A : memref<!tpu.dma_semaphore, #tpu.memory_space<semaphore_mem>>)
      tpu.wait_dma2 semaphore(%run_scoped3A : memref<!tpu.dma_semaphore, #tpu.memory_space<semaphore_mem>>) src(%arg3 : memref<20016xf32, #tpu.memory_space<hbm>>) dst(%arg9 : memref<20016xf32, #tpu.memory_space<vmem>>)
      tpu.yield
    }) : () -> ()
    %broadcast_in_dim3A = arith.constant 0.000000e+00 : f32
    %broadcast_in_dim3A_1 = vector.broadcast %broadcast_in_dim3A : f32 to vector<16xf32>
    %scan3A = arith.constant 0 : i32
    %scan3A_2 = arith.constant 0 : i32
    %scan3A_3 = arith.constant 1280 : i32
    %scan3A_4 = arith.addi %scan3A_2, %scan3A_3 : i32
    %scan3A_5 = arith.constant 1 : i32
    scf.for %scan3A_23 = %scan3A_2 to %scan3A_4 step %scan3A_5  : i32 {
      %mul3A_24 = arith.constant 16 : i32
      %mul3A_25 = arith.muli %scan3A_23, %mul3A_24 : i32
      %swap3A = arith.index_cast %mul3A_25 : i32 to index
      %swap3A_26 = tpu.vector_load %arg13[%swap3A] {strides = array<i32>} : memref<20480xf32, #tpu.memory_space<vmem>>, vector<16xf32>,
      tpu.vector_store %arg13[%swap3A], %broadcast_in_dim3A_1 {strides = array<i32>} : memref<20480xf32, #tpu.memory_space<vmem>>, vector<16xf32>,
    }
    %scan3A_6 = arith.constant 1280 : i32
    %mul3A_7 = arith.constant 10368 : i32
    %mul3A_8 = arith.muli %add3A, %mul3A_7 : i32
    %scan3A_9 = arith.constant 0 : i32
    %scan3A_10 = arith.constant 0 : i32
    %scan3A_11 = arith.constant 81 : i32
    %scan3A_12 = arith.addi %scan3A_10, %scan3A_11 : i32
    %scan3A_13 = arith.constant 1 : i32
    scf.for %scan3A_23 = %scan3A_10 to %scan3A_12 step %scan3A_13  : i32 {
      %mul3A_24 = arith.constant 128 : i32
      %mul3A_25 = arith.muli %scan3A_23, %mul3A_24 : i32
      %add3A_26 = arith.addi %mul3A_8, %mul3A_25 : i32
      %dma_start3A = tpu.memref_slice %arg4[%add3A_26] : memref<331776xi32, #tpu.memory_space<hbm>> -> memref<128xi32, #tpu.memory_space<hbm>>
      %dma_start3A_27 = tpu.memref_slice %arg4[%add3A_26] : memref<331776xi32, #tpu.memory_space<hbm>> -> memref<128xi32, #tpu.memory_space<hbm>>
      tpu.enqueue_dma source(%dma_start3A_27 : memref<128xi32, #tpu.memory_space<hbm>>) target(%arg10 : memref<128xi32, #tpu.memory_space<vmem>>) target_semaphore(%arg14 : memref<!tpu.dma_semaphore, #tpu.memory_space<semaphore_mem>>)
      %dma_start3A_28 = tpu.memref_slice %arg5[%add3A_26] : memref<331776xi32, #tpu.memory_space<hbm>> -> memref<128xi32, #tpu.memory_space<hbm>>
      %dma_start3A_29 = tpu.memref_slice %arg5[%add3A_26] : memref<331776xi32, #tpu.memory_space<hbm>> -> memref<128xi32, #tpu.memory_space<hbm>>
      tpu.enqueue_dma source(%dma_start3A_29 : memref<128xi32, #tpu.memory_space<hbm>>) target(%arg11 : memref<128xi32, #tpu.memory_space<vmem>>) target_semaphore(%arg14 : memref<!tpu.dma_semaphore, #tpu.memory_space<semaphore_mem>>)
      %dma_wait3A = tpu.memref_slice %arg4[%add3A_26] : memref<331776xi32, #tpu.memory_space<hbm>> -> memref<128xi32, #tpu.memory_space<hbm>>
      %dma_wait3A_30 = tpu.memref_slice %arg4[%add3A_26] : memref<331776xi32, #tpu.memory_space<hbm>> -> memref<128xi32, #tpu.memory_space<hbm>>
      tpu.wait_dma2 semaphore(%arg14 : memref<!tpu.dma_semaphore, #tpu.memory_space<semaphore_mem>>) src(%dma_wait3A_30 : memref<128xi32, #tpu.memory_space<hbm>>) dst(%arg10 : memref<128xi32, #tpu.memory_space<vmem>>)
      %dma_wait3A_31 = tpu.memref_slice %arg5[%add3A_26] : memref<331776xi32, #tpu.memory_space<hbm>> -> memref<128xi32, #tpu.memory_space<hbm>>
      %dma_wait3A_32 = tpu.memref_slice %arg5[%add3A_26] : memref<331776xi32, #tpu.memory_space<hbm>> -> memref<128xi32, #tpu.memory_space<hbm>>
      tpu.wait_dma2 semaphore(%arg14 : memref<!tpu.dma_semaphore, #tpu.memory_space<semaphore_mem>>) src(%dma_wait3A_32 : memref<128xi32, #tpu.memory_space<hbm>>) dst(%arg11 : memref<128xi32, #tpu.memory_space<vmem>>)
      %get3A = arith.constant 0 : index
      %get3A_33 = tpu.vector_load %arg10[%get3A] {strides = array<i32>} : memref<128xi32, #tpu.memory_space<vmem>>, vector<16xi32>,
      %get3A_34 = arith.constant 0 : index
      %get3A_35 = tpu.vector_load %arg11[%get3A_34] {strides = array<i32>} : memref<128xi32, #tpu.memory_space<vmem>>, vector<16xi32>,
      %mul3A_36 = arith.constant 2 : i32
      %mul3A_37 = vector.broadcast %mul3A_36 : i32 to vector<16xi32>
      %mul3A_38 = arith.muli %get3A_33, %mul3A_37 : vector<16xi32>
      %add3A_39 = arith.constant 0 : i32
      %add3A_40 = vector.broadcast %add3A_39 : i32 to vector<16xi32>
      %add3A_41 = arith.addi %mul3A_38, %add3A_40 : vector<16xi32>
      %gather3A = tpu.vector_load_idx %arg8[%add3A_41] : memref<20016xf32, #tpu.memory_space<vmem>>[vector<16xi32>], vector<16xf32>,
      %mul3A_42 = arith.constant 2 : i32
      %mul3A_43 = vector.broadcast %mul3A_42 : i32 to vector<16xi32>
      %mul3A_44 = arith.muli %get3A_35, %mul3A_43 : vector<16xi32>
      %add3A_45 = arith.constant 0 : i32
      %add3A_46 = vector.broadcast %add3A_45 : i32 to vector<16xi32>
      %add3A_47 = arith.addi %mul3A_44, %add3A_46 : vector<16xi32>
      %gather3A_48 = tpu.vector_load_idx %arg9[%add3A_47] : memref<20016xf32, #tpu.memory_space<vmem>>[vector<16xi32>], vector<16xf32>,
      %add3A_49 = arith.addf %gather3A, %gather3A_48 : vector<16xf32>
      %ge3A = arith.constant 0.000000e+00 : f32
      %ge3A_50 = vector.broadcast %ge3A : f32 to vector<16xf32>
      %ge3A_51 = arith.cmpf oge, %add3A_49, %ge3A_50 : vector<16xf32>
      %mul3A_52 = arith.constant 2.000000e-01 : f32
      %mul3A_53 = vector.broadcast %mul3A_52 : f32 to vector<16xf32>
      %mul3A_54 = arith.mulf %add3A_49, %mul3A_53 : vector<16xf32>
      %select_n3A = arith.select %ge3A_51, %add3A_49, %mul3A_54 : vector<16xi1>, vector<16xf32>
      %exp3A = math.exp %select_n3A : vector<16xf32>
      %mul3A_55 = arith.constant 128 : i32
      %mul3A_56 = arith.muli %scan3A_23, %mul3A_55 : i32
      %add3A_57 = arith.constant 0 : i32
      %add3A_58 = arith.addi %add3A_57, %mul3A_56 : i32
      %add3A_59 = arith.constant 0 : i32
      %add3A_60 = arith.addi %add3A_58, %add3A_59 : i32
      %swap3A = arith.index_cast %add3A_60 : i32 to index
      %swap3A_61 = tpu.vector_load %arg12[%swap3A] {strides = array<i32>} : memref<20736xf32, #tpu.memory_space<vmem>>, vector<16xf32>,
      tpu.vector_store %arg12[%swap3A], %exp3A {strides = array<i32>} : memref<20736xf32, #tpu.memory_space<vmem>>, vector<16xf32>,
      %mul3A_62 = arith.constant 2 : i32
      %mul3A_63 = vector.broadcast %mul3A_62 : i32 to vector<16xi32>
      %mul3A_64 = arith.muli %get3A_35, %mul3A_63 : vector<16xi32>
      %add3A_65 = arith.constant 0 : i32
      %add3A_66 = vector.broadcast %add3A_65 : i32 to vector<16xi32>
      %add3A_67 = arith.addi %mul3A_64, %add3A_66 : vector<16xi32>
      tpu.vector_store_idx %arg13[%add3A_67], %exp3A {add = true} : memref<20480xf32, #tpu.memory_space<vmem>>[vector<16xi32>], vector<16xf32>,
      %mul3A_68 = arith.constant 2 : i32
      %mul3A_69 = vector.broadcast %mul3A_68 : i32 to vector<16xi32>
      %mul3A_70 = arith.muli %get3A_33, %mul3A_69 : vector<16xi32>
      %add3A_71 = arith.constant 1 : i32
      %add3A_72 = vector.broadcast %add3A_71 : i32 to vector<16xi32>
      %add3A_73 = arith.addi %mul3A_70, %add3A_72 : vector<16xi32>
      %gather3A_74 = tpu.vector_load_idx %arg8[%add3A_73] : memref<20016xf32, #tpu.memory_space<vmem>>[vector<16xi32>], vector<16xf32>,
      %mul3A_75 = arith.constant 2 : i32
      %mul3A_76 = vector.broadcast %mul3A_75 : i32 to vector<16xi32>
      %mul3A_77 = arith.muli %get3A_35, %mul3A_76 : vector<16xi32>
      %add3A_78 = arith.constant 1 : i32
      %add3A_79 = vector.broadcast %add3A_78 : i32 to vector<16xi32>
      %add3A_80 = arith.addi %mul3A_77, %add3A_79 : vector<16xi32>
      %gather3A_81 = tpu.vector_load_idx %arg9[%add3A_80] : memref<20016xf32, #tpu.memory_space<vmem>>[vector<16xi32>], vector<16xf32>,
      %add3A_82 = arith.addf %gather3A_74, %gather3A_81 : vector<16xf32>
      %ge3A_83 = arith.constant 0.000000e+00 : f32
      %ge3A_84 = vector.broadcast %ge3A_83 : f32 to vector<16xf32>
      %ge3A_85 = arith.cmpf oge, %add3A_82, %ge3A_84 : vector<16xf32>
      %mul3A_86 = arith.constant 2.000000e-01 : f32
      %mul3A_87 = vector.broadcast %mul3A_86 : f32 to vector<16xf32>
      %mul3A_88 = arith.mulf %add3A_82, %mul3A_87 : vector<16xf32>
      %select_n3A_89 = arith.select %ge3A_85, %add3A_82, %mul3A_88 : vector<16xi1>, vector<16xf32>
      %exp3A_90 = math.exp %select_n3A_89 : vector<16xf32>
      %mul3A_91 = arith.constant 128 : i32
      %mul3A_92 = arith.muli %scan3A_23, %mul3A_91 : i32
      %add3A_93 = arith.constant 10368 : i32
      %add3A_94 = arith.addi %add3A_93, %mul3A_92 : i32
      %add3A_95 = arith.constant 0 : i32
      %add3A_96 = arith.addi %add3A_94, %add3A_95 : i32
      %swap3A_97 = arith.index_cast %add3A_96 : i32 to index
      %swap3A_98 = tpu.vector_load %arg12[%swap3A_97] {strides = array<i32>} : memref<20736xf32, #tpu.memory_space<vmem>>, vector<16xf32>,
      tpu.vector_store %arg12[%swap3A_97], %exp3A_90 {strides = array<i32>} : memref<20736xf32, #tpu.memory_space<vmem>>, vector<16xf32>,
      %mul3A_99 = arith.constant 2 : i32
      %mul3A_100 = vector.broadcast %mul3A_99 : i32 to vector<16xi32>
      %mul3A_101 = arith.muli %get3A_35, %mul3A_100 : vector<16xi32>
      %add3A_102 = arith.constant 1 : i32
      %add3A_103 = vector.broadcast %add3A_102 : i32 to vector<16xi32>
      %add3A_104 = arith.addi %mul3A_101, %add3A_103 : vector<16xi32>
      tpu.vector_store_idx %arg13[%add3A_104], %exp3A_90 {add = true} : memref<20480xf32, #tpu.memory_space<vmem>>[vector<16xi32>], vector<16xf32>,
      %get3A_105 = arith.constant 16 : index
      %get3A_106 = tpu.vector_load %arg10[%get3A_105] {strides = array<i32>} : memref<128xi32, #tpu.memory_space<vmem>>, vector<16xi32>,
      %get3A_107 = arith.constant 16 : index
      %get3A_108 = tpu.vector_load %arg11[%get3A_107] {strides = array<i32>} : memref<128xi32, #tpu.memory_space<vmem>>, vector<16xi32>,
      %mul3A_109 = arith.constant 2 : i32
      %mul3A_110 = vector.broadcast %mul3A_109 : i32 to vector<16xi32>
      %mul3A_111 = arith.muli %get3A_106, %mul3A_110 : vector<16xi32>
      %add3A_112 = arith.constant 0 : i32
      %add3A_113 = vector.broadcast %add3A_112 : i32 to vector<16xi32>
      %add3A_114 = arith.addi %mul3A_111, %add3A_113 : vector<16xi32>
      %gather3A_115 = tpu.vector_load_idx %arg8[%add3A_114] : memref<20016xf32, #tpu.memory_space<vmem>>[vector<16xi32>], vector<16xf32>,
      %mul3A_116 = arith.constant 2 : i32
      %mul3A_117 = vector.broadcast %mul3A_116 : i32 to vector<16xi32>
      %mul3A_118 = arith.muli %get3A_108, %mul3A_117 : vector<16xi32>
      %add3A_119 = arith.constant 0 : i32
      %add3A_120 = vector.broadcast %add3A_119 : i32 to vector<16xi32>
      %add3A_121 = arith.addi %mul3A_118, %add3A_120 : vector<16xi32>
      %gather3A_122 = tpu.vector_load_idx %arg9[%add3A_121] : memref<20016xf32, #tpu.memory_space<vmem>>[vector<16xi32>], vector<16xf32>,
      %add3A_123 = arith.addf %gather3A_115, %gather3A_122 : vector<16xf32>
      %ge3A_124 = arith.constant 0.000000e+00 : f32
      %ge3A_125 = vector.broadcast %ge3A_124 : f32 to vector<16xf32>
      %ge3A_126 = arith.cmpf oge, %add3A_123, %ge3A_125 : vector<16xf32>
      %mul3A_127 = arith.constant 2.000000e-01 : f32
      %mul3A_128 = vector.broadcast %mul3A_127 : f32 to vector<16xf32>
      %mul3A_129 = arith.mulf %add3A_123, %mul3A_128 : vector<16xf32>
      %select_n3A_130 = arith.select %ge3A_126, %add3A_123, %mul3A_129 : vector<16xi1>, vector<16xf32>
      %exp3A_131 = math.exp %select_n3A_130 : vector<16xf32>
      %mul3A_132 = arith.constant 128 : i32
      %mul3A_133 = arith.muli %scan3A_23, %mul3A_132 : i32
      %add3A_134 = arith.constant 0 : i32
      %add3A_135 = arith.addi %add3A_134, %mul3A_133 : i32
      %add3A_136 = arith.constant 16 : i32
      %add3A_137 = arith.addi %add3A_135, %add3A_136 : i32
      %swap3A_138 = arith.index_cast %add3A_137 : i32 to index
      %swap3A_139 = tpu.vector_load %arg12[%swap3A_138] {strides = array<i32>} : memref<20736xf32, #tpu.memory_space<vmem>>, vector<16xf32>,
      tpu.vector_store %arg12[%swap3A_138], %exp3A_131 {strides = array<i32>} : memref<20736xf32, #tpu.memory_space<vmem>>, vector<16xf32>,
      %mul3A_140 = arith.constant 2 : i32
      %mul3A_141 = vector.broadcast %mul3A_140 : i32 to vector<16xi32>
      %mul3A_142 = arith.muli %get3A_108, %mul3A_141 : vector<16xi32>
      %add3A_143 = arith.constant 0 : i32
      %add3A_144 = vector.broadcast %add3A_143 : i32 to vector<16xi32>
      %add3A_145 = arith.addi %mul3A_142, %add3A_144 : vector<16xi32>
      tpu.vector_store_idx %arg13[%add3A_145], %exp3A_131 {add = true} : memref<20480xf32, #tpu.memory_space<vmem>>[vector<16xi32>], vector<16xf32>,
      %mul3A_146 = arith.constant 2 : i32
      %mul3A_147 = vector.broadcast %mul3A_146 : i32 to vector<16xi32>
      %mul3A_148 = arith.muli %get3A_106, %mul3A_147 : vector<16xi32>
      %add3A_149 = arith.constant 1 : i32
      %add3A_150 = vector.broadcast %add3A_149 : i32 to vector<16xi32>
      %add3A_151 = arith.addi %mul3A_148, %add3A_150 : vector<16xi32>
      %gather3A_152 = tpu.vector_load_idx %arg8[%add3A_151] : memref<20016xf32, #tpu.memory_space<vmem>>[vector<16xi32>], vector<16xf32>,
      %mul3A_153 = arith.constant 2 : i32
      %mul3A_154 = vector.broadcast %mul3A_153 : i32 to vector<16xi32>
      %mul3A_155 = arith.muli %get3A_108, %mul3A_154 : vector<16xi32>
      %add3A_156 = arith.constant 1 : i32
      %add3A_157 = vector.broadcast %add3A_156 : i32 to vector<16xi32>
      %add3A_158 = arith.addi %mul3A_155, %add3A_157 : vector<16xi32>
      %gather3A_159 = tpu.vector_load_idx %arg9[%add3A_158] : memref<20016xf32, #tpu.memory_space<vmem>>[vector<16xi32>], vector<16xf32>,
      %add3A_160 = arith.addf %gather3A_152, %gather3A_159 : vector<16xf32>
      %ge3A_161 = arith.constant 0.000000e+00 : f32
      %ge3A_162 = vector.broadcast %ge3A_161 : f32 to vector<16xf32>
      %ge3A_163 = arith.cmpf oge, %add3A_160, %ge3A_162 : vector<16xf32>
      %mul3A_164 = arith.constant 2.000000e-01 : f32
      %mul3A_165 = vector.broadcast %mul3A_164 : f32 to vector<16xf32>
      %mul3A_166 = arith.mulf %add3A_160, %mul3A_165 : vector<16xf32>
      %select_n3A_167 = arith.select %ge3A_163, %add3A_160, %mul3A_166 : vector<16xi1>, vector<16xf32>
      %exp3A_168 = math.exp %select_n3A_167 : vector<16xf32>
      %mul3A_169 = arith.constant 128 : i32
      %mul3A_170 = arith.muli %scan3A_23, %mul3A_169 : i32
      %add3A_171 = arith.constant 10368 : i32
      %add3A_172 = arith.addi %add3A_171, %mul3A_170 : i32
      %add3A_173 = arith.constant 16 : i32
      %add3A_174 = arith.addi %add3A_172, %add3A_173 : i32
      %swap3A_175 = arith.index_cast %add3A_174 : i32 to index
      %swap3A_176 = tpu.vector_load %arg12[%swap3A_175] {strides = array<i32>} : memref<20736xf32, #tpu.memory_space<vmem>>, vector<16xf32>,
      tpu.vector_store %arg12[%swap3A_175], %exp3A_168 {strides = array<i32>} : memref<20736xf32, #tpu.memory_space<vmem>>, vector<16xf32>,
      %mul3A_177 = arith.constant 2 : i32
      %mul3A_178 = vector.broadcast %mul3A_177 : i32 to vector<16xi32>
      %mul3A_179 = arith.muli %get3A_108, %mul3A_178 : vector<16xi32>
      %add3A_180 = arith.constant 1 : i32
      %add3A_181 = vector.broadcast %add3A_180 : i32 to vector<16xi32>
      %add3A_182 = arith.addi %mul3A_179, %add3A_181 : vector<16xi32>
      tpu.vector_store_idx %arg13[%add3A_182], %exp3A_168 {add = true} : memref<20480xf32, #tpu.memory_space<vmem>>[vector<16xi32>], vector<16xf32>,
      %get3A_183 = arith.constant 32 : index
      %get3A_184 = tpu.vector_load %arg10[%get3A_183] {strides = array<i32>} : memref<128xi32, #tpu.memory_space<vmem>>, vector<16xi32>,
      %get3A_185 = arith.constant 32 : index
      %get3A_186 = tpu.vector_load %arg11[%get3A_185] {strides = array<i32>} : memref<128xi32, #tpu.memory_space<vmem>>, vector<16xi32>,
      %mul3A_187 = arith.constant 2 : i32
      %mul3A_188 = vector.broadcast %mul3A_187 : i32 to vector<16xi32>
      %mul3A_189 = arith.muli %get3A_184, %mul3A_188 : vector<16xi32>
      %add3A_190 = arith.constant 0 : i32
      %add3A_191 = vector.broadcast %add3A_190 : i32 to vector<16xi32>
      %add3A_192 = arith.addi %mul3A_189, %add3A_191 : vector<16xi32>
      %gather3A_193 = tpu.vector_load_idx %arg8[%add3A_192] : memref<20016xf32, #tpu.memory_space<vmem>>[vector<16xi32>], vector<16xf32>,
      %mul3A_194 = arith.constant 2 : i32
      %mul3A_195 = vector.broadcast %mul3A_194 : i32 to vector<16xi32>
      %mul3A_196 = arith.muli %get3A_186, %mul3A_195 : vector<16xi32>
      %add3A_197 = arith.constant 0 : i32
      %add3A_198 = vector.broadcast %add3A_197 : i32 to vector<16xi32>
      %add3A_199 = arith.addi %mul3A_196, %add3A_198 : vector<16xi32>
      %gather3A_200 = tpu.vector_load_idx %arg9[%add3A_199] : memref<20016xf32, #tpu.memory_space<vmem>>[vector<16xi32>], vector<16xf32>,
      %add3A_201 = arith.addf %gather3A_193, %gather3A_200 : vector<16xf32>
      %ge3A_202 = arith.constant 0.000000e+00 : f32
      %ge3A_203 = vector.broadcast %ge3A_202 : f32 to vector<16xf32>
      %ge3A_204 = arith.cmpf oge, %add3A_201, %ge3A_203 : vector<16xf32>
      %mul3A_205 = arith.constant 2.000000e-01 : f32
      %mul3A_206 = vector.broadcast %mul3A_205 : f32 to vector<16xf32>
      %mul3A_207 = arith.mulf %add3A_201, %mul3A_206 : vector<16xf32>
      %select_n3A_208 = arith.select %ge3A_204, %add3A_201, %mul3A_207 : vector<16xi1>, vector<16xf32>
      %exp3A_209 = math.exp %select_n3A_208 : vector<16xf32>
      %mul3A_210 = arith.constant 128 : i32
      %mul3A_211 = arith.muli %scan3A_23, %mul3A_210 : i32
      %add3A_212 = arith.constant 0 : i32
      %add3A_213 = arith.addi %add3A_212, %mul3A_211 : i32
      %add3A_214 = arith.constant 32 : i32
      %add3A_215 = arith.addi %add3A_213, %add3A_214 : i32
      %swap3A_216 = arith.index_cast %add3A_215 : i32 to index
      %swap3A_217 = tpu.vector_load %arg12[%swap3A_216] {strides = array<i32>} : memref<20736xf32, #tpu.memory_space<vmem>>, vector<16xf32>,
      tpu.vector_store %arg12[%swap3A_216], %exp3A_209 {strides = array<i32>} : memref<20736xf32, #tpu.memory_space<vmem>>, vector<16xf32>,
      %mul3A_218 = arith.constant 2 : i32
      %mul3A_219 = vector.broadcast %mul3A_218 : i32 to vector<16xi32>
      %mul3A_220 = arith.muli %get3A_186, %mul3A_219 : vector<16xi32>
      %add3A_221 = arith.constant 0 : i32
      %add3A_222 = vector.broadcast %add3A_221 : i32 to vector<16xi32>
      %add3A_223 = arith.addi %mul3A_220, %add3A_222 : vector<16xi32>
      tpu.vector_store_idx %arg13[%add3A_223], %exp3A_209 {add = true} : memref<20480xf32, #tpu.memory_space<vmem>>[vector<16xi32>], vector<16xf32>,
      %mul3A_224 = arith.constant 2 : i32
      %mul3A_225 = vector.broadcast %mul3A_224 : i32 to vector<16xi32>
      %mul3A_226 = arith.muli %get3A_184, %mul3A_225 : vector<16xi32>
      %add3A_227 = arith.constant 1 : i32
      %add3A_228 = vector.broadcast %add3A_227 : i32 to vector<16xi32>
      %add3A_229 = arith.addi %mul3A_226, %add3A_228 : vector<16xi32>
      %gather3A_230 = tpu.vector_load_idx %arg8[%add3A_229] : memref<20016xf32, #tpu.memory_space<vmem>>[vector<16xi32>], vector<16xf32>,
      %mul3A_231 = arith.constant 2 : i32
      %mul3A_232 = vector.broadcast %mul3A_231 : i32 to vector<16xi32>
      %mul3A_233 = arith.muli %get3A_186, %mul3A_232 : vector<16xi32>
      %add3A_234 = arith.constant 1 : i32
      %add3A_235 = vector.broadcast %add3A_234 : i32 to vector<16xi32>
      %add3A_236 = arith.addi %mul3A_233, %add3A_235 : vector<16xi32>
      %gather3A_237 = tpu.vector_load_idx %arg9[%add3A_236] : memref<20016xf32, #tpu.memory_space<vmem>>[vector<16xi32>], vector<16xf32>,
      %add3A_238 = arith.addf %gather3A_230, %gather3A_237 : vector<16xf32>
      %ge3A_239 = arith.constant 0.000000e+00 : f32
      %ge3A_240 = vector.broadcast %ge3A_239 : f32 to vector<16xf32>
      %ge3A_241 = arith.cmpf oge, %add3A_238, %ge3A_240 : vector<16xf32>
      %mul3A_242 = arith.constant 2.000000e-01 : f32
      %mul3A_243 = vector.broadcast %mul3A_242 : f32 to vector<16xf32>
      %mul3A_244 = arith.mulf %add3A_238, %mul3A_243 : vector<16xf32>
      %select_n3A_245 = arith.select %ge3A_241, %add3A_238, %mul3A_244 : vector<16xi1>, vector<16xf32>
      %exp3A_246 = math.exp %select_n3A_245 : vector<16xf32>
      %mul3A_247 = arith.constant 128 : i32
      %mul3A_248 = arith.muli %scan3A_23, %mul3A_247 : i32
      %add3A_249 = arith.constant 10368 : i32
      %add3A_250 = arith.addi %add3A_249, %mul3A_248 : i32
      %add3A_251 = arith.constant 32 : i32
      %add3A_252 = arith.addi %add3A_250, %add3A_251 : i32
      %swap3A_253 = arith.index_cast %add3A_252 : i32 to index
      %swap3A_254 = tpu.vector_load %arg12[%swap3A_253] {strides = array<i32>} : memref<20736xf32, #tpu.memory_space<vmem>>, vector<16xf32>,
      tpu.vector_store %arg12[%swap3A_253], %exp3A_246 {strides = array<i32>} : memref<20736xf32, #tpu.memory_space<vmem>>, vector<16xf32>,
      %mul3A_255 = arith.constant 2 : i32
      %mul3A_256 = vector.broadcast %mul3A_255 : i32 to vector<16xi32>
      %mul3A_257 = arith.muli %get3A_186, %mul3A_256 : vector<16xi32>
      %add3A_258 = arith.constant 1 : i32
      %add3A_259 = vector.broadcast %add3A_258 : i32 to vector<16xi32>
      %add3A_260 = arith.addi %mul3A_257, %add3A_259 : vector<16xi32>
      tpu.vector_store_idx %arg13[%add3A_260], %exp3A_246 {add = true} : memref<20480xf32, #tpu.memory_space<vmem>>[vector<16xi32>], vector<16xf32>,
      %get3A_261 = arith.constant 48 : index
      %get3A_262 = tpu.vector_load %arg10[%get3A_261] {strides = array<i32>} : memref<128xi32, #tpu.memory_space<vmem>>, vector<16xi32>,
      %get3A_263 = arith.constant 48 : index
      %get3A_264 = tpu.vector_load %arg11[%get3A_263] {strides = array<i32>} : memref<128xi32, #tpu.memory_space<vmem>>, vector<16xi32>,
      %mul3A_265 = arith.constant 2 : i32
      %mul3A_266 = vector.broadcast %mul3A_265 : i32 to vector<16xi32>
      %mul3A_267 = arith.muli %get3A_262, %mul3A_266 : vector<16xi32>
      %add3A_268 = arith.constant 0 : i32
      %add3A_269 = vector.broadcast %add3A_268 : i32 to vector<16xi32>
      %add3A_270 = arith.addi %mul3A_267, %add3A_269 : vector<16xi32>
      %gather3A_271 = tpu.vector_load_idx %arg8[%add3A_270] : memref<20016xf32, #tpu.memory_space<vmem>>[vector<16xi32>], vector<16xf32>,
      %mul3A_272 = arith.constant 2 : i32
      %mul3A_273 = vector.broadcast %mul3A_272 : i32 to vector<16xi32>
      %mul3A_274 = arith.muli %get3A_264, %mul3A_273 : vector<16xi32>
      %add3A_275 = arith.constant 0 : i32
      %add3A_276 = vector.broadcast %add3A_275 : i32 to vector<16xi32>
      %add3A_277 = arith.addi %mul3A_274, %add3A_276 : vector<16xi32>
      %gather3A_278 = tpu.vector_load_idx %arg9[%add3A_277] : memref<20016xf32, #tpu.memory_space<vmem>>[vector<16xi32>], vector<16xf32>,
      %add3A_279 = arith.addf %gather3A_271, %gather3A_278 : vector<16xf32>
      %ge3A_280 = arith.constant 0.000000e+00 : f32
      %ge3A_281 = vector.broadcast %ge3A_280 : f32 to vector<16xf32>
      %ge3A_282 = arith.cmpf oge, %add3A_279, %ge3A_281 : vector<16xf32>
      %mul3A_283 = arith.constant 2.000000e-01 : f32
      %mul3A_284 = vector.broadcast %mul3A_283 : f32 to vector<16xf32>
      %mul3A_285 = arith.mulf %add3A_279, %mul3A_284 : vector<16xf32>
      %select_n3A_286 = arith.select %ge3A_282, %add3A_279, %mul3A_285 : vector<16xi1>, vector<16xf32>
      %exp3A_287 = math.exp %select_n3A_286 : vector<16xf32>
      %mul3A_288 = arith.constant 128 : i32
      %mul3A_289 = arith.muli %scan3A_23, %mul3A_288 : i32
      %add3A_290 = arith.constant 0 : i32
      %add3A_291 = arith.addi %add3A_290, %mul3A_289 : i32
      %add3A_292 = arith.constant 48 : i32
      %add3A_293 = arith.addi %add3A_291, %add3A_292 : i32
      %swap3A_294 = arith.index_cast %add3A_293 : i32 to index
      %swap3A_295 = tpu.vector_load %arg12[%swap3A_294] {strides = array<i32>} : memref<20736xf32, #tpu.memory_space<vmem>>, vector<16xf32>,
      tpu.vector_store %arg12[%swap3A_294], %exp3A_287 {strides = array<i32>} : memref<20736xf32, #tpu.memory_space<vmem>>, vector<16xf32>,
      %mul3A_296 = arith.constant 2 : i32
      %mul3A_297 = vector.broadcast %mul3A_296 : i32 to vector<16xi32>
      %mul3A_298 = arith.muli %get3A_264, %mul3A_297 : vector<16xi32>
      %add3A_299 = arith.constant 0 : i32
      %add3A_300 = vector.broadcast %add3A_299 : i32 to vector<16xi32>
      %add3A_301 = arith.addi %mul3A_298, %add3A_300 : vector<16xi32>
      tpu.vector_store_idx %arg13[%add3A_301], %exp3A_287 {add = true} : memref<20480xf32, #tpu.memory_space<vmem>>[vector<16xi32>], vector<16xf32>,
      %mul3A_302 = arith.constant 2 : i32
      %mul3A_303 = vector.broadcast %mul3A_302 : i32 to vector<16xi32>
      %mul3A_304 = arith.muli %get3A_262, %mul3A_303 : vector<16xi32>
      %add3A_305 = arith.constant 1 : i32
      %add3A_306 = vector.broadcast %add3A_305 : i32 to vector<16xi32>
      %add3A_307 = arith.addi %mul3A_304, %add3A_306 : vector<16xi32>
      %gather3A_308 = tpu.vector_load_idx %arg8[%add3A_307] : memref<20016xf32, #tpu.memory_space<vmem>>[vector<16xi32>], vector<16xf32>,
      %mul3A_309 = arith.constant 2 : i32
      %mul3A_310 = vector.broadcast %mul3A_309 : i32 to vector<16xi32>
      %mul3A_311 = arith.muli %get3A_264, %mul3A_310 : vector<16xi32>
      %add3A_312 = arith.constant 1 : i32
      %add3A_313 = vector.broadcast %add3A_312 : i32 to vector<16xi32>
      %add3A_314 = arith.addi %mul3A_311, %add3A_313 : vector<16xi32>
      %gather3A_315 = tpu.vector_load_idx %arg9[%add3A_314] : memref<20016xf32, #tpu.memory_space<vmem>>[vector<16xi32>], vector<16xf32>,
      %add3A_316 = arith.addf %gather3A_308, %gather3A_315 : vector<16xf32>
      %ge3A_317 = arith.constant 0.000000e+00 : f32
      %ge3A_318 = vector.broadcast %ge3A_317 : f32 to vector<16xf32>
      %ge3A_319 = arith.cmpf oge, %add3A_316, %ge3A_318 : vector<16xf32>
      %mul3A_320 = arith.constant 2.000000e-01 : f32
      %mul3A_321 = vector.broadcast %mul3A_320 : f32 to vector<16xf32>
      %mul3A_322 = arith.mulf %add3A_316, %mul3A_321 : vector<16xf32>
      %select_n3A_323 = arith.select %ge3A_319, %add3A_316, %mul3A_322 : vector<16xi1>, vector<16xf32>
      %exp3A_324 = math.exp %select_n3A_323 : vector<16xf32>
      %mul3A_325 = arith.constant 128 : i32
      %mul3A_326 = arith.muli %scan3A_23, %mul3A_325 : i32
      %add3A_327 = arith.constant 10368 : i32
      %add3A_328 = arith.addi %add3A_327, %mul3A_326 : i32
      %add3A_329 = arith.constant 48 : i32
      %add3A_330 = arith.addi %add3A_328, %add3A_329 : i32
      %swap3A_331 = arith.index_cast %add3A_330 : i32 to index
      %swap3A_332 = tpu.vector_load %arg12[%swap3A_331] {strides = array<i32>} : memref<20736xf32, #tpu.memory_space<vmem>>, vector<16xf32>,
      tpu.vector_store %arg12[%swap3A_331], %exp3A_324 {strides = array<i32>} : memref<20736xf32, #tpu.memory_space<vmem>>, vector<16xf32>,
      %mul3A_333 = arith.constant 2 : i32
      %mul3A_334 = vector.broadcast %mul3A_333 : i32 to vector<16xi32>
      %mul3A_335 = arith.muli %get3A_264, %mul3A_334 : vector<16xi32>
      %add3A_336 = arith.constant 1 : i32
      %add3A_337 = vector.broadcast %add3A_336 : i32 to vector<16xi32>
      %add3A_338 = arith.addi %mul3A_335, %add3A_337 : vector<16xi32>
      tpu.vector_store_idx %arg13[%add3A_338], %exp3A_324 {add = true} : memref<20480xf32, #tpu.memory_space<vmem>>[vector<16xi32>], vector<16xf32>,
      %get3A_339 = arith.constant 64 : index
      %get3A_340 = tpu.vector_load %arg10[%get3A_339] {strides = array<i32>} : memref<128xi32, #tpu.memory_space<vmem>>, vector<16xi32>,
      %get3A_341 = arith.constant 64 : index
      %get3A_342 = tpu.vector_load %arg11[%get3A_341] {strides = array<i32>} : memref<128xi32, #tpu.memory_space<vmem>>, vector<16xi32>,
      %mul3A_343 = arith.constant 2 : i32
      %mul3A_344 = vector.broadcast %mul3A_343 : i32 to vector<16xi32>
      %mul3A_345 = arith.muli %get3A_340, %mul3A_344 : vector<16xi32>
      %add3A_346 = arith.constant 0 : i32
      %add3A_347 = vector.broadcast %add3A_346 : i32 to vector<16xi32>
      %add3A_348 = arith.addi %mul3A_345, %add3A_347 : vector<16xi32>
      %gather3A_349 = tpu.vector_load_idx %arg8[%add3A_348] : memref<20016xf32, #tpu.memory_space<vmem>>[vector<16xi32>], vector<16xf32>,
      %mul3A_350 = arith.constant 2 : i32
      %mul3A_351 = vector.broadcast %mul3A_350 : i32 to vector<16xi32>
      %mul3A_352 = arith.muli %get3A_342, %mul3A_351 : vector<16xi32>
      %add3A_353 = arith.constant 0 : i32
      %add3A_354 = vector.broadcast %add3A_353 : i32 to vector<16xi32>
      %add3A_355 = arith.addi %mul3A_352, %add3A_354 : vector<16xi32>
      %gather3A_356 = tpu.vector_load_idx %arg9[%add3A_355] : memref<20016xf32, #tpu.memory_space<vmem>>[vector<16xi32>], vector<16xf32>,
      %add3A_357 = arith.addf %gather3A_349, %gather3A_356 : vector<16xf32>
      %ge3A_358 = arith.constant 0.000000e+00 : f32
      %ge3A_359 = vector.broadcast %ge3A_358 : f32 to vector<16xf32>
      %ge3A_360 = arith.cmpf oge, %add3A_357, %ge3A_359 : vector<16xf32>
      %mul3A_361 = arith.constant 2.000000e-01 : f32
      %mul3A_362 = vector.broadcast %mul3A_361 : f32 to vector<16xf32>
      %mul3A_363 = arith.mulf %add3A_357, %mul3A_362 : vector<16xf32>
      %select_n3A_364 = arith.select %ge3A_360, %add3A_357, %mul3A_363 : vector<16xi1>, vector<16xf32>
      %exp3A_365 = math.exp %select_n3A_364 : vector<16xf32>
      %mul3A_366 = arith.constant 128 : i32
      %mul3A_367 = arith.muli %scan3A_23, %mul3A_366 : i32
      %add3A_368 = arith.constant 0 : i32
      %add3A_369 = arith.addi %add3A_368, %mul3A_367 : i32
      %add3A_370 = arith.constant 64 : i32
      %add3A_371 = arith.addi %add3A_369, %add3A_370 : i32
      %swap3A_372 = arith.index_cast %add3A_371 : i32 to index
      %swap3A_373 = tpu.vector_load %arg12[%swap3A_372] {strides = array<i32>} : memref<20736xf32, #tpu.memory_space<vmem>>, vector<16xf32>,
      tpu.vector_store %arg12[%swap3A_372], %exp3A_365 {strides = array<i32>} : memref<20736xf32, #tpu.memory_space<vmem>>, vector<16xf32>,
      %mul3A_374 = arith.constant 2 : i32
      %mul3A_375 = vector.broadcast %mul3A_374 : i32 to vector<16xi32>
      %mul3A_376 = arith.muli %get3A_342, %mul3A_375 : vector<16xi32>
      %add3A_377 = arith.constant 0 : i32
      %add3A_378 = vector.broadcast %add3A_377 : i32 to vector<16xi32>
      %add3A_379 = arith.addi %mul3A_376, %add3A_378 : vector<16xi32>
      tpu.vector_store_idx %arg13[%add3A_379], %exp3A_365 {add = true} : memref<20480xf32, #tpu.memory_space<vmem>>[vector<16xi32>], vector<16xf32>,
      %mul3A_380 = arith.constant 2 : i32
      %mul3A_381 = vector.broadcast %mul3A_380 : i32 to vector<16xi32>
      %mul3A_382 = arith.muli %get3A_340, %mul3A_381 : vector<16xi32>
      %add3A_383 = arith.constant 1 : i32
      %add3A_384 = vector.broadcast %add3A_383 : i32 to vector<16xi32>
      %add3A_385 = arith.addi %mul3A_382, %add3A_384 : vector<16xi32>
      %gather3A_386 = tpu.vector_load_idx %arg8[%add3A_385] : memref<20016xf32, #tpu.memory_space<vmem>>[vector<16xi32>], vector<16xf32>,
      %mul3A_387 = arith.constant 2 : i32
      %mul3A_388 = vector.broadcast %mul3A_387 : i32 to vector<16xi32>
      %mul3A_389 = arith.muli %get3A_342, %mul3A_388 : vector<16xi32>
      %add3A_390 = arith.constant 1 : i32
      %add3A_391 = vector.broadcast %add3A_390 : i32 to vector<16xi32>
      %add3A_392 = arith.addi %mul3A_389, %add3A_391 : vector<16xi32>
      %gather3A_393 = tpu.vector_load_idx %arg9[%add3A_392] : memref<20016xf32, #tpu.memory_space<vmem>>[vector<16xi32>], vector<16xf32>,
      %add3A_394 = arith.addf %gather3A_386, %gather3A_393 : vector<16xf32>
      %ge3A_395 = arith.constant 0.000000e+00 : f32
      %ge3A_396 = vector.broadcast %ge3A_395 : f32 to vector<16xf32>
      %ge3A_397 = arith.cmpf oge, %add3A_394, %ge3A_396 : vector<16xf32>
      %mul3A_398 = arith.constant 2.000000e-01 : f32
      %mul3A_399 = vector.broadcast %mul3A_398 : f32 to vector<16xf32>
      %mul3A_400 = arith.mulf %add3A_394, %mul3A_399 : vector<16xf32>
      %select_n3A_401 = arith.select %ge3A_397, %add3A_394, %mul3A_400 : vector<16xi1>, vector<16xf32>
      %exp3A_402 = math.exp %select_n3A_401 : vector<16xf32>
      %mul3A_403 = arith.constant 128 : i32
      %mul3A_404 = arith.muli %scan3A_23, %mul3A_403 : i32
      %add3A_405 = arith.constant 10368 : i32
      %add3A_406 = arith.addi %add3A_405, %mul3A_404 : i32
      %add3A_407 = arith.constant 64 : i32
      %add3A_408 = arith.addi %add3A_406, %add3A_407 : i32
      %swap3A_409 = arith.index_cast %add3A_408 : i32 to index
      %swap3A_410 = tpu.vector_load %arg12[%swap3A_409] {strides = array<i32>} : memref<20736xf32, #tpu.memory_space<vmem>>, vector<16xf32>,
      tpu.vector_store %arg12[%swap3A_409], %exp3A_402 {strides = array<i32>} : memref<20736xf32, #tpu.memory_space<vmem>>, vector<16xf32>,
      %mul3A_411 = arith.constant 2 : i32
      %mul3A_412 = vector.broadcast %mul3A_411 : i32 to vector<16xi32>
      %mul3A_413 = arith.muli %get3A_342, %mul3A_412 : vector<16xi32>
      %add3A_414 = arith.constant 1 : i32
      %add3A_415 = vector.broadcast %add3A_414 : i32 to vector<16xi32>
      %add3A_416 = arith.addi %mul3A_413, %add3A_415 : vector<16xi32>
      tpu.vector_store_idx %arg13[%add3A_416], %exp3A_402 {add = true} : memref<20480xf32, #tpu.memory_space<vmem>>[vector<16xi32>], vector<16xf32>,
      %get3A_417 = arith.constant 80 : index
      %get3A_418 = tpu.vector_load %arg10[%get3A_417] {strides = array<i32>} : memref<128xi32, #tpu.memory_space<vmem>>, vector<16xi32>,
      %get3A_419 = arith.constant 80 : index
      %get3A_420 = tpu.vector_load %arg11[%get3A_419] {strides = array<i32>} : memref<128xi32, #tpu.memory_space<vmem>>, vector<16xi32>,
      %mul3A_421 = arith.constant 2 : i32
      %mul3A_422 = vector.broadcast %mul3A_421 : i32 to vector<16xi32>
      %mul3A_423 = arith.muli %get3A_418, %mul3A_422 : vector<16xi32>
      %add3A_424 = arith.constant 0 : i32
      %add3A_425 = vector.broadcast %add3A_424 : i32 to vector<16xi32>
      %add3A_426 = arith.addi %mul3A_423, %add3A_425 : vector<16xi32>
      %gather3A_427 = tpu.vector_load_idx %arg8[%add3A_426] : memref<20016xf32, #tpu.memory_space<vmem>>[vector<16xi32>], vector<16xf32>,
      %mul3A_428 = arith.constant 2 : i32
      %mul3A_429 = vector.broadcast %mul3A_428 : i32 to vector<16xi32>
      %mul3A_430 = arith.muli %get3A_420, %mul3A_429 : vector<16xi32>
      %add3A_431 = arith.constant 0 : i32
      %add3A_432 = vector.broadcast %add3A_431 : i32 to vector<16xi32>
      %add3A_433 = arith.addi %mul3A_430, %add3A_432 : vector<16xi32>
      %gather3A_434 = tpu.vector_load_idx %arg9[%add3A_433] : memref<20016xf32, #tpu.memory_space<vmem>>[vector<16xi32>], vector<16xf32>,
      %add3A_435 = arith.addf %gather3A_427, %gather3A_434 : vector<16xf32>
      %ge3A_436 = arith.constant 0.000000e+00 : f32
      %ge3A_437 = vector.broadcast %ge3A_436 : f32 to vector<16xf32>
      %ge3A_438 = arith.cmpf oge, %add3A_435, %ge3A_437 : vector<16xf32>
      %mul3A_439 = arith.constant 2.000000e-01 : f32
      %mul3A_440 = vector.broadcast %mul3A_439 : f32 to vector<16xf32>
      %mul3A_441 = arith.mulf %add3A_435, %mul3A_440 : vector<16xf32>
      %select_n3A_442 = arith.select %ge3A_438, %add3A_435, %mul3A_441 : vector<16xi1>, vector<16xf32>
      %exp3A_443 = math.exp %select_n3A_442 : vector<16xf32>
      %mul3A_444 = arith.constant 128 : i32
      %mul3A_445 = arith.muli %scan3A_23, %mul3A_444 : i32
      %add3A_446 = arith.constant 0 : i32
      %add3A_447 = arith.addi %add3A_446, %mul3A_445 : i32
      %add3A_448 = arith.constant 80 : i32
      %add3A_449 = arith.addi %add3A_447, %add3A_448 : i32
      %swap3A_450 = arith.index_cast %add3A_449 : i32 to index
      %swap3A_451 = tpu.vector_load %arg12[%swap3A_450] {strides = array<i32>} : memref<20736xf32, #tpu.memory_space<vmem>>, vector<16xf32>,
      tpu.vector_store %arg12[%swap3A_450], %exp3A_443 {strides = array<i32>} : memref<20736xf32, #tpu.memory_space<vmem>>, vector<16xf32>,
      %mul3A_452 = arith.constant 2 : i32
      %mul3A_453 = vector.broadcast %mul3A_452 : i32 to vector<16xi32>
      %mul3A_454 = arith.muli %get3A_420, %mul3A_453 : vector<16xi32>
      %add3A_455 = arith.constant 0 : i32
      %add3A_456 = vector.broadcast %add3A_455 : i32 to vector<16xi32>
      %add3A_457 = arith.addi %mul3A_454, %add3A_456 : vector<16xi32>
      tpu.vector_store_idx %arg13[%add3A_457], %exp3A_443 {add = true} : memref<20480xf32, #tpu.memory_space<vmem>>[vector<16xi32>], vector<16xf32>,
      %mul3A_458 = arith.constant 2 : i32
      %mul3A_459 = vector.broadcast %mul3A_458 : i32 to vector<16xi32>
      %mul3A_460 = arith.muli %get3A_418, %mul3A_459 : vector<16xi32>
      %add3A_461 = arith.constant 1 : i32
      %add3A_462 = vector.broadcast %add3A_461 : i32 to vector<16xi32>
      %add3A_463 = arith.addi %mul3A_460, %add3A_462 : vector<16xi32>
      %gather3A_464 = tpu.vector_load_idx %arg8[%add3A_463] : memref<20016xf32, #tpu.memory_space<vmem>>[vector<16xi32>], vector<16xf32>,
      %mul3A_465 = arith.constant 2 : i32
      %mul3A_466 = vector.broadcast %mul3A_465 : i32 to vector<16xi32>
      %mul3A_467 = arith.muli %get3A_420, %mul3A_466 : vector<16xi32>
      %add3A_468 = arith.constant 1 : i32
      %add3A_469 = vector.broadcast %add3A_468 : i32 to vector<16xi32>
      %add3A_470 = arith.addi %mul3A_467, %add3A_469 : vector<16xi32>
      %gather3A_471 = tpu.vector_load_idx %arg9[%add3A_470] : memref<20016xf32, #tpu.memory_space<vmem>>[vector<16xi32>], vector<16xf32>,
      %add3A_472 = arith.addf %gather3A_464, %gather3A_471 : vector<16xf32>
      %ge3A_473 = arith.constant 0.000000e+00 : f32
      %ge3A_474 = vector.broadcast %ge3A_473 : f32 to vector<16xf32>
      %ge3A_475 = arith.cmpf oge, %add3A_472, %ge3A_474 : vector<16xf32>
      %mul3A_476 = arith.constant 2.000000e-01 : f32
      %mul3A_477 = vector.broadcast %mul3A_476 : f32 to vector<16xf32>
      %mul3A_478 = arith.mulf %add3A_472, %mul3A_477 : vector<16xf32>
      %select_n3A_479 = arith.select %ge3A_475, %add3A_472, %mul3A_478 : vector<16xi1>, vector<16xf32>
      %exp3A_480 = math.exp %select_n3A_479 : vector<16xf32>
      %mul3A_481 = arith.constant 128 : i32
      %mul3A_482 = arith.muli %scan3A_23, %mul3A_481 : i32
      %add3A_483 = arith.constant 10368 : i32
      %add3A_484 = arith.addi %add3A_483, %mul3A_482 : i32
      %add3A_485 = arith.constant 80 : i32
      %add3A_486 = arith.addi %add3A_484, %add3A_485 : i32
      %swap3A_487 = arith.index_cast %add3A_486 : i32 to index
      %swap3A_488 = tpu.vector_load %arg12[%swap3A_487] {strides = array<i32>} : memref<20736xf32, #tpu.memory_space<vmem>>, vector<16xf32>,
      tpu.vector_store %arg12[%swap3A_487], %exp3A_480 {strides = array<i32>} : memref<20736xf32, #tpu.memory_space<vmem>>, vector<16xf32>,
      %mul3A_489 = arith.constant 2 : i32
      %mul3A_490 = vector.broadcast %mul3A_489 : i32 to vector<16xi32>
      %mul3A_491 = arith.muli %get3A_420, %mul3A_490 : vector<16xi32>
      %add3A_492 = arith.constant 1 : i32
      %add3A_493 = vector.broadcast %add3A_492 : i32 to vector<16xi32>
      %add3A_494 = arith.addi %mul3A_491, %add3A_493 : vector<16xi32>
      tpu.vector_store_idx %arg13[%add3A_494], %exp3A_480 {add = true} : memref<20480xf32, #tpu.memory_space<vmem>>[vector<16xi32>], vector<16xf32>,
      %get3A_495 = arith.constant 96 : index
      %get3A_496 = tpu.vector_load %arg10[%get3A_495] {strides = array<i32>} : memref<128xi32, #tpu.memory_space<vmem>>, vector<16xi32>,
      %get3A_497 = arith.constant 96 : index
      %get3A_498 = tpu.vector_load %arg11[%get3A_497] {strides = array<i32>} : memref<128xi32, #tpu.memory_space<vmem>>, vector<16xi32>,
      %mul3A_499 = arith.constant 2 : i32
      %mul3A_500 = vector.broadcast %mul3A_499 : i32 to vector<16xi32>
      %mul3A_501 = arith.muli %get3A_496, %mul3A_500 : vector<16xi32>
      %add3A_502 = arith.constant 0 : i32
      %add3A_503 = vector.broadcast %add3A_502 : i32 to vector<16xi32>
      %add3A_504 = arith.addi %mul3A_501, %add3A_503 : vector<16xi32>
      %gather3A_505 = tpu.vector_load_idx %arg8[%add3A_504] : memref<20016xf32, #tpu.memory_space<vmem>>[vector<16xi32>], vector<16xf32>,
      %mul3A_506 = arith.constant 2 : i32
      %mul3A_507 = vector.broadcast %mul3A_506 : i32 to vector<16xi32>
      %mul3A_508 = arith.muli %get3A_498, %mul3A_507 : vector<16xi32>
      %add3A_509 = arith.constant 0 : i32
      %add3A_510 = vector.broadcast %add3A_509 : i32 to vector<16xi32>
      %add3A_511 = arith.addi %mul3A_508, %add3A_510 : vector<16xi32>
      %gather3A_512 = tpu.vector_load_idx %arg9[%add3A_511] : memref<20016xf32, #tpu.memory_space<vmem>>[vector<16xi32>], vector<16xf32>,
      %add3A_513 = arith.addf %gather3A_505, %gather3A_512 : vector<16xf32>
      %ge3A_514 = arith.constant 0.000000e+00 : f32
      %ge3A_515 = vector.broadcast %ge3A_514 : f32 to vector<16xf32>
      %ge3A_516 = arith.cmpf oge, %add3A_513, %ge3A_515 : vector<16xf32>
      %mul3A_517 = arith.constant 2.000000e-01 : f32
      %mul3A_518 = vector.broadcast %mul3A_517 : f32 to vector<16xf32>
      %mul3A_519 = arith.mulf %add3A_513, %mul3A_518 : vector<16xf32>
      %select_n3A_520 = arith.select %ge3A_516, %add3A_513, %mul3A_519 : vector<16xi1>, vector<16xf32>
      %exp3A_521 = math.exp %select_n3A_520 : vector<16xf32>
      %mul3A_522 = arith.constant 128 : i32
      %mul3A_523 = arith.muli %scan3A_23, %mul3A_522 : i32
      %add3A_524 = arith.constant 0 : i32
      %add3A_525 = arith.addi %add3A_524, %mul3A_523 : i32
      %add3A_526 = arith.constant 96 : i32
      %add3A_527 = arith.addi %add3A_525, %add3A_526 : i32
      %swap3A_528 = arith.index_cast %add3A_527 : i32 to index
      %swap3A_529 = tpu.vector_load %arg12[%swap3A_528] {strides = array<i32>} : memref<20736xf32, #tpu.memory_space<vmem>>, vector<16xf32>,
      tpu.vector_store %arg12[%swap3A_528], %exp3A_521 {strides = array<i32>} : memref<20736xf32, #tpu.memory_space<vmem>>, vector<16xf32>,
      %mul3A_530 = arith.constant 2 : i32
      %mul3A_531 = vector.broadcast %mul3A_530 : i32 to vector<16xi32>
      %mul3A_532 = arith.muli %get3A_498, %mul3A_531 : vector<16xi32>
      %add3A_533 = arith.constant 0 : i32
      %add3A_534 = vector.broadcast %add3A_533 : i32 to vector<16xi32>
      %add3A_535 = arith.addi %mul3A_532, %add3A_534 : vector<16xi32>
      tpu.vector_store_idx %arg13[%add3A_535], %exp3A_521 {add = true} : memref<20480xf32, #tpu.memory_space<vmem>>[vector<16xi32>], vector<16xf32>,
      %mul3A_536 = arith.constant 2 : i32
      %mul3A_537 = vector.broadcast %mul3A_536 : i32 to vector<16xi32>
      %mul3A_538 = arith.muli %get3A_496, %mul3A_537 : vector<16xi32>
      %add3A_539 = arith.constant 1 : i32
      %add3A_540 = vector.broadcast %add3A_539 : i32 to vector<16xi32>
      %add3A_541 = arith.addi %mul3A_538, %add3A_540 : vector<16xi32>
      %gather3A_542 = tpu.vector_load_idx %arg8[%add3A_541] : memref<20016xf32, #tpu.memory_space<vmem>>[vector<16xi32>], vector<16xf32>,
      %mul3A_543 = arith.constant 2 : i32
      %mul3A_544 = vector.broadcast %mul3A_543 : i32 to vector<16xi32>
      %mul3A_545 = arith.muli %get3A_498, %mul3A_544 : vector<16xi32>
      %add3A_546 = arith.constant 1 : i32
      %add3A_547 = vector.broadcast %add3A_546 : i32 to vector<16xi32>
      %add3A_548 = arith.addi %mul3A_545, %add3A_547 : vector<16xi32>
      %gather3A_549 = tpu.vector_load_idx %arg9[%add3A_548] : memref<20016xf32, #tpu.memory_space<vmem>>[vector<16xi32>], vector<16xf32>,
      %add3A_550 = arith.addf %gather3A_542, %gather3A_549 : vector<16xf32>
      %ge3A_551 = arith.constant 0.000000e+00 : f32
      %ge3A_552 = vector.broadcast %ge3A_551 : f32 to vector<16xf32>
      %ge3A_553 = arith.cmpf oge, %add3A_550, %ge3A_552 : vector<16xf32>
      %mul3A_554 = arith.constant 2.000000e-01 : f32
      %mul3A_555 = vector.broadcast %mul3A_554 : f32 to vector<16xf32>
      %mul3A_556 = arith.mulf %add3A_550, %mul3A_555 : vector<16xf32>
      %select_n3A_557 = arith.select %ge3A_553, %add3A_550, %mul3A_556 : vector<16xi1>, vector<16xf32>
      %exp3A_558 = math.exp %select_n3A_557 : vector<16xf32>
      %mul3A_559 = arith.constant 128 : i32
      %mul3A_560 = arith.muli %scan3A_23, %mul3A_559 : i32
      %add3A_561 = arith.constant 10368 : i32
      %add3A_562 = arith.addi %add3A_561, %mul3A_560 : i32
      %add3A_563 = arith.constant 96 : i32
      %add3A_564 = arith.addi %add3A_562, %add3A_563 : i32
      %swap3A_565 = arith.index_cast %add3A_564 : i32 to index
      %swap3A_566 = tpu.vector_load %arg12[%swap3A_565] {strides = array<i32>} : memref<20736xf32, #tpu.memory_space<vmem>>, vector<16xf32>,
      tpu.vector_store %arg12[%swap3A_565], %exp3A_558 {strides = array<i32>} : memref<20736xf32, #tpu.memory_space<vmem>>, vector<16xf32>,
      %mul3A_567 = arith.constant 2 : i32
      %mul3A_568 = vector.broadcast %mul3A_567 : i32 to vector<16xi32>
      %mul3A_569 = arith.muli %get3A_498, %mul3A_568 : vector<16xi32>
      %add3A_570 = arith.constant 1 : i32
      %add3A_571 = vector.broadcast %add3A_570 : i32 to vector<16xi32>
      %add3A_572 = arith.addi %mul3A_569, %add3A_571 : vector<16xi32>
      tpu.vector_store_idx %arg13[%add3A_572], %exp3A_558 {add = true} : memref<20480xf32, #tpu.memory_space<vmem>>[vector<16xi32>], vector<16xf32>,
      %get3A_573 = arith.constant 112 : index
      %get3A_574 = tpu.vector_load %arg10[%get3A_573] {strides = array<i32>} : memref<128xi32, #tpu.memory_space<vmem>>, vector<16xi32>,
      %get3A_575 = arith.constant 112 : index
      %get3A_576 = tpu.vector_load %arg11[%get3A_575] {strides = array<i32>} : memref<128xi32, #tpu.memory_space<vmem>>, vector<16xi32>,
      %mul3A_577 = arith.constant 2 : i32
      %mul3A_578 = vector.broadcast %mul3A_577 : i32 to vector<16xi32>
      %mul3A_579 = arith.muli %get3A_574, %mul3A_578 : vector<16xi32>
      %add3A_580 = arith.constant 0 : i32
      %add3A_581 = vector.broadcast %add3A_580 : i32 to vector<16xi32>
      %add3A_582 = arith.addi %mul3A_579, %add3A_581 : vector<16xi32>
      %gather3A_583 = tpu.vector_load_idx %arg8[%add3A_582] : memref<20016xf32, #tpu.memory_space<vmem>>[vector<16xi32>], vector<16xf32>,
      %mul3A_584 = arith.constant 2 : i32
      %mul3A_585 = vector.broadcast %mul3A_584 : i32 to vector<16xi32>
      %mul3A_586 = arith.muli %get3A_576, %mul3A_585 : vector<16xi32>
      %add3A_587 = arith.constant 0 : i32
      %add3A_588 = vector.broadcast %add3A_587 : i32 to vector<16xi32>
      %add3A_589 = arith.addi %mul3A_586, %add3A_588 : vector<16xi32>
      %gather3A_590 = tpu.vector_load_idx %arg9[%add3A_589] : memref<20016xf32, #tpu.memory_space<vmem>>[vector<16xi32>], vector<16xf32>,
      %add3A_591 = arith.addf %gather3A_583, %gather3A_590 : vector<16xf32>
      %ge3A_592 = arith.constant 0.000000e+00 : f32
      %ge3A_593 = vector.broadcast %ge3A_592 : f32 to vector<16xf32>
      %ge3A_594 = arith.cmpf oge, %add3A_591, %ge3A_593 : vector<16xf32>
      %mul3A_595 = arith.constant 2.000000e-01 : f32
      %mul3A_596 = vector.broadcast %mul3A_595 : f32 to vector<16xf32>
      %mul3A_597 = arith.mulf %add3A_591, %mul3A_596 : vector<16xf32>
      %select_n3A_598 = arith.select %ge3A_594, %add3A_591, %mul3A_597 : vector<16xi1>, vector<16xf32>
      %exp3A_599 = math.exp %select_n3A_598 : vector<16xf32>
      %mul3A_600 = arith.constant 128 : i32
      %mul3A_601 = arith.muli %scan3A_23, %mul3A_600 : i32
      %add3A_602 = arith.constant 0 : i32
      %add3A_603 = arith.addi %add3A_602, %mul3A_601 : i32
      %add3A_604 = arith.constant 112 : i32
      %add3A_605 = arith.addi %add3A_603, %add3A_604 : i32
      %swap3A_606 = arith.index_cast %add3A_605 : i32 to index
      %swap3A_607 = tpu.vector_load %arg12[%swap3A_606] {strides = array<i32>} : memref<20736xf32, #tpu.memory_space<vmem>>, vector<16xf32>,
      tpu.vector_store %arg12[%swap3A_606], %exp3A_599 {strides = array<i32>} : memref<20736xf32, #tpu.memory_space<vmem>>, vector<16xf32>,
      %mul3A_608 = arith.constant 2 : i32
      %mul3A_609 = vector.broadcast %mul3A_608 : i32 to vector<16xi32>
      %mul3A_610 = arith.muli %get3A_576, %mul3A_609 : vector<16xi32>
      %add3A_611 = arith.constant 0 : i32
      %add3A_612 = vector.broadcast %add3A_611 : i32 to vector<16xi32>
      %add3A_613 = arith.addi %mul3A_610, %add3A_612 : vector<16xi32>
      tpu.vector_store_idx %arg13[%add3A_613], %exp3A_599 {add = true} : memref<20480xf32, #tpu.memory_space<vmem>>[vector<16xi32>], vector<16xf32>,
      %mul3A_614 = arith.constant 2 : i32
      %mul3A_615 = vector.broadcast %mul3A_614 : i32 to vector<16xi32>
      %mul3A_616 = arith.muli %get3A_574, %mul3A_615 : vector<16xi32>
      %add3A_617 = arith.constant 1 : i32
      %add3A_618 = vector.broadcast %add3A_617 : i32 to vector<16xi32>
      %add3A_619 = arith.addi %mul3A_616, %add3A_618 : vector<16xi32>
      %gather3A_620 = tpu.vector_load_idx %arg8[%add3A_619] : memref<20016xf32, #tpu.memory_space<vmem>>[vector<16xi32>], vector<16xf32>,
      %mul3A_621 = arith.constant 2 : i32
      %mul3A_622 = vector.broadcast %mul3A_621 : i32 to vector<16xi32>
      %mul3A_623 = arith.muli %get3A_576, %mul3A_622 : vector<16xi32>
      %add3A_624 = arith.constant 1 : i32
      %add3A_625 = vector.broadcast %add3A_624 : i32 to vector<16xi32>
      %add3A_626 = arith.addi %mul3A_623, %add3A_625 : vector<16xi32>
      %gather3A_627 = tpu.vector_load_idx %arg9[%add3A_626] : memref<20016xf32, #tpu.memory_space<vmem>>[vector<16xi32>], vector<16xf32>,
      %add3A_628 = arith.addf %gather3A_620, %gather3A_627 : vector<16xf32>
      %ge3A_629 = arith.constant 0.000000e+00 : f32
      %ge3A_630 = vector.broadcast %ge3A_629 : f32 to vector<16xf32>
      %ge3A_631 = arith.cmpf oge, %add3A_628, %ge3A_630 : vector<16xf32>
      %mul3A_632 = arith.constant 2.000000e-01 : f32
      %mul3A_633 = vector.broadcast %mul3A_632 : f32 to vector<16xf32>
      %mul3A_634 = arith.mulf %add3A_628, %mul3A_633 : vector<16xf32>
      %select_n3A_635 = arith.select %ge3A_631, %add3A_628, %mul3A_634 : vector<16xi1>, vector<16xf32>
      %exp3A_636 = math.exp %select_n3A_635 : vector<16xf32>
      %mul3A_637 = arith.constant 128 : i32
      %mul3A_638 = arith.muli %scan3A_23, %mul3A_637 : i32
      %add3A_639 = arith.constant 10368 : i32
      %add3A_640 = arith.addi %add3A_639, %mul3A_638 : i32
      %add3A_641 = arith.constant 112 : i32
      %add3A_642 = arith.addi %add3A_640, %add3A_641 : i32
      %swap3A_643 = arith.index_cast %add3A_642 : i32 to index
      %swap3A_644 = tpu.vector_load %arg12[%swap3A_643] {strides = array<i32>} : memref<20736xf32, #tpu.memory_space<vmem>>, vector<16xf32>,
      tpu.vector_store %arg12[%swap3A_643], %exp3A_636 {strides = array<i32>} : memref<20736xf32, #tpu.memory_space<vmem>>, vector<16xf32>,
      %mul3A_645 = arith.constant 2 : i32
      %mul3A_646 = vector.broadcast %mul3A_645 : i32 to vector<16xi32>
      %mul3A_647 = arith.muli %get3A_576, %mul3A_646 : vector<16xi32>
      %add3A_648 = arith.constant 1 : i32
      %add3A_649 = vector.broadcast %add3A_648 : i32 to vector<16xi32>
      %add3A_650 = arith.addi %mul3A_647, %add3A_649 : vector<16xi32>
      tpu.vector_store_idx %arg13[%add3A_650], %exp3A_636 {add = true} : memref<20480xf32, #tpu.memory_space<vmem>>[vector<16xi32>], vector<16xf32>,
    }
    %scan3A_14 = arith.constant 81 : i32
    %mul3A_15 = arith.constant 2 : i32
    %mul3A_16 = arith.muli %add3A, %mul3A_15 : i32
    %mul3A_17 = arith.constant 10368 : i32
    %mul3A_18 = arith.muli %mul3A_16, %mul3A_17 : i32
    "tpu.region"() ({
      %run_scoped3A = tpu.sem_alloc : memref<!tpu.dma_semaphore, #tpu.memory_space<semaphore_mem>>
      %dma_start3A = tpu.memref_slice %arg6[%mul3A_18] : memref<663552xf32, #tpu.memory_space<hbm>> -> memref<20736xf32, #tpu.memory_space<hbm>>
      %dma_start3A_23 = tpu.memref_slice %arg6[%mul3A_18] : memref<663552xf32, #tpu.memory_space<hbm>> -> memref<20736xf32, #tpu.memory_space<hbm>>
      tpu.enqueue_dma source(%arg12 : memref<20736xf32, #tpu.memory_space<vmem>>) target(%dma_start3A_23 : memref<20736xf32, #tpu.memory_space<hbm>>) target_semaphore(%run_scoped3A : memref<!tpu.dma_semaphore, #tpu.memory_space<semaphore_mem>>)
      %dma_wait3A = tpu.memref_slice %arg6[%mul3A_18] : memref<663552xf32, #tpu.memory_space<hbm>> -> memref<20736xf32, #tpu.memory_space<hbm>>
      %dma_wait3A_24 = tpu.memref_slice %arg6[%mul3A_18] : memref<663552xf32, #tpu.memory_space<hbm>> -> memref<20736xf32, #tpu.memory_space<hbm>>
      tpu.wait_dma2 semaphore(%run_scoped3A : memref<!tpu.dma_semaphore, #tpu.memory_space<semaphore_mem>>) src(%arg12 : memref<20736xf32, #tpu.memory_space<vmem>>) dst(%dma_wait3A_24 : memref<20736xf32, #tpu.memory_space<hbm>>)
      tpu.yield
    }) : () -> ()
    %mul3A_19 = arith.constant 10240 : i32
    %mul3A_20 = arith.muli %add3A, %mul3A_19 : i32
    %mul3A_21 = arith.constant 2 : i32
    %mul3A_22 = arith.muli %mul3A_20, %mul3A_21 : i32
    "tpu.region"() ({
      %run_scoped3A = tpu.sem_alloc : memref<!tpu.dma_semaphore, #tpu.memory_space<semaphore_mem>>
      %dma_start3A = tpu.memref_slice %arg7[%mul3A_22] : memref<655360xf32, #tpu.memory_space<hbm>> -> memref<20480xf32, #tpu.memory_space<hbm>>
      %dma_start3A_23 = tpu.memref_slice %arg7[%mul3A_22] : memref<655360xf32, #tpu.memory_space<hbm>> -> memref<20480xf32, #tpu.memory_space<hbm>>
      tpu.enqueue_dma source(%arg13 : memref<20480xf32, #tpu.memory_space<vmem>>) target(%dma_start3A_23 : memref<20480xf32, #tpu.memory_space<hbm>>) target_semaphore(%run_scoped3A : memref<!tpu.dma_semaphore, #tpu.memory_space<semaphore_mem>>)
      %dma_wait3A = tpu.memref_slice %arg7[%mul3A_22] : memref<655360xf32, #tpu.memory_space<hbm>> -> memref<20480xf32, #tpu.memory_space<hbm>>
      %dma_wait3A_24 = tpu.memref_slice %arg7[%mul3A_22] : memref<655360xf32, #tpu.memory_space<hbm>> -> memref<20480xf32, #tpu.memory_space<hbm>>
      tpu.wait_dma2 semaphore(%run_scoped3A : memref<!tpu.dma_semaphore, #tpu.memory_space<semaphore_mem>>) src(%arg13 : memref<20480xf32, #tpu.memory_space<vmem>>) dst(%dma_wait3A_24 : memref<20480xf32, #tpu.memory_space<hbm>>)
      tpu.yield
    }) : () -> ()
    return
  }
}

#map = affine_map<(d0, d1) -> (0, 0)>
#map1 = affine_map<(d0, d1) -> (0)>
#map2 = affine_map<(d0, d1) -> (0, 0, 0)>
module attributes {stable_mosaic.version = 14 : i64} {
  func.func @main_kernel(%arg0: i32, %arg1: i32, %arg2: memref<10008x128xf32, #tpu.memory_space<hbm>>, %arg3: memref<663552xf32, #tpu.memory_space<hbm>>, %arg4: memref<331776xi32, #tpu.memory_space<hbm>>, %arg5: memref<331776xi32, #tpu.memory_space<hbm>>, %arg6: memref<10240x128xf32, #tpu.memory_space<hbm>>, %arg7: memref<2x10240x128xf32, #tpu.memory_space<hbm>>, %arg8: memref<128xi32, #tpu.memory_space<vmem>>, %arg9: memref<128xi32, #tpu.memory_space<vmem>>, %arg10: memref<128x128xf32, #tpu.memory_space<vmem>>, %arg11: memref<256xf32, #tpu.memory_space<vmem>>, %arg12: memref<10240x128xf32, #tpu.memory_space<vmem_shared>>, %arg13: memref<!tpu.dma_semaphore, #tpu.memory_space<semaphore_mem>>, %arg14: memref<!tpu.dma_semaphore, #tpu.memory_space<semaphore_mem>>) attributes {dimension_semantics = [#tpu.dimension_semantics<core_parallel>, #tpu.dimension_semantics<subcore_parallel>], iteration_bounds = array<i64: 2, 16>, scalar_prefetch = 0 : i64, scratch_operands = 7 : i64, tpu.core_type = #tpu.core_type<sc_vector_subcore>, window_params = [{transform_indices = #map}, {transform_indices = #map1}, {transform_indices = #map1}, {transform_indices = #map1}, {transform_indices = #map}, {transform_indices = #map2}]} {
    %mul3A = arith.constant 16 : i32
    %mul3A_0 = arith.muli %arg0, %mul3A : i32
    %add3A = arith.addi %mul3A_0, %arg1 : i32
    %mul3A_1 = arith.constant 640 : i32
    %mul3A_2 = arith.muli %arg1, %mul3A_1 : i32
    "tpu.region"() ({
      %run_scoped3A = tpu.sem_alloc : memref<!tpu.dma_semaphore, #tpu.memory_space<semaphore_mem>>
      %dma_start3A = arith.constant 0 : i32
      %dma_start3A_11 = tpu.memref_slice %arg12[%mul3A_2, %dma_start3A] : memref<10240x128xf32, #tpu.memory_space<vmem_shared>> -> memref<640x128xf32, #tpu.memory_space<vmem_shared>>
      %dma_start3A_12 = arith.constant 0 : i32
      %dma_start3A_13 = tpu.memref_slice %arg6[%mul3A_2, %dma_start3A_12] : memref<10240x128xf32, #tpu.memory_space<hbm>> -> memref<640x128xf32, #tpu.memory_space<hbm>>
      tpu.enqueue_dma source(%dma_start3A_13 : memref<640x128xf32, #tpu.memory_space<hbm>>) target(%dma_start3A_11 : memref<640x128xf32, #tpu.memory_space<vmem_shared>>) target_semaphore(%run_scoped3A : memref<!tpu.dma_semaphore, #tpu.memory_space<semaphore_mem>>)
      %dma_wait3A = arith.constant 0 : i32
      %dma_wait3A_14 = tpu.memref_slice %arg12[%mul3A_2, %dma_wait3A] : memref<10240x128xf32, #tpu.memory_space<vmem_shared>> -> memref<640x128xf32, #tpu.memory_space<vmem_shared>>
      %dma_wait3A_15 = arith.constant 0 : i32
      %dma_wait3A_16 = tpu.memref_slice %arg6[%mul3A_2, %dma_wait3A_15] : memref<10240x128xf32, #tpu.memory_space<hbm>> -> memref<640x128xf32, #tpu.memory_space<hbm>>
      tpu.wait_dma2 semaphore(%run_scoped3A : memref<!tpu.dma_semaphore, #tpu.memory_space<semaphore_mem>>) src(%dma_wait3A_16 : memref<640x128xf32, #tpu.memory_space<hbm>>) dst(%dma_wait3A_14 : memref<640x128xf32, #tpu.memory_space<vmem_shared>>)
      tpu.yield
    }) : () -> ()
    %barrier3A = arith.constant 0 : index
    tpu.barrier barrier_id(%barrier3A)
    %mul3A_3 = arith.constant 10368 : i32
    %mul3A_4 = arith.muli %add3A, %mul3A_3 : i32
    %scan3A = arith.constant 0 : i32
    %scan3A_5 = arith.constant 0 : i32
    %scan3A_6 = arith.constant 81 : i32
    %scan3A_7 = arith.addi %scan3A_5, %scan3A_6 : i32
    %scan3A_8 = arith.constant 1 : i32
    scf.for %scan3A_11 = %scan3A_5 to %scan3A_7 step %scan3A_8  : i32 {
      %mul3A_12 = arith.constant 128 : i32
      %mul3A_13 = arith.muli %scan3A_11, %mul3A_12 : i32
      %add3A_14 = arith.addi %mul3A_4, %mul3A_13 : i32
      %dma_start3A = tpu.memref_slice %arg4[%add3A_14] : memref<331776xi32, #tpu.memory_space<hbm>> -> memref<128xi32, #tpu.memory_space<hbm>>
      %dma_start3A_15 = tpu.memref_slice %arg4[%add3A_14] : memref<331776xi32, #tpu.memory_space<hbm>> -> memref<128xi32, #tpu.memory_space<hbm>>
      tpu.enqueue_dma source(%dma_start3A_15 : memref<128xi32, #tpu.memory_space<hbm>>) target(%arg8 : memref<128xi32, #tpu.memory_space<vmem>>) target_semaphore(%arg14 : memref<!tpu.dma_semaphore, #tpu.memory_space<semaphore_mem>>)
      %dma_start3A_16 = tpu.memref_slice %arg5[%add3A_14] : memref<331776xi32, #tpu.memory_space<hbm>> -> memref<128xi32, #tpu.memory_space<hbm>>
      %dma_start3A_17 = tpu.memref_slice %arg5[%add3A_14] : memref<331776xi32, #tpu.memory_space<hbm>> -> memref<128xi32, #tpu.memory_space<hbm>>
      tpu.enqueue_dma source(%dma_start3A_17 : memref<128xi32, #tpu.memory_space<hbm>>) target(%arg9 : memref<128xi32, #tpu.memory_space<vmem>>) target_semaphore(%arg14 : memref<!tpu.dma_semaphore, #tpu.memory_space<semaphore_mem>>)
      %mul3A_18 = arith.constant 2 : i32
      %mul3A_19 = arith.muli %add3A, %mul3A_18 : i32
      %mul3A_20 = arith.constant 10368 : i32
      %mul3A_21 = arith.muli %mul3A_19, %mul3A_20 : i32
      %add3A_22 = arith.constant 0 : i32
      %add3A_23 = arith.addi %mul3A_21, %add3A_22 : i32
      %mul3A_24 = arith.constant 128 : i32
      %mul3A_25 = arith.muli %scan3A_11, %mul3A_24 : i32
      %add3A_26 = arith.addi %add3A_23, %mul3A_25 : i32
      %dma_start3A_27 = arith.constant 0 : i32
      %dma_start3A_28 = tpu.memref_slice %arg11[%dma_start3A_27] : memref<256xf32, #tpu.memory_space<vmem>> -> memref<128xf32, #tpu.memory_space<vmem>>
      %dma_start3A_29 = tpu.memref_slice %arg3[%add3A_26] : memref<663552xf32, #tpu.memory_space<hbm>> -> memref<128xf32, #tpu.memory_space<hbm>>
      %dma_start3A_30 = arith.constant 0 : i32
      %dma_start3A_31 = tpu.memref_slice %arg11[%dma_start3A_30] : memref<256xf32, #tpu.memory_space<vmem>> -> memref<128xf32, #tpu.memory_space<vmem>>
      %dma_start3A_32 = tpu.memref_slice %arg3[%add3A_26] : memref<663552xf32, #tpu.memory_space<hbm>> -> memref<128xf32, #tpu.memory_space<hbm>>
      tpu.enqueue_dma source(%dma_start3A_32 : memref<128xf32, #tpu.memory_space<hbm>>) target(%dma_start3A_31 : memref<128xf32, #tpu.memory_space<vmem>>) target_semaphore(%arg14 : memref<!tpu.dma_semaphore, #tpu.memory_space<semaphore_mem>>)
      %mul3A_33 = arith.constant 2 : i32
      %mul3A_34 = arith.muli %add3A, %mul3A_33 : i32
      %mul3A_35 = arith.constant 10368 : i32
      %mul3A_36 = arith.muli %mul3A_34, %mul3A_35 : i32
      %add3A_37 = arith.constant 10368 : i32
      %add3A_38 = arith.addi %mul3A_36, %add3A_37 : i32
      %mul3A_39 = arith.constant 128 : i32
      %mul3A_40 = arith.muli %scan3A_11, %mul3A_39 : i32
      %add3A_41 = arith.addi %add3A_38, %mul3A_40 : i32
      %dma_start3A_42 = arith.constant 128 : i32
      %dma_start3A_43 = tpu.memref_slice %arg11[%dma_start3A_42] : memref<256xf32, #tpu.memory_space<vmem>> -> memref<128xf32, #tpu.memory_space<vmem>>
      %dma_start3A_44 = tpu.memref_slice %arg3[%add3A_41] : memref<663552xf32, #tpu.memory_space<hbm>> -> memref<128xf32, #tpu.memory_space<hbm>>
      %dma_start3A_45 = arith.constant 128 : i32
      %dma_start3A_46 = tpu.memref_slice %arg11[%dma_start3A_45] : memref<256xf32, #tpu.memory_space<vmem>> -> memref<128xf32, #tpu.memory_space<vmem>>
      %dma_start3A_47 = tpu.memref_slice %arg3[%add3A_41] : memref<663552xf32, #tpu.memory_space<hbm>> -> memref<128xf32, #tpu.memory_space<hbm>>
      tpu.enqueue_dma source(%dma_start3A_47 : memref<128xf32, #tpu.memory_space<hbm>>) target(%dma_start3A_46 : memref<128xf32, #tpu.memory_space<vmem>>) target_semaphore(%arg14 : memref<!tpu.dma_semaphore, #tpu.memory_space<semaphore_mem>>)
      %dma_wait3A = tpu.memref_slice %arg4[%add3A_14] : memref<331776xi32, #tpu.memory_space<hbm>> -> memref<128xi32, #tpu.memory_space<hbm>>
      %dma_wait3A_48 = tpu.memref_slice %arg4[%add3A_14] : memref<331776xi32, #tpu.memory_space<hbm>> -> memref<128xi32, #tpu.memory_space<hbm>>
      tpu.wait_dma2 semaphore(%arg14 : memref<!tpu.dma_semaphore, #tpu.memory_space<semaphore_mem>>) src(%dma_wait3A_48 : memref<128xi32, #tpu.memory_space<hbm>>) dst(%arg8 : memref<128xi32, #tpu.memory_space<vmem>>)
      %dma_start3A_49 = arith.constant 0 : i32
      %dma_start3A_50 = arith.constant 0 : i32
      %dma_start3A_51 = tpu.memref_slice %arg2[%dma_start3A_49, %dma_start3A_50] : memref<10008x128xf32, #tpu.memory_space<hbm>> -> memref<10008x128xf32, #tpu.memory_space<hbm>>
      tpu.enqueue_indirect_dma source(%dma_start3A_51 : memref<10008x128xf32, #tpu.memory_space<hbm>>) target(%arg10 : memref<128x128xf32, #tpu.memory_space<vmem>>) offsets(%arg8 : memref<128xi32, #tpu.memory_space<vmem>>) semaphore(%arg13 : memref<!tpu.dma_semaphore, #tpu.memory_space<semaphore_mem>>)
      %dma_wait3A_52 = tpu.memref_slice %arg5[%add3A_14] : memref<331776xi32, #tpu.memory_space<hbm>> -> memref<128xi32, #tpu.memory_space<hbm>>
      %dma_wait3A_53 = tpu.memref_slice %arg5[%add3A_14] : memref<331776xi32, #tpu.memory_space<hbm>> -> memref<128xi32, #tpu.memory_space<hbm>>
      tpu.wait_dma2 semaphore(%arg14 : memref<!tpu.dma_semaphore, #tpu.memory_space<semaphore_mem>>) src(%dma_wait3A_53 : memref<128xi32, #tpu.memory_space<hbm>>) dst(%arg9 : memref<128xi32, #tpu.memory_space<vmem>>)
      %dma_wait3A_54 = arith.constant 0 : i32
      %dma_wait3A_55 = tpu.memref_slice %arg11[%dma_wait3A_54] : memref<256xf32, #tpu.memory_space<vmem>> -> memref<128xf32, #tpu.memory_space<vmem>>
      %dma_wait3A_56 = tpu.memref_slice %arg3[%add3A_26] : memref<663552xf32, #tpu.memory_space<hbm>> -> memref<128xf32, #tpu.memory_space<hbm>>
      %dma_wait3A_57 = arith.constant 0 : i32
      %dma_wait3A_58 = tpu.memref_slice %arg11[%dma_wait3A_57] : memref<256xf32, #tpu.memory_space<vmem>> -> memref<128xf32, #tpu.memory_space<vmem>>
      %dma_wait3A_59 = tpu.memref_slice %arg3[%add3A_26] : memref<663552xf32, #tpu.memory_space<hbm>> -> memref<128xf32, #tpu.memory_space<hbm>>
      tpu.wait_dma2 semaphore(%arg14 : memref<!tpu.dma_semaphore, #tpu.memory_space<semaphore_mem>>) src(%dma_wait3A_59 : memref<128xf32, #tpu.memory_space<hbm>>) dst(%dma_wait3A_58 : memref<128xf32, #tpu.memory_space<vmem>>)
      %dma_wait3A_60 = arith.constant 128 : i32
      %dma_wait3A_61 = tpu.memref_slice %arg11[%dma_wait3A_60] : memref<256xf32, #tpu.memory_space<vmem>> -> memref<128xf32, #tpu.memory_space<vmem>>
      %dma_wait3A_62 = tpu.memref_slice %arg3[%add3A_41] : memref<663552xf32, #tpu.memory_space<hbm>> -> memref<128xf32, #tpu.memory_space<hbm>>
      %dma_wait3A_63 = arith.constant 128 : i32
      %dma_wait3A_64 = tpu.memref_slice %arg11[%dma_wait3A_63] : memref<256xf32, #tpu.memory_space<vmem>> -> memref<128xf32, #tpu.memory_space<vmem>>
      %dma_wait3A_65 = tpu.memref_slice %arg3[%add3A_41] : memref<663552xf32, #tpu.memory_space<hbm>> -> memref<128xf32, #tpu.memory_space<hbm>>
      tpu.wait_dma2 semaphore(%arg14 : memref<!tpu.dma_semaphore, #tpu.memory_space<semaphore_mem>>) src(%dma_wait3A_65 : memref<128xf32, #tpu.memory_space<hbm>>) dst(%dma_wait3A_64 : memref<128xf32, #tpu.memory_space<vmem>>)
      %dma_wait3A_66 = arith.constant 0 : i32
      %dma_wait3A_67 = arith.constant 0 : i32
      %dma_wait3A_68 = tpu.memref_slice %arg2[%dma_wait3A_66, %dma_wait3A_67] : memref<10008x128xf32, #tpu.memory_space<hbm>> -> memref<10008x128xf32, #tpu.memory_space<hbm>>
      tpu.wait_indirect_dma semaphore(%arg13 : memref<!tpu.dma_semaphore, #tpu.memory_space<semaphore_mem>>) src(%dma_wait3A_68 : memref<10008x128xf32, #tpu.memory_space<hbm>>) dst(%arg10 : memref<128x128xf32, #tpu.memory_space<vmem>>)
      %scan3A_69 = arith.constant 0 : i32
      %scan3A_70 = arith.constant 0 : i32
      %scan3A_71 = arith.constant 8 : i32
      %scan3A_72 = arith.addi %scan3A_70, %scan3A_71 : i32
      %scan3A_73 = arith.constant 1 : i32
      scf.for %scan3A_75 = %scan3A_70 to %scan3A_72 step %scan3A_73  : i32 {
        %mul3A_76 = arith.constant 16 : i32
        %mul3A_77 = arith.muli %scan3A_75, %mul3A_76 : i32
        %add3A_78 = arith.constant 0 : i32
        %add3A_79 = arith.addi %mul3A_77, %add3A_78 : i32
        %broadcast_in_dim3A = arith.constant 0 : i32
        %broadcast_in_dim3A_80 = vector.broadcast %broadcast_in_dim3A : i32 to vector<16xi32>
        %add3A_81 = vector.broadcast %add3A_79 : i32 to vector<16xi32>
        %add3A_82 = arith.addi %broadcast_in_dim3A_80, %add3A_81 : vector<16xi32>
        %gather3A = tpu.vector_load_idx %arg11[%add3A_82] : memref<256xf32, #tpu.memory_space<vmem>>[vector<16xi32>], vector<16xf32>,
        %get3A = arith.index_cast %add3A_79 : i32 to index
        %get3A_83 = arith.constant 0 : index
        %get3A_84 = tpu.vector_load %arg10[%get3A, %get3A_83] {strides = array<i32>} : memref<128x128xf32, #tpu.memory_space<vmem>>, vector<16xf32>,
        %mul3A_85 = arith.mulf %get3A_84, %gather3A : vector<16xf32>
        %swap3A = arith.index_cast %add3A_79 : i32 to index
        %swap3A_86 = arith.constant 0 : index
        %swap3A_87 = tpu.vector_load %arg10[%swap3A, %swap3A_86] {strides = array<i32>} : memref<128x128xf32, #tpu.memory_space<vmem>>, vector<16xf32>,
        tpu.vector_store %arg10[%swap3A, %swap3A_86], %mul3A_85 {strides = array<i32>} : memref<128x128xf32, #tpu.memory_space<vmem>>, vector<16xf32>,
        %get3A_88 = arith.index_cast %add3A_79 : i32 to index
        %get3A_89 = arith.constant 16 : index
        %get3A_90 = tpu.vector_load %arg10[%get3A_88, %get3A_89] {strides = array<i32>} : memref<128x128xf32, #tpu.memory_space<vmem>>, vector<16xf32>,
        %mul3A_91 = arith.mulf %get3A_90, %gather3A : vector<16xf32>
        %swap3A_92 = arith.index_cast %add3A_79 : i32 to index
        %swap3A_93 = arith.constant 16 : index
        %swap3A_94 = tpu.vector_load %arg10[%swap3A_92, %swap3A_93] {strides = array<i32>} : memref<128x128xf32, #tpu.memory_space<vmem>>, vector<16xf32>,
        tpu.vector_store %arg10[%swap3A_92, %swap3A_93], %mul3A_91 {strides = array<i32>} : memref<128x128xf32, #tpu.memory_space<vmem>>, vector<16xf32>,
        %get3A_95 = arith.index_cast %add3A_79 : i32 to index
        %get3A_96 = arith.constant 32 : index
        %get3A_97 = tpu.vector_load %arg10[%get3A_95, %get3A_96] {strides = array<i32>} : memref<128x128xf32, #tpu.memory_space<vmem>>, vector<16xf32>,
        %mul3A_98 = arith.mulf %get3A_97, %gather3A : vector<16xf32>
        %swap3A_99 = arith.index_cast %add3A_79 : i32 to index
        %swap3A_100 = arith.constant 32 : index
        %swap3A_101 = tpu.vector_load %arg10[%swap3A_99, %swap3A_100] {strides = array<i32>} : memref<128x128xf32, #tpu.memory_space<vmem>>, vector<16xf32>,
        tpu.vector_store %arg10[%swap3A_99, %swap3A_100], %mul3A_98 {strides = array<i32>} : memref<128x128xf32, #tpu.memory_space<vmem>>, vector<16xf32>,
        %get3A_102 = arith.index_cast %add3A_79 : i32 to index
        %get3A_103 = arith.constant 48 : index
        %get3A_104 = tpu.vector_load %arg10[%get3A_102, %get3A_103] {strides = array<i32>} : memref<128x128xf32, #tpu.memory_space<vmem>>, vector<16xf32>,
        %mul3A_105 = arith.mulf %get3A_104, %gather3A : vector<16xf32>
        %swap3A_106 = arith.index_cast %add3A_79 : i32 to index
        %swap3A_107 = arith.constant 48 : index
        %swap3A_108 = tpu.vector_load %arg10[%swap3A_106, %swap3A_107] {strides = array<i32>} : memref<128x128xf32, #tpu.memory_space<vmem>>, vector<16xf32>,
        tpu.vector_store %arg10[%swap3A_106, %swap3A_107], %mul3A_105 {strides = array<i32>} : memref<128x128xf32, #tpu.memory_space<vmem>>, vector<16xf32>,
        %broadcast_in_dim3A_109 = arith.constant 128 : i32
        %broadcast_in_dim3A_110 = vector.broadcast %broadcast_in_dim3A_109 : i32 to vector<16xi32>
        %add3A_111 = vector.broadcast %add3A_79 : i32 to vector<16xi32>
        %add3A_112 = arith.addi %broadcast_in_dim3A_110, %add3A_111 : vector<16xi32>
        %gather3A_113 = tpu.vector_load_idx %arg11[%add3A_112] : memref<256xf32, #tpu.memory_space<vmem>>[vector<16xi32>], vector<16xf32>,
        %get3A_114 = arith.index_cast %add3A_79 : i32 to index
        %get3A_115 = arith.constant 64 : index
        %get3A_116 = tpu.vector_load %arg10[%get3A_114, %get3A_115] {strides = array<i32>} : memref<128x128xf32, #tpu.memory_space<vmem>>, vector<16xf32>,
        %mul3A_117 = arith.mulf %get3A_116, %gather3A_113 : vector<16xf32>
        %swap3A_118 = arith.index_cast %add3A_79 : i32 to index
        %swap3A_119 = arith.constant 64 : index
        %swap3A_120 = tpu.vector_load %arg10[%swap3A_118, %swap3A_119] {strides = array<i32>} : memref<128x128xf32, #tpu.memory_space<vmem>>, vector<16xf32>,
        tpu.vector_store %arg10[%swap3A_118, %swap3A_119], %mul3A_117 {strides = array<i32>} : memref<128x128xf32, #tpu.memory_space<vmem>>, vector<16xf32>,
        %get3A_121 = arith.index_cast %add3A_79 : i32 to index
        %get3A_122 = arith.constant 80 : index
        %get3A_123 = tpu.vector_load %arg10[%get3A_121, %get3A_122] {strides = array<i32>} : memref<128x128xf32, #tpu.memory_space<vmem>>, vector<16xf32>,
        %mul3A_124 = arith.mulf %get3A_123, %gather3A_113 : vector<16xf32>
        %swap3A_125 = arith.index_cast %add3A_79 : i32 to index
        %swap3A_126 = arith.constant 80 : index
        %swap3A_127 = tpu.vector_load %arg10[%swap3A_125, %swap3A_126] {strides = array<i32>} : memref<128x128xf32, #tpu.memory_space<vmem>>, vector<16xf32>,
        tpu.vector_store %arg10[%swap3A_125, %swap3A_126], %mul3A_124 {strides = array<i32>} : memref<128x128xf32, #tpu.memory_space<vmem>>, vector<16xf32>,
        %get3A_128 = arith.index_cast %add3A_79 : i32 to index
        %get3A_129 = arith.constant 96 : index
        %get3A_130 = tpu.vector_load %arg10[%get3A_128, %get3A_129] {strides = array<i32>} : memref<128x128xf32, #tpu.memory_space<vmem>>, vector<16xf32>,
        %mul3A_131 = arith.mulf %get3A_130, %gather3A_113 : vector<16xf32>
        %swap3A_132 = arith.index_cast %add3A_79 : i32 to index
        %swap3A_133 = arith.constant 96 : index
        %swap3A_134 = tpu.vector_load %arg10[%swap3A_132, %swap3A_133] {strides = array<i32>} : memref<128x128xf32, #tpu.memory_space<vmem>>, vector<16xf32>,
        tpu.vector_store %arg10[%swap3A_132, %swap3A_133], %mul3A_131 {strides = array<i32>} : memref<128x128xf32, #tpu.memory_space<vmem>>, vector<16xf32>,
        %get3A_135 = arith.index_cast %add3A_79 : i32 to index
        %get3A_136 = arith.constant 112 : index
        %get3A_137 = tpu.vector_load %arg10[%get3A_135, %get3A_136] {strides = array<i32>} : memref<128x128xf32, #tpu.memory_space<vmem>>, vector<16xf32>,
        %mul3A_138 = arith.mulf %get3A_137, %gather3A_113 : vector<16xf32>
        %swap3A_139 = arith.index_cast %add3A_79 : i32 to index
        %swap3A_140 = arith.constant 112 : index
        %swap3A_141 = tpu.vector_load %arg10[%swap3A_139, %swap3A_140] {strides = array<i32>} : memref<128x128xf32, #tpu.memory_space<vmem>>, vector<16xf32>,
        tpu.vector_store %arg10[%swap3A_139, %swap3A_140], %mul3A_138 {strides = array<i32>} : memref<128x128xf32, #tpu.memory_space<vmem>>, vector<16xf32>,
        %mul3A_142 = arith.constant 16 : i32
        %mul3A_143 = arith.muli %scan3A_75, %mul3A_142 : i32
        %add3A_144 = arith.constant 1 : i32
        %add3A_145 = arith.addi %mul3A_143, %add3A_144 : i32
        %broadcast_in_dim3A_146 = arith.constant 0 : i32
        %broadcast_in_dim3A_147 = vector.broadcast %broadcast_in_dim3A_146 : i32 to vector<16xi32>
        %add3A_148 = vector.broadcast %add3A_145 : i32 to vector<16xi32>
        %add3A_149 = arith.addi %broadcast_in_dim3A_147, %add3A_148 : vector<16xi32>
        %gather3A_150 = tpu.vector_load_idx %arg11[%add3A_149] : memref<256xf32, #tpu.memory_space<vmem>>[vector<16xi32>], vector<16xf32>,
        %get3A_151 = arith.index_cast %add3A_145 : i32 to index
        %get3A_152 = arith.constant 0 : index
        %get3A_153 = tpu.vector_load %arg10[%get3A_151, %get3A_152] {strides = array<i32>} : memref<128x128xf32, #tpu.memory_space<vmem>>, vector<16xf32>,
        %mul3A_154 = arith.mulf %get3A_153, %gather3A_150 : vector<16xf32>
        %swap3A_155 = arith.index_cast %add3A_145 : i32 to index
        %swap3A_156 = arith.constant 0 : index
        %swap3A_157 = tpu.vector_load %arg10[%swap3A_155, %swap3A_156] {strides = array<i32>} : memref<128x128xf32, #tpu.memory_space<vmem>>, vector<16xf32>,
        tpu.vector_store %arg10[%swap3A_155, %swap3A_156], %mul3A_154 {strides = array<i32>} : memref<128x128xf32, #tpu.memory_space<vmem>>, vector<16xf32>,
        %get3A_158 = arith.index_cast %add3A_145 : i32 to index
        %get3A_159 = arith.constant 16 : index
        %get3A_160 = tpu.vector_load %arg10[%get3A_158, %get3A_159] {strides = array<i32>} : memref<128x128xf32, #tpu.memory_space<vmem>>, vector<16xf32>,
        %mul3A_161 = arith.mulf %get3A_160, %gather3A_150 : vector<16xf32>
        %swap3A_162 = arith.index_cast %add3A_145 : i32 to index
        %swap3A_163 = arith.constant 16 : index
        %swap3A_164 = tpu.vector_load %arg10[%swap3A_162, %swap3A_163] {strides = array<i32>} : memref<128x128xf32, #tpu.memory_space<vmem>>, vector<16xf32>,
        tpu.vector_store %arg10[%swap3A_162, %swap3A_163], %mul3A_161 {strides = array<i32>} : memref<128x128xf32, #tpu.memory_space<vmem>>, vector<16xf32>,
        %get3A_165 = arith.index_cast %add3A_145 : i32 to index
        %get3A_166 = arith.constant 32 : index
        %get3A_167 = tpu.vector_load %arg10[%get3A_165, %get3A_166] {strides = array<i32>} : memref<128x128xf32, #tpu.memory_space<vmem>>, vector<16xf32>,
        %mul3A_168 = arith.mulf %get3A_167, %gather3A_150 : vector<16xf32>
        %swap3A_169 = arith.index_cast %add3A_145 : i32 to index
        %swap3A_170 = arith.constant 32 : index
        %swap3A_171 = tpu.vector_load %arg10[%swap3A_169, %swap3A_170] {strides = array<i32>} : memref<128x128xf32, #tpu.memory_space<vmem>>, vector<16xf32>,
        tpu.vector_store %arg10[%swap3A_169, %swap3A_170], %mul3A_168 {strides = array<i32>} : memref<128x128xf32, #tpu.memory_space<vmem>>, vector<16xf32>,
        %get3A_172 = arith.index_cast %add3A_145 : i32 to index
        %get3A_173 = arith.constant 48 : index
        %get3A_174 = tpu.vector_load %arg10[%get3A_172, %get3A_173] {strides = array<i32>} : memref<128x128xf32, #tpu.memory_space<vmem>>, vector<16xf32>,
        %mul3A_175 = arith.mulf %get3A_174, %gather3A_150 : vector<16xf32>
        %swap3A_176 = arith.index_cast %add3A_145 : i32 to index
        %swap3A_177 = arith.constant 48 : index
        %swap3A_178 = tpu.vector_load %arg10[%swap3A_176, %swap3A_177] {strides = array<i32>} : memref<128x128xf32, #tpu.memory_space<vmem>>, vector<16xf32>,
        tpu.vector_store %arg10[%swap3A_176, %swap3A_177], %mul3A_175 {strides = array<i32>} : memref<128x128xf32, #tpu.memory_space<vmem>>, vector<16xf32>,
        %broadcast_in_dim3A_179 = arith.constant 128 : i32
        %broadcast_in_dim3A_180 = vector.broadcast %broadcast_in_dim3A_179 : i32 to vector<16xi32>
        %add3A_181 = vector.broadcast %add3A_145 : i32 to vector<16xi32>
        %add3A_182 = arith.addi %broadcast_in_dim3A_180, %add3A_181 : vector<16xi32>
        %gather3A_183 = tpu.vector_load_idx %arg11[%add3A_182] : memref<256xf32, #tpu.memory_space<vmem>>[vector<16xi32>], vector<16xf32>,
        %get3A_184 = arith.index_cast %add3A_145 : i32 to index
        %get3A_185 = arith.constant 64 : index
        %get3A_186 = tpu.vector_load %arg10[%get3A_184, %get3A_185] {strides = array<i32>} : memref<128x128xf32, #tpu.memory_space<vmem>>, vector<16xf32>,
        %mul3A_187 = arith.mulf %get3A_186, %gather3A_183 : vector<16xf32>
        %swap3A_188 = arith.index_cast %add3A_145 : i32 to index
        %swap3A_189 = arith.constant 64 : index
        %swap3A_190 = tpu.vector_load %arg10[%swap3A_188, %swap3A_189] {strides = array<i32>} : memref<128x128xf32, #tpu.memory_space<vmem>>, vector<16xf32>,
        tpu.vector_store %arg10[%swap3A_188, %swap3A_189], %mul3A_187 {strides = array<i32>} : memref<128x128xf32, #tpu.memory_space<vmem>>, vector<16xf32>,
        %get3A_191 = arith.index_cast %add3A_145 : i32 to index
        %get3A_192 = arith.constant 80 : index
        %get3A_193 = tpu.vector_load %arg10[%get3A_191, %get3A_192] {strides = array<i32>} : memref<128x128xf32, #tpu.memory_space<vmem>>, vector<16xf32>,
        %mul3A_194 = arith.mulf %get3A_193, %gather3A_183 : vector<16xf32>
        %swap3A_195 = arith.index_cast %add3A_145 : i32 to index
        %swap3A_196 = arith.constant 80 : index
        %swap3A_197 = tpu.vector_load %arg10[%swap3A_195, %swap3A_196] {strides = array<i32>} : memref<128x128xf32, #tpu.memory_space<vmem>>, vector<16xf32>,
        tpu.vector_store %arg10[%swap3A_195, %swap3A_196], %mul3A_194 {strides = array<i32>} : memref<128x128xf32, #tpu.memory_space<vmem>>, vector<16xf32>,
        %get3A_198 = arith.index_cast %add3A_145 : i32 to index
        %get3A_199 = arith.constant 96 : index
        %get3A_200 = tpu.vector_load %arg10[%get3A_198, %get3A_199] {strides = array<i32>} : memref<128x128xf32, #tpu.memory_space<vmem>>, vector<16xf32>,
        %mul3A_201 = arith.mulf %get3A_200, %gather3A_183 : vector<16xf32>
        %swap3A_202 = arith.index_cast %add3A_145 : i32 to index
        %swap3A_203 = arith.constant 96 : index
        %swap3A_204 = tpu.vector_load %arg10[%swap3A_202, %swap3A_203] {strides = array<i32>} : memref<128x128xf32, #tpu.memory_space<vmem>>, vector<16xf32>,
        tpu.vector_store %arg10[%swap3A_202, %swap3A_203], %mul3A_201 {strides = array<i32>} : memref<128x128xf32, #tpu.memory_space<vmem>>, vector<16xf32>,
        %get3A_205 = arith.index_cast %add3A_145 : i32 to index
        %get3A_206 = arith.constant 112 : index
        %get3A_207 = tpu.vector_load %arg10[%get3A_205, %get3A_206] {strides = array<i32>} : memref<128x128xf32, #tpu.memory_space<vmem>>, vector<16xf32>,
        %mul3A_208 = arith.mulf %get3A_207, %gather3A_183 : vector<16xf32>
        %swap3A_209 = arith.index_cast %add3A_145 : i32 to index
        %swap3A_210 = arith.constant 112 : index
        %swap3A_211 = tpu.vector_load %arg10[%swap3A_209, %swap3A_210] {strides = array<i32>} : memref<128x128xf32, #tpu.memory_space<vmem>>, vector<16xf32>,
        tpu.vector_store %arg10[%swap3A_209, %swap3A_210], %mul3A_208 {strides = array<i32>} : memref<128x128xf32, #tpu.memory_space<vmem>>, vector<16xf32>,
        %mul3A_212 = arith.constant 16 : i32
        %mul3A_213 = arith.muli %scan3A_75, %mul3A_212 : i32
        %add3A_214 = arith.constant 2 : i32
        %add3A_215 = arith.addi %mul3A_213, %add3A_214 : i32
        %broadcast_in_dim3A_216 = arith.constant 0 : i32
        %broadcast_in_dim3A_217 = vector.broadcast %broadcast_in_dim3A_216 : i32 to vector<16xi32>
        %add3A_218 = vector.broadcast %add3A_215 : i32 to vector<16xi32>
        %add3A_219 = arith.addi %broadcast_in_dim3A_217, %add3A_218 : vector<16xi32>
        %gather3A_220 = tpu.vector_load_idx %arg11[%add3A_219] : memref<256xf32, #tpu.memory_space<vmem>>[vector<16xi32>], vector<16xf32>,
        %get3A_221 = arith.index_cast %add3A_215 : i32 to index
        %get3A_222 = arith.constant 0 : index
        %get3A_223 = tpu.vector_load %arg10[%get3A_221, %get3A_222] {strides = array<i32>} : memref<128x128xf32, #tpu.memory_space<vmem>>, vector<16xf32>,
        %mul3A_224 = arith.mulf %get3A_223, %gather3A_220 : vector<16xf32>
        %swap3A_225 = arith.index_cast %add3A_215 : i32 to index
        %swap3A_226 = arith.constant 0 : index
        %swap3A_227 = tpu.vector_load %arg10[%swap3A_225, %swap3A_226] {strides = array<i32>} : memref<128x128xf32, #tpu.memory_space<vmem>>, vector<16xf32>,
        tpu.vector_store %arg10[%swap3A_225, %swap3A_226], %mul3A_224 {strides = array<i32>} : memref<128x128xf32, #tpu.memory_space<vmem>>, vector<16xf32>,
        %get3A_228 = arith.index_cast %add3A_215 : i32 to index
        %get3A_229 = arith.constant 16 : index
        %get3A_230 = tpu.vector_load %arg10[%get3A_228, %get3A_229] {strides = array<i32>} : memref<128x128xf32, #tpu.memory_space<vmem>>, vector<16xf32>,
        %mul3A_231 = arith.mulf %get3A_230, %gather3A_220 : vector<16xf32>
        %swap3A_232 = arith.index_cast %add3A_215 : i32 to index
        %swap3A_233 = arith.constant 16 : index
        %swap3A_234 = tpu.vector_load %arg10[%swap3A_232, %swap3A_233] {strides = array<i32>} : memref<128x128xf32, #tpu.memory_space<vmem>>, vector<16xf32>,
        tpu.vector_store %arg10[%swap3A_232, %swap3A_233], %mul3A_231 {strides = array<i32>} : memref<128x128xf32, #tpu.memory_space<vmem>>, vector<16xf32>,
        %get3A_235 = arith.index_cast %add3A_215 : i32 to index
        %get3A_236 = arith.constant 32 : index
        %get3A_237 = tpu.vector_load %arg10[%get3A_235, %get3A_236] {strides = array<i32>} : memref<128x128xf32, #tpu.memory_space<vmem>>, vector<16xf32>,
        %mul3A_238 = arith.mulf %get3A_237, %gather3A_220 : vector<16xf32>
        %swap3A_239 = arith.index_cast %add3A_215 : i32 to index
        %swap3A_240 = arith.constant 32 : index
        %swap3A_241 = tpu.vector_load %arg10[%swap3A_239, %swap3A_240] {strides = array<i32>} : memref<128x128xf32, #tpu.memory_space<vmem>>, vector<16xf32>,
        tpu.vector_store %arg10[%swap3A_239, %swap3A_240], %mul3A_238 {strides = array<i32>} : memref<128x128xf32, #tpu.memory_space<vmem>>, vector<16xf32>,
        %get3A_242 = arith.index_cast %add3A_215 : i32 to index
        %get3A_243 = arith.constant 48 : index
        %get3A_244 = tpu.vector_load %arg10[%get3A_242, %get3A_243] {strides = array<i32>} : memref<128x128xf32, #tpu.memory_space<vmem>>, vector<16xf32>,
        %mul3A_245 = arith.mulf %get3A_244, %gather3A_220 : vector<16xf32>
        %swap3A_246 = arith.index_cast %add3A_215 : i32 to index
        %swap3A_247 = arith.constant 48 : index
        %swap3A_248 = tpu.vector_load %arg10[%swap3A_246, %swap3A_247] {strides = array<i32>} : memref<128x128xf32, #tpu.memory_space<vmem>>, vector<16xf32>,
        tpu.vector_store %arg10[%swap3A_246, %swap3A_247], %mul3A_245 {strides = array<i32>} : memref<128x128xf32, #tpu.memory_space<vmem>>, vector<16xf32>,
        %broadcast_in_dim3A_249 = arith.constant 128 : i32
        %broadcast_in_dim3A_250 = vector.broadcast %broadcast_in_dim3A_249 : i32 to vector<16xi32>
        %add3A_251 = vector.broadcast %add3A_215 : i32 to vector<16xi32>
        %add3A_252 = arith.addi %broadcast_in_dim3A_250, %add3A_251 : vector<16xi32>
        %gather3A_253 = tpu.vector_load_idx %arg11[%add3A_252] : memref<256xf32, #tpu.memory_space<vmem>>[vector<16xi32>], vector<16xf32>,
        %get3A_254 = arith.index_cast %add3A_215 : i32 to index
        %get3A_255 = arith.constant 64 : index
        %get3A_256 = tpu.vector_load %arg10[%get3A_254, %get3A_255] {strides = array<i32>} : memref<128x128xf32, #tpu.memory_space<vmem>>, vector<16xf32>,
        %mul3A_257 = arith.mulf %get3A_256, %gather3A_253 : vector<16xf32>
        %swap3A_258 = arith.index_cast %add3A_215 : i32 to index
        %swap3A_259 = arith.constant 64 : index
        %swap3A_260 = tpu.vector_load %arg10[%swap3A_258, %swap3A_259] {strides = array<i32>} : memref<128x128xf32, #tpu.memory_space<vmem>>, vector<16xf32>,
        tpu.vector_store %arg10[%swap3A_258, %swap3A_259], %mul3A_257 {strides = array<i32>} : memref<128x128xf32, #tpu.memory_space<vmem>>, vector<16xf32>,
        %get3A_261 = arith.index_cast %add3A_215 : i32 to index
        %get3A_262 = arith.constant 80 : index
        %get3A_263 = tpu.vector_load %arg10[%get3A_261, %get3A_262] {strides = array<i32>} : memref<128x128xf32, #tpu.memory_space<vmem>>, vector<16xf32>,
        %mul3A_264 = arith.mulf %get3A_263, %gather3A_253 : vector<16xf32>
        %swap3A_265 = arith.index_cast %add3A_215 : i32 to index
        %swap3A_266 = arith.constant 80 : index
        %swap3A_267 = tpu.vector_load %arg10[%swap3A_265, %swap3A_266] {strides = array<i32>} : memref<128x128xf32, #tpu.memory_space<vmem>>, vector<16xf32>,
        tpu.vector_store %arg10[%swap3A_265, %swap3A_266], %mul3A_264 {strides = array<i32>} : memref<128x128xf32, #tpu.memory_space<vmem>>, vector<16xf32>,
        %get3A_268 = arith.index_cast %add3A_215 : i32 to index
        %get3A_269 = arith.constant 96 : index
        %get3A_270 = tpu.vector_load %arg10[%get3A_268, %get3A_269] {strides = array<i32>} : memref<128x128xf32, #tpu.memory_space<vmem>>, vector<16xf32>,
        %mul3A_271 = arith.mulf %get3A_270, %gather3A_253 : vector<16xf32>
        %swap3A_272 = arith.index_cast %add3A_215 : i32 to index
        %swap3A_273 = arith.constant 96 : index
        %swap3A_274 = tpu.vector_load %arg10[%swap3A_272, %swap3A_273] {strides = array<i32>} : memref<128x128xf32, #tpu.memory_space<vmem>>, vector<16xf32>,
        tpu.vector_store %arg10[%swap3A_272, %swap3A_273], %mul3A_271 {strides = array<i32>} : memref<128x128xf32, #tpu.memory_space<vmem>>, vector<16xf32>,
        %get3A_275 = arith.index_cast %add3A_215 : i32 to index
        %get3A_276 = arith.constant 112 : index
        %get3A_277 = tpu.vector_load %arg10[%get3A_275, %get3A_276] {strides = array<i32>} : memref<128x128xf32, #tpu.memory_space<vmem>>, vector<16xf32>,
        %mul3A_278 = arith.mulf %get3A_277, %gather3A_253 : vector<16xf32>
        %swap3A_279 = arith.index_cast %add3A_215 : i32 to index
        %swap3A_280 = arith.constant 112 : index
        %swap3A_281 = tpu.vector_load %arg10[%swap3A_279, %swap3A_280] {strides = array<i32>} : memref<128x128xf32, #tpu.memory_space<vmem>>, vector<16xf32>,
        tpu.vector_store %arg10[%swap3A_279, %swap3A_280], %mul3A_278 {strides = array<i32>} : memref<128x128xf32, #tpu.memory_space<vmem>>, vector<16xf32>,
        %mul3A_282 = arith.constant 16 : i32
        %mul3A_283 = arith.muli %scan3A_75, %mul3A_282 : i32
        %add3A_284 = arith.constant 3 : i32
        %add3A_285 = arith.addi %mul3A_283, %add3A_284 : i32
        %broadcast_in_dim3A_286 = arith.constant 0 : i32
        %broadcast_in_dim3A_287 = vector.broadcast %broadcast_in_dim3A_286 : i32 to vector<16xi32>
        %add3A_288 = vector.broadcast %add3A_285 : i32 to vector<16xi32>
        %add3A_289 = arith.addi %broadcast_in_dim3A_287, %add3A_288 : vector<16xi32>
        %gather3A_290 = tpu.vector_load_idx %arg11[%add3A_289] : memref<256xf32, #tpu.memory_space<vmem>>[vector<16xi32>], vector<16xf32>,
        %get3A_291 = arith.index_cast %add3A_285 : i32 to index
        %get3A_292 = arith.constant 0 : index
        %get3A_293 = tpu.vector_load %arg10[%get3A_291, %get3A_292] {strides = array<i32>} : memref<128x128xf32, #tpu.memory_space<vmem>>, vector<16xf32>,
        %mul3A_294 = arith.mulf %get3A_293, %gather3A_290 : vector<16xf32>
        %swap3A_295 = arith.index_cast %add3A_285 : i32 to index
        %swap3A_296 = arith.constant 0 : index
        %swap3A_297 = tpu.vector_load %arg10[%swap3A_295, %swap3A_296] {strides = array<i32>} : memref<128x128xf32, #tpu.memory_space<vmem>>, vector<16xf32>,
        tpu.vector_store %arg10[%swap3A_295, %swap3A_296], %mul3A_294 {strides = array<i32>} : memref<128x128xf32, #tpu.memory_space<vmem>>, vector<16xf32>,
        %get3A_298 = arith.index_cast %add3A_285 : i32 to index
        %get3A_299 = arith.constant 16 : index
        %get3A_300 = tpu.vector_load %arg10[%get3A_298, %get3A_299] {strides = array<i32>} : memref<128x128xf32, #tpu.memory_space<vmem>>, vector<16xf32>,
        %mul3A_301 = arith.mulf %get3A_300, %gather3A_290 : vector<16xf32>
        %swap3A_302 = arith.index_cast %add3A_285 : i32 to index
        %swap3A_303 = arith.constant 16 : index
        %swap3A_304 = tpu.vector_load %arg10[%swap3A_302, %swap3A_303] {strides = array<i32>} : memref<128x128xf32, #tpu.memory_space<vmem>>, vector<16xf32>,
        tpu.vector_store %arg10[%swap3A_302, %swap3A_303], %mul3A_301 {strides = array<i32>} : memref<128x128xf32, #tpu.memory_space<vmem>>, vector<16xf32>,
        %get3A_305 = arith.index_cast %add3A_285 : i32 to index
        %get3A_306 = arith.constant 32 : index
        %get3A_307 = tpu.vector_load %arg10[%get3A_305, %get3A_306] {strides = array<i32>} : memref<128x128xf32, #tpu.memory_space<vmem>>, vector<16xf32>,
        %mul3A_308 = arith.mulf %get3A_307, %gather3A_290 : vector<16xf32>
        %swap3A_309 = arith.index_cast %add3A_285 : i32 to index
        %swap3A_310 = arith.constant 32 : index
        %swap3A_311 = tpu.vector_load %arg10[%swap3A_309, %swap3A_310] {strides = array<i32>} : memref<128x128xf32, #tpu.memory_space<vmem>>, vector<16xf32>,
        tpu.vector_store %arg10[%swap3A_309, %swap3A_310], %mul3A_308 {strides = array<i32>} : memref<128x128xf32, #tpu.memory_space<vmem>>, vector<16xf32>,
        %get3A_312 = arith.index_cast %add3A_285 : i32 to index
        %get3A_313 = arith.constant 48 : index
        %get3A_314 = tpu.vector_load %arg10[%get3A_312, %get3A_313] {strides = array<i32>} : memref<128x128xf32, #tpu.memory_space<vmem>>, vector<16xf32>,
        %mul3A_315 = arith.mulf %get3A_314, %gather3A_290 : vector<16xf32>
        %swap3A_316 = arith.index_cast %add3A_285 : i32 to index
        %swap3A_317 = arith.constant 48 : index
        %swap3A_318 = tpu.vector_load %arg10[%swap3A_316, %swap3A_317] {strides = array<i32>} : memref<128x128xf32, #tpu.memory_space<vmem>>, vector<16xf32>,
        tpu.vector_store %arg10[%swap3A_316, %swap3A_317], %mul3A_315 {strides = array<i32>} : memref<128x128xf32, #tpu.memory_space<vmem>>, vector<16xf32>,
        %broadcast_in_dim3A_319 = arith.constant 128 : i32
        %broadcast_in_dim3A_320 = vector.broadcast %broadcast_in_dim3A_319 : i32 to vector<16xi32>
        %add3A_321 = vector.broadcast %add3A_285 : i32 to vector<16xi32>
        %add3A_322 = arith.addi %broadcast_in_dim3A_320, %add3A_321 : vector<16xi32>
        %gather3A_323 = tpu.vector_load_idx %arg11[%add3A_322] : memref<256xf32, #tpu.memory_space<vmem>>[vector<16xi32>], vector<16xf32>,
        %get3A_324 = arith.index_cast %add3A_285 : i32 to index
        %get3A_325 = arith.constant 64 : index
        %get3A_326 = tpu.vector_load %arg10[%get3A_324, %get3A_325] {strides = array<i32>} : memref<128x128xf32, #tpu.memory_space<vmem>>, vector<16xf32>,
        %mul3A_327 = arith.mulf %get3A_326, %gather3A_323 : vector<16xf32>
        %swap3A_328 = arith.index_cast %add3A_285 : i32 to index
        %swap3A_329 = arith.constant 64 : index
        %swap3A_330 = tpu.vector_load %arg10[%swap3A_328, %swap3A_329] {strides = array<i32>} : memref<128x128xf32, #tpu.memory_space<vmem>>, vector<16xf32>,
        tpu.vector_store %arg10[%swap3A_328, %swap3A_329], %mul3A_327 {strides = array<i32>} : memref<128x128xf32, #tpu.memory_space<vmem>>, vector<16xf32>,
        %get3A_331 = arith.index_cast %add3A_285 : i32 to index
        %get3A_332 = arith.constant 80 : index
        %get3A_333 = tpu.vector_load %arg10[%get3A_331, %get3A_332] {strides = array<i32>} : memref<128x128xf32, #tpu.memory_space<vmem>>, vector<16xf32>,
        %mul3A_334 = arith.mulf %get3A_333, %gather3A_323 : vector<16xf32>
        %swap3A_335 = arith.index_cast %add3A_285 : i32 to index
        %swap3A_336 = arith.constant 80 : index
        %swap3A_337 = tpu.vector_load %arg10[%swap3A_335, %swap3A_336] {strides = array<i32>} : memref<128x128xf32, #tpu.memory_space<vmem>>, vector<16xf32>,
        tpu.vector_store %arg10[%swap3A_335, %swap3A_336], %mul3A_334 {strides = array<i32>} : memref<128x128xf32, #tpu.memory_space<vmem>>, vector<16xf32>,
        %get3A_338 = arith.index_cast %add3A_285 : i32 to index
        %get3A_339 = arith.constant 96 : index
        %get3A_340 = tpu.vector_load %arg10[%get3A_338, %get3A_339] {strides = array<i32>} : memref<128x128xf32, #tpu.memory_space<vmem>>, vector<16xf32>,
        %mul3A_341 = arith.mulf %get3A_340, %gather3A_323 : vector<16xf32>
        %swap3A_342 = arith.index_cast %add3A_285 : i32 to index
        %swap3A_343 = arith.constant 96 : index
        %swap3A_344 = tpu.vector_load %arg10[%swap3A_342, %swap3A_343] {strides = array<i32>} : memref<128x128xf32, #tpu.memory_space<vmem>>, vector<16xf32>,
        tpu.vector_store %arg10[%swap3A_342, %swap3A_343], %mul3A_341 {strides = array<i32>} : memref<128x128xf32, #tpu.memory_space<vmem>>, vector<16xf32>,
        %get3A_345 = arith.index_cast %add3A_285 : i32 to index
        %get3A_346 = arith.constant 112 : index
        %get3A_347 = tpu.vector_load %arg10[%get3A_345, %get3A_346] {strides = array<i32>} : memref<128x128xf32, #tpu.memory_space<vmem>>, vector<16xf32>,
        %mul3A_348 = arith.mulf %get3A_347, %gather3A_323 : vector<16xf32>
        %swap3A_349 = arith.index_cast %add3A_285 : i32 to index
        %swap3A_350 = arith.constant 112 : index
        %swap3A_351 = tpu.vector_load %arg10[%swap3A_349, %swap3A_350] {strides = array<i32>} : memref<128x128xf32, #tpu.memory_space<vmem>>, vector<16xf32>,
        tpu.vector_store %arg10[%swap3A_349, %swap3A_350], %mul3A_348 {strides = array<i32>} : memref<128x128xf32, #tpu.memory_space<vmem>>, vector<16xf32>,
        %mul3A_352 = arith.constant 16 : i32
        %mul3A_353 = arith.muli %scan3A_75, %mul3A_352 : i32
        %add3A_354 = arith.constant 4 : i32
        %add3A_355 = arith.addi %mul3A_353, %add3A_354 : i32
        %broadcast_in_dim3A_356 = arith.constant 0 : i32
        %broadcast_in_dim3A_357 = vector.broadcast %broadcast_in_dim3A_356 : i32 to vector<16xi32>
        %add3A_358 = vector.broadcast %add3A_355 : i32 to vector<16xi32>
        %add3A_359 = arith.addi %broadcast_in_dim3A_357, %add3A_358 : vector<16xi32>
        %gather3A_360 = tpu.vector_load_idx %arg11[%add3A_359] : memref<256xf32, #tpu.memory_space<vmem>>[vector<16xi32>], vector<16xf32>,
        %get3A_361 = arith.index_cast %add3A_355 : i32 to index
        %get3A_362 = arith.constant 0 : index
        %get3A_363 = tpu.vector_load %arg10[%get3A_361, %get3A_362] {strides = array<i32>} : memref<128x128xf32, #tpu.memory_space<vmem>>, vector<16xf32>,
        %mul3A_364 = arith.mulf %get3A_363, %gather3A_360 : vector<16xf32>
        %swap3A_365 = arith.index_cast %add3A_355 : i32 to index
        %swap3A_366 = arith.constant 0 : index
        %swap3A_367 = tpu.vector_load %arg10[%swap3A_365, %swap3A_366] {strides = array<i32>} : memref<128x128xf32, #tpu.memory_space<vmem>>, vector<16xf32>,
        tpu.vector_store %arg10[%swap3A_365, %swap3A_366], %mul3A_364 {strides = array<i32>} : memref<128x128xf32, #tpu.memory_space<vmem>>, vector<16xf32>,
        %get3A_368 = arith.index_cast %add3A_355 : i32 to index
        %get3A_369 = arith.constant 16 : index
        %get3A_370 = tpu.vector_load %arg10[%get3A_368, %get3A_369] {strides = array<i32>} : memref<128x128xf32, #tpu.memory_space<vmem>>, vector<16xf32>,
        %mul3A_371 = arith.mulf %get3A_370, %gather3A_360 : vector<16xf32>
        %swap3A_372 = arith.index_cast %add3A_355 : i32 to index
        %swap3A_373 = arith.constant 16 : index
        %swap3A_374 = tpu.vector_load %arg10[%swap3A_372, %swap3A_373] {strides = array<i32>} : memref<128x128xf32, #tpu.memory_space<vmem>>, vector<16xf32>,
        tpu.vector_store %arg10[%swap3A_372, %swap3A_373], %mul3A_371 {strides = array<i32>} : memref<128x128xf32, #tpu.memory_space<vmem>>, vector<16xf32>,
        %get3A_375 = arith.index_cast %add3A_355 : i32 to index
        %get3A_376 = arith.constant 32 : index
        %get3A_377 = tpu.vector_load %arg10[%get3A_375, %get3A_376] {strides = array<i32>} : memref<128x128xf32, #tpu.memory_space<vmem>>, vector<16xf32>,
        %mul3A_378 = arith.mulf %get3A_377, %gather3A_360 : vector<16xf32>
        %swap3A_379 = arith.index_cast %add3A_355 : i32 to index
        %swap3A_380 = arith.constant 32 : index
        %swap3A_381 = tpu.vector_load %arg10[%swap3A_379, %swap3A_380] {strides = array<i32>} : memref<128x128xf32, #tpu.memory_space<vmem>>, vector<16xf32>,
        tpu.vector_store %arg10[%swap3A_379, %swap3A_380], %mul3A_378 {strides = array<i32>} : memref<128x128xf32, #tpu.memory_space<vmem>>, vector<16xf32>,
        %get3A_382 = arith.index_cast %add3A_355 : i32 to index
        %get3A_383 = arith.constant 48 : index
        %get3A_384 = tpu.vector_load %arg10[%get3A_382, %get3A_383] {strides = array<i32>} : memref<128x128xf32, #tpu.memory_space<vmem>>, vector<16xf32>,
        %mul3A_385 = arith.mulf %get3A_384, %gather3A_360 : vector<16xf32>
        %swap3A_386 = arith.index_cast %add3A_355 : i32 to index
        %swap3A_387 = arith.constant 48 : index
        %swap3A_388 = tpu.vector_load %arg10[%swap3A_386, %swap3A_387] {strides = array<i32>} : memref<128x128xf32, #tpu.memory_space<vmem>>, vector<16xf32>,
        tpu.vector_store %arg10[%swap3A_386, %swap3A_387], %mul3A_385 {strides = array<i32>} : memref<128x128xf32, #tpu.memory_space<vmem>>, vector<16xf32>,
        %broadcast_in_dim3A_389 = arith.constant 128 : i32
        %broadcast_in_dim3A_390 = vector.broadcast %broadcast_in_dim3A_389 : i32 to vector<16xi32>
        %add3A_391 = vector.broadcast %add3A_355 : i32 to vector<16xi32>
        %add3A_392 = arith.addi %broadcast_in_dim3A_390, %add3A_391 : vector<16xi32>
        %gather3A_393 = tpu.vector_load_idx %arg11[%add3A_392] : memref<256xf32, #tpu.memory_space<vmem>>[vector<16xi32>], vector<16xf32>,
        %get3A_394 = arith.index_cast %add3A_355 : i32 to index
        %get3A_395 = arith.constant 64 : index
        %get3A_396 = tpu.vector_load %arg10[%get3A_394, %get3A_395] {strides = array<i32>} : memref<128x128xf32, #tpu.memory_space<vmem>>, vector<16xf32>,
        %mul3A_397 = arith.mulf %get3A_396, %gather3A_393 : vector<16xf32>
        %swap3A_398 = arith.index_cast %add3A_355 : i32 to index
        %swap3A_399 = arith.constant 64 : index
        %swap3A_400 = tpu.vector_load %arg10[%swap3A_398, %swap3A_399] {strides = array<i32>} : memref<128x128xf32, #tpu.memory_space<vmem>>, vector<16xf32>,
        tpu.vector_store %arg10[%swap3A_398, %swap3A_399], %mul3A_397 {strides = array<i32>} : memref<128x128xf32, #tpu.memory_space<vmem>>, vector<16xf32>,
        %get3A_401 = arith.index_cast %add3A_355 : i32 to index
        %get3A_402 = arith.constant 80 : index
        %get3A_403 = tpu.vector_load %arg10[%get3A_401, %get3A_402] {strides = array<i32>} : memref<128x128xf32, #tpu.memory_space<vmem>>, vector<16xf32>,
        %mul3A_404 = arith.mulf %get3A_403, %gather3A_393 : vector<16xf32>
        %swap3A_405 = arith.index_cast %add3A_355 : i32 to index
        %swap3A_406 = arith.constant 80 : index
        %swap3A_407 = tpu.vector_load %arg10[%swap3A_405, %swap3A_406] {strides = array<i32>} : memref<128x128xf32, #tpu.memory_space<vmem>>, vector<16xf32>,
        tpu.vector_store %arg10[%swap3A_405, %swap3A_406], %mul3A_404 {strides = array<i32>} : memref<128x128xf32, #tpu.memory_space<vmem>>, vector<16xf32>,
        %get3A_408 = arith.index_cast %add3A_355 : i32 to index
        %get3A_409 = arith.constant 96 : index
        %get3A_410 = tpu.vector_load %arg10[%get3A_408, %get3A_409] {strides = array<i32>} : memref<128x128xf32, #tpu.memory_space<vmem>>, vector<16xf32>,
        %mul3A_411 = arith.mulf %get3A_410, %gather3A_393 : vector<16xf32>
        %swap3A_412 = arith.index_cast %add3A_355 : i32 to index
        %swap3A_413 = arith.constant 96 : index
        %swap3A_414 = tpu.vector_load %arg10[%swap3A_412, %swap3A_413] {strides = array<i32>} : memref<128x128xf32, #tpu.memory_space<vmem>>, vector<16xf32>,
        tpu.vector_store %arg10[%swap3A_412, %swap3A_413], %mul3A_411 {strides = array<i32>} : memref<128x128xf32, #tpu.memory_space<vmem>>, vector<16xf32>,
        %get3A_415 = arith.index_cast %add3A_355 : i32 to index
        %get3A_416 = arith.constant 112 : index
        %get3A_417 = tpu.vector_load %arg10[%get3A_415, %get3A_416] {strides = array<i32>} : memref<128x128xf32, #tpu.memory_space<vmem>>, vector<16xf32>,
        %mul3A_418 = arith.mulf %get3A_417, %gather3A_393 : vector<16xf32>
        %swap3A_419 = arith.index_cast %add3A_355 : i32 to index
        %swap3A_420 = arith.constant 112 : index
        %swap3A_421 = tpu.vector_load %arg10[%swap3A_419, %swap3A_420] {strides = array<i32>} : memref<128x128xf32, #tpu.memory_space<vmem>>, vector<16xf32>,
        tpu.vector_store %arg10[%swap3A_419, %swap3A_420], %mul3A_418 {strides = array<i32>} : memref<128x128xf32, #tpu.memory_space<vmem>>, vector<16xf32>,
        %mul3A_422 = arith.constant 16 : i32
        %mul3A_423 = arith.muli %scan3A_75, %mul3A_422 : i32
        %add3A_424 = arith.constant 5 : i32
        %add3A_425 = arith.addi %mul3A_423, %add3A_424 : i32
        %broadcast_in_dim3A_426 = arith.constant 0 : i32
        %broadcast_in_dim3A_427 = vector.broadcast %broadcast_in_dim3A_426 : i32 to vector<16xi32>
        %add3A_428 = vector.broadcast %add3A_425 : i32 to vector<16xi32>
        %add3A_429 = arith.addi %broadcast_in_dim3A_427, %add3A_428 : vector<16xi32>
        %gather3A_430 = tpu.vector_load_idx %arg11[%add3A_429] : memref<256xf32, #tpu.memory_space<vmem>>[vector<16xi32>], vector<16xf32>,
        %get3A_431 = arith.index_cast %add3A_425 : i32 to index
        %get3A_432 = arith.constant 0 : index
        %get3A_433 = tpu.vector_load %arg10[%get3A_431, %get3A_432] {strides = array<i32>} : memref<128x128xf32, #tpu.memory_space<vmem>>, vector<16xf32>,
        %mul3A_434 = arith.mulf %get3A_433, %gather3A_430 : vector<16xf32>
        %swap3A_435 = arith.index_cast %add3A_425 : i32 to index
        %swap3A_436 = arith.constant 0 : index
        %swap3A_437 = tpu.vector_load %arg10[%swap3A_435, %swap3A_436] {strides = array<i32>} : memref<128x128xf32, #tpu.memory_space<vmem>>, vector<16xf32>,
        tpu.vector_store %arg10[%swap3A_435, %swap3A_436], %mul3A_434 {strides = array<i32>} : memref<128x128xf32, #tpu.memory_space<vmem>>, vector<16xf32>,
        %get3A_438 = arith.index_cast %add3A_425 : i32 to index
        %get3A_439 = arith.constant 16 : index
        %get3A_440 = tpu.vector_load %arg10[%get3A_438, %get3A_439] {strides = array<i32>} : memref<128x128xf32, #tpu.memory_space<vmem>>, vector<16xf32>,
        %mul3A_441 = arith.mulf %get3A_440, %gather3A_430 : vector<16xf32>
        %swap3A_442 = arith.index_cast %add3A_425 : i32 to index
        %swap3A_443 = arith.constant 16 : index
        %swap3A_444 = tpu.vector_load %arg10[%swap3A_442, %swap3A_443] {strides = array<i32>} : memref<128x128xf32, #tpu.memory_space<vmem>>, vector<16xf32>,
        tpu.vector_store %arg10[%swap3A_442, %swap3A_443], %mul3A_441 {strides = array<i32>} : memref<128x128xf32, #tpu.memory_space<vmem>>, vector<16xf32>,
        %get3A_445 = arith.index_cast %add3A_425 : i32 to index
        %get3A_446 = arith.constant 32 : index
        %get3A_447 = tpu.vector_load %arg10[%get3A_445, %get3A_446] {strides = array<i32>} : memref<128x128xf32, #tpu.memory_space<vmem>>, vector<16xf32>,
        %mul3A_448 = arith.mulf %get3A_447, %gather3A_430 : vector<16xf32>
        %swap3A_449 = arith.index_cast %add3A_425 : i32 to index
        %swap3A_450 = arith.constant 32 : index
        %swap3A_451 = tpu.vector_load %arg10[%swap3A_449, %swap3A_450] {strides = array<i32>} : memref<128x128xf32, #tpu.memory_space<vmem>>, vector<16xf32>,
        tpu.vector_store %arg10[%swap3A_449, %swap3A_450], %mul3A_448 {strides = array<i32>} : memref<128x128xf32, #tpu.memory_space<vmem>>, vector<16xf32>,
        %get3A_452 = arith.index_cast %add3A_425 : i32 to index
        %get3A_453 = arith.constant 48 : index
        %get3A_454 = tpu.vector_load %arg10[%get3A_452, %get3A_453] {strides = array<i32>} : memref<128x128xf32, #tpu.memory_space<vmem>>, vector<16xf32>,
        %mul3A_455 = arith.mulf %get3A_454, %gather3A_430 : vector<16xf32>
        %swap3A_456 = arith.index_cast %add3A_425 : i32 to index
        %swap3A_457 = arith.constant 48 : index
        %swap3A_458 = tpu.vector_load %arg10[%swap3A_456, %swap3A_457] {strides = array<i32>} : memref<128x128xf32, #tpu.memory_space<vmem>>, vector<16xf32>,
        tpu.vector_store %arg10[%swap3A_456, %swap3A_457], %mul3A_455 {strides = array<i32>} : memref<128x128xf32, #tpu.memory_space<vmem>>, vector<16xf32>,
        %broadcast_in_dim3A_459 = arith.constant 128 : i32
        %broadcast_in_dim3A_460 = vector.broadcast %broadcast_in_dim3A_459 : i32 to vector<16xi32>
        %add3A_461 = vector.broadcast %add3A_425 : i32 to vector<16xi32>
        %add3A_462 = arith.addi %broadcast_in_dim3A_460, %add3A_461 : vector<16xi32>
        %gather3A_463 = tpu.vector_load_idx %arg11[%add3A_462] : memref<256xf32, #tpu.memory_space<vmem>>[vector<16xi32>], vector<16xf32>,
        %get3A_464 = arith.index_cast %add3A_425 : i32 to index
        %get3A_465 = arith.constant 64 : index
        %get3A_466 = tpu.vector_load %arg10[%get3A_464, %get3A_465] {strides = array<i32>} : memref<128x128xf32, #tpu.memory_space<vmem>>, vector<16xf32>,
        %mul3A_467 = arith.mulf %get3A_466, %gather3A_463 : vector<16xf32>
        %swap3A_468 = arith.index_cast %add3A_425 : i32 to index
        %swap3A_469 = arith.constant 64 : index
        %swap3A_470 = tpu.vector_load %arg10[%swap3A_468, %swap3A_469] {strides = array<i32>} : memref<128x128xf32, #tpu.memory_space<vmem>>, vector<16xf32>,
        tpu.vector_store %arg10[%swap3A_468, %swap3A_469], %mul3A_467 {strides = array<i32>} : memref<128x128xf32, #tpu.memory_space<vmem>>, vector<16xf32>,
        %get3A_471 = arith.index_cast %add3A_425 : i32 to index
        %get3A_472 = arith.constant 80 : index
        %get3A_473 = tpu.vector_load %arg10[%get3A_471, %get3A_472] {strides = array<i32>} : memref<128x128xf32, #tpu.memory_space<vmem>>, vector<16xf32>,
        %mul3A_474 = arith.mulf %get3A_473, %gather3A_463 : vector<16xf32>
        %swap3A_475 = arith.index_cast %add3A_425 : i32 to index
        %swap3A_476 = arith.constant 80 : index
        %swap3A_477 = tpu.vector_load %arg10[%swap3A_475, %swap3A_476] {strides = array<i32>} : memref<128x128xf32, #tpu.memory_space<vmem>>, vector<16xf32>,
        tpu.vector_store %arg10[%swap3A_475, %swap3A_476], %mul3A_474 {strides = array<i32>} : memref<128x128xf32, #tpu.memory_space<vmem>>, vector<16xf32>,
        %get3A_478 = arith.index_cast %add3A_425 : i32 to index
        %get3A_479 = arith.constant 96 : index
        %get3A_480 = tpu.vector_load %arg10[%get3A_478, %get3A_479] {strides = array<i32>} : memref<128x128xf32, #tpu.memory_space<vmem>>, vector<16xf32>,
        %mul3A_481 = arith.mulf %get3A_480, %gather3A_463 : vector<16xf32>
        %swap3A_482 = arith.index_cast %add3A_425 : i32 to index
        %swap3A_483 = arith.constant 96 : index
        %swap3A_484 = tpu.vector_load %arg10[%swap3A_482, %swap3A_483] {strides = array<i32>} : memref<128x128xf32, #tpu.memory_space<vmem>>, vector<16xf32>,
        tpu.vector_store %arg10[%swap3A_482, %swap3A_483], %mul3A_481 {strides = array<i32>} : memref<128x128xf32, #tpu.memory_space<vmem>>, vector<16xf32>,
        %get3A_485 = arith.index_cast %add3A_425 : i32 to index
        %get3A_486 = arith.constant 112 : index
        %get3A_487 = tpu.vector_load %arg10[%get3A_485, %get3A_486] {strides = array<i32>} : memref<128x128xf32, #tpu.memory_space<vmem>>, vector<16xf32>,
        %mul3A_488 = arith.mulf %get3A_487, %gather3A_463 : vector<16xf32>
        %swap3A_489 = arith.index_cast %add3A_425 : i32 to index
        %swap3A_490 = arith.constant 112 : index
        %swap3A_491 = tpu.vector_load %arg10[%swap3A_489, %swap3A_490] {strides = array<i32>} : memref<128x128xf32, #tpu.memory_space<vmem>>, vector<16xf32>,
        tpu.vector_store %arg10[%swap3A_489, %swap3A_490], %mul3A_488 {strides = array<i32>} : memref<128x128xf32, #tpu.memory_space<vmem>>, vector<16xf32>,
        %mul3A_492 = arith.constant 16 : i32
        %mul3A_493 = arith.muli %scan3A_75, %mul3A_492 : i32
        %add3A_494 = arith.constant 6 : i32
        %add3A_495 = arith.addi %mul3A_493, %add3A_494 : i32
        %broadcast_in_dim3A_496 = arith.constant 0 : i32
        %broadcast_in_dim3A_497 = vector.broadcast %broadcast_in_dim3A_496 : i32 to vector<16xi32>
        %add3A_498 = vector.broadcast %add3A_495 : i32 to vector<16xi32>
        %add3A_499 = arith.addi %broadcast_in_dim3A_497, %add3A_498 : vector<16xi32>
        %gather3A_500 = tpu.vector_load_idx %arg11[%add3A_499] : memref<256xf32, #tpu.memory_space<vmem>>[vector<16xi32>], vector<16xf32>,
        %get3A_501 = arith.index_cast %add3A_495 : i32 to index
        %get3A_502 = arith.constant 0 : index
        %get3A_503 = tpu.vector_load %arg10[%get3A_501, %get3A_502] {strides = array<i32>} : memref<128x128xf32, #tpu.memory_space<vmem>>, vector<16xf32>,
        %mul3A_504 = arith.mulf %get3A_503, %gather3A_500 : vector<16xf32>
        %swap3A_505 = arith.index_cast %add3A_495 : i32 to index
        %swap3A_506 = arith.constant 0 : index
        %swap3A_507 = tpu.vector_load %arg10[%swap3A_505, %swap3A_506] {strides = array<i32>} : memref<128x128xf32, #tpu.memory_space<vmem>>, vector<16xf32>,
        tpu.vector_store %arg10[%swap3A_505, %swap3A_506], %mul3A_504 {strides = array<i32>} : memref<128x128xf32, #tpu.memory_space<vmem>>, vector<16xf32>,
        %get3A_508 = arith.index_cast %add3A_495 : i32 to index
        %get3A_509 = arith.constant 16 : index
        %get3A_510 = tpu.vector_load %arg10[%get3A_508, %get3A_509] {strides = array<i32>} : memref<128x128xf32, #tpu.memory_space<vmem>>, vector<16xf32>,
        %mul3A_511 = arith.mulf %get3A_510, %gather3A_500 : vector<16xf32>
        %swap3A_512 = arith.index_cast %add3A_495 : i32 to index
        %swap3A_513 = arith.constant 16 : index
        %swap3A_514 = tpu.vector_load %arg10[%swap3A_512, %swap3A_513] {strides = array<i32>} : memref<128x128xf32, #tpu.memory_space<vmem>>, vector<16xf32>,
        tpu.vector_store %arg10[%swap3A_512, %swap3A_513], %mul3A_511 {strides = array<i32>} : memref<128x128xf32, #tpu.memory_space<vmem>>, vector<16xf32>,
        %get3A_515 = arith.index_cast %add3A_495 : i32 to index
        %get3A_516 = arith.constant 32 : index
        %get3A_517 = tpu.vector_load %arg10[%get3A_515, %get3A_516] {strides = array<i32>} : memref<128x128xf32, #tpu.memory_space<vmem>>, vector<16xf32>,
        %mul3A_518 = arith.mulf %get3A_517, %gather3A_500 : vector<16xf32>
        %swap3A_519 = arith.index_cast %add3A_495 : i32 to index
        %swap3A_520 = arith.constant 32 : index
        %swap3A_521 = tpu.vector_load %arg10[%swap3A_519, %swap3A_520] {strides = array<i32>} : memref<128x128xf32, #tpu.memory_space<vmem>>, vector<16xf32>,
        tpu.vector_store %arg10[%swap3A_519, %swap3A_520], %mul3A_518 {strides = array<i32>} : memref<128x128xf32, #tpu.memory_space<vmem>>, vector<16xf32>,
        %get3A_522 = arith.index_cast %add3A_495 : i32 to index
        %get3A_523 = arith.constant 48 : index
        %get3A_524 = tpu.vector_load %arg10[%get3A_522, %get3A_523] {strides = array<i32>} : memref<128x128xf32, #tpu.memory_space<vmem>>, vector<16xf32>,
        %mul3A_525 = arith.mulf %get3A_524, %gather3A_500 : vector<16xf32>
        %swap3A_526 = arith.index_cast %add3A_495 : i32 to index
        %swap3A_527 = arith.constant 48 : index
        %swap3A_528 = tpu.vector_load %arg10[%swap3A_526, %swap3A_527] {strides = array<i32>} : memref<128x128xf32, #tpu.memory_space<vmem>>, vector<16xf32>,
        tpu.vector_store %arg10[%swap3A_526, %swap3A_527], %mul3A_525 {strides = array<i32>} : memref<128x128xf32, #tpu.memory_space<vmem>>, vector<16xf32>,
        %broadcast_in_dim3A_529 = arith.constant 128 : i32
        %broadcast_in_dim3A_530 = vector.broadcast %broadcast_in_dim3A_529 : i32 to vector<16xi32>
        %add3A_531 = vector.broadcast %add3A_495 : i32 to vector<16xi32>
        %add3A_532 = arith.addi %broadcast_in_dim3A_530, %add3A_531 : vector<16xi32>
        %gather3A_533 = tpu.vector_load_idx %arg11[%add3A_532] : memref<256xf32, #tpu.memory_space<vmem>>[vector<16xi32>], vector<16xf32>,
        %get3A_534 = arith.index_cast %add3A_495 : i32 to index
        %get3A_535 = arith.constant 64 : index
        %get3A_536 = tpu.vector_load %arg10[%get3A_534, %get3A_535] {strides = array<i32>} : memref<128x128xf32, #tpu.memory_space<vmem>>, vector<16xf32>,
        %mul3A_537 = arith.mulf %get3A_536, %gather3A_533 : vector<16xf32>
        %swap3A_538 = arith.index_cast %add3A_495 : i32 to index
        %swap3A_539 = arith.constant 64 : index
        %swap3A_540 = tpu.vector_load %arg10[%swap3A_538, %swap3A_539] {strides = array<i32>} : memref<128x128xf32, #tpu.memory_space<vmem>>, vector<16xf32>,
        tpu.vector_store %arg10[%swap3A_538, %swap3A_539], %mul3A_537 {strides = array<i32>} : memref<128x128xf32, #tpu.memory_space<vmem>>, vector<16xf32>,
        %get3A_541 = arith.index_cast %add3A_495 : i32 to index
        %get3A_542 = arith.constant 80 : index
        %get3A_543 = tpu.vector_load %arg10[%get3A_541, %get3A_542] {strides = array<i32>} : memref<128x128xf32, #tpu.memory_space<vmem>>, vector<16xf32>,
        %mul3A_544 = arith.mulf %get3A_543, %gather3A_533 : vector<16xf32>
        %swap3A_545 = arith.index_cast %add3A_495 : i32 to index
        %swap3A_546 = arith.constant 80 : index
        %swap3A_547 = tpu.vector_load %arg10[%swap3A_545, %swap3A_546] {strides = array<i32>} : memref<128x128xf32, #tpu.memory_space<vmem>>, vector<16xf32>,
        tpu.vector_store %arg10[%swap3A_545, %swap3A_546], %mul3A_544 {strides = array<i32>} : memref<128x128xf32, #tpu.memory_space<vmem>>, vector<16xf32>,
        %get3A_548 = arith.index_cast %add3A_495 : i32 to index
        %get3A_549 = arith.constant 96 : index
        %get3A_550 = tpu.vector_load %arg10[%get3A_548, %get3A_549] {strides = array<i32>} : memref<128x128xf32, #tpu.memory_space<vmem>>, vector<16xf32>,
        %mul3A_551 = arith.mulf %get3A_550, %gather3A_533 : vector<16xf32>
        %swap3A_552 = arith.index_cast %add3A_495 : i32 to index
        %swap3A_553 = arith.constant 96 : index
        %swap3A_554 = tpu.vector_load %arg10[%swap3A_552, %swap3A_553] {strides = array<i32>} : memref<128x128xf32, #tpu.memory_space<vmem>>, vector<16xf32>,
        tpu.vector_store %arg10[%swap3A_552, %swap3A_553], %mul3A_551 {strides = array<i32>} : memref<128x128xf32, #tpu.memory_space<vmem>>, vector<16xf32>,
        %get3A_555 = arith.index_cast %add3A_495 : i32 to index
        %get3A_556 = arith.constant 112 : index
        %get3A_557 = tpu.vector_load %arg10[%get3A_555, %get3A_556] {strides = array<i32>} : memref<128x128xf32, #tpu.memory_space<vmem>>, vector<16xf32>,
        %mul3A_558 = arith.mulf %get3A_557, %gather3A_533 : vector<16xf32>
        %swap3A_559 = arith.index_cast %add3A_495 : i32 to index
        %swap3A_560 = arith.constant 112 : index
        %swap3A_561 = tpu.vector_load %arg10[%swap3A_559, %swap3A_560] {strides = array<i32>} : memref<128x128xf32, #tpu.memory_space<vmem>>, vector<16xf32>,
        tpu.vector_store %arg10[%swap3A_559, %swap3A_560], %mul3A_558 {strides = array<i32>} : memref<128x128xf32, #tpu.memory_space<vmem>>, vector<16xf32>,
        %mul3A_562 = arith.constant 16 : i32
        %mul3A_563 = arith.muli %scan3A_75, %mul3A_562 : i32
        %add3A_564 = arith.constant 7 : i32
        %add3A_565 = arith.addi %mul3A_563, %add3A_564 : i32
        %broadcast_in_dim3A_566 = arith.constant 0 : i32
        %broadcast_in_dim3A_567 = vector.broadcast %broadcast_in_dim3A_566 : i32 to vector<16xi32>
        %add3A_568 = vector.broadcast %add3A_565 : i32 to vector<16xi32>
        %add3A_569 = arith.addi %broadcast_in_dim3A_567, %add3A_568 : vector<16xi32>
        %gather3A_570 = tpu.vector_load_idx %arg11[%add3A_569] : memref<256xf32, #tpu.memory_space<vmem>>[vector<16xi32>], vector<16xf32>,
        %get3A_571 = arith.index_cast %add3A_565 : i32 to index
        %get3A_572 = arith.constant 0 : index
        %get3A_573 = tpu.vector_load %arg10[%get3A_571, %get3A_572] {strides = array<i32>} : memref<128x128xf32, #tpu.memory_space<vmem>>, vector<16xf32>,
        %mul3A_574 = arith.mulf %get3A_573, %gather3A_570 : vector<16xf32>
        %swap3A_575 = arith.index_cast %add3A_565 : i32 to index
        %swap3A_576 = arith.constant 0 : index
        %swap3A_577 = tpu.vector_load %arg10[%swap3A_575, %swap3A_576] {strides = array<i32>} : memref<128x128xf32, #tpu.memory_space<vmem>>, vector<16xf32>,
        tpu.vector_store %arg10[%swap3A_575, %swap3A_576], %mul3A_574 {strides = array<i32>} : memref<128x128xf32, #tpu.memory_space<vmem>>, vector<16xf32>,
        %get3A_578 = arith.index_cast %add3A_565 : i32 to index
        %get3A_579 = arith.constant 16 : index
        %get3A_580 = tpu.vector_load %arg10[%get3A_578, %get3A_579] {strides = array<i32>} : memref<128x128xf32, #tpu.memory_space<vmem>>, vector<16xf32>,
        %mul3A_581 = arith.mulf %get3A_580, %gather3A_570 : vector<16xf32>
        %swap3A_582 = arith.index_cast %add3A_565 : i32 to index
        %swap3A_583 = arith.constant 16 : index
        %swap3A_584 = tpu.vector_load %arg10[%swap3A_582, %swap3A_583] {strides = array<i32>} : memref<128x128xf32, #tpu.memory_space<vmem>>, vector<16xf32>,
        tpu.vector_store %arg10[%swap3A_582, %swap3A_583], %mul3A_581 {strides = array<i32>} : memref<128x128xf32, #tpu.memory_space<vmem>>, vector<16xf32>,
        %get3A_585 = arith.index_cast %add3A_565 : i32 to index
        %get3A_586 = arith.constant 32 : index
        %get3A_587 = tpu.vector_load %arg10[%get3A_585, %get3A_586] {strides = array<i32>} : memref<128x128xf32, #tpu.memory_space<vmem>>, vector<16xf32>,
        %mul3A_588 = arith.mulf %get3A_587, %gather3A_570 : vector<16xf32>
        %swap3A_589 = arith.index_cast %add3A_565 : i32 to index
        %swap3A_590 = arith.constant 32 : index
        %swap3A_591 = tpu.vector_load %arg10[%swap3A_589, %swap3A_590] {strides = array<i32>} : memref<128x128xf32, #tpu.memory_space<vmem>>, vector<16xf32>,
        tpu.vector_store %arg10[%swap3A_589, %swap3A_590], %mul3A_588 {strides = array<i32>} : memref<128x128xf32, #tpu.memory_space<vmem>>, vector<16xf32>,
        %get3A_592 = arith.index_cast %add3A_565 : i32 to index
        %get3A_593 = arith.constant 48 : index
        %get3A_594 = tpu.vector_load %arg10[%get3A_592, %get3A_593] {strides = array<i32>} : memref<128x128xf32, #tpu.memory_space<vmem>>, vector<16xf32>,
        %mul3A_595 = arith.mulf %get3A_594, %gather3A_570 : vector<16xf32>
        %swap3A_596 = arith.index_cast %add3A_565 : i32 to index
        %swap3A_597 = arith.constant 48 : index
        %swap3A_598 = tpu.vector_load %arg10[%swap3A_596, %swap3A_597] {strides = array<i32>} : memref<128x128xf32, #tpu.memory_space<vmem>>, vector<16xf32>,
        tpu.vector_store %arg10[%swap3A_596, %swap3A_597], %mul3A_595 {strides = array<i32>} : memref<128x128xf32, #tpu.memory_space<vmem>>, vector<16xf32>,
        %broadcast_in_dim3A_599 = arith.constant 128 : i32
        %broadcast_in_dim3A_600 = vector.broadcast %broadcast_in_dim3A_599 : i32 to vector<16xi32>
        %add3A_601 = vector.broadcast %add3A_565 : i32 to vector<16xi32>
        %add3A_602 = arith.addi %broadcast_in_dim3A_600, %add3A_601 : vector<16xi32>
        %gather3A_603 = tpu.vector_load_idx %arg11[%add3A_602] : memref<256xf32, #tpu.memory_space<vmem>>[vector<16xi32>], vector<16xf32>,
        %get3A_604 = arith.index_cast %add3A_565 : i32 to index
        %get3A_605 = arith.constant 64 : index
        %get3A_606 = tpu.vector_load %arg10[%get3A_604, %get3A_605] {strides = array<i32>} : memref<128x128xf32, #tpu.memory_space<vmem>>, vector<16xf32>,
        %mul3A_607 = arith.mulf %get3A_606, %gather3A_603 : vector<16xf32>
        %swap3A_608 = arith.index_cast %add3A_565 : i32 to index
        %swap3A_609 = arith.constant 64 : index
        %swap3A_610 = tpu.vector_load %arg10[%swap3A_608, %swap3A_609] {strides = array<i32>} : memref<128x128xf32, #tpu.memory_space<vmem>>, vector<16xf32>,
        tpu.vector_store %arg10[%swap3A_608, %swap3A_609], %mul3A_607 {strides = array<i32>} : memref<128x128xf32, #tpu.memory_space<vmem>>, vector<16xf32>,
        %get3A_611 = arith.index_cast %add3A_565 : i32 to index
        %get3A_612 = arith.constant 80 : index
        %get3A_613 = tpu.vector_load %arg10[%get3A_611, %get3A_612] {strides = array<i32>} : memref<128x128xf32, #tpu.memory_space<vmem>>, vector<16xf32>,
        %mul3A_614 = arith.mulf %get3A_613, %gather3A_603 : vector<16xf32>
        %swap3A_615 = arith.index_cast %add3A_565 : i32 to index
        %swap3A_616 = arith.constant 80 : index
        %swap3A_617 = tpu.vector_load %arg10[%swap3A_615, %swap3A_616] {strides = array<i32>} : memref<128x128xf32, #tpu.memory_space<vmem>>, vector<16xf32>,
        tpu.vector_store %arg10[%swap3A_615, %swap3A_616], %mul3A_614 {strides = array<i32>} : memref<128x128xf32, #tpu.memory_space<vmem>>, vector<16xf32>,
        %get3A_618 = arith.index_cast %add3A_565 : i32 to index
        %get3A_619 = arith.constant 96 : index
        %get3A_620 = tpu.vector_load %arg10[%get3A_618, %get3A_619] {strides = array<i32>} : memref<128x128xf32, #tpu.memory_space<vmem>>, vector<16xf32>,
        %mul3A_621 = arith.mulf %get3A_620, %gather3A_603 : vector<16xf32>
        %swap3A_622 = arith.index_cast %add3A_565 : i32 to index
        %swap3A_623 = arith.constant 96 : index
        %swap3A_624 = tpu.vector_load %arg10[%swap3A_622, %swap3A_623] {strides = array<i32>} : memref<128x128xf32, #tpu.memory_space<vmem>>, vector<16xf32>,
        tpu.vector_store %arg10[%swap3A_622, %swap3A_623], %mul3A_621 {strides = array<i32>} : memref<128x128xf32, #tpu.memory_space<vmem>>, vector<16xf32>,
        %get3A_625 = arith.index_cast %add3A_565 : i32 to index
        %get3A_626 = arith.constant 112 : index
        %get3A_627 = tpu.vector_load %arg10[%get3A_625, %get3A_626] {strides = array<i32>} : memref<128x128xf32, #tpu.memory_space<vmem>>, vector<16xf32>,
        %mul3A_628 = arith.mulf %get3A_627, %gather3A_603 : vector<16xf32>
        %swap3A_629 = arith.index_cast %add3A_565 : i32 to index
        %swap3A_630 = arith.constant 112 : index
        %swap3A_631 = tpu.vector_load %arg10[%swap3A_629, %swap3A_630] {strides = array<i32>} : memref<128x128xf32, #tpu.memory_space<vmem>>, vector<16xf32>,
        tpu.vector_store %arg10[%swap3A_629, %swap3A_630], %mul3A_628 {strides = array<i32>} : memref<128x128xf32, #tpu.memory_space<vmem>>, vector<16xf32>,
        %mul3A_632 = arith.constant 16 : i32
        %mul3A_633 = arith.muli %scan3A_75, %mul3A_632 : i32
        %add3A_634 = arith.constant 8 : i32
        %add3A_635 = arith.addi %mul3A_633, %add3A_634 : i32
        %broadcast_in_dim3A_636 = arith.constant 0 : i32
        %broadcast_in_dim3A_637 = vector.broadcast %broadcast_in_dim3A_636 : i32 to vector<16xi32>
        %add3A_638 = vector.broadcast %add3A_635 : i32 to vector<16xi32>
        %add3A_639 = arith.addi %broadcast_in_dim3A_637, %add3A_638 : vector<16xi32>
        %gather3A_640 = tpu.vector_load_idx %arg11[%add3A_639] : memref<256xf32, #tpu.memory_space<vmem>>[vector<16xi32>], vector<16xf32>,
        %get3A_641 = arith.index_cast %add3A_635 : i32 to index
        %get3A_642 = arith.constant 0 : index
        %get3A_643 = tpu.vector_load %arg10[%get3A_641, %get3A_642] {strides = array<i32>} : memref<128x128xf32, #tpu.memory_space<vmem>>, vector<16xf32>,
        %mul3A_644 = arith.mulf %get3A_643, %gather3A_640 : vector<16xf32>
        %swap3A_645 = arith.index_cast %add3A_635 : i32 to index
        %swap3A_646 = arith.constant 0 : index
        %swap3A_647 = tpu.vector_load %arg10[%swap3A_645, %swap3A_646] {strides = array<i32>} : memref<128x128xf32, #tpu.memory_space<vmem>>, vector<16xf32>,
        tpu.vector_store %arg10[%swap3A_645, %swap3A_646], %mul3A_644 {strides = array<i32>} : memref<128x128xf32, #tpu.memory_space<vmem>>, vector<16xf32>,
        %get3A_648 = arith.index_cast %add3A_635 : i32 to index
        %get3A_649 = arith.constant 16 : index
        %get3A_650 = tpu.vector_load %arg10[%get3A_648, %get3A_649] {strides = array<i32>} : memref<128x128xf32, #tpu.memory_space<vmem>>, vector<16xf32>,
        %mul3A_651 = arith.mulf %get3A_650, %gather3A_640 : vector<16xf32>
        %swap3A_652 = arith.index_cast %add3A_635 : i32 to index
        %swap3A_653 = arith.constant 16 : index
        %swap3A_654 = tpu.vector_load %arg10[%swap3A_652, %swap3A_653] {strides = array<i32>} : memref<128x128xf32, #tpu.memory_space<vmem>>, vector<16xf32>,
        tpu.vector_store %arg10[%swap3A_652, %swap3A_653], %mul3A_651 {strides = array<i32>} : memref<128x128xf32, #tpu.memory_space<vmem>>, vector<16xf32>,
        %get3A_655 = arith.index_cast %add3A_635 : i32 to index
        %get3A_656 = arith.constant 32 : index
        %get3A_657 = tpu.vector_load %arg10[%get3A_655, %get3A_656] {strides = array<i32>} : memref<128x128xf32, #tpu.memory_space<vmem>>, vector<16xf32>,
        %mul3A_658 = arith.mulf %get3A_657, %gather3A_640 : vector<16xf32>
        %swap3A_659 = arith.index_cast %add3A_635 : i32 to index
        %swap3A_660 = arith.constant 32 : index
        %swap3A_661 = tpu.vector_load %arg10[%swap3A_659, %swap3A_660] {strides = array<i32>} : memref<128x128xf32, #tpu.memory_space<vmem>>, vector<16xf32>,
        tpu.vector_store %arg10[%swap3A_659, %swap3A_660], %mul3A_658 {strides = array<i32>} : memref<128x128xf32, #tpu.memory_space<vmem>>, vector<16xf32>,
        %get3A_662 = arith.index_cast %add3A_635 : i32 to index
        %get3A_663 = arith.constant 48 : index
        %get3A_664 = tpu.vector_load %arg10[%get3A_662, %get3A_663] {strides = array<i32>} : memref<128x128xf32, #tpu.memory_space<vmem>>, vector<16xf32>,
        %mul3A_665 = arith.mulf %get3A_664, %gather3A_640 : vector<16xf32>
        %swap3A_666 = arith.index_cast %add3A_635 : i32 to index
        %swap3A_667 = arith.constant 48 : index
        %swap3A_668 = tpu.vector_load %arg10[%swap3A_666, %swap3A_667] {strides = array<i32>} : memref<128x128xf32, #tpu.memory_space<vmem>>, vector<16xf32>,
        tpu.vector_store %arg10[%swap3A_666, %swap3A_667], %mul3A_665 {strides = array<i32>} : memref<128x128xf32, #tpu.memory_space<vmem>>, vector<16xf32>,
        %broadcast_in_dim3A_669 = arith.constant 128 : i32
        %broadcast_in_dim3A_670 = vector.broadcast %broadcast_in_dim3A_669 : i32 to vector<16xi32>
        %add3A_671 = vector.broadcast %add3A_635 : i32 to vector<16xi32>
        %add3A_672 = arith.addi %broadcast_in_dim3A_670, %add3A_671 : vector<16xi32>
        %gather3A_673 = tpu.vector_load_idx %arg11[%add3A_672] : memref<256xf32, #tpu.memory_space<vmem>>[vector<16xi32>], vector<16xf32>,
        %get3A_674 = arith.index_cast %add3A_635 : i32 to index
        %get3A_675 = arith.constant 64 : index
        %get3A_676 = tpu.vector_load %arg10[%get3A_674, %get3A_675] {strides = array<i32>} : memref<128x128xf32, #tpu.memory_space<vmem>>, vector<16xf32>,
        %mul3A_677 = arith.mulf %get3A_676, %gather3A_673 : vector<16xf32>
        %swap3A_678 = arith.index_cast %add3A_635 : i32 to index
        %swap3A_679 = arith.constant 64 : index
        %swap3A_680 = tpu.vector_load %arg10[%swap3A_678, %swap3A_679] {strides = array<i32>} : memref<128x128xf32, #tpu.memory_space<vmem>>, vector<16xf32>,
        tpu.vector_store %arg10[%swap3A_678, %swap3A_679], %mul3A_677 {strides = array<i32>} : memref<128x128xf32, #tpu.memory_space<vmem>>, vector<16xf32>,
        %get3A_681 = arith.index_cast %add3A_635 : i32 to index
        %get3A_682 = arith.constant 80 : index
        %get3A_683 = tpu.vector_load %arg10[%get3A_681, %get3A_682] {strides = array<i32>} : memref<128x128xf32, #tpu.memory_space<vmem>>, vector<16xf32>,
        %mul3A_684 = arith.mulf %get3A_683, %gather3A_673 : vector<16xf32>
        %swap3A_685 = arith.index_cast %add3A_635 : i32 to index
        %swap3A_686 = arith.constant 80 : index
        %swap3A_687 = tpu.vector_load %arg10[%swap3A_685, %swap3A_686] {strides = array<i32>} : memref<128x128xf32, #tpu.memory_space<vmem>>, vector<16xf32>,
        tpu.vector_store %arg10[%swap3A_685, %swap3A_686], %mul3A_684 {strides = array<i32>} : memref<128x128xf32, #tpu.memory_space<vmem>>, vector<16xf32>,
        %get3A_688 = arith.index_cast %add3A_635 : i32 to index
        %get3A_689 = arith.constant 96 : index
        %get3A_690 = tpu.vector_load %arg10[%get3A_688, %get3A_689] {strides = array<i32>} : memref<128x128xf32, #tpu.memory_space<vmem>>, vector<16xf32>,
        %mul3A_691 = arith.mulf %get3A_690, %gather3A_673 : vector<16xf32>
        %swap3A_692 = arith.index_cast %add3A_635 : i32 to index
        %swap3A_693 = arith.constant 96 : index
        %swap3A_694 = tpu.vector_load %arg10[%swap3A_692, %swap3A_693] {strides = array<i32>} : memref<128x128xf32, #tpu.memory_space<vmem>>, vector<16xf32>,
        tpu.vector_store %arg10[%swap3A_692, %swap3A_693], %mul3A_691 {strides = array<i32>} : memref<128x128xf32, #tpu.memory_space<vmem>>, vector<16xf32>,
        %get3A_695 = arith.index_cast %add3A_635 : i32 to index
        %get3A_696 = arith.constant 112 : index
        %get3A_697 = tpu.vector_load %arg10[%get3A_695, %get3A_696] {strides = array<i32>} : memref<128x128xf32, #tpu.memory_space<vmem>>, vector<16xf32>,
        %mul3A_698 = arith.mulf %get3A_697, %gather3A_673 : vector<16xf32>
        %swap3A_699 = arith.index_cast %add3A_635 : i32 to index
        %swap3A_700 = arith.constant 112 : index
        %swap3A_701 = tpu.vector_load %arg10[%swap3A_699, %swap3A_700] {strides = array<i32>} : memref<128x128xf32, #tpu.memory_space<vmem>>, vector<16xf32>,
        tpu.vector_store %arg10[%swap3A_699, %swap3A_700], %mul3A_698 {strides = array<i32>} : memref<128x128xf32, #tpu.memory_space<vmem>>, vector<16xf32>,
        %mul3A_702 = arith.constant 16 : i32
        %mul3A_703 = arith.muli %scan3A_75, %mul3A_702 : i32
        %add3A_704 = arith.constant 9 : i32
        %add3A_705 = arith.addi %mul3A_703, %add3A_704 : i32
        %broadcast_in_dim3A_706 = arith.constant 0 : i32
        %broadcast_in_dim3A_707 = vector.broadcast %broadcast_in_dim3A_706 : i32 to vector<16xi32>
        %add3A_708 = vector.broadcast %add3A_705 : i32 to vector<16xi32>
        %add3A_709 = arith.addi %broadcast_in_dim3A_707, %add3A_708 : vector<16xi32>
        %gather3A_710 = tpu.vector_load_idx %arg11[%add3A_709] : memref<256xf32, #tpu.memory_space<vmem>>[vector<16xi32>], vector<16xf32>,
        %get3A_711 = arith.index_cast %add3A_705 : i32 to index
        %get3A_712 = arith.constant 0 : index
        %get3A_713 = tpu.vector_load %arg10[%get3A_711, %get3A_712] {strides = array<i32>} : memref<128x128xf32, #tpu.memory_space<vmem>>, vector<16xf32>,
        %mul3A_714 = arith.mulf %get3A_713, %gather3A_710 : vector<16xf32>
        %swap3A_715 = arith.index_cast %add3A_705 : i32 to index
        %swap3A_716 = arith.constant 0 : index
        %swap3A_717 = tpu.vector_load %arg10[%swap3A_715, %swap3A_716] {strides = array<i32>} : memref<128x128xf32, #tpu.memory_space<vmem>>, vector<16xf32>,
        tpu.vector_store %arg10[%swap3A_715, %swap3A_716], %mul3A_714 {strides = array<i32>} : memref<128x128xf32, #tpu.memory_space<vmem>>, vector<16xf32>,
        %get3A_718 = arith.index_cast %add3A_705 : i32 to index
        %get3A_719 = arith.constant 16 : index
        %get3A_720 = tpu.vector_load %arg10[%get3A_718, %get3A_719] {strides = array<i32>} : memref<128x128xf32, #tpu.memory_space<vmem>>, vector<16xf32>,
        %mul3A_721 = arith.mulf %get3A_720, %gather3A_710 : vector<16xf32>
        %swap3A_722 = arith.index_cast %add3A_705 : i32 to index
        %swap3A_723 = arith.constant 16 : index
        %swap3A_724 = tpu.vector_load %arg10[%swap3A_722, %swap3A_723] {strides = array<i32>} : memref<128x128xf32, #tpu.memory_space<vmem>>, vector<16xf32>,
        tpu.vector_store %arg10[%swap3A_722, %swap3A_723], %mul3A_721 {strides = array<i32>} : memref<128x128xf32, #tpu.memory_space<vmem>>, vector<16xf32>,
        %get3A_725 = arith.index_cast %add3A_705 : i32 to index
        %get3A_726 = arith.constant 32 : index
        %get3A_727 = tpu.vector_load %arg10[%get3A_725, %get3A_726] {strides = array<i32>} : memref<128x128xf32, #tpu.memory_space<vmem>>, vector<16xf32>,
        %mul3A_728 = arith.mulf %get3A_727, %gather3A_710 : vector<16xf32>
        %swap3A_729 = arith.index_cast %add3A_705 : i32 to index
        %swap3A_730 = arith.constant 32 : index
        %swap3A_731 = tpu.vector_load %arg10[%swap3A_729, %swap3A_730] {strides = array<i32>} : memref<128x128xf32, #tpu.memory_space<vmem>>, vector<16xf32>,
        tpu.vector_store %arg10[%swap3A_729, %swap3A_730], %mul3A_728 {strides = array<i32>} : memref<128x128xf32, #tpu.memory_space<vmem>>, vector<16xf32>,
        %get3A_732 = arith.index_cast %add3A_705 : i32 to index
        %get3A_733 = arith.constant 48 : index
        %get3A_734 = tpu.vector_load %arg10[%get3A_732, %get3A_733] {strides = array<i32>} : memref<128x128xf32, #tpu.memory_space<vmem>>, vector<16xf32>,
        %mul3A_735 = arith.mulf %get3A_734, %gather3A_710 : vector<16xf32>
        %swap3A_736 = arith.index_cast %add3A_705 : i32 to index
        %swap3A_737 = arith.constant 48 : index
        %swap3A_738 = tpu.vector_load %arg10[%swap3A_736, %swap3A_737] {strides = array<i32>} : memref<128x128xf32, #tpu.memory_space<vmem>>, vector<16xf32>,
        tpu.vector_store %arg10[%swap3A_736, %swap3A_737], %mul3A_735 {strides = array<i32>} : memref<128x128xf32, #tpu.memory_space<vmem>>, vector<16xf32>,
        %broadcast_in_dim3A_739 = arith.constant 128 : i32
        %broadcast_in_dim3A_740 = vector.broadcast %broadcast_in_dim3A_739 : i32 to vector<16xi32>
        %add3A_741 = vector.broadcast %add3A_705 : i32 to vector<16xi32>
        %add3A_742 = arith.addi %broadcast_in_dim3A_740, %add3A_741 : vector<16xi32>
        %gather3A_743 = tpu.vector_load_idx %arg11[%add3A_742] : memref<256xf32, #tpu.memory_space<vmem>>[vector<16xi32>], vector<16xf32>,
        %get3A_744 = arith.index_cast %add3A_705 : i32 to index
        %get3A_745 = arith.constant 64 : index
        %get3A_746 = tpu.vector_load %arg10[%get3A_744, %get3A_745] {strides = array<i32>} : memref<128x128xf32, #tpu.memory_space<vmem>>, vector<16xf32>,
        %mul3A_747 = arith.mulf %get3A_746, %gather3A_743 : vector<16xf32>
        %swap3A_748 = arith.index_cast %add3A_705 : i32 to index
        %swap3A_749 = arith.constant 64 : index
        %swap3A_750 = tpu.vector_load %arg10[%swap3A_748, %swap3A_749] {strides = array<i32>} : memref<128x128xf32, #tpu.memory_space<vmem>>, vector<16xf32>,
        tpu.vector_store %arg10[%swap3A_748, %swap3A_749], %mul3A_747 {strides = array<i32>} : memref<128x128xf32, #tpu.memory_space<vmem>>, vector<16xf32>,
        %get3A_751 = arith.index_cast %add3A_705 : i32 to index
        %get3A_752 = arith.constant 80 : index
        %get3A_753 = tpu.vector_load %arg10[%get3A_751, %get3A_752] {strides = array<i32>} : memref<128x128xf32, #tpu.memory_space<vmem>>, vector<16xf32>,
        %mul3A_754 = arith.mulf %get3A_753, %gather3A_743 : vector<16xf32>
        %swap3A_755 = arith.index_cast %add3A_705 : i32 to index
        %swap3A_756 = arith.constant 80 : index
        %swap3A_757 = tpu.vector_load %arg10[%swap3A_755, %swap3A_756] {strides = array<i32>} : memref<128x128xf32, #tpu.memory_space<vmem>>, vector<16xf32>,
        tpu.vector_store %arg10[%swap3A_755, %swap3A_756], %mul3A_754 {strides = array<i32>} : memref<128x128xf32, #tpu.memory_space<vmem>>, vector<16xf32>,
        %get3A_758 = arith.index_cast %add3A_705 : i32 to index
        %get3A_759 = arith.constant 96 : index
        %get3A_760 = tpu.vector_load %arg10[%get3A_758, %get3A_759] {strides = array<i32>} : memref<128x128xf32, #tpu.memory_space<vmem>>, vector<16xf32>,
        %mul3A_761 = arith.mulf %get3A_760, %gather3A_743 : vector<16xf32>
        %swap3A_762 = arith.index_cast %add3A_705 : i32 to index
        %swap3A_763 = arith.constant 96 : index
        %swap3A_764 = tpu.vector_load %arg10[%swap3A_762, %swap3A_763] {strides = array<i32>} : memref<128x128xf32, #tpu.memory_space<vmem>>, vector<16xf32>,
        tpu.vector_store %arg10[%swap3A_762, %swap3A_763], %mul3A_761 {strides = array<i32>} : memref<128x128xf32, #tpu.memory_space<vmem>>, vector<16xf32>,
        %get3A_765 = arith.index_cast %add3A_705 : i32 to index
        %get3A_766 = arith.constant 112 : index
        %get3A_767 = tpu.vector_load %arg10[%get3A_765, %get3A_766] {strides = array<i32>} : memref<128x128xf32, #tpu.memory_space<vmem>>, vector<16xf32>,
        %mul3A_768 = arith.mulf %get3A_767, %gather3A_743 : vector<16xf32>
        %swap3A_769 = arith.index_cast %add3A_705 : i32 to index
        %swap3A_770 = arith.constant 112 : index
        %swap3A_771 = tpu.vector_load %arg10[%swap3A_769, %swap3A_770] {strides = array<i32>} : memref<128x128xf32, #tpu.memory_space<vmem>>, vector<16xf32>,
        tpu.vector_store %arg10[%swap3A_769, %swap3A_770], %mul3A_768 {strides = array<i32>} : memref<128x128xf32, #tpu.memory_space<vmem>>, vector<16xf32>,
        %mul3A_772 = arith.constant 16 : i32
        %mul3A_773 = arith.muli %scan3A_75, %mul3A_772 : i32
        %add3A_774 = arith.constant 10 : i32
        %add3A_775 = arith.addi %mul3A_773, %add3A_774 : i32
        %broadcast_in_dim3A_776 = arith.constant 0 : i32
        %broadcast_in_dim3A_777 = vector.broadcast %broadcast_in_dim3A_776 : i32 to vector<16xi32>
        %add3A_778 = vector.broadcast %add3A_775 : i32 to vector<16xi32>
        %add3A_779 = arith.addi %broadcast_in_dim3A_777, %add3A_778 : vector<16xi32>
        %gather3A_780 = tpu.vector_load_idx %arg11[%add3A_779] : memref<256xf32, #tpu.memory_space<vmem>>[vector<16xi32>], vector<16xf32>,
        %get3A_781 = arith.index_cast %add3A_775 : i32 to index
        %get3A_782 = arith.constant 0 : index
        %get3A_783 = tpu.vector_load %arg10[%get3A_781, %get3A_782] {strides = array<i32>} : memref<128x128xf32, #tpu.memory_space<vmem>>, vector<16xf32>,
        %mul3A_784 = arith.mulf %get3A_783, %gather3A_780 : vector<16xf32>
        %swap3A_785 = arith.index_cast %add3A_775 : i32 to index
        %swap3A_786 = arith.constant 0 : index
        %swap3A_787 = tpu.vector_load %arg10[%swap3A_785, %swap3A_786] {strides = array<i32>} : memref<128x128xf32, #tpu.memory_space<vmem>>, vector<16xf32>,
        tpu.vector_store %arg10[%swap3A_785, %swap3A_786], %mul3A_784 {strides = array<i32>} : memref<128x128xf32, #tpu.memory_space<vmem>>, vector<16xf32>,
        %get3A_788 = arith.index_cast %add3A_775 : i32 to index
        %get3A_789 = arith.constant 16 : index
        %get3A_790 = tpu.vector_load %arg10[%get3A_788, %get3A_789] {strides = array<i32>} : memref<128x128xf32, #tpu.memory_space<vmem>>, vector<16xf32>,
        %mul3A_791 = arith.mulf %get3A_790, %gather3A_780 : vector<16xf32>
        %swap3A_792 = arith.index_cast %add3A_775 : i32 to index
        %swap3A_793 = arith.constant 16 : index
        %swap3A_794 = tpu.vector_load %arg10[%swap3A_792, %swap3A_793] {strides = array<i32>} : memref<128x128xf32, #tpu.memory_space<vmem>>, vector<16xf32>,
        tpu.vector_store %arg10[%swap3A_792, %swap3A_793], %mul3A_791 {strides = array<i32>} : memref<128x128xf32, #tpu.memory_space<vmem>>, vector<16xf32>,
        %get3A_795 = arith.index_cast %add3A_775 : i32 to index
        %get3A_796 = arith.constant 32 : index
        %get3A_797 = tpu.vector_load %arg10[%get3A_795, %get3A_796] {strides = array<i32>} : memref<128x128xf32, #tpu.memory_space<vmem>>, vector<16xf32>,
        %mul3A_798 = arith.mulf %get3A_797, %gather3A_780 : vector<16xf32>
        %swap3A_799 = arith.index_cast %add3A_775 : i32 to index
        %swap3A_800 = arith.constant 32 : index
        %swap3A_801 = tpu.vector_load %arg10[%swap3A_799, %swap3A_800] {strides = array<i32>} : memref<128x128xf32, #tpu.memory_space<vmem>>, vector<16xf32>,
        tpu.vector_store %arg10[%swap3A_799, %swap3A_800], %mul3A_798 {strides = array<i32>} : memref<128x128xf32, #tpu.memory_space<vmem>>, vector<16xf32>,
        %get3A_802 = arith.index_cast %add3A_775 : i32 to index
        %get3A_803 = arith.constant 48 : index
        %get3A_804 = tpu.vector_load %arg10[%get3A_802, %get3A_803] {strides = array<i32>} : memref<128x128xf32, #tpu.memory_space<vmem>>, vector<16xf32>,
        %mul3A_805 = arith.mulf %get3A_804, %gather3A_780 : vector<16xf32>
        %swap3A_806 = arith.index_cast %add3A_775 : i32 to index
        %swap3A_807 = arith.constant 48 : index
        %swap3A_808 = tpu.vector_load %arg10[%swap3A_806, %swap3A_807] {strides = array<i32>} : memref<128x128xf32, #tpu.memory_space<vmem>>, vector<16xf32>,
        tpu.vector_store %arg10[%swap3A_806, %swap3A_807], %mul3A_805 {strides = array<i32>} : memref<128x128xf32, #tpu.memory_space<vmem>>, vector<16xf32>,
        %broadcast_in_dim3A_809 = arith.constant 128 : i32
        %broadcast_in_dim3A_810 = vector.broadcast %broadcast_in_dim3A_809 : i32 to vector<16xi32>
        %add3A_811 = vector.broadcast %add3A_775 : i32 to vector<16xi32>
        %add3A_812 = arith.addi %broadcast_in_dim3A_810, %add3A_811 : vector<16xi32>
        %gather3A_813 = tpu.vector_load_idx %arg11[%add3A_812] : memref<256xf32, #tpu.memory_space<vmem>>[vector<16xi32>], vector<16xf32>,
        %get3A_814 = arith.index_cast %add3A_775 : i32 to index
        %get3A_815 = arith.constant 64 : index
        %get3A_816 = tpu.vector_load %arg10[%get3A_814, %get3A_815] {strides = array<i32>} : memref<128x128xf32, #tpu.memory_space<vmem>>, vector<16xf32>,
        %mul3A_817 = arith.mulf %get3A_816, %gather3A_813 : vector<16xf32>
        %swap3A_818 = arith.index_cast %add3A_775 : i32 to index
        %swap3A_819 = arith.constant 64 : index
        %swap3A_820 = tpu.vector_load %arg10[%swap3A_818, %swap3A_819] {strides = array<i32>} : memref<128x128xf32, #tpu.memory_space<vmem>>, vector<16xf32>,
        tpu.vector_store %arg10[%swap3A_818, %swap3A_819], %mul3A_817 {strides = array<i32>} : memref<128x128xf32, #tpu.memory_space<vmem>>, vector<16xf32>,
        %get3A_821 = arith.index_cast %add3A_775 : i32 to index
        %get3A_822 = arith.constant 80 : index
        %get3A_823 = tpu.vector_load %arg10[%get3A_821, %get3A_822] {strides = array<i32>} : memref<128x128xf32, #tpu.memory_space<vmem>>, vector<16xf32>,
        %mul3A_824 = arith.mulf %get3A_823, %gather3A_813 : vector<16xf32>
        %swap3A_825 = arith.index_cast %add3A_775 : i32 to index
        %swap3A_826 = arith.constant 80 : index
        %swap3A_827 = tpu.vector_load %arg10[%swap3A_825, %swap3A_826] {strides = array<i32>} : memref<128x128xf32, #tpu.memory_space<vmem>>, vector<16xf32>,
        tpu.vector_store %arg10[%swap3A_825, %swap3A_826], %mul3A_824 {strides = array<i32>} : memref<128x128xf32, #tpu.memory_space<vmem>>, vector<16xf32>,
        %get3A_828 = arith.index_cast %add3A_775 : i32 to index
        %get3A_829 = arith.constant 96 : index
        %get3A_830 = tpu.vector_load %arg10[%get3A_828, %get3A_829] {strides = array<i32>} : memref<128x128xf32, #tpu.memory_space<vmem>>, vector<16xf32>,
        %mul3A_831 = arith.mulf %get3A_830, %gather3A_813 : vector<16xf32>
        %swap3A_832 = arith.index_cast %add3A_775 : i32 to index
        %swap3A_833 = arith.constant 96 : index
        %swap3A_834 = tpu.vector_load %arg10[%swap3A_832, %swap3A_833] {strides = array<i32>} : memref<128x128xf32, #tpu.memory_space<vmem>>, vector<16xf32>,
        tpu.vector_store %arg10[%swap3A_832, %swap3A_833], %mul3A_831 {strides = array<i32>} : memref<128x128xf32, #tpu.memory_space<vmem>>, vector<16xf32>,
        %get3A_835 = arith.index_cast %add3A_775 : i32 to index
        %get3A_836 = arith.constant 112 : index
        %get3A_837 = tpu.vector_load %arg10[%get3A_835, %get3A_836] {strides = array<i32>} : memref<128x128xf32, #tpu.memory_space<vmem>>, vector<16xf32>,
        %mul3A_838 = arith.mulf %get3A_837, %gather3A_813 : vector<16xf32>
        %swap3A_839 = arith.index_cast %add3A_775 : i32 to index
        %swap3A_840 = arith.constant 112 : index
        %swap3A_841 = tpu.vector_load %arg10[%swap3A_839, %swap3A_840] {strides = array<i32>} : memref<128x128xf32, #tpu.memory_space<vmem>>, vector<16xf32>,
        tpu.vector_store %arg10[%swap3A_839, %swap3A_840], %mul3A_838 {strides = array<i32>} : memref<128x128xf32, #tpu.memory_space<vmem>>, vector<16xf32>,
        %mul3A_842 = arith.constant 16 : i32
        %mul3A_843 = arith.muli %scan3A_75, %mul3A_842 : i32
        %add3A_844 = arith.constant 11 : i32
        %add3A_845 = arith.addi %mul3A_843, %add3A_844 : i32
        %broadcast_in_dim3A_846 = arith.constant 0 : i32
        %broadcast_in_dim3A_847 = vector.broadcast %broadcast_in_dim3A_846 : i32 to vector<16xi32>
        %add3A_848 = vector.broadcast %add3A_845 : i32 to vector<16xi32>
        %add3A_849 = arith.addi %broadcast_in_dim3A_847, %add3A_848 : vector<16xi32>
        %gather3A_850 = tpu.vector_load_idx %arg11[%add3A_849] : memref<256xf32, #tpu.memory_space<vmem>>[vector<16xi32>], vector<16xf32>,
        %get3A_851 = arith.index_cast %add3A_845 : i32 to index
        %get3A_852 = arith.constant 0 : index
        %get3A_853 = tpu.vector_load %arg10[%get3A_851, %get3A_852] {strides = array<i32>} : memref<128x128xf32, #tpu.memory_space<vmem>>, vector<16xf32>,
        %mul3A_854 = arith.mulf %get3A_853, %gather3A_850 : vector<16xf32>
        %swap3A_855 = arith.index_cast %add3A_845 : i32 to index
        %swap3A_856 = arith.constant 0 : index
        %swap3A_857 = tpu.vector_load %arg10[%swap3A_855, %swap3A_856] {strides = array<i32>} : memref<128x128xf32, #tpu.memory_space<vmem>>, vector<16xf32>,
        tpu.vector_store %arg10[%swap3A_855, %swap3A_856], %mul3A_854 {strides = array<i32>} : memref<128x128xf32, #tpu.memory_space<vmem>>, vector<16xf32>,
        %get3A_858 = arith.index_cast %add3A_845 : i32 to index
        %get3A_859 = arith.constant 16 : index
        %get3A_860 = tpu.vector_load %arg10[%get3A_858, %get3A_859] {strides = array<i32>} : memref<128x128xf32, #tpu.memory_space<vmem>>, vector<16xf32>,
        %mul3A_861 = arith.mulf %get3A_860, %gather3A_850 : vector<16xf32>
        %swap3A_862 = arith.index_cast %add3A_845 : i32 to index
        %swap3A_863 = arith.constant 16 : index
        %swap3A_864 = tpu.vector_load %arg10[%swap3A_862, %swap3A_863] {strides = array<i32>} : memref<128x128xf32, #tpu.memory_space<vmem>>, vector<16xf32>,
        tpu.vector_store %arg10[%swap3A_862, %swap3A_863], %mul3A_861 {strides = array<i32>} : memref<128x128xf32, #tpu.memory_space<vmem>>, vector<16xf32>,
        %get3A_865 = arith.index_cast %add3A_845 : i32 to index
        %get3A_866 = arith.constant 32 : index
        %get3A_867 = tpu.vector_load %arg10[%get3A_865, %get3A_866] {strides = array<i32>} : memref<128x128xf32, #tpu.memory_space<vmem>>, vector<16xf32>,
        %mul3A_868 = arith.mulf %get3A_867, %gather3A_850 : vector<16xf32>
        %swap3A_869 = arith.index_cast %add3A_845 : i32 to index
        %swap3A_870 = arith.constant 32 : index
        %swap3A_871 = tpu.vector_load %arg10[%swap3A_869, %swap3A_870] {strides = array<i32>} : memref<128x128xf32, #tpu.memory_space<vmem>>, vector<16xf32>,
        tpu.vector_store %arg10[%swap3A_869, %swap3A_870], %mul3A_868 {strides = array<i32>} : memref<128x128xf32, #tpu.memory_space<vmem>>, vector<16xf32>,
        %get3A_872 = arith.index_cast %add3A_845 : i32 to index
        %get3A_873 = arith.constant 48 : index
        %get3A_874 = tpu.vector_load %arg10[%get3A_872, %get3A_873] {strides = array<i32>} : memref<128x128xf32, #tpu.memory_space<vmem>>, vector<16xf32>,
        %mul3A_875 = arith.mulf %get3A_874, %gather3A_850 : vector<16xf32>
        %swap3A_876 = arith.index_cast %add3A_845 : i32 to index
        %swap3A_877 = arith.constant 48 : index
        %swap3A_878 = tpu.vector_load %arg10[%swap3A_876, %swap3A_877] {strides = array<i32>} : memref<128x128xf32, #tpu.memory_space<vmem>>, vector<16xf32>,
        tpu.vector_store %arg10[%swap3A_876, %swap3A_877], %mul3A_875 {strides = array<i32>} : memref<128x128xf32, #tpu.memory_space<vmem>>, vector<16xf32>,
        %broadcast_in_dim3A_879 = arith.constant 128 : i32
        %broadcast_in_dim3A_880 = vector.broadcast %broadcast_in_dim3A_879 : i32 to vector<16xi32>
        %add3A_881 = vector.broadcast %add3A_845 : i32 to vector<16xi32>
        %add3A_882 = arith.addi %broadcast_in_dim3A_880, %add3A_881 : vector<16xi32>
        %gather3A_883 = tpu.vector_load_idx %arg11[%add3A_882] : memref<256xf32, #tpu.memory_space<vmem>>[vector<16xi32>], vector<16xf32>,
        %get3A_884 = arith.index_cast %add3A_845 : i32 to index
        %get3A_885 = arith.constant 64 : index
        %get3A_886 = tpu.vector_load %arg10[%get3A_884, %get3A_885] {strides = array<i32>} : memref<128x128xf32, #tpu.memory_space<vmem>>, vector<16xf32>,
        %mul3A_887 = arith.mulf %get3A_886, %gather3A_883 : vector<16xf32>
        %swap3A_888 = arith.index_cast %add3A_845 : i32 to index
        %swap3A_889 = arith.constant 64 : index
        %swap3A_890 = tpu.vector_load %arg10[%swap3A_888, %swap3A_889] {strides = array<i32>} : memref<128x128xf32, #tpu.memory_space<vmem>>, vector<16xf32>,
        tpu.vector_store %arg10[%swap3A_888, %swap3A_889], %mul3A_887 {strides = array<i32>} : memref<128x128xf32, #tpu.memory_space<vmem>>, vector<16xf32>,
        %get3A_891 = arith.index_cast %add3A_845 : i32 to index
        %get3A_892 = arith.constant 80 : index
        %get3A_893 = tpu.vector_load %arg10[%get3A_891, %get3A_892] {strides = array<i32>} : memref<128x128xf32, #tpu.memory_space<vmem>>, vector<16xf32>,
        %mul3A_894 = arith.mulf %get3A_893, %gather3A_883 : vector<16xf32>
        %swap3A_895 = arith.index_cast %add3A_845 : i32 to index
        %swap3A_896 = arith.constant 80 : index
        %swap3A_897 = tpu.vector_load %arg10[%swap3A_895, %swap3A_896] {strides = array<i32>} : memref<128x128xf32, #tpu.memory_space<vmem>>, vector<16xf32>,
        tpu.vector_store %arg10[%swap3A_895, %swap3A_896], %mul3A_894 {strides = array<i32>} : memref<128x128xf32, #tpu.memory_space<vmem>>, vector<16xf32>,
        %get3A_898 = arith.index_cast %add3A_845 : i32 to index
        %get3A_899 = arith.constant 96 : index
        %get3A_900 = tpu.vector_load %arg10[%get3A_898, %get3A_899] {strides = array<i32>} : memref<128x128xf32, #tpu.memory_space<vmem>>, vector<16xf32>,
        %mul3A_901 = arith.mulf %get3A_900, %gather3A_883 : vector<16xf32>
        %swap3A_902 = arith.index_cast %add3A_845 : i32 to index
        %swap3A_903 = arith.constant 96 : index
        %swap3A_904 = tpu.vector_load %arg10[%swap3A_902, %swap3A_903] {strides = array<i32>} : memref<128x128xf32, #tpu.memory_space<vmem>>, vector<16xf32>,
        tpu.vector_store %arg10[%swap3A_902, %swap3A_903], %mul3A_901 {strides = array<i32>} : memref<128x128xf32, #tpu.memory_space<vmem>>, vector<16xf32>,
        %get3A_905 = arith.index_cast %add3A_845 : i32 to index
        %get3A_906 = arith.constant 112 : index
        %get3A_907 = tpu.vector_load %arg10[%get3A_905, %get3A_906] {strides = array<i32>} : memref<128x128xf32, #tpu.memory_space<vmem>>, vector<16xf32>,
        %mul3A_908 = arith.mulf %get3A_907, %gather3A_883 : vector<16xf32>
        %swap3A_909 = arith.index_cast %add3A_845 : i32 to index
        %swap3A_910 = arith.constant 112 : index
        %swap3A_911 = tpu.vector_load %arg10[%swap3A_909, %swap3A_910] {strides = array<i32>} : memref<128x128xf32, #tpu.memory_space<vmem>>, vector<16xf32>,
        tpu.vector_store %arg10[%swap3A_909, %swap3A_910], %mul3A_908 {strides = array<i32>} : memref<128x128xf32, #tpu.memory_space<vmem>>, vector<16xf32>,
        %mul3A_912 = arith.constant 16 : i32
        %mul3A_913 = arith.muli %scan3A_75, %mul3A_912 : i32
        %add3A_914 = arith.constant 12 : i32
        %add3A_915 = arith.addi %mul3A_913, %add3A_914 : i32
        %broadcast_in_dim3A_916 = arith.constant 0 : i32
        %broadcast_in_dim3A_917 = vector.broadcast %broadcast_in_dim3A_916 : i32 to vector<16xi32>
        %add3A_918 = vector.broadcast %add3A_915 : i32 to vector<16xi32>
        %add3A_919 = arith.addi %broadcast_in_dim3A_917, %add3A_918 : vector<16xi32>
        %gather3A_920 = tpu.vector_load_idx %arg11[%add3A_919] : memref<256xf32, #tpu.memory_space<vmem>>[vector<16xi32>], vector<16xf32>,
        %get3A_921 = arith.index_cast %add3A_915 : i32 to index
        %get3A_922 = arith.constant 0 : index
        %get3A_923 = tpu.vector_load %arg10[%get3A_921, %get3A_922] {strides = array<i32>} : memref<128x128xf32, #tpu.memory_space<vmem>>, vector<16xf32>,
        %mul3A_924 = arith.mulf %get3A_923, %gather3A_920 : vector<16xf32>
        %swap3A_925 = arith.index_cast %add3A_915 : i32 to index
        %swap3A_926 = arith.constant 0 : index
        %swap3A_927 = tpu.vector_load %arg10[%swap3A_925, %swap3A_926] {strides = array<i32>} : memref<128x128xf32, #tpu.memory_space<vmem>>, vector<16xf32>,
        tpu.vector_store %arg10[%swap3A_925, %swap3A_926], %mul3A_924 {strides = array<i32>} : memref<128x128xf32, #tpu.memory_space<vmem>>, vector<16xf32>,
        %get3A_928 = arith.index_cast %add3A_915 : i32 to index
        %get3A_929 = arith.constant 16 : index
        %get3A_930 = tpu.vector_load %arg10[%get3A_928, %get3A_929] {strides = array<i32>} : memref<128x128xf32, #tpu.memory_space<vmem>>, vector<16xf32>,
        %mul3A_931 = arith.mulf %get3A_930, %gather3A_920 : vector<16xf32>
        %swap3A_932 = arith.index_cast %add3A_915 : i32 to index
        %swap3A_933 = arith.constant 16 : index
        %swap3A_934 = tpu.vector_load %arg10[%swap3A_932, %swap3A_933] {strides = array<i32>} : memref<128x128xf32, #tpu.memory_space<vmem>>, vector<16xf32>,
        tpu.vector_store %arg10[%swap3A_932, %swap3A_933], %mul3A_931 {strides = array<i32>} : memref<128x128xf32, #tpu.memory_space<vmem>>, vector<16xf32>,
        %get3A_935 = arith.index_cast %add3A_915 : i32 to index
        %get3A_936 = arith.constant 32 : index
        %get3A_937 = tpu.vector_load %arg10[%get3A_935, %get3A_936] {strides = array<i32>} : memref<128x128xf32, #tpu.memory_space<vmem>>, vector<16xf32>,
        %mul3A_938 = arith.mulf %get3A_937, %gather3A_920 : vector<16xf32>
        %swap3A_939 = arith.index_cast %add3A_915 : i32 to index
        %swap3A_940 = arith.constant 32 : index
        %swap3A_941 = tpu.vector_load %arg10[%swap3A_939, %swap3A_940] {strides = array<i32>} : memref<128x128xf32, #tpu.memory_space<vmem>>, vector<16xf32>,
        tpu.vector_store %arg10[%swap3A_939, %swap3A_940], %mul3A_938 {strides = array<i32>} : memref<128x128xf32, #tpu.memory_space<vmem>>, vector<16xf32>,
        %get3A_942 = arith.index_cast %add3A_915 : i32 to index
        %get3A_943 = arith.constant 48 : index
        %get3A_944 = tpu.vector_load %arg10[%get3A_942, %get3A_943] {strides = array<i32>} : memref<128x128xf32, #tpu.memory_space<vmem>>, vector<16xf32>,
        %mul3A_945 = arith.mulf %get3A_944, %gather3A_920 : vector<16xf32>
        %swap3A_946 = arith.index_cast %add3A_915 : i32 to index
        %swap3A_947 = arith.constant 48 : index
        %swap3A_948 = tpu.vector_load %arg10[%swap3A_946, %swap3A_947] {strides = array<i32>} : memref<128x128xf32, #tpu.memory_space<vmem>>, vector<16xf32>,
        tpu.vector_store %arg10[%swap3A_946, %swap3A_947], %mul3A_945 {strides = array<i32>} : memref<128x128xf32, #tpu.memory_space<vmem>>, vector<16xf32>,
        %broadcast_in_dim3A_949 = arith.constant 128 : i32
        %broadcast_in_dim3A_950 = vector.broadcast %broadcast_in_dim3A_949 : i32 to vector<16xi32>
        %add3A_951 = vector.broadcast %add3A_915 : i32 to vector<16xi32>
        %add3A_952 = arith.addi %broadcast_in_dim3A_950, %add3A_951 : vector<16xi32>
        %gather3A_953 = tpu.vector_load_idx %arg11[%add3A_952] : memref<256xf32, #tpu.memory_space<vmem>>[vector<16xi32>], vector<16xf32>,
        %get3A_954 = arith.index_cast %add3A_915 : i32 to index
        %get3A_955 = arith.constant 64 : index
        %get3A_956 = tpu.vector_load %arg10[%get3A_954, %get3A_955] {strides = array<i32>} : memref<128x128xf32, #tpu.memory_space<vmem>>, vector<16xf32>,
        %mul3A_957 = arith.mulf %get3A_956, %gather3A_953 : vector<16xf32>
        %swap3A_958 = arith.index_cast %add3A_915 : i32 to index
        %swap3A_959 = arith.constant 64 : index
        %swap3A_960 = tpu.vector_load %arg10[%swap3A_958, %swap3A_959] {strides = array<i32>} : memref<128x128xf32, #tpu.memory_space<vmem>>, vector<16xf32>,
        tpu.vector_store %arg10[%swap3A_958, %swap3A_959], %mul3A_957 {strides = array<i32>} : memref<128x128xf32, #tpu.memory_space<vmem>>, vector<16xf32>,
        %get3A_961 = arith.index_cast %add3A_915 : i32 to index
        %get3A_962 = arith.constant 80 : index
        %get3A_963 = tpu.vector_load %arg10[%get3A_961, %get3A_962] {strides = array<i32>} : memref<128x128xf32, #tpu.memory_space<vmem>>, vector<16xf32>,
        %mul3A_964 = arith.mulf %get3A_963, %gather3A_953 : vector<16xf32>
        %swap3A_965 = arith.index_cast %add3A_915 : i32 to index
        %swap3A_966 = arith.constant 80 : index
        %swap3A_967 = tpu.vector_load %arg10[%swap3A_965, %swap3A_966] {strides = array<i32>} : memref<128x128xf32, #tpu.memory_space<vmem>>, vector<16xf32>,
        tpu.vector_store %arg10[%swap3A_965, %swap3A_966], %mul3A_964 {strides = array<i32>} : memref<128x128xf32, #tpu.memory_space<vmem>>, vector<16xf32>,
        %get3A_968 = arith.index_cast %add3A_915 : i32 to index
        %get3A_969 = arith.constant 96 : index
        %get3A_970 = tpu.vector_load %arg10[%get3A_968, %get3A_969] {strides = array<i32>} : memref<128x128xf32, #tpu.memory_space<vmem>>, vector<16xf32>,
        %mul3A_971 = arith.mulf %get3A_970, %gather3A_953 : vector<16xf32>
        %swap3A_972 = arith.index_cast %add3A_915 : i32 to index
        %swap3A_973 = arith.constant 96 : index
        %swap3A_974 = tpu.vector_load %arg10[%swap3A_972, %swap3A_973] {strides = array<i32>} : memref<128x128xf32, #tpu.memory_space<vmem>>, vector<16xf32>,
        tpu.vector_store %arg10[%swap3A_972, %swap3A_973], %mul3A_971 {strides = array<i32>} : memref<128x128xf32, #tpu.memory_space<vmem>>, vector<16xf32>,
        %get3A_975 = arith.index_cast %add3A_915 : i32 to index
        %get3A_976 = arith.constant 112 : index
        %get3A_977 = tpu.vector_load %arg10[%get3A_975, %get3A_976] {strides = array<i32>} : memref<128x128xf32, #tpu.memory_space<vmem>>, vector<16xf32>,
        %mul3A_978 = arith.mulf %get3A_977, %gather3A_953 : vector<16xf32>
        %swap3A_979 = arith.index_cast %add3A_915 : i32 to index
        %swap3A_980 = arith.constant 112 : index
        %swap3A_981 = tpu.vector_load %arg10[%swap3A_979, %swap3A_980] {strides = array<i32>} : memref<128x128xf32, #tpu.memory_space<vmem>>, vector<16xf32>,
        tpu.vector_store %arg10[%swap3A_979, %swap3A_980], %mul3A_978 {strides = array<i32>} : memref<128x128xf32, #tpu.memory_space<vmem>>, vector<16xf32>,
        %mul3A_982 = arith.constant 16 : i32
        %mul3A_983 = arith.muli %scan3A_75, %mul3A_982 : i32
        %add3A_984 = arith.constant 13 : i32
        %add3A_985 = arith.addi %mul3A_983, %add3A_984 : i32
        %broadcast_in_dim3A_986 = arith.constant 0 : i32
        %broadcast_in_dim3A_987 = vector.broadcast %broadcast_in_dim3A_986 : i32 to vector<16xi32>
        %add3A_988 = vector.broadcast %add3A_985 : i32 to vector<16xi32>
        %add3A_989 = arith.addi %broadcast_in_dim3A_987, %add3A_988 : vector<16xi32>
        %gather3A_990 = tpu.vector_load_idx %arg11[%add3A_989] : memref<256xf32, #tpu.memory_space<vmem>>[vector<16xi32>], vector<16xf32>,
        %get3A_991 = arith.index_cast %add3A_985 : i32 to index
        %get3A_992 = arith.constant 0 : index
        %get3A_993 = tpu.vector_load %arg10[%get3A_991, %get3A_992] {strides = array<i32>} : memref<128x128xf32, #tpu.memory_space<vmem>>, vector<16xf32>,
        %mul3A_994 = arith.mulf %get3A_993, %gather3A_990 : vector<16xf32>
        %swap3A_995 = arith.index_cast %add3A_985 : i32 to index
        %swap3A_996 = arith.constant 0 : index
        %swap3A_997 = tpu.vector_load %arg10[%swap3A_995, %swap3A_996] {strides = array<i32>} : memref<128x128xf32, #tpu.memory_space<vmem>>, vector<16xf32>,
        tpu.vector_store %arg10[%swap3A_995, %swap3A_996], %mul3A_994 {strides = array<i32>} : memref<128x128xf32, #tpu.memory_space<vmem>>, vector<16xf32>,
        %get3A_998 = arith.index_cast %add3A_985 : i32 to index
        %get3A_999 = arith.constant 16 : index
        %get3A_1000 = tpu.vector_load %arg10[%get3A_998, %get3A_999] {strides = array<i32>} : memref<128x128xf32, #tpu.memory_space<vmem>>, vector<16xf32>,
        %mul3A_1001 = arith.mulf %get3A_1000, %gather3A_990 : vector<16xf32>
        %swap3A_1002 = arith.index_cast %add3A_985 : i32 to index
        %swap3A_1003 = arith.constant 16 : index
        %swap3A_1004 = tpu.vector_load %arg10[%swap3A_1002, %swap3A_1003] {strides = array<i32>} : memref<128x128xf32, #tpu.memory_space<vmem>>, vector<16xf32>,
        tpu.vector_store %arg10[%swap3A_1002, %swap3A_1003], %mul3A_1001 {strides = array<i32>} : memref<128x128xf32, #tpu.memory_space<vmem>>, vector<16xf32>,
        %get3A_1005 = arith.index_cast %add3A_985 : i32 to index
        %get3A_1006 = arith.constant 32 : index
        %get3A_1007 = tpu.vector_load %arg10[%get3A_1005, %get3A_1006] {strides = array<i32>} : memref<128x128xf32, #tpu.memory_space<vmem>>, vector<16xf32>,
        %mul3A_1008 = arith.mulf %get3A_1007, %gather3A_990 : vector<16xf32>
        %swap3A_1009 = arith.index_cast %add3A_985 : i32 to index
        %swap3A_1010 = arith.constant 32 : index
        %swap3A_1011 = tpu.vector_load %arg10[%swap3A_1009, %swap3A_1010] {strides = array<i32>} : memref<128x128xf32, #tpu.memory_space<vmem>>, vector<16xf32>,
        tpu.vector_store %arg10[%swap3A_1009, %swap3A_1010], %mul3A_1008 {strides = array<i32>} : memref<128x128xf32, #tpu.memory_space<vmem>>, vector<16xf32>,
        %get3A_1012 = arith.index_cast %add3A_985 : i32 to index
        %get3A_1013 = arith.constant 48 : index
        %get3A_1014 = tpu.vector_load %arg10[%get3A_1012, %get3A_1013] {strides = array<i32>} : memref<128x128xf32, #tpu.memory_space<vmem>>, vector<16xf32>,
        %mul3A_1015 = arith.mulf %get3A_1014, %gather3A_990 : vector<16xf32>
        %swap3A_1016 = arith.index_cast %add3A_985 : i32 to index
        %swap3A_1017 = arith.constant 48 : index
        %swap3A_1018 = tpu.vector_load %arg10[%swap3A_1016, %swap3A_1017] {strides = array<i32>} : memref<128x128xf32, #tpu.memory_space<vmem>>, vector<16xf32>,
        tpu.vector_store %arg10[%swap3A_1016, %swap3A_1017], %mul3A_1015 {strides = array<i32>} : memref<128x128xf32, #tpu.memory_space<vmem>>, vector<16xf32>,
        %broadcast_in_dim3A_1019 = arith.constant 128 : i32
        %broadcast_in_dim3A_1020 = vector.broadcast %broadcast_in_dim3A_1019 : i32 to vector<16xi32>
        %add3A_1021 = vector.broadcast %add3A_985 : i32 to vector<16xi32>
        %add3A_1022 = arith.addi %broadcast_in_dim3A_1020, %add3A_1021 : vector<16xi32>
        %gather3A_1023 = tpu.vector_load_idx %arg11[%add3A_1022] : memref<256xf32, #tpu.memory_space<vmem>>[vector<16xi32>], vector<16xf32>,
        %get3A_1024 = arith.index_cast %add3A_985 : i32 to index
        %get3A_1025 = arith.constant 64 : index
        %get3A_1026 = tpu.vector_load %arg10[%get3A_1024, %get3A_1025] {strides = array<i32>} : memref<128x128xf32, #tpu.memory_space<vmem>>, vector<16xf32>,
        %mul3A_1027 = arith.mulf %get3A_1026, %gather3A_1023 : vector<16xf32>
        %swap3A_1028 = arith.index_cast %add3A_985 : i32 to index
        %swap3A_1029 = arith.constant 64 : index
        %swap3A_1030 = tpu.vector_load %arg10[%swap3A_1028, %swap3A_1029] {strides = array<i32>} : memref<128x128xf32, #tpu.memory_space<vmem>>, vector<16xf32>,
        tpu.vector_store %arg10[%swap3A_1028, %swap3A_1029], %mul3A_1027 {strides = array<i32>} : memref<128x128xf32, #tpu.memory_space<vmem>>, vector<16xf32>,
        %get3A_1031 = arith.index_cast %add3A_985 : i32 to index
        %get3A_1032 = arith.constant 80 : index
        %get3A_1033 = tpu.vector_load %arg10[%get3A_1031, %get3A_1032] {strides = array<i32>} : memref<128x128xf32, #tpu.memory_space<vmem>>, vector<16xf32>,
        %mul3A_1034 = arith.mulf %get3A_1033, %gather3A_1023 : vector<16xf32>
        %swap3A_1035 = arith.index_cast %add3A_985 : i32 to index
        %swap3A_1036 = arith.constant 80 : index
        %swap3A_1037 = tpu.vector_load %arg10[%swap3A_1035, %swap3A_1036] {strides = array<i32>} : memref<128x128xf32, #tpu.memory_space<vmem>>, vector<16xf32>,
        tpu.vector_store %arg10[%swap3A_1035, %swap3A_1036], %mul3A_1034 {strides = array<i32>} : memref<128x128xf32, #tpu.memory_space<vmem>>, vector<16xf32>,
        %get3A_1038 = arith.index_cast %add3A_985 : i32 to index
        %get3A_1039 = arith.constant 96 : index
        %get3A_1040 = tpu.vector_load %arg10[%get3A_1038, %get3A_1039] {strides = array<i32>} : memref<128x128xf32, #tpu.memory_space<vmem>>, vector<16xf32>,
        %mul3A_1041 = arith.mulf %get3A_1040, %gather3A_1023 : vector<16xf32>
        %swap3A_1042 = arith.index_cast %add3A_985 : i32 to index
        %swap3A_1043 = arith.constant 96 : index
        %swap3A_1044 = tpu.vector_load %arg10[%swap3A_1042, %swap3A_1043] {strides = array<i32>} : memref<128x128xf32, #tpu.memory_space<vmem>>, vector<16xf32>,
        tpu.vector_store %arg10[%swap3A_1042, %swap3A_1043], %mul3A_1041 {strides = array<i32>} : memref<128x128xf32, #tpu.memory_space<vmem>>, vector<16xf32>,
        %get3A_1045 = arith.index_cast %add3A_985 : i32 to index
        %get3A_1046 = arith.constant 112 : index
        %get3A_1047 = tpu.vector_load %arg10[%get3A_1045, %get3A_1046] {strides = array<i32>} : memref<128x128xf32, #tpu.memory_space<vmem>>, vector<16xf32>,
        %mul3A_1048 = arith.mulf %get3A_1047, %gather3A_1023 : vector<16xf32>
        %swap3A_1049 = arith.index_cast %add3A_985 : i32 to index
        %swap3A_1050 = arith.constant 112 : index
        %swap3A_1051 = tpu.vector_load %arg10[%swap3A_1049, %swap3A_1050] {strides = array<i32>} : memref<128x128xf32, #tpu.memory_space<vmem>>, vector<16xf32>,
        tpu.vector_store %arg10[%swap3A_1049, %swap3A_1050], %mul3A_1048 {strides = array<i32>} : memref<128x128xf32, #tpu.memory_space<vmem>>, vector<16xf32>,
        %mul3A_1052 = arith.constant 16 : i32
        %mul3A_1053 = arith.muli %scan3A_75, %mul3A_1052 : i32
        %add3A_1054 = arith.constant 14 : i32
        %add3A_1055 = arith.addi %mul3A_1053, %add3A_1054 : i32
        %broadcast_in_dim3A_1056 = arith.constant 0 : i32
        %broadcast_in_dim3A_1057 = vector.broadcast %broadcast_in_dim3A_1056 : i32 to vector<16xi32>
        %add3A_1058 = vector.broadcast %add3A_1055 : i32 to vector<16xi32>
        %add3A_1059 = arith.addi %broadcast_in_dim3A_1057, %add3A_1058 : vector<16xi32>
        %gather3A_1060 = tpu.vector_load_idx %arg11[%add3A_1059] : memref<256xf32, #tpu.memory_space<vmem>>[vector<16xi32>], vector<16xf32>,
        %get3A_1061 = arith.index_cast %add3A_1055 : i32 to index
        %get3A_1062 = arith.constant 0 : index
        %get3A_1063 = tpu.vector_load %arg10[%get3A_1061, %get3A_1062] {strides = array<i32>} : memref<128x128xf32, #tpu.memory_space<vmem>>, vector<16xf32>,
        %mul3A_1064 = arith.mulf %get3A_1063, %gather3A_1060 : vector<16xf32>
        %swap3A_1065 = arith.index_cast %add3A_1055 : i32 to index
        %swap3A_1066 = arith.constant 0 : index
        %swap3A_1067 = tpu.vector_load %arg10[%swap3A_1065, %swap3A_1066] {strides = array<i32>} : memref<128x128xf32, #tpu.memory_space<vmem>>, vector<16xf32>,
        tpu.vector_store %arg10[%swap3A_1065, %swap3A_1066], %mul3A_1064 {strides = array<i32>} : memref<128x128xf32, #tpu.memory_space<vmem>>, vector<16xf32>,
        %get3A_1068 = arith.index_cast %add3A_1055 : i32 to index
        %get3A_1069 = arith.constant 16 : index
        %get3A_1070 = tpu.vector_load %arg10[%get3A_1068, %get3A_1069] {strides = array<i32>} : memref<128x128xf32, #tpu.memory_space<vmem>>, vector<16xf32>,
        %mul3A_1071 = arith.mulf %get3A_1070, %gather3A_1060 : vector<16xf32>
        %swap3A_1072 = arith.index_cast %add3A_1055 : i32 to index
        %swap3A_1073 = arith.constant 16 : index
        %swap3A_1074 = tpu.vector_load %arg10[%swap3A_1072, %swap3A_1073] {strides = array<i32>} : memref<128x128xf32, #tpu.memory_space<vmem>>, vector<16xf32>,
        tpu.vector_store %arg10[%swap3A_1072, %swap3A_1073], %mul3A_1071 {strides = array<i32>} : memref<128x128xf32, #tpu.memory_space<vmem>>, vector<16xf32>,
        %get3A_1075 = arith.index_cast %add3A_1055 : i32 to index
        %get3A_1076 = arith.constant 32 : index
        %get3A_1077 = tpu.vector_load %arg10[%get3A_1075, %get3A_1076] {strides = array<i32>} : memref<128x128xf32, #tpu.memory_space<vmem>>, vector<16xf32>,
        %mul3A_1078 = arith.mulf %get3A_1077, %gather3A_1060 : vector<16xf32>
        %swap3A_1079 = arith.index_cast %add3A_1055 : i32 to index
        %swap3A_1080 = arith.constant 32 : index
        %swap3A_1081 = tpu.vector_load %arg10[%swap3A_1079, %swap3A_1080] {strides = array<i32>} : memref<128x128xf32, #tpu.memory_space<vmem>>, vector<16xf32>,
        tpu.vector_store %arg10[%swap3A_1079, %swap3A_1080], %mul3A_1078 {strides = array<i32>} : memref<128x128xf32, #tpu.memory_space<vmem>>, vector<16xf32>,
        %get3A_1082 = arith.index_cast %add3A_1055 : i32 to index
        %get3A_1083 = arith.constant 48 : index
        %get3A_1084 = tpu.vector_load %arg10[%get3A_1082, %get3A_1083] {strides = array<i32>} : memref<128x128xf32, #tpu.memory_space<vmem>>, vector<16xf32>,
        %mul3A_1085 = arith.mulf %get3A_1084, %gather3A_1060 : vector<16xf32>
        %swap3A_1086 = arith.index_cast %add3A_1055 : i32 to index
        %swap3A_1087 = arith.constant 48 : index
        %swap3A_1088 = tpu.vector_load %arg10[%swap3A_1086, %swap3A_1087] {strides = array<i32>} : memref<128x128xf32, #tpu.memory_space<vmem>>, vector<16xf32>,
        tpu.vector_store %arg10[%swap3A_1086, %swap3A_1087], %mul3A_1085 {strides = array<i32>} : memref<128x128xf32, #tpu.memory_space<vmem>>, vector<16xf32>,
        %broadcast_in_dim3A_1089 = arith.constant 128 : i32
        %broadcast_in_dim3A_1090 = vector.broadcast %broadcast_in_dim3A_1089 : i32 to vector<16xi32>
        %add3A_1091 = vector.broadcast %add3A_1055 : i32 to vector<16xi32>
        %add3A_1092 = arith.addi %broadcast_in_dim3A_1090, %add3A_1091 : vector<16xi32>
        %gather3A_1093 = tpu.vector_load_idx %arg11[%add3A_1092] : memref<256xf32, #tpu.memory_space<vmem>>[vector<16xi32>], vector<16xf32>,
        %get3A_1094 = arith.index_cast %add3A_1055 : i32 to index
        %get3A_1095 = arith.constant 64 : index
        %get3A_1096 = tpu.vector_load %arg10[%get3A_1094, %get3A_1095] {strides = array<i32>} : memref<128x128xf32, #tpu.memory_space<vmem>>, vector<16xf32>,
        %mul3A_1097 = arith.mulf %get3A_1096, %gather3A_1093 : vector<16xf32>
        %swap3A_1098 = arith.index_cast %add3A_1055 : i32 to index
        %swap3A_1099 = arith.constant 64 : index
        %swap3A_1100 = tpu.vector_load %arg10[%swap3A_1098, %swap3A_1099] {strides = array<i32>} : memref<128x128xf32, #tpu.memory_space<vmem>>, vector<16xf32>,
        tpu.vector_store %arg10[%swap3A_1098, %swap3A_1099], %mul3A_1097 {strides = array<i32>} : memref<128x128xf32, #tpu.memory_space<vmem>>, vector<16xf32>,
        %get3A_1101 = arith.index_cast %add3A_1055 : i32 to index
        %get3A_1102 = arith.constant 80 : index
        %get3A_1103 = tpu.vector_load %arg10[%get3A_1101, %get3A_1102] {strides = array<i32>} : memref<128x128xf32, #tpu.memory_space<vmem>>, vector<16xf32>,
        %mul3A_1104 = arith.mulf %get3A_1103, %gather3A_1093 : vector<16xf32>
        %swap3A_1105 = arith.index_cast %add3A_1055 : i32 to index
        %swap3A_1106 = arith.constant 80 : index
        %swap3A_1107 = tpu.vector_load %arg10[%swap3A_1105, %swap3A_1106] {strides = array<i32>} : memref<128x128xf32, #tpu.memory_space<vmem>>, vector<16xf32>,
        tpu.vector_store %arg10[%swap3A_1105, %swap3A_1106], %mul3A_1104 {strides = array<i32>} : memref<128x128xf32, #tpu.memory_space<vmem>>, vector<16xf32>,
        %get3A_1108 = arith.index_cast %add3A_1055 : i32 to index
        %get3A_1109 = arith.constant 96 : index
        %get3A_1110 = tpu.vector_load %arg10[%get3A_1108, %get3A_1109] {strides = array<i32>} : memref<128x128xf32, #tpu.memory_space<vmem>>, vector<16xf32>,
        %mul3A_1111 = arith.mulf %get3A_1110, %gather3A_1093 : vector<16xf32>
        %swap3A_1112 = arith.index_cast %add3A_1055 : i32 to index
        %swap3A_1113 = arith.constant 96 : index
        %swap3A_1114 = tpu.vector_load %arg10[%swap3A_1112, %swap3A_1113] {strides = array<i32>} : memref<128x128xf32, #tpu.memory_space<vmem>>, vector<16xf32>,
        tpu.vector_store %arg10[%swap3A_1112, %swap3A_1113], %mul3A_1111 {strides = array<i32>} : memref<128x128xf32, #tpu.memory_space<vmem>>, vector<16xf32>,
        %get3A_1115 = arith.index_cast %add3A_1055 : i32 to index
        %get3A_1116 = arith.constant 112 : index
        %get3A_1117 = tpu.vector_load %arg10[%get3A_1115, %get3A_1116] {strides = array<i32>} : memref<128x128xf32, #tpu.memory_space<vmem>>, vector<16xf32>,
        %mul3A_1118 = arith.mulf %get3A_1117, %gather3A_1093 : vector<16xf32>
        %swap3A_1119 = arith.index_cast %add3A_1055 : i32 to index
        %swap3A_1120 = arith.constant 112 : index
        %swap3A_1121 = tpu.vector_load %arg10[%swap3A_1119, %swap3A_1120] {strides = array<i32>} : memref<128x128xf32, #tpu.memory_space<vmem>>, vector<16xf32>,
        tpu.vector_store %arg10[%swap3A_1119, %swap3A_1120], %mul3A_1118 {strides = array<i32>} : memref<128x128xf32, #tpu.memory_space<vmem>>, vector<16xf32>,
        %mul3A_1122 = arith.constant 16 : i32
        %mul3A_1123 = arith.muli %scan3A_75, %mul3A_1122 : i32
        %add3A_1124 = arith.constant 15 : i32
        %add3A_1125 = arith.addi %mul3A_1123, %add3A_1124 : i32
        %broadcast_in_dim3A_1126 = arith.constant 0 : i32
        %broadcast_in_dim3A_1127 = vector.broadcast %broadcast_in_dim3A_1126 : i32 to vector<16xi32>
        %add3A_1128 = vector.broadcast %add3A_1125 : i32 to vector<16xi32>
        %add3A_1129 = arith.addi %broadcast_in_dim3A_1127, %add3A_1128 : vector<16xi32>
        %gather3A_1130 = tpu.vector_load_idx %arg11[%add3A_1129] : memref<256xf32, #tpu.memory_space<vmem>>[vector<16xi32>], vector<16xf32>,
        %get3A_1131 = arith.index_cast %add3A_1125 : i32 to index
        %get3A_1132 = arith.constant 0 : index
        %get3A_1133 = tpu.vector_load %arg10[%get3A_1131, %get3A_1132] {strides = array<i32>} : memref<128x128xf32, #tpu.memory_space<vmem>>, vector<16xf32>,
        %mul3A_1134 = arith.mulf %get3A_1133, %gather3A_1130 : vector<16xf32>
        %swap3A_1135 = arith.index_cast %add3A_1125 : i32 to index
        %swap3A_1136 = arith.constant 0 : index
        %swap3A_1137 = tpu.vector_load %arg10[%swap3A_1135, %swap3A_1136] {strides = array<i32>} : memref<128x128xf32, #tpu.memory_space<vmem>>, vector<16xf32>,
        tpu.vector_store %arg10[%swap3A_1135, %swap3A_1136], %mul3A_1134 {strides = array<i32>} : memref<128x128xf32, #tpu.memory_space<vmem>>, vector<16xf32>,
        %get3A_1138 = arith.index_cast %add3A_1125 : i32 to index
        %get3A_1139 = arith.constant 16 : index
        %get3A_1140 = tpu.vector_load %arg10[%get3A_1138, %get3A_1139] {strides = array<i32>} : memref<128x128xf32, #tpu.memory_space<vmem>>, vector<16xf32>,
        %mul3A_1141 = arith.mulf %get3A_1140, %gather3A_1130 : vector<16xf32>
        %swap3A_1142 = arith.index_cast %add3A_1125 : i32 to index
        %swap3A_1143 = arith.constant 16 : index
        %swap3A_1144 = tpu.vector_load %arg10[%swap3A_1142, %swap3A_1143] {strides = array<i32>} : memref<128x128xf32, #tpu.memory_space<vmem>>, vector<16xf32>,
        tpu.vector_store %arg10[%swap3A_1142, %swap3A_1143], %mul3A_1141 {strides = array<i32>} : memref<128x128xf32, #tpu.memory_space<vmem>>, vector<16xf32>,
        %get3A_1145 = arith.index_cast %add3A_1125 : i32 to index
        %get3A_1146 = arith.constant 32 : index
        %get3A_1147 = tpu.vector_load %arg10[%get3A_1145, %get3A_1146] {strides = array<i32>} : memref<128x128xf32, #tpu.memory_space<vmem>>, vector<16xf32>,
        %mul3A_1148 = arith.mulf %get3A_1147, %gather3A_1130 : vector<16xf32>
        %swap3A_1149 = arith.index_cast %add3A_1125 : i32 to index
        %swap3A_1150 = arith.constant 32 : index
        %swap3A_1151 = tpu.vector_load %arg10[%swap3A_1149, %swap3A_1150] {strides = array<i32>} : memref<128x128xf32, #tpu.memory_space<vmem>>, vector<16xf32>,
        tpu.vector_store %arg10[%swap3A_1149, %swap3A_1150], %mul3A_1148 {strides = array<i32>} : memref<128x128xf32, #tpu.memory_space<vmem>>, vector<16xf32>,
        %get3A_1152 = arith.index_cast %add3A_1125 : i32 to index
        %get3A_1153 = arith.constant 48 : index
        %get3A_1154 = tpu.vector_load %arg10[%get3A_1152, %get3A_1153] {strides = array<i32>} : memref<128x128xf32, #tpu.memory_space<vmem>>, vector<16xf32>,
        %mul3A_1155 = arith.mulf %get3A_1154, %gather3A_1130 : vector<16xf32>
        %swap3A_1156 = arith.index_cast %add3A_1125 : i32 to index
        %swap3A_1157 = arith.constant 48 : index
        %swap3A_1158 = tpu.vector_load %arg10[%swap3A_1156, %swap3A_1157] {strides = array<i32>} : memref<128x128xf32, #tpu.memory_space<vmem>>, vector<16xf32>,
        tpu.vector_store %arg10[%swap3A_1156, %swap3A_1157], %mul3A_1155 {strides = array<i32>} : memref<128x128xf32, #tpu.memory_space<vmem>>, vector<16xf32>,
        %broadcast_in_dim3A_1159 = arith.constant 128 : i32
        %broadcast_in_dim3A_1160 = vector.broadcast %broadcast_in_dim3A_1159 : i32 to vector<16xi32>
        %add3A_1161 = vector.broadcast %add3A_1125 : i32 to vector<16xi32>
        %add3A_1162 = arith.addi %broadcast_in_dim3A_1160, %add3A_1161 : vector<16xi32>
        %gather3A_1163 = tpu.vector_load_idx %arg11[%add3A_1162] : memref<256xf32, #tpu.memory_space<vmem>>[vector<16xi32>], vector<16xf32>,
        %get3A_1164 = arith.index_cast %add3A_1125 : i32 to index
        %get3A_1165 = arith.constant 64 : index
        %get3A_1166 = tpu.vector_load %arg10[%get3A_1164, %get3A_1165] {strides = array<i32>} : memref<128x128xf32, #tpu.memory_space<vmem>>, vector<16xf32>,
        %mul3A_1167 = arith.mulf %get3A_1166, %gather3A_1163 : vector<16xf32>
        %swap3A_1168 = arith.index_cast %add3A_1125 : i32 to index
        %swap3A_1169 = arith.constant 64 : index
        %swap3A_1170 = tpu.vector_load %arg10[%swap3A_1168, %swap3A_1169] {strides = array<i32>} : memref<128x128xf32, #tpu.memory_space<vmem>>, vector<16xf32>,
        tpu.vector_store %arg10[%swap3A_1168, %swap3A_1169], %mul3A_1167 {strides = array<i32>} : memref<128x128xf32, #tpu.memory_space<vmem>>, vector<16xf32>,
        %get3A_1171 = arith.index_cast %add3A_1125 : i32 to index
        %get3A_1172 = arith.constant 80 : index
        %get3A_1173 = tpu.vector_load %arg10[%get3A_1171, %get3A_1172] {strides = array<i32>} : memref<128x128xf32, #tpu.memory_space<vmem>>, vector<16xf32>,
        %mul3A_1174 = arith.mulf %get3A_1173, %gather3A_1163 : vector<16xf32>
        %swap3A_1175 = arith.index_cast %add3A_1125 : i32 to index
        %swap3A_1176 = arith.constant 80 : index
        %swap3A_1177 = tpu.vector_load %arg10[%swap3A_1175, %swap3A_1176] {strides = array<i32>} : memref<128x128xf32, #tpu.memory_space<vmem>>, vector<16xf32>,
        tpu.vector_store %arg10[%swap3A_1175, %swap3A_1176], %mul3A_1174 {strides = array<i32>} : memref<128x128xf32, #tpu.memory_space<vmem>>, vector<16xf32>,
        %get3A_1178 = arith.index_cast %add3A_1125 : i32 to index
        %get3A_1179 = arith.constant 96 : index
        %get3A_1180 = tpu.vector_load %arg10[%get3A_1178, %get3A_1179] {strides = array<i32>} : memref<128x128xf32, #tpu.memory_space<vmem>>, vector<16xf32>,
        %mul3A_1181 = arith.mulf %get3A_1180, %gather3A_1163 : vector<16xf32>
        %swap3A_1182 = arith.index_cast %add3A_1125 : i32 to index
        %swap3A_1183 = arith.constant 96 : index
        %swap3A_1184 = tpu.vector_load %arg10[%swap3A_1182, %swap3A_1183] {strides = array<i32>} : memref<128x128xf32, #tpu.memory_space<vmem>>, vector<16xf32>,
        tpu.vector_store %arg10[%swap3A_1182, %swap3A_1183], %mul3A_1181 {strides = array<i32>} : memref<128x128xf32, #tpu.memory_space<vmem>>, vector<16xf32>,
        %get3A_1185 = arith.index_cast %add3A_1125 : i32 to index
        %get3A_1186 = arith.constant 112 : index
        %get3A_1187 = tpu.vector_load %arg10[%get3A_1185, %get3A_1186] {strides = array<i32>} : memref<128x128xf32, #tpu.memory_space<vmem>>, vector<16xf32>,
        %mul3A_1188 = arith.mulf %get3A_1187, %gather3A_1163 : vector<16xf32>
        %swap3A_1189 = arith.index_cast %add3A_1125 : i32 to index
        %swap3A_1190 = arith.constant 112 : index
        %swap3A_1191 = tpu.vector_load %arg10[%swap3A_1189, %swap3A_1190] {strides = array<i32>} : memref<128x128xf32, #tpu.memory_space<vmem>>, vector<16xf32>,
        tpu.vector_store %arg10[%swap3A_1189, %swap3A_1190], %mul3A_1188 {strides = array<i32>} : memref<128x128xf32, #tpu.memory_space<vmem>>, vector<16xf32>,
      }
      %scan3A_74 = arith.constant 8 : i32
      "tpu.region"() ({
        %run_scoped3A = tpu.sem_alloc : memref<!tpu.dma_semaphore, #tpu.memory_space<semaphore_mem>>
        %dma_start3A_75 = arith.constant 0 : i32
        %dma_start3A_76 = arith.constant 0 : i32
        %dma_start3A_77 = tpu.memref_slice %arg12[%dma_start3A_75, %dma_start3A_76] : memref<10240x128xf32, #tpu.memory_space<vmem_shared>> -> memref<10240x128xf32, #tpu.memory_space<vmem_shared>>
        tpu.enqueue_indirect_dma source(%arg10 : memref<128x128xf32, #tpu.memory_space<vmem>>) target(%dma_start3A_77 : memref<10240x128xf32, #tpu.memory_space<vmem_shared>>) offsets(%arg9 : memref<128xi32, #tpu.memory_space<vmem>>) semaphore(%run_scoped3A : memref<!tpu.dma_semaphore, #tpu.memory_space<semaphore_mem>>) {add = true}
        %dma_wait3A_78 = arith.constant 0 : i32
        %dma_wait3A_79 = arith.constant 0 : i32
        %dma_wait3A_80 = tpu.memref_slice %arg12[%dma_wait3A_78, %dma_wait3A_79] : memref<10240x128xf32, #tpu.memory_space<vmem_shared>> -> memref<10240x128xf32, #tpu.memory_space<vmem_shared>>
        tpu.wait_indirect_dma semaphore(%run_scoped3A : memref<!tpu.dma_semaphore, #tpu.memory_space<semaphore_mem>>) src(%arg10 : memref<128x128xf32, #tpu.memory_space<vmem>>) dst(%dma_wait3A_80 : memref<10240x128xf32, #tpu.memory_space<vmem_shared>>)
        tpu.yield
      }) : () -> ()
    }
    %scan3A_9 = arith.constant 81 : i32
    %barrier3A_10 = arith.constant 0 : index
    tpu.barrier barrier_id(%barrier3A_10)
    "tpu.region"() ({
      %run_scoped3A = tpu.sem_alloc : memref<!tpu.dma_semaphore, #tpu.memory_space<semaphore_mem>>
      %dma_start3A = arith.constant 0 : i32
      %dma_start3A_11 = tpu.memref_slice %arg7[%arg0, %mul3A_2, %dma_start3A] : memref<2x10240x128xf32, #tpu.memory_space<hbm>> -> memref<1x640x128xf32, #tpu.memory_space<hbm>>
      %dma_start3A_12 = tpu.memref_squeeze %dma_start3A_11 : memref<1x640x128xf32, #tpu.memory_space<hbm>> -> memref<640x128xf32, #tpu.memory_space<hbm>>
      %dma_start3A_13 = arith.constant 0 : i32
      %dma_start3A_14 = tpu.memref_slice %arg12[%mul3A_2, %dma_start3A_13] : memref<10240x128xf32, #tpu.memory_space<vmem_shared>> -> memref<640x128xf32, #tpu.memory_space<vmem_shared>>
      tpu.enqueue_dma source(%dma_start3A_14 : memref<640x128xf32, #tpu.memory_space<vmem_shared>>) target(%dma_start3A_12 : memref<640x128xf32, #tpu.memory_space<hbm>>) target_semaphore(%run_scoped3A : memref<!tpu.dma_semaphore, #tpu.memory_space<semaphore_mem>>)
      %dma_wait3A = arith.constant 0 : i32
      %dma_wait3A_15 = tpu.memref_slice %arg7[%arg0, %mul3A_2, %dma_wait3A] : memref<2x10240x128xf32, #tpu.memory_space<hbm>> -> memref<1x640x128xf32, #tpu.memory_space<hbm>>
      %dma_wait3A_16 = tpu.memref_squeeze %dma_wait3A_15 : memref<1x640x128xf32, #tpu.memory_space<hbm>> -> memref<640x128xf32, #tpu.memory_space<hbm>>
      %dma_wait3A_17 = arith.constant 0 : i32
      %dma_wait3A_18 = tpu.memref_slice %arg12[%mul3A_2, %dma_wait3A_17] : memref<10240x128xf32, #tpu.memory_space<vmem_shared>> -> memref<640x128xf32, #tpu.memory_space<vmem_shared>>
      tpu.wait_dma2 semaphore(%run_scoped3A : memref<!tpu.dma_semaphore, #tpu.memory_space<semaphore_mem>>) src(%dma_wait3A_18 : memref<640x128xf32, #tpu.memory_space<vmem_shared>>) dst(%dma_wait3A_16 : memref<640x128xf32, #tpu.memory_space<hbm>>)
      tpu.yield
    }) : () -> ()
    return
  }
}

#map = affine_map<(d0, d1) -> (0, 0)>
#map1 = affine_map<(d0, d1) -> (0)>
#map2 = affine_map<(d0, d1) -> (0, 0, 0)>
module attributes {stable_mosaic.version = 14 : i64} {
  func.func @main_kernel(%arg0: i32, %arg1: i32, %arg2: memref<10008x128xf32, #tpu.memory_space<hbm>>, %arg3: memref<331776xf32, #tpu.memory_space<hbm>>, %arg4: memref<331776xi32, #tpu.memory_space<hbm>>, %arg5: memref<331776xi32, #tpu.memory_space<hbm>>, %arg6: memref<10240x128xf32, #tpu.memory_space<hbm>>, %arg7: memref<2x10240x128xf32, #tpu.memory_space<hbm>>, %arg8: memref<128xi32, #tpu.memory_space<vmem>>, %arg9: memref<128xi32, #tpu.memory_space<vmem>>, %arg10: memref<128x128xf32, #tpu.memory_space<vmem>>, %arg11: memref<128xf32, #tpu.memory_space<vmem>>, %arg12: memref<10240x128xf32, #tpu.memory_space<vmem_shared>>, %arg13: memref<!tpu.dma_semaphore, #tpu.memory_space<semaphore_mem>>, %arg14: memref<!tpu.dma_semaphore, #tpu.memory_space<semaphore_mem>>) attributes {dimension_semantics = [#tpu.dimension_semantics<core_parallel>, #tpu.dimension_semantics<subcore_parallel>], iteration_bounds = array<i64: 2, 16>, scalar_prefetch = 0 : i64, scratch_operands = 7 : i64, tpu.core_type = #tpu.core_type<sc_vector_subcore>, window_params = [{transform_indices = #map}, {transform_indices = #map1}, {transform_indices = #map1}, {transform_indices = #map1}, {transform_indices = #map}, {transform_indices = #map2}]} {
    %mul3A = arith.constant 16 : i32
    %mul3A_0 = arith.muli %arg0, %mul3A : i32
    %add3A = arith.addi %mul3A_0, %arg1 : i32
    %mul3A_1 = arith.constant 640 : i32
    %mul3A_2 = arith.muli %arg1, %mul3A_1 : i32
    "tpu.region"() ({
      %run_scoped3A = tpu.sem_alloc : memref<!tpu.dma_semaphore, #tpu.memory_space<semaphore_mem>>
      %dma_start3A = arith.constant 0 : i32
      %dma_start3A_11 = tpu.memref_slice %arg12[%mul3A_2, %dma_start3A] : memref<10240x128xf32, #tpu.memory_space<vmem_shared>> -> memref<640x128xf32, #tpu.memory_space<vmem_shared>>
      %dma_start3A_12 = arith.constant 0 : i32
      %dma_start3A_13 = tpu.memref_slice %arg6[%mul3A_2, %dma_start3A_12] : memref<10240x128xf32, #tpu.memory_space<hbm>> -> memref<640x128xf32, #tpu.memory_space<hbm>>
      tpu.enqueue_dma source(%dma_start3A_13 : memref<640x128xf32, #tpu.memory_space<hbm>>) target(%dma_start3A_11 : memref<640x128xf32, #tpu.memory_space<vmem_shared>>) target_semaphore(%run_scoped3A : memref<!tpu.dma_semaphore, #tpu.memory_space<semaphore_mem>>)
      %dma_wait3A = arith.constant 0 : i32
      %dma_wait3A_14 = tpu.memref_slice %arg12[%mul3A_2, %dma_wait3A] : memref<10240x128xf32, #tpu.memory_space<vmem_shared>> -> memref<640x128xf32, #tpu.memory_space<vmem_shared>>
      %dma_wait3A_15 = arith.constant 0 : i32
      %dma_wait3A_16 = tpu.memref_slice %arg6[%mul3A_2, %dma_wait3A_15] : memref<10240x128xf32, #tpu.memory_space<hbm>> -> memref<640x128xf32, #tpu.memory_space<hbm>>
      tpu.wait_dma2 semaphore(%run_scoped3A : memref<!tpu.dma_semaphore, #tpu.memory_space<semaphore_mem>>) src(%dma_wait3A_16 : memref<640x128xf32, #tpu.memory_space<hbm>>) dst(%dma_wait3A_14 : memref<640x128xf32, #tpu.memory_space<vmem_shared>>)
      tpu.yield
    }) : () -> ()
    %barrier3A = arith.constant 0 : index
    tpu.barrier barrier_id(%barrier3A)
    %mul3A_3 = arith.constant 10368 : i32
    %mul3A_4 = arith.muli %add3A, %mul3A_3 : i32
    %scan3A = arith.constant 0 : i32
    %scan3A_5 = arith.constant 0 : i32
    %scan3A_6 = arith.constant 81 : i32
    %scan3A_7 = arith.addi %scan3A_5, %scan3A_6 : i32
    %scan3A_8 = arith.constant 1 : i32
    scf.for %scan3A_11 = %scan3A_5 to %scan3A_7 step %scan3A_8  : i32 {
      %mul3A_12 = arith.constant 128 : i32
      %mul3A_13 = arith.muli %scan3A_11, %mul3A_12 : i32
      %add3A_14 = arith.addi %mul3A_4, %mul3A_13 : i32
      %dma_start3A = tpu.memref_slice %arg4[%add3A_14] : memref<331776xi32, #tpu.memory_space<hbm>> -> memref<128xi32, #tpu.memory_space<hbm>>
      %dma_start3A_15 = tpu.memref_slice %arg4[%add3A_14] : memref<331776xi32, #tpu.memory_space<hbm>> -> memref<128xi32, #tpu.memory_space<hbm>>
      tpu.enqueue_dma source(%dma_start3A_15 : memref<128xi32, #tpu.memory_space<hbm>>) target(%arg8 : memref<128xi32, #tpu.memory_space<vmem>>) target_semaphore(%arg14 : memref<!tpu.dma_semaphore, #tpu.memory_space<semaphore_mem>>)
      %dma_start3A_16 = tpu.memref_slice %arg5[%add3A_14] : memref<331776xi32, #tpu.memory_space<hbm>> -> memref<128xi32, #tpu.memory_space<hbm>>
      %dma_start3A_17 = tpu.memref_slice %arg5[%add3A_14] : memref<331776xi32, #tpu.memory_space<hbm>> -> memref<128xi32, #tpu.memory_space<hbm>>
      tpu.enqueue_dma source(%dma_start3A_17 : memref<128xi32, #tpu.memory_space<hbm>>) target(%arg9 : memref<128xi32, #tpu.memory_space<vmem>>) target_semaphore(%arg14 : memref<!tpu.dma_semaphore, #tpu.memory_space<semaphore_mem>>)
      %mul3A_18 = arith.constant 1 : i32
      %mul3A_19 = arith.muli %add3A, %mul3A_18 : i32
      %mul3A_20 = arith.constant 10368 : i32
      %mul3A_21 = arith.muli %mul3A_19, %mul3A_20 : i32
      %add3A_22 = arith.constant 0 : i32
      %add3A_23 = arith.addi %mul3A_21, %add3A_22 : i32
      %mul3A_24 = arith.constant 128 : i32
      %mul3A_25 = arith.muli %scan3A_11, %mul3A_24 : i32
      %add3A_26 = arith.addi %add3A_23, %mul3A_25 : i32
      %dma_start3A_27 = arith.constant 0 : i32
      %dma_start3A_28 = tpu.memref_slice %arg11[%dma_start3A_27] : memref<128xf32, #tpu.memory_space<vmem>> -> memref<128xf32, #tpu.memory_space<vmem>>
      %dma_start3A_29 = tpu.memref_slice %arg3[%add3A_26] : memref<331776xf32, #tpu.memory_space<hbm>> -> memref<128xf32, #tpu.memory_space<hbm>>
      %dma_start3A_30 = arith.constant 0 : i32
      %dma_start3A_31 = tpu.memref_slice %arg11[%dma_start3A_30] : memref<128xf32, #tpu.memory_space<vmem>> -> memref<128xf32, #tpu.memory_space<vmem>>
      %dma_start3A_32 = tpu.memref_slice %arg3[%add3A_26] : memref<331776xf32, #tpu.memory_space<hbm>> -> memref<128xf32, #tpu.memory_space<hbm>>
      tpu.enqueue_dma source(%dma_start3A_32 : memref<128xf32, #tpu.memory_space<hbm>>) target(%dma_start3A_31 : memref<128xf32, #tpu.memory_space<vmem>>) target_semaphore(%arg14 : memref<!tpu.dma_semaphore, #tpu.memory_space<semaphore_mem>>)
      %dma_wait3A = tpu.memref_slice %arg4[%add3A_14] : memref<331776xi32, #tpu.memory_space<hbm>> -> memref<128xi32, #tpu.memory_space<hbm>>
      %dma_wait3A_33 = tpu.memref_slice %arg4[%add3A_14] : memref<331776xi32, #tpu.memory_space<hbm>> -> memref<128xi32, #tpu.memory_space<hbm>>
      tpu.wait_dma2 semaphore(%arg14 : memref<!tpu.dma_semaphore, #tpu.memory_space<semaphore_mem>>) src(%dma_wait3A_33 : memref<128xi32, #tpu.memory_space<hbm>>) dst(%arg8 : memref<128xi32, #tpu.memory_space<vmem>>)
      %dma_start3A_34 = arith.constant 0 : i32
      %dma_start3A_35 = arith.constant 0 : i32
      %dma_start3A_36 = tpu.memref_slice %arg2[%dma_start3A_34, %dma_start3A_35] : memref<10008x128xf32, #tpu.memory_space<hbm>> -> memref<10008x128xf32, #tpu.memory_space<hbm>>
      tpu.enqueue_indirect_dma source(%dma_start3A_36 : memref<10008x128xf32, #tpu.memory_space<hbm>>) target(%arg10 : memref<128x128xf32, #tpu.memory_space<vmem>>) offsets(%arg8 : memref<128xi32, #tpu.memory_space<vmem>>) semaphore(%arg13 : memref<!tpu.dma_semaphore, #tpu.memory_space<semaphore_mem>>)
      %dma_wait3A_37 = tpu.memref_slice %arg5[%add3A_14] : memref<331776xi32, #tpu.memory_space<hbm>> -> memref<128xi32, #tpu.memory_space<hbm>>
      %dma_wait3A_38 = tpu.memref_slice %arg5[%add3A_14] : memref<331776xi32, #tpu.memory_space<hbm>> -> memref<128xi32, #tpu.memory_space<hbm>>
      tpu.wait_dma2 semaphore(%arg14 : memref<!tpu.dma_semaphore, #tpu.memory_space<semaphore_mem>>) src(%dma_wait3A_38 : memref<128xi32, #tpu.memory_space<hbm>>) dst(%arg9 : memref<128xi32, #tpu.memory_space<vmem>>)
      %dma_wait3A_39 = arith.constant 0 : i32
      %dma_wait3A_40 = tpu.memref_slice %arg11[%dma_wait3A_39] : memref<128xf32, #tpu.memory_space<vmem>> -> memref<128xf32, #tpu.memory_space<vmem>>
      %dma_wait3A_41 = tpu.memref_slice %arg3[%add3A_26] : memref<331776xf32, #tpu.memory_space<hbm>> -> memref<128xf32, #tpu.memory_space<hbm>>
      %dma_wait3A_42 = arith.constant 0 : i32
      %dma_wait3A_43 = tpu.memref_slice %arg11[%dma_wait3A_42] : memref<128xf32, #tpu.memory_space<vmem>> -> memref<128xf32, #tpu.memory_space<vmem>>
      %dma_wait3A_44 = tpu.memref_slice %arg3[%add3A_26] : memref<331776xf32, #tpu.memory_space<hbm>> -> memref<128xf32, #tpu.memory_space<hbm>>
      tpu.wait_dma2 semaphore(%arg14 : memref<!tpu.dma_semaphore, #tpu.memory_space<semaphore_mem>>) src(%dma_wait3A_44 : memref<128xf32, #tpu.memory_space<hbm>>) dst(%dma_wait3A_43 : memref<128xf32, #tpu.memory_space<vmem>>)
      %dma_wait3A_45 = arith.constant 0 : i32
      %dma_wait3A_46 = arith.constant 0 : i32
      %dma_wait3A_47 = tpu.memref_slice %arg2[%dma_wait3A_45, %dma_wait3A_46] : memref<10008x128xf32, #tpu.memory_space<hbm>> -> memref<10008x128xf32, #tpu.memory_space<hbm>>
      tpu.wait_indirect_dma semaphore(%arg13 : memref<!tpu.dma_semaphore, #tpu.memory_space<semaphore_mem>>) src(%dma_wait3A_47 : memref<10008x128xf32, #tpu.memory_space<hbm>>) dst(%arg10 : memref<128x128xf32, #tpu.memory_space<vmem>>)
      %scan3A_48 = arith.constant 0 : i32
      %scan3A_49 = arith.constant 0 : i32
      %scan3A_50 = arith.constant 8 : i32
      %scan3A_51 = arith.addi %scan3A_49, %scan3A_50 : i32
      %scan3A_52 = arith.constant 1 : i32
      scf.for %scan3A_54 = %scan3A_49 to %scan3A_51 step %scan3A_52  : i32 {
        %mul3A_55 = arith.constant 16 : i32
        %mul3A_56 = arith.muli %scan3A_54, %mul3A_55 : i32
        %add3A_57 = arith.constant 0 : i32
        %add3A_58 = arith.addi %mul3A_56, %add3A_57 : i32
        %broadcast_in_dim3A = arith.constant 0 : i32
        %broadcast_in_dim3A_59 = vector.broadcast %broadcast_in_dim3A : i32 to vector<16xi32>
        %add3A_60 = vector.broadcast %add3A_58 : i32 to vector<16xi32>
        %add3A_61 = arith.addi %broadcast_in_dim3A_59, %add3A_60 : vector<16xi32>
        %gather3A = tpu.vector_load_idx %arg11[%add3A_61] : memref<128xf32, #tpu.memory_space<vmem>>[vector<16xi32>], vector<16xf32>,
        %get3A = arith.index_cast %add3A_58 : i32 to index
        %get3A_62 = arith.constant 0 : index
        %get3A_63 = tpu.vector_load %arg10[%get3A, %get3A_62] {strides = array<i32>} : memref<128x128xf32, #tpu.memory_space<vmem>>, vector<16xf32>,
        %mul3A_64 = arith.mulf %get3A_63, %gather3A : vector<16xf32>
        %swap3A = arith.index_cast %add3A_58 : i32 to index
        %swap3A_65 = arith.constant 0 : index
        %swap3A_66 = tpu.vector_load %arg10[%swap3A, %swap3A_65] {strides = array<i32>} : memref<128x128xf32, #tpu.memory_space<vmem>>, vector<16xf32>,
        tpu.vector_store %arg10[%swap3A, %swap3A_65], %mul3A_64 {strides = array<i32>} : memref<128x128xf32, #tpu.memory_space<vmem>>, vector<16xf32>,
        %get3A_67 = arith.index_cast %add3A_58 : i32 to index
        %get3A_68 = arith.constant 16 : index
        %get3A_69 = tpu.vector_load %arg10[%get3A_67, %get3A_68] {strides = array<i32>} : memref<128x128xf32, #tpu.memory_space<vmem>>, vector<16xf32>,
        %mul3A_70 = arith.mulf %get3A_69, %gather3A : vector<16xf32>
        %swap3A_71 = arith.index_cast %add3A_58 : i32 to index
        %swap3A_72 = arith.constant 16 : index
        %swap3A_73 = tpu.vector_load %arg10[%swap3A_71, %swap3A_72] {strides = array<i32>} : memref<128x128xf32, #tpu.memory_space<vmem>>, vector<16xf32>,
        tpu.vector_store %arg10[%swap3A_71, %swap3A_72], %mul3A_70 {strides = array<i32>} : memref<128x128xf32, #tpu.memory_space<vmem>>, vector<16xf32>,
        %get3A_74 = arith.index_cast %add3A_58 : i32 to index
        %get3A_75 = arith.constant 32 : index
        %get3A_76 = tpu.vector_load %arg10[%get3A_74, %get3A_75] {strides = array<i32>} : memref<128x128xf32, #tpu.memory_space<vmem>>, vector<16xf32>,
        %mul3A_77 = arith.mulf %get3A_76, %gather3A : vector<16xf32>
        %swap3A_78 = arith.index_cast %add3A_58 : i32 to index
        %swap3A_79 = arith.constant 32 : index
        %swap3A_80 = tpu.vector_load %arg10[%swap3A_78, %swap3A_79] {strides = array<i32>} : memref<128x128xf32, #tpu.memory_space<vmem>>, vector<16xf32>,
        tpu.vector_store %arg10[%swap3A_78, %swap3A_79], %mul3A_77 {strides = array<i32>} : memref<128x128xf32, #tpu.memory_space<vmem>>, vector<16xf32>,
        %get3A_81 = arith.index_cast %add3A_58 : i32 to index
        %get3A_82 = arith.constant 48 : index
        %get3A_83 = tpu.vector_load %arg10[%get3A_81, %get3A_82] {strides = array<i32>} : memref<128x128xf32, #tpu.memory_space<vmem>>, vector<16xf32>,
        %mul3A_84 = arith.mulf %get3A_83, %gather3A : vector<16xf32>
        %swap3A_85 = arith.index_cast %add3A_58 : i32 to index
        %swap3A_86 = arith.constant 48 : index
        %swap3A_87 = tpu.vector_load %arg10[%swap3A_85, %swap3A_86] {strides = array<i32>} : memref<128x128xf32, #tpu.memory_space<vmem>>, vector<16xf32>,
        tpu.vector_store %arg10[%swap3A_85, %swap3A_86], %mul3A_84 {strides = array<i32>} : memref<128x128xf32, #tpu.memory_space<vmem>>, vector<16xf32>,
        %get3A_88 = arith.index_cast %add3A_58 : i32 to index
        %get3A_89 = arith.constant 64 : index
        %get3A_90 = tpu.vector_load %arg10[%get3A_88, %get3A_89] {strides = array<i32>} : memref<128x128xf32, #tpu.memory_space<vmem>>, vector<16xf32>,
        %mul3A_91 = arith.mulf %get3A_90, %gather3A : vector<16xf32>
        %swap3A_92 = arith.index_cast %add3A_58 : i32 to index
        %swap3A_93 = arith.constant 64 : index
        %swap3A_94 = tpu.vector_load %arg10[%swap3A_92, %swap3A_93] {strides = array<i32>} : memref<128x128xf32, #tpu.memory_space<vmem>>, vector<16xf32>,
        tpu.vector_store %arg10[%swap3A_92, %swap3A_93], %mul3A_91 {strides = array<i32>} : memref<128x128xf32, #tpu.memory_space<vmem>>, vector<16xf32>,
        %get3A_95 = arith.index_cast %add3A_58 : i32 to index
        %get3A_96 = arith.constant 80 : index
        %get3A_97 = tpu.vector_load %arg10[%get3A_95, %get3A_96] {strides = array<i32>} : memref<128x128xf32, #tpu.memory_space<vmem>>, vector<16xf32>,
        %mul3A_98 = arith.mulf %get3A_97, %gather3A : vector<16xf32>
        %swap3A_99 = arith.index_cast %add3A_58 : i32 to index
        %swap3A_100 = arith.constant 80 : index
        %swap3A_101 = tpu.vector_load %arg10[%swap3A_99, %swap3A_100] {strides = array<i32>} : memref<128x128xf32, #tpu.memory_space<vmem>>, vector<16xf32>,
        tpu.vector_store %arg10[%swap3A_99, %swap3A_100], %mul3A_98 {strides = array<i32>} : memref<128x128xf32, #tpu.memory_space<vmem>>, vector<16xf32>,
        %get3A_102 = arith.index_cast %add3A_58 : i32 to index
        %get3A_103 = arith.constant 96 : index
        %get3A_104 = tpu.vector_load %arg10[%get3A_102, %get3A_103] {strides = array<i32>} : memref<128x128xf32, #tpu.memory_space<vmem>>, vector<16xf32>,
        %mul3A_105 = arith.mulf %get3A_104, %gather3A : vector<16xf32>
        %swap3A_106 = arith.index_cast %add3A_58 : i32 to index
        %swap3A_107 = arith.constant 96 : index
        %swap3A_108 = tpu.vector_load %arg10[%swap3A_106, %swap3A_107] {strides = array<i32>} : memref<128x128xf32, #tpu.memory_space<vmem>>, vector<16xf32>,
        tpu.vector_store %arg10[%swap3A_106, %swap3A_107], %mul3A_105 {strides = array<i32>} : memref<128x128xf32, #tpu.memory_space<vmem>>, vector<16xf32>,
        %get3A_109 = arith.index_cast %add3A_58 : i32 to index
        %get3A_110 = arith.constant 112 : index
        %get3A_111 = tpu.vector_load %arg10[%get3A_109, %get3A_110] {strides = array<i32>} : memref<128x128xf32, #tpu.memory_space<vmem>>, vector<16xf32>,
        %mul3A_112 = arith.mulf %get3A_111, %gather3A : vector<16xf32>
        %swap3A_113 = arith.index_cast %add3A_58 : i32 to index
        %swap3A_114 = arith.constant 112 : index
        %swap3A_115 = tpu.vector_load %arg10[%swap3A_113, %swap3A_114] {strides = array<i32>} : memref<128x128xf32, #tpu.memory_space<vmem>>, vector<16xf32>,
        tpu.vector_store %arg10[%swap3A_113, %swap3A_114], %mul3A_112 {strides = array<i32>} : memref<128x128xf32, #tpu.memory_space<vmem>>, vector<16xf32>,
        %mul3A_116 = arith.constant 16 : i32
        %mul3A_117 = arith.muli %scan3A_54, %mul3A_116 : i32
        %add3A_118 = arith.constant 1 : i32
        %add3A_119 = arith.addi %mul3A_117, %add3A_118 : i32
        %broadcast_in_dim3A_120 = arith.constant 0 : i32
        %broadcast_in_dim3A_121 = vector.broadcast %broadcast_in_dim3A_120 : i32 to vector<16xi32>
        %add3A_122 = vector.broadcast %add3A_119 : i32 to vector<16xi32>
        %add3A_123 = arith.addi %broadcast_in_dim3A_121, %add3A_122 : vector<16xi32>
        %gather3A_124 = tpu.vector_load_idx %arg11[%add3A_123] : memref<128xf32, #tpu.memory_space<vmem>>[vector<16xi32>], vector<16xf32>,
        %get3A_125 = arith.index_cast %add3A_119 : i32 to index
        %get3A_126 = arith.constant 0 : index
        %get3A_127 = tpu.vector_load %arg10[%get3A_125, %get3A_126] {strides = array<i32>} : memref<128x128xf32, #tpu.memory_space<vmem>>, vector<16xf32>,
        %mul3A_128 = arith.mulf %get3A_127, %gather3A_124 : vector<16xf32>
        %swap3A_129 = arith.index_cast %add3A_119 : i32 to index
        %swap3A_130 = arith.constant 0 : index
        %swap3A_131 = tpu.vector_load %arg10[%swap3A_129, %swap3A_130] {strides = array<i32>} : memref<128x128xf32, #tpu.memory_space<vmem>>, vector<16xf32>,
        tpu.vector_store %arg10[%swap3A_129, %swap3A_130], %mul3A_128 {strides = array<i32>} : memref<128x128xf32, #tpu.memory_space<vmem>>, vector<16xf32>,
        %get3A_132 = arith.index_cast %add3A_119 : i32 to index
        %get3A_133 = arith.constant 16 : index
        %get3A_134 = tpu.vector_load %arg10[%get3A_132, %get3A_133] {strides = array<i32>} : memref<128x128xf32, #tpu.memory_space<vmem>>, vector<16xf32>,
        %mul3A_135 = arith.mulf %get3A_134, %gather3A_124 : vector<16xf32>
        %swap3A_136 = arith.index_cast %add3A_119 : i32 to index
        %swap3A_137 = arith.constant 16 : index
        %swap3A_138 = tpu.vector_load %arg10[%swap3A_136, %swap3A_137] {strides = array<i32>} : memref<128x128xf32, #tpu.memory_space<vmem>>, vector<16xf32>,
        tpu.vector_store %arg10[%swap3A_136, %swap3A_137], %mul3A_135 {strides = array<i32>} : memref<128x128xf32, #tpu.memory_space<vmem>>, vector<16xf32>,
        %get3A_139 = arith.index_cast %add3A_119 : i32 to index
        %get3A_140 = arith.constant 32 : index
        %get3A_141 = tpu.vector_load %arg10[%get3A_139, %get3A_140] {strides = array<i32>} : memref<128x128xf32, #tpu.memory_space<vmem>>, vector<16xf32>,
        %mul3A_142 = arith.mulf %get3A_141, %gather3A_124 : vector<16xf32>
        %swap3A_143 = arith.index_cast %add3A_119 : i32 to index
        %swap3A_144 = arith.constant 32 : index
        %swap3A_145 = tpu.vector_load %arg10[%swap3A_143, %swap3A_144] {strides = array<i32>} : memref<128x128xf32, #tpu.memory_space<vmem>>, vector<16xf32>,
        tpu.vector_store %arg10[%swap3A_143, %swap3A_144], %mul3A_142 {strides = array<i32>} : memref<128x128xf32, #tpu.memory_space<vmem>>, vector<16xf32>,
        %get3A_146 = arith.index_cast %add3A_119 : i32 to index
        %get3A_147 = arith.constant 48 : index
        %get3A_148 = tpu.vector_load %arg10[%get3A_146, %get3A_147] {strides = array<i32>} : memref<128x128xf32, #tpu.memory_space<vmem>>, vector<16xf32>,
        %mul3A_149 = arith.mulf %get3A_148, %gather3A_124 : vector<16xf32>
        %swap3A_150 = arith.index_cast %add3A_119 : i32 to index
        %swap3A_151 = arith.constant 48 : index
        %swap3A_152 = tpu.vector_load %arg10[%swap3A_150, %swap3A_151] {strides = array<i32>} : memref<128x128xf32, #tpu.memory_space<vmem>>, vector<16xf32>,
        tpu.vector_store %arg10[%swap3A_150, %swap3A_151], %mul3A_149 {strides = array<i32>} : memref<128x128xf32, #tpu.memory_space<vmem>>, vector<16xf32>,
        %get3A_153 = arith.index_cast %add3A_119 : i32 to index
        %get3A_154 = arith.constant 64 : index
        %get3A_155 = tpu.vector_load %arg10[%get3A_153, %get3A_154] {strides = array<i32>} : memref<128x128xf32, #tpu.memory_space<vmem>>, vector<16xf32>,
        %mul3A_156 = arith.mulf %get3A_155, %gather3A_124 : vector<16xf32>
        %swap3A_157 = arith.index_cast %add3A_119 : i32 to index
        %swap3A_158 = arith.constant 64 : index
        %swap3A_159 = tpu.vector_load %arg10[%swap3A_157, %swap3A_158] {strides = array<i32>} : memref<128x128xf32, #tpu.memory_space<vmem>>, vector<16xf32>,
        tpu.vector_store %arg10[%swap3A_157, %swap3A_158], %mul3A_156 {strides = array<i32>} : memref<128x128xf32, #tpu.memory_space<vmem>>, vector<16xf32>,
        %get3A_160 = arith.index_cast %add3A_119 : i32 to index
        %get3A_161 = arith.constant 80 : index
        %get3A_162 = tpu.vector_load %arg10[%get3A_160, %get3A_161] {strides = array<i32>} : memref<128x128xf32, #tpu.memory_space<vmem>>, vector<16xf32>,
        %mul3A_163 = arith.mulf %get3A_162, %gather3A_124 : vector<16xf32>
        %swap3A_164 = arith.index_cast %add3A_119 : i32 to index
        %swap3A_165 = arith.constant 80 : index
        %swap3A_166 = tpu.vector_load %arg10[%swap3A_164, %swap3A_165] {strides = array<i32>} : memref<128x128xf32, #tpu.memory_space<vmem>>, vector<16xf32>,
        tpu.vector_store %arg10[%swap3A_164, %swap3A_165], %mul3A_163 {strides = array<i32>} : memref<128x128xf32, #tpu.memory_space<vmem>>, vector<16xf32>,
        %get3A_167 = arith.index_cast %add3A_119 : i32 to index
        %get3A_168 = arith.constant 96 : index
        %get3A_169 = tpu.vector_load %arg10[%get3A_167, %get3A_168] {strides = array<i32>} : memref<128x128xf32, #tpu.memory_space<vmem>>, vector<16xf32>,
        %mul3A_170 = arith.mulf %get3A_169, %gather3A_124 : vector<16xf32>
        %swap3A_171 = arith.index_cast %add3A_119 : i32 to index
        %swap3A_172 = arith.constant 96 : index
        %swap3A_173 = tpu.vector_load %arg10[%swap3A_171, %swap3A_172] {strides = array<i32>} : memref<128x128xf32, #tpu.memory_space<vmem>>, vector<16xf32>,
        tpu.vector_store %arg10[%swap3A_171, %swap3A_172], %mul3A_170 {strides = array<i32>} : memref<128x128xf32, #tpu.memory_space<vmem>>, vector<16xf32>,
        %get3A_174 = arith.index_cast %add3A_119 : i32 to index
        %get3A_175 = arith.constant 112 : index
        %get3A_176 = tpu.vector_load %arg10[%get3A_174, %get3A_175] {strides = array<i32>} : memref<128x128xf32, #tpu.memory_space<vmem>>, vector<16xf32>,
        %mul3A_177 = arith.mulf %get3A_176, %gather3A_124 : vector<16xf32>
        %swap3A_178 = arith.index_cast %add3A_119 : i32 to index
        %swap3A_179 = arith.constant 112 : index
        %swap3A_180 = tpu.vector_load %arg10[%swap3A_178, %swap3A_179] {strides = array<i32>} : memref<128x128xf32, #tpu.memory_space<vmem>>, vector<16xf32>,
        tpu.vector_store %arg10[%swap3A_178, %swap3A_179], %mul3A_177 {strides = array<i32>} : memref<128x128xf32, #tpu.memory_space<vmem>>, vector<16xf32>,
        %mul3A_181 = arith.constant 16 : i32
        %mul3A_182 = arith.muli %scan3A_54, %mul3A_181 : i32
        %add3A_183 = arith.constant 2 : i32
        %add3A_184 = arith.addi %mul3A_182, %add3A_183 : i32
        %broadcast_in_dim3A_185 = arith.constant 0 : i32
        %broadcast_in_dim3A_186 = vector.broadcast %broadcast_in_dim3A_185 : i32 to vector<16xi32>
        %add3A_187 = vector.broadcast %add3A_184 : i32 to vector<16xi32>
        %add3A_188 = arith.addi %broadcast_in_dim3A_186, %add3A_187 : vector<16xi32>
        %gather3A_189 = tpu.vector_load_idx %arg11[%add3A_188] : memref<128xf32, #tpu.memory_space<vmem>>[vector<16xi32>], vector<16xf32>,
        %get3A_190 = arith.index_cast %add3A_184 : i32 to index
        %get3A_191 = arith.constant 0 : index
        %get3A_192 = tpu.vector_load %arg10[%get3A_190, %get3A_191] {strides = array<i32>} : memref<128x128xf32, #tpu.memory_space<vmem>>, vector<16xf32>,
        %mul3A_193 = arith.mulf %get3A_192, %gather3A_189 : vector<16xf32>
        %swap3A_194 = arith.index_cast %add3A_184 : i32 to index
        %swap3A_195 = arith.constant 0 : index
        %swap3A_196 = tpu.vector_load %arg10[%swap3A_194, %swap3A_195] {strides = array<i32>} : memref<128x128xf32, #tpu.memory_space<vmem>>, vector<16xf32>,
        tpu.vector_store %arg10[%swap3A_194, %swap3A_195], %mul3A_193 {strides = array<i32>} : memref<128x128xf32, #tpu.memory_space<vmem>>, vector<16xf32>,
        %get3A_197 = arith.index_cast %add3A_184 : i32 to index
        %get3A_198 = arith.constant 16 : index
        %get3A_199 = tpu.vector_load %arg10[%get3A_197, %get3A_198] {strides = array<i32>} : memref<128x128xf32, #tpu.memory_space<vmem>>, vector<16xf32>,
        %mul3A_200 = arith.mulf %get3A_199, %gather3A_189 : vector<16xf32>
        %swap3A_201 = arith.index_cast %add3A_184 : i32 to index
        %swap3A_202 = arith.constant 16 : index
        %swap3A_203 = tpu.vector_load %arg10[%swap3A_201, %swap3A_202] {strides = array<i32>} : memref<128x128xf32, #tpu.memory_space<vmem>>, vector<16xf32>,
        tpu.vector_store %arg10[%swap3A_201, %swap3A_202], %mul3A_200 {strides = array<i32>} : memref<128x128xf32, #tpu.memory_space<vmem>>, vector<16xf32>,
        %get3A_204 = arith.index_cast %add3A_184 : i32 to index
        %get3A_205 = arith.constant 32 : index
        %get3A_206 = tpu.vector_load %arg10[%get3A_204, %get3A_205] {strides = array<i32>} : memref<128x128xf32, #tpu.memory_space<vmem>>, vector<16xf32>,
        %mul3A_207 = arith.mulf %get3A_206, %gather3A_189 : vector<16xf32>
        %swap3A_208 = arith.index_cast %add3A_184 : i32 to index
        %swap3A_209 = arith.constant 32 : index
        %swap3A_210 = tpu.vector_load %arg10[%swap3A_208, %swap3A_209] {strides = array<i32>} : memref<128x128xf32, #tpu.memory_space<vmem>>, vector<16xf32>,
        tpu.vector_store %arg10[%swap3A_208, %swap3A_209], %mul3A_207 {strides = array<i32>} : memref<128x128xf32, #tpu.memory_space<vmem>>, vector<16xf32>,
        %get3A_211 = arith.index_cast %add3A_184 : i32 to index
        %get3A_212 = arith.constant 48 : index
        %get3A_213 = tpu.vector_load %arg10[%get3A_211, %get3A_212] {strides = array<i32>} : memref<128x128xf32, #tpu.memory_space<vmem>>, vector<16xf32>,
        %mul3A_214 = arith.mulf %get3A_213, %gather3A_189 : vector<16xf32>
        %swap3A_215 = arith.index_cast %add3A_184 : i32 to index
        %swap3A_216 = arith.constant 48 : index
        %swap3A_217 = tpu.vector_load %arg10[%swap3A_215, %swap3A_216] {strides = array<i32>} : memref<128x128xf32, #tpu.memory_space<vmem>>, vector<16xf32>,
        tpu.vector_store %arg10[%swap3A_215, %swap3A_216], %mul3A_214 {strides = array<i32>} : memref<128x128xf32, #tpu.memory_space<vmem>>, vector<16xf32>,
        %get3A_218 = arith.index_cast %add3A_184 : i32 to index
        %get3A_219 = arith.constant 64 : index
        %get3A_220 = tpu.vector_load %arg10[%get3A_218, %get3A_219] {strides = array<i32>} : memref<128x128xf32, #tpu.memory_space<vmem>>, vector<16xf32>,
        %mul3A_221 = arith.mulf %get3A_220, %gather3A_189 : vector<16xf32>
        %swap3A_222 = arith.index_cast %add3A_184 : i32 to index
        %swap3A_223 = arith.constant 64 : index
        %swap3A_224 = tpu.vector_load %arg10[%swap3A_222, %swap3A_223] {strides = array<i32>} : memref<128x128xf32, #tpu.memory_space<vmem>>, vector<16xf32>,
        tpu.vector_store %arg10[%swap3A_222, %swap3A_223], %mul3A_221 {strides = array<i32>} : memref<128x128xf32, #tpu.memory_space<vmem>>, vector<16xf32>,
        %get3A_225 = arith.index_cast %add3A_184 : i32 to index
        %get3A_226 = arith.constant 80 : index
        %get3A_227 = tpu.vector_load %arg10[%get3A_225, %get3A_226] {strides = array<i32>} : memref<128x128xf32, #tpu.memory_space<vmem>>, vector<16xf32>,
        %mul3A_228 = arith.mulf %get3A_227, %gather3A_189 : vector<16xf32>
        %swap3A_229 = arith.index_cast %add3A_184 : i32 to index
        %swap3A_230 = arith.constant 80 : index
        %swap3A_231 = tpu.vector_load %arg10[%swap3A_229, %swap3A_230] {strides = array<i32>} : memref<128x128xf32, #tpu.memory_space<vmem>>, vector<16xf32>,
        tpu.vector_store %arg10[%swap3A_229, %swap3A_230], %mul3A_228 {strides = array<i32>} : memref<128x128xf32, #tpu.memory_space<vmem>>, vector<16xf32>,
        %get3A_232 = arith.index_cast %add3A_184 : i32 to index
        %get3A_233 = arith.constant 96 : index
        %get3A_234 = tpu.vector_load %arg10[%get3A_232, %get3A_233] {strides = array<i32>} : memref<128x128xf32, #tpu.memory_space<vmem>>, vector<16xf32>,
        %mul3A_235 = arith.mulf %get3A_234, %gather3A_189 : vector<16xf32>
        %swap3A_236 = arith.index_cast %add3A_184 : i32 to index
        %swap3A_237 = arith.constant 96 : index
        %swap3A_238 = tpu.vector_load %arg10[%swap3A_236, %swap3A_237] {strides = array<i32>} : memref<128x128xf32, #tpu.memory_space<vmem>>, vector<16xf32>,
        tpu.vector_store %arg10[%swap3A_236, %swap3A_237], %mul3A_235 {strides = array<i32>} : memref<128x128xf32, #tpu.memory_space<vmem>>, vector<16xf32>,
        %get3A_239 = arith.index_cast %add3A_184 : i32 to index
        %get3A_240 = arith.constant 112 : index
        %get3A_241 = tpu.vector_load %arg10[%get3A_239, %get3A_240] {strides = array<i32>} : memref<128x128xf32, #tpu.memory_space<vmem>>, vector<16xf32>,
        %mul3A_242 = arith.mulf %get3A_241, %gather3A_189 : vector<16xf32>
        %swap3A_243 = arith.index_cast %add3A_184 : i32 to index
        %swap3A_244 = arith.constant 112 : index
        %swap3A_245 = tpu.vector_load %arg10[%swap3A_243, %swap3A_244] {strides = array<i32>} : memref<128x128xf32, #tpu.memory_space<vmem>>, vector<16xf32>,
        tpu.vector_store %arg10[%swap3A_243, %swap3A_244], %mul3A_242 {strides = array<i32>} : memref<128x128xf32, #tpu.memory_space<vmem>>, vector<16xf32>,
        %mul3A_246 = arith.constant 16 : i32
        %mul3A_247 = arith.muli %scan3A_54, %mul3A_246 : i32
        %add3A_248 = arith.constant 3 : i32
        %add3A_249 = arith.addi %mul3A_247, %add3A_248 : i32
        %broadcast_in_dim3A_250 = arith.constant 0 : i32
        %broadcast_in_dim3A_251 = vector.broadcast %broadcast_in_dim3A_250 : i32 to vector<16xi32>
        %add3A_252 = vector.broadcast %add3A_249 : i32 to vector<16xi32>
        %add3A_253 = arith.addi %broadcast_in_dim3A_251, %add3A_252 : vector<16xi32>
        %gather3A_254 = tpu.vector_load_idx %arg11[%add3A_253] : memref<128xf32, #tpu.memory_space<vmem>>[vector<16xi32>], vector<16xf32>,
        %get3A_255 = arith.index_cast %add3A_249 : i32 to index
        %get3A_256 = arith.constant 0 : index
        %get3A_257 = tpu.vector_load %arg10[%get3A_255, %get3A_256] {strides = array<i32>} : memref<128x128xf32, #tpu.memory_space<vmem>>, vector<16xf32>,
        %mul3A_258 = arith.mulf %get3A_257, %gather3A_254 : vector<16xf32>
        %swap3A_259 = arith.index_cast %add3A_249 : i32 to index
        %swap3A_260 = arith.constant 0 : index
        %swap3A_261 = tpu.vector_load %arg10[%swap3A_259, %swap3A_260] {strides = array<i32>} : memref<128x128xf32, #tpu.memory_space<vmem>>, vector<16xf32>,
        tpu.vector_store %arg10[%swap3A_259, %swap3A_260], %mul3A_258 {strides = array<i32>} : memref<128x128xf32, #tpu.memory_space<vmem>>, vector<16xf32>,
        %get3A_262 = arith.index_cast %add3A_249 : i32 to index
        %get3A_263 = arith.constant 16 : index
        %get3A_264 = tpu.vector_load %arg10[%get3A_262, %get3A_263] {strides = array<i32>} : memref<128x128xf32, #tpu.memory_space<vmem>>, vector<16xf32>,
        %mul3A_265 = arith.mulf %get3A_264, %gather3A_254 : vector<16xf32>
        %swap3A_266 = arith.index_cast %add3A_249 : i32 to index
        %swap3A_267 = arith.constant 16 : index
        %swap3A_268 = tpu.vector_load %arg10[%swap3A_266, %swap3A_267] {strides = array<i32>} : memref<128x128xf32, #tpu.memory_space<vmem>>, vector<16xf32>,
        tpu.vector_store %arg10[%swap3A_266, %swap3A_267], %mul3A_265 {strides = array<i32>} : memref<128x128xf32, #tpu.memory_space<vmem>>, vector<16xf32>,
        %get3A_269 = arith.index_cast %add3A_249 : i32 to index
        %get3A_270 = arith.constant 32 : index
        %get3A_271 = tpu.vector_load %arg10[%get3A_269, %get3A_270] {strides = array<i32>} : memref<128x128xf32, #tpu.memory_space<vmem>>, vector<16xf32>,
        %mul3A_272 = arith.mulf %get3A_271, %gather3A_254 : vector<16xf32>
        %swap3A_273 = arith.index_cast %add3A_249 : i32 to index
        %swap3A_274 = arith.constant 32 : index
        %swap3A_275 = tpu.vector_load %arg10[%swap3A_273, %swap3A_274] {strides = array<i32>} : memref<128x128xf32, #tpu.memory_space<vmem>>, vector<16xf32>,
        tpu.vector_store %arg10[%swap3A_273, %swap3A_274], %mul3A_272 {strides = array<i32>} : memref<128x128xf32, #tpu.memory_space<vmem>>, vector<16xf32>,
        %get3A_276 = arith.index_cast %add3A_249 : i32 to index
        %get3A_277 = arith.constant 48 : index
        %get3A_278 = tpu.vector_load %arg10[%get3A_276, %get3A_277] {strides = array<i32>} : memref<128x128xf32, #tpu.memory_space<vmem>>, vector<16xf32>,
        %mul3A_279 = arith.mulf %get3A_278, %gather3A_254 : vector<16xf32>
        %swap3A_280 = arith.index_cast %add3A_249 : i32 to index
        %swap3A_281 = arith.constant 48 : index
        %swap3A_282 = tpu.vector_load %arg10[%swap3A_280, %swap3A_281] {strides = array<i32>} : memref<128x128xf32, #tpu.memory_space<vmem>>, vector<16xf32>,
        tpu.vector_store %arg10[%swap3A_280, %swap3A_281], %mul3A_279 {strides = array<i32>} : memref<128x128xf32, #tpu.memory_space<vmem>>, vector<16xf32>,
        %get3A_283 = arith.index_cast %add3A_249 : i32 to index
        %get3A_284 = arith.constant 64 : index
        %get3A_285 = tpu.vector_load %arg10[%get3A_283, %get3A_284] {strides = array<i32>} : memref<128x128xf32, #tpu.memory_space<vmem>>, vector<16xf32>,
        %mul3A_286 = arith.mulf %get3A_285, %gather3A_254 : vector<16xf32>
        %swap3A_287 = arith.index_cast %add3A_249 : i32 to index
        %swap3A_288 = arith.constant 64 : index
        %swap3A_289 = tpu.vector_load %arg10[%swap3A_287, %swap3A_288] {strides = array<i32>} : memref<128x128xf32, #tpu.memory_space<vmem>>, vector<16xf32>,
        tpu.vector_store %arg10[%swap3A_287, %swap3A_288], %mul3A_286 {strides = array<i32>} : memref<128x128xf32, #tpu.memory_space<vmem>>, vector<16xf32>,
        %get3A_290 = arith.index_cast %add3A_249 : i32 to index
        %get3A_291 = arith.constant 80 : index
        %get3A_292 = tpu.vector_load %arg10[%get3A_290, %get3A_291] {strides = array<i32>} : memref<128x128xf32, #tpu.memory_space<vmem>>, vector<16xf32>,
        %mul3A_293 = arith.mulf %get3A_292, %gather3A_254 : vector<16xf32>
        %swap3A_294 = arith.index_cast %add3A_249 : i32 to index
        %swap3A_295 = arith.constant 80 : index
        %swap3A_296 = tpu.vector_load %arg10[%swap3A_294, %swap3A_295] {strides = array<i32>} : memref<128x128xf32, #tpu.memory_space<vmem>>, vector<16xf32>,
        tpu.vector_store %arg10[%swap3A_294, %swap3A_295], %mul3A_293 {strides = array<i32>} : memref<128x128xf32, #tpu.memory_space<vmem>>, vector<16xf32>,
        %get3A_297 = arith.index_cast %add3A_249 : i32 to index
        %get3A_298 = arith.constant 96 : index
        %get3A_299 = tpu.vector_load %arg10[%get3A_297, %get3A_298] {strides = array<i32>} : memref<128x128xf32, #tpu.memory_space<vmem>>, vector<16xf32>,
        %mul3A_300 = arith.mulf %get3A_299, %gather3A_254 : vector<16xf32>
        %swap3A_301 = arith.index_cast %add3A_249 : i32 to index
        %swap3A_302 = arith.constant 96 : index
        %swap3A_303 = tpu.vector_load %arg10[%swap3A_301, %swap3A_302] {strides = array<i32>} : memref<128x128xf32, #tpu.memory_space<vmem>>, vector<16xf32>,
        tpu.vector_store %arg10[%swap3A_301, %swap3A_302], %mul3A_300 {strides = array<i32>} : memref<128x128xf32, #tpu.memory_space<vmem>>, vector<16xf32>,
        %get3A_304 = arith.index_cast %add3A_249 : i32 to index
        %get3A_305 = arith.constant 112 : index
        %get3A_306 = tpu.vector_load %arg10[%get3A_304, %get3A_305] {strides = array<i32>} : memref<128x128xf32, #tpu.memory_space<vmem>>, vector<16xf32>,
        %mul3A_307 = arith.mulf %get3A_306, %gather3A_254 : vector<16xf32>
        %swap3A_308 = arith.index_cast %add3A_249 : i32 to index
        %swap3A_309 = arith.constant 112 : index
        %swap3A_310 = tpu.vector_load %arg10[%swap3A_308, %swap3A_309] {strides = array<i32>} : memref<128x128xf32, #tpu.memory_space<vmem>>, vector<16xf32>,
        tpu.vector_store %arg10[%swap3A_308, %swap3A_309], %mul3A_307 {strides = array<i32>} : memref<128x128xf32, #tpu.memory_space<vmem>>, vector<16xf32>,
        %mul3A_311 = arith.constant 16 : i32
        %mul3A_312 = arith.muli %scan3A_54, %mul3A_311 : i32
        %add3A_313 = arith.constant 4 : i32
        %add3A_314 = arith.addi %mul3A_312, %add3A_313 : i32
        %broadcast_in_dim3A_315 = arith.constant 0 : i32
        %broadcast_in_dim3A_316 = vector.broadcast %broadcast_in_dim3A_315 : i32 to vector<16xi32>
        %add3A_317 = vector.broadcast %add3A_314 : i32 to vector<16xi32>
        %add3A_318 = arith.addi %broadcast_in_dim3A_316, %add3A_317 : vector<16xi32>
        %gather3A_319 = tpu.vector_load_idx %arg11[%add3A_318] : memref<128xf32, #tpu.memory_space<vmem>>[vector<16xi32>], vector<16xf32>,
        %get3A_320 = arith.index_cast %add3A_314 : i32 to index
        %get3A_321 = arith.constant 0 : index
        %get3A_322 = tpu.vector_load %arg10[%get3A_320, %get3A_321] {strides = array<i32>} : memref<128x128xf32, #tpu.memory_space<vmem>>, vector<16xf32>,
        %mul3A_323 = arith.mulf %get3A_322, %gather3A_319 : vector<16xf32>
        %swap3A_324 = arith.index_cast %add3A_314 : i32 to index
        %swap3A_325 = arith.constant 0 : index
        %swap3A_326 = tpu.vector_load %arg10[%swap3A_324, %swap3A_325] {strides = array<i32>} : memref<128x128xf32, #tpu.memory_space<vmem>>, vector<16xf32>,
        tpu.vector_store %arg10[%swap3A_324, %swap3A_325], %mul3A_323 {strides = array<i32>} : memref<128x128xf32, #tpu.memory_space<vmem>>, vector<16xf32>,
        %get3A_327 = arith.index_cast %add3A_314 : i32 to index
        %get3A_328 = arith.constant 16 : index
        %get3A_329 = tpu.vector_load %arg10[%get3A_327, %get3A_328] {strides = array<i32>} : memref<128x128xf32, #tpu.memory_space<vmem>>, vector<16xf32>,
        %mul3A_330 = arith.mulf %get3A_329, %gather3A_319 : vector<16xf32>
        %swap3A_331 = arith.index_cast %add3A_314 : i32 to index
        %swap3A_332 = arith.constant 16 : index
        %swap3A_333 = tpu.vector_load %arg10[%swap3A_331, %swap3A_332] {strides = array<i32>} : memref<128x128xf32, #tpu.memory_space<vmem>>, vector<16xf32>,
        tpu.vector_store %arg10[%swap3A_331, %swap3A_332], %mul3A_330 {strides = array<i32>} : memref<128x128xf32, #tpu.memory_space<vmem>>, vector<16xf32>,
        %get3A_334 = arith.index_cast %add3A_314 : i32 to index
        %get3A_335 = arith.constant 32 : index
        %get3A_336 = tpu.vector_load %arg10[%get3A_334, %get3A_335] {strides = array<i32>} : memref<128x128xf32, #tpu.memory_space<vmem>>, vector<16xf32>,
        %mul3A_337 = arith.mulf %get3A_336, %gather3A_319 : vector<16xf32>
        %swap3A_338 = arith.index_cast %add3A_314 : i32 to index
        %swap3A_339 = arith.constant 32 : index
        %swap3A_340 = tpu.vector_load %arg10[%swap3A_338, %swap3A_339] {strides = array<i32>} : memref<128x128xf32, #tpu.memory_space<vmem>>, vector<16xf32>,
        tpu.vector_store %arg10[%swap3A_338, %swap3A_339], %mul3A_337 {strides = array<i32>} : memref<128x128xf32, #tpu.memory_space<vmem>>, vector<16xf32>,
        %get3A_341 = arith.index_cast %add3A_314 : i32 to index
        %get3A_342 = arith.constant 48 : index
        %get3A_343 = tpu.vector_load %arg10[%get3A_341, %get3A_342] {strides = array<i32>} : memref<128x128xf32, #tpu.memory_space<vmem>>, vector<16xf32>,
        %mul3A_344 = arith.mulf %get3A_343, %gather3A_319 : vector<16xf32>
        %swap3A_345 = arith.index_cast %add3A_314 : i32 to index
        %swap3A_346 = arith.constant 48 : index
        %swap3A_347 = tpu.vector_load %arg10[%swap3A_345, %swap3A_346] {strides = array<i32>} : memref<128x128xf32, #tpu.memory_space<vmem>>, vector<16xf32>,
        tpu.vector_store %arg10[%swap3A_345, %swap3A_346], %mul3A_344 {strides = array<i32>} : memref<128x128xf32, #tpu.memory_space<vmem>>, vector<16xf32>,
        %get3A_348 = arith.index_cast %add3A_314 : i32 to index
        %get3A_349 = arith.constant 64 : index
        %get3A_350 = tpu.vector_load %arg10[%get3A_348, %get3A_349] {strides = array<i32>} : memref<128x128xf32, #tpu.memory_space<vmem>>, vector<16xf32>,
        %mul3A_351 = arith.mulf %get3A_350, %gather3A_319 : vector<16xf32>
        %swap3A_352 = arith.index_cast %add3A_314 : i32 to index
        %swap3A_353 = arith.constant 64 : index
        %swap3A_354 = tpu.vector_load %arg10[%swap3A_352, %swap3A_353] {strides = array<i32>} : memref<128x128xf32, #tpu.memory_space<vmem>>, vector<16xf32>,
        tpu.vector_store %arg10[%swap3A_352, %swap3A_353], %mul3A_351 {strides = array<i32>} : memref<128x128xf32, #tpu.memory_space<vmem>>, vector<16xf32>,
        %get3A_355 = arith.index_cast %add3A_314 : i32 to index
        %get3A_356 = arith.constant 80 : index
        %get3A_357 = tpu.vector_load %arg10[%get3A_355, %get3A_356] {strides = array<i32>} : memref<128x128xf32, #tpu.memory_space<vmem>>, vector<16xf32>,
        %mul3A_358 = arith.mulf %get3A_357, %gather3A_319 : vector<16xf32>
        %swap3A_359 = arith.index_cast %add3A_314 : i32 to index
        %swap3A_360 = arith.constant 80 : index
        %swap3A_361 = tpu.vector_load %arg10[%swap3A_359, %swap3A_360] {strides = array<i32>} : memref<128x128xf32, #tpu.memory_space<vmem>>, vector<16xf32>,
        tpu.vector_store %arg10[%swap3A_359, %swap3A_360], %mul3A_358 {strides = array<i32>} : memref<128x128xf32, #tpu.memory_space<vmem>>, vector<16xf32>,
        %get3A_362 = arith.index_cast %add3A_314 : i32 to index
        %get3A_363 = arith.constant 96 : index
        %get3A_364 = tpu.vector_load %arg10[%get3A_362, %get3A_363] {strides = array<i32>} : memref<128x128xf32, #tpu.memory_space<vmem>>, vector<16xf32>,
        %mul3A_365 = arith.mulf %get3A_364, %gather3A_319 : vector<16xf32>
        %swap3A_366 = arith.index_cast %add3A_314 : i32 to index
        %swap3A_367 = arith.constant 96 : index
        %swap3A_368 = tpu.vector_load %arg10[%swap3A_366, %swap3A_367] {strides = array<i32>} : memref<128x128xf32, #tpu.memory_space<vmem>>, vector<16xf32>,
        tpu.vector_store %arg10[%swap3A_366, %swap3A_367], %mul3A_365 {strides = array<i32>} : memref<128x128xf32, #tpu.memory_space<vmem>>, vector<16xf32>,
        %get3A_369 = arith.index_cast %add3A_314 : i32 to index
        %get3A_370 = arith.constant 112 : index
        %get3A_371 = tpu.vector_load %arg10[%get3A_369, %get3A_370] {strides = array<i32>} : memref<128x128xf32, #tpu.memory_space<vmem>>, vector<16xf32>,
        %mul3A_372 = arith.mulf %get3A_371, %gather3A_319 : vector<16xf32>
        %swap3A_373 = arith.index_cast %add3A_314 : i32 to index
        %swap3A_374 = arith.constant 112 : index
        %swap3A_375 = tpu.vector_load %arg10[%swap3A_373, %swap3A_374] {strides = array<i32>} : memref<128x128xf32, #tpu.memory_space<vmem>>, vector<16xf32>,
        tpu.vector_store %arg10[%swap3A_373, %swap3A_374], %mul3A_372 {strides = array<i32>} : memref<128x128xf32, #tpu.memory_space<vmem>>, vector<16xf32>,
        %mul3A_376 = arith.constant 16 : i32
        %mul3A_377 = arith.muli %scan3A_54, %mul3A_376 : i32
        %add3A_378 = arith.constant 5 : i32
        %add3A_379 = arith.addi %mul3A_377, %add3A_378 : i32
        %broadcast_in_dim3A_380 = arith.constant 0 : i32
        %broadcast_in_dim3A_381 = vector.broadcast %broadcast_in_dim3A_380 : i32 to vector<16xi32>
        %add3A_382 = vector.broadcast %add3A_379 : i32 to vector<16xi32>
        %add3A_383 = arith.addi %broadcast_in_dim3A_381, %add3A_382 : vector<16xi32>
        %gather3A_384 = tpu.vector_load_idx %arg11[%add3A_383] : memref<128xf32, #tpu.memory_space<vmem>>[vector<16xi32>], vector<16xf32>,
        %get3A_385 = arith.index_cast %add3A_379 : i32 to index
        %get3A_386 = arith.constant 0 : index
        %get3A_387 = tpu.vector_load %arg10[%get3A_385, %get3A_386] {strides = array<i32>} : memref<128x128xf32, #tpu.memory_space<vmem>>, vector<16xf32>,
        %mul3A_388 = arith.mulf %get3A_387, %gather3A_384 : vector<16xf32>
        %swap3A_389 = arith.index_cast %add3A_379 : i32 to index
        %swap3A_390 = arith.constant 0 : index
        %swap3A_391 = tpu.vector_load %arg10[%swap3A_389, %swap3A_390] {strides = array<i32>} : memref<128x128xf32, #tpu.memory_space<vmem>>, vector<16xf32>,
        tpu.vector_store %arg10[%swap3A_389, %swap3A_390], %mul3A_388 {strides = array<i32>} : memref<128x128xf32, #tpu.memory_space<vmem>>, vector<16xf32>,
        %get3A_392 = arith.index_cast %add3A_379 : i32 to index
        %get3A_393 = arith.constant 16 : index
        %get3A_394 = tpu.vector_load %arg10[%get3A_392, %get3A_393] {strides = array<i32>} : memref<128x128xf32, #tpu.memory_space<vmem>>, vector<16xf32>,
        %mul3A_395 = arith.mulf %get3A_394, %gather3A_384 : vector<16xf32>
        %swap3A_396 = arith.index_cast %add3A_379 : i32 to index
        %swap3A_397 = arith.constant 16 : index
        %swap3A_398 = tpu.vector_load %arg10[%swap3A_396, %swap3A_397] {strides = array<i32>} : memref<128x128xf32, #tpu.memory_space<vmem>>, vector<16xf32>,
        tpu.vector_store %arg10[%swap3A_396, %swap3A_397], %mul3A_395 {strides = array<i32>} : memref<128x128xf32, #tpu.memory_space<vmem>>, vector<16xf32>,
        %get3A_399 = arith.index_cast %add3A_379 : i32 to index
        %get3A_400 = arith.constant 32 : index
        %get3A_401 = tpu.vector_load %arg10[%get3A_399, %get3A_400] {strides = array<i32>} : memref<128x128xf32, #tpu.memory_space<vmem>>, vector<16xf32>,
        %mul3A_402 = arith.mulf %get3A_401, %gather3A_384 : vector<16xf32>
        %swap3A_403 = arith.index_cast %add3A_379 : i32 to index
        %swap3A_404 = arith.constant 32 : index
        %swap3A_405 = tpu.vector_load %arg10[%swap3A_403, %swap3A_404] {strides = array<i32>} : memref<128x128xf32, #tpu.memory_space<vmem>>, vector<16xf32>,
        tpu.vector_store %arg10[%swap3A_403, %swap3A_404], %mul3A_402 {strides = array<i32>} : memref<128x128xf32, #tpu.memory_space<vmem>>, vector<16xf32>,
        %get3A_406 = arith.index_cast %add3A_379 : i32 to index
        %get3A_407 = arith.constant 48 : index
        %get3A_408 = tpu.vector_load %arg10[%get3A_406, %get3A_407] {strides = array<i32>} : memref<128x128xf32, #tpu.memory_space<vmem>>, vector<16xf32>,
        %mul3A_409 = arith.mulf %get3A_408, %gather3A_384 : vector<16xf32>
        %swap3A_410 = arith.index_cast %add3A_379 : i32 to index
        %swap3A_411 = arith.constant 48 : index
        %swap3A_412 = tpu.vector_load %arg10[%swap3A_410, %swap3A_411] {strides = array<i32>} : memref<128x128xf32, #tpu.memory_space<vmem>>, vector<16xf32>,
        tpu.vector_store %arg10[%swap3A_410, %swap3A_411], %mul3A_409 {strides = array<i32>} : memref<128x128xf32, #tpu.memory_space<vmem>>, vector<16xf32>,
        %get3A_413 = arith.index_cast %add3A_379 : i32 to index
        %get3A_414 = arith.constant 64 : index
        %get3A_415 = tpu.vector_load %arg10[%get3A_413, %get3A_414] {strides = array<i32>} : memref<128x128xf32, #tpu.memory_space<vmem>>, vector<16xf32>,
        %mul3A_416 = arith.mulf %get3A_415, %gather3A_384 : vector<16xf32>
        %swap3A_417 = arith.index_cast %add3A_379 : i32 to index
        %swap3A_418 = arith.constant 64 : index
        %swap3A_419 = tpu.vector_load %arg10[%swap3A_417, %swap3A_418] {strides = array<i32>} : memref<128x128xf32, #tpu.memory_space<vmem>>, vector<16xf32>,
        tpu.vector_store %arg10[%swap3A_417, %swap3A_418], %mul3A_416 {strides = array<i32>} : memref<128x128xf32, #tpu.memory_space<vmem>>, vector<16xf32>,
        %get3A_420 = arith.index_cast %add3A_379 : i32 to index
        %get3A_421 = arith.constant 80 : index
        %get3A_422 = tpu.vector_load %arg10[%get3A_420, %get3A_421] {strides = array<i32>} : memref<128x128xf32, #tpu.memory_space<vmem>>, vector<16xf32>,
        %mul3A_423 = arith.mulf %get3A_422, %gather3A_384 : vector<16xf32>
        %swap3A_424 = arith.index_cast %add3A_379 : i32 to index
        %swap3A_425 = arith.constant 80 : index
        %swap3A_426 = tpu.vector_load %arg10[%swap3A_424, %swap3A_425] {strides = array<i32>} : memref<128x128xf32, #tpu.memory_space<vmem>>, vector<16xf32>,
        tpu.vector_store %arg10[%swap3A_424, %swap3A_425], %mul3A_423 {strides = array<i32>} : memref<128x128xf32, #tpu.memory_space<vmem>>, vector<16xf32>,
        %get3A_427 = arith.index_cast %add3A_379 : i32 to index
        %get3A_428 = arith.constant 96 : index
        %get3A_429 = tpu.vector_load %arg10[%get3A_427, %get3A_428] {strides = array<i32>} : memref<128x128xf32, #tpu.memory_space<vmem>>, vector<16xf32>,
        %mul3A_430 = arith.mulf %get3A_429, %gather3A_384 : vector<16xf32>
        %swap3A_431 = arith.index_cast %add3A_379 : i32 to index
        %swap3A_432 = arith.constant 96 : index
        %swap3A_433 = tpu.vector_load %arg10[%swap3A_431, %swap3A_432] {strides = array<i32>} : memref<128x128xf32, #tpu.memory_space<vmem>>, vector<16xf32>,
        tpu.vector_store %arg10[%swap3A_431, %swap3A_432], %mul3A_430 {strides = array<i32>} : memref<128x128xf32, #tpu.memory_space<vmem>>, vector<16xf32>,
        %get3A_434 = arith.index_cast %add3A_379 : i32 to index
        %get3A_435 = arith.constant 112 : index
        %get3A_436 = tpu.vector_load %arg10[%get3A_434, %get3A_435] {strides = array<i32>} : memref<128x128xf32, #tpu.memory_space<vmem>>, vector<16xf32>,
        %mul3A_437 = arith.mulf %get3A_436, %gather3A_384 : vector<16xf32>
        %swap3A_438 = arith.index_cast %add3A_379 : i32 to index
        %swap3A_439 = arith.constant 112 : index
        %swap3A_440 = tpu.vector_load %arg10[%swap3A_438, %swap3A_439] {strides = array<i32>} : memref<128x128xf32, #tpu.memory_space<vmem>>, vector<16xf32>,
        tpu.vector_store %arg10[%swap3A_438, %swap3A_439], %mul3A_437 {strides = array<i32>} : memref<128x128xf32, #tpu.memory_space<vmem>>, vector<16xf32>,
        %mul3A_441 = arith.constant 16 : i32
        %mul3A_442 = arith.muli %scan3A_54, %mul3A_441 : i32
        %add3A_443 = arith.constant 6 : i32
        %add3A_444 = arith.addi %mul3A_442, %add3A_443 : i32
        %broadcast_in_dim3A_445 = arith.constant 0 : i32
        %broadcast_in_dim3A_446 = vector.broadcast %broadcast_in_dim3A_445 : i32 to vector<16xi32>
        %add3A_447 = vector.broadcast %add3A_444 : i32 to vector<16xi32>
        %add3A_448 = arith.addi %broadcast_in_dim3A_446, %add3A_447 : vector<16xi32>
        %gather3A_449 = tpu.vector_load_idx %arg11[%add3A_448] : memref<128xf32, #tpu.memory_space<vmem>>[vector<16xi32>], vector<16xf32>,
        %get3A_450 = arith.index_cast %add3A_444 : i32 to index
        %get3A_451 = arith.constant 0 : index
        %get3A_452 = tpu.vector_load %arg10[%get3A_450, %get3A_451] {strides = array<i32>} : memref<128x128xf32, #tpu.memory_space<vmem>>, vector<16xf32>,
        %mul3A_453 = arith.mulf %get3A_452, %gather3A_449 : vector<16xf32>
        %swap3A_454 = arith.index_cast %add3A_444 : i32 to index
        %swap3A_455 = arith.constant 0 : index
        %swap3A_456 = tpu.vector_load %arg10[%swap3A_454, %swap3A_455] {strides = array<i32>} : memref<128x128xf32, #tpu.memory_space<vmem>>, vector<16xf32>,
        tpu.vector_store %arg10[%swap3A_454, %swap3A_455], %mul3A_453 {strides = array<i32>} : memref<128x128xf32, #tpu.memory_space<vmem>>, vector<16xf32>,
        %get3A_457 = arith.index_cast %add3A_444 : i32 to index
        %get3A_458 = arith.constant 16 : index
        %get3A_459 = tpu.vector_load %arg10[%get3A_457, %get3A_458] {strides = array<i32>} : memref<128x128xf32, #tpu.memory_space<vmem>>, vector<16xf32>,
        %mul3A_460 = arith.mulf %get3A_459, %gather3A_449 : vector<16xf32>
        %swap3A_461 = arith.index_cast %add3A_444 : i32 to index
        %swap3A_462 = arith.constant 16 : index
        %swap3A_463 = tpu.vector_load %arg10[%swap3A_461, %swap3A_462] {strides = array<i32>} : memref<128x128xf32, #tpu.memory_space<vmem>>, vector<16xf32>,
        tpu.vector_store %arg10[%swap3A_461, %swap3A_462], %mul3A_460 {strides = array<i32>} : memref<128x128xf32, #tpu.memory_space<vmem>>, vector<16xf32>,
        %get3A_464 = arith.index_cast %add3A_444 : i32 to index
        %get3A_465 = arith.constant 32 : index
        %get3A_466 = tpu.vector_load %arg10[%get3A_464, %get3A_465] {strides = array<i32>} : memref<128x128xf32, #tpu.memory_space<vmem>>, vector<16xf32>,
        %mul3A_467 = arith.mulf %get3A_466, %gather3A_449 : vector<16xf32>
        %swap3A_468 = arith.index_cast %add3A_444 : i32 to index
        %swap3A_469 = arith.constant 32 : index
        %swap3A_470 = tpu.vector_load %arg10[%swap3A_468, %swap3A_469] {strides = array<i32>} : memref<128x128xf32, #tpu.memory_space<vmem>>, vector<16xf32>,
        tpu.vector_store %arg10[%swap3A_468, %swap3A_469], %mul3A_467 {strides = array<i32>} : memref<128x128xf32, #tpu.memory_space<vmem>>, vector<16xf32>,
        %get3A_471 = arith.index_cast %add3A_444 : i32 to index
        %get3A_472 = arith.constant 48 : index
        %get3A_473 = tpu.vector_load %arg10[%get3A_471, %get3A_472] {strides = array<i32>} : memref<128x128xf32, #tpu.memory_space<vmem>>, vector<16xf32>,
        %mul3A_474 = arith.mulf %get3A_473, %gather3A_449 : vector<16xf32>
        %swap3A_475 = arith.index_cast %add3A_444 : i32 to index
        %swap3A_476 = arith.constant 48 : index
        %swap3A_477 = tpu.vector_load %arg10[%swap3A_475, %swap3A_476] {strides = array<i32>} : memref<128x128xf32, #tpu.memory_space<vmem>>, vector<16xf32>,
        tpu.vector_store %arg10[%swap3A_475, %swap3A_476], %mul3A_474 {strides = array<i32>} : memref<128x128xf32, #tpu.memory_space<vmem>>, vector<16xf32>,
        %get3A_478 = arith.index_cast %add3A_444 : i32 to index
        %get3A_479 = arith.constant 64 : index
        %get3A_480 = tpu.vector_load %arg10[%get3A_478, %get3A_479] {strides = array<i32>} : memref<128x128xf32, #tpu.memory_space<vmem>>, vector<16xf32>,
        %mul3A_481 = arith.mulf %get3A_480, %gather3A_449 : vector<16xf32>
        %swap3A_482 = arith.index_cast %add3A_444 : i32 to index
        %swap3A_483 = arith.constant 64 : index
        %swap3A_484 = tpu.vector_load %arg10[%swap3A_482, %swap3A_483] {strides = array<i32>} : memref<128x128xf32, #tpu.memory_space<vmem>>, vector<16xf32>,
        tpu.vector_store %arg10[%swap3A_482, %swap3A_483], %mul3A_481 {strides = array<i32>} : memref<128x128xf32, #tpu.memory_space<vmem>>, vector<16xf32>,
        %get3A_485 = arith.index_cast %add3A_444 : i32 to index
        %get3A_486 = arith.constant 80 : index
        %get3A_487 = tpu.vector_load %arg10[%get3A_485, %get3A_486] {strides = array<i32>} : memref<128x128xf32, #tpu.memory_space<vmem>>, vector<16xf32>,
        %mul3A_488 = arith.mulf %get3A_487, %gather3A_449 : vector<16xf32>
        %swap3A_489 = arith.index_cast %add3A_444 : i32 to index
        %swap3A_490 = arith.constant 80 : index
        %swap3A_491 = tpu.vector_load %arg10[%swap3A_489, %swap3A_490] {strides = array<i32>} : memref<128x128xf32, #tpu.memory_space<vmem>>, vector<16xf32>,
        tpu.vector_store %arg10[%swap3A_489, %swap3A_490], %mul3A_488 {strides = array<i32>} : memref<128x128xf32, #tpu.memory_space<vmem>>, vector<16xf32>,
        %get3A_492 = arith.index_cast %add3A_444 : i32 to index
        %get3A_493 = arith.constant 96 : index
        %get3A_494 = tpu.vector_load %arg10[%get3A_492, %get3A_493] {strides = array<i32>} : memref<128x128xf32, #tpu.memory_space<vmem>>, vector<16xf32>,
        %mul3A_495 = arith.mulf %get3A_494, %gather3A_449 : vector<16xf32>
        %swap3A_496 = arith.index_cast %add3A_444 : i32 to index
        %swap3A_497 = arith.constant 96 : index
        %swap3A_498 = tpu.vector_load %arg10[%swap3A_496, %swap3A_497] {strides = array<i32>} : memref<128x128xf32, #tpu.memory_space<vmem>>, vector<16xf32>,
        tpu.vector_store %arg10[%swap3A_496, %swap3A_497], %mul3A_495 {strides = array<i32>} : memref<128x128xf32, #tpu.memory_space<vmem>>, vector<16xf32>,
        %get3A_499 = arith.index_cast %add3A_444 : i32 to index
        %get3A_500 = arith.constant 112 : index
        %get3A_501 = tpu.vector_load %arg10[%get3A_499, %get3A_500] {strides = array<i32>} : memref<128x128xf32, #tpu.memory_space<vmem>>, vector<16xf32>,
        %mul3A_502 = arith.mulf %get3A_501, %gather3A_449 : vector<16xf32>
        %swap3A_503 = arith.index_cast %add3A_444 : i32 to index
        %swap3A_504 = arith.constant 112 : index
        %swap3A_505 = tpu.vector_load %arg10[%swap3A_503, %swap3A_504] {strides = array<i32>} : memref<128x128xf32, #tpu.memory_space<vmem>>, vector<16xf32>,
        tpu.vector_store %arg10[%swap3A_503, %swap3A_504], %mul3A_502 {strides = array<i32>} : memref<128x128xf32, #tpu.memory_space<vmem>>, vector<16xf32>,
        %mul3A_506 = arith.constant 16 : i32
        %mul3A_507 = arith.muli %scan3A_54, %mul3A_506 : i32
        %add3A_508 = arith.constant 7 : i32
        %add3A_509 = arith.addi %mul3A_507, %add3A_508 : i32
        %broadcast_in_dim3A_510 = arith.constant 0 : i32
        %broadcast_in_dim3A_511 = vector.broadcast %broadcast_in_dim3A_510 : i32 to vector<16xi32>
        %add3A_512 = vector.broadcast %add3A_509 : i32 to vector<16xi32>
        %add3A_513 = arith.addi %broadcast_in_dim3A_511, %add3A_512 : vector<16xi32>
        %gather3A_514 = tpu.vector_load_idx %arg11[%add3A_513] : memref<128xf32, #tpu.memory_space<vmem>>[vector<16xi32>], vector<16xf32>,
        %get3A_515 = arith.index_cast %add3A_509 : i32 to index
        %get3A_516 = arith.constant 0 : index
        %get3A_517 = tpu.vector_load %arg10[%get3A_515, %get3A_516] {strides = array<i32>} : memref<128x128xf32, #tpu.memory_space<vmem>>, vector<16xf32>,
        %mul3A_518 = arith.mulf %get3A_517, %gather3A_514 : vector<16xf32>
        %swap3A_519 = arith.index_cast %add3A_509 : i32 to index
        %swap3A_520 = arith.constant 0 : index
        %swap3A_521 = tpu.vector_load %arg10[%swap3A_519, %swap3A_520] {strides = array<i32>} : memref<128x128xf32, #tpu.memory_space<vmem>>, vector<16xf32>,
        tpu.vector_store %arg10[%swap3A_519, %swap3A_520], %mul3A_518 {strides = array<i32>} : memref<128x128xf32, #tpu.memory_space<vmem>>, vector<16xf32>,
        %get3A_522 = arith.index_cast %add3A_509 : i32 to index
        %get3A_523 = arith.constant 16 : index
        %get3A_524 = tpu.vector_load %arg10[%get3A_522, %get3A_523] {strides = array<i32>} : memref<128x128xf32, #tpu.memory_space<vmem>>, vector<16xf32>,
        %mul3A_525 = arith.mulf %get3A_524, %gather3A_514 : vector<16xf32>
        %swap3A_526 = arith.index_cast %add3A_509 : i32 to index
        %swap3A_527 = arith.constant 16 : index
        %swap3A_528 = tpu.vector_load %arg10[%swap3A_526, %swap3A_527] {strides = array<i32>} : memref<128x128xf32, #tpu.memory_space<vmem>>, vector<16xf32>,
        tpu.vector_store %arg10[%swap3A_526, %swap3A_527], %mul3A_525 {strides = array<i32>} : memref<128x128xf32, #tpu.memory_space<vmem>>, vector<16xf32>,
        %get3A_529 = arith.index_cast %add3A_509 : i32 to index
        %get3A_530 = arith.constant 32 : index
        %get3A_531 = tpu.vector_load %arg10[%get3A_529, %get3A_530] {strides = array<i32>} : memref<128x128xf32, #tpu.memory_space<vmem>>, vector<16xf32>,
        %mul3A_532 = arith.mulf %get3A_531, %gather3A_514 : vector<16xf32>
        %swap3A_533 = arith.index_cast %add3A_509 : i32 to index
        %swap3A_534 = arith.constant 32 : index
        %swap3A_535 = tpu.vector_load %arg10[%swap3A_533, %swap3A_534] {strides = array<i32>} : memref<128x128xf32, #tpu.memory_space<vmem>>, vector<16xf32>,
        tpu.vector_store %arg10[%swap3A_533, %swap3A_534], %mul3A_532 {strides = array<i32>} : memref<128x128xf32, #tpu.memory_space<vmem>>, vector<16xf32>,
        %get3A_536 = arith.index_cast %add3A_509 : i32 to index
        %get3A_537 = arith.constant 48 : index
        %get3A_538 = tpu.vector_load %arg10[%get3A_536, %get3A_537] {strides = array<i32>} : memref<128x128xf32, #tpu.memory_space<vmem>>, vector<16xf32>,
        %mul3A_539 = arith.mulf %get3A_538, %gather3A_514 : vector<16xf32>
        %swap3A_540 = arith.index_cast %add3A_509 : i32 to index
        %swap3A_541 = arith.constant 48 : index
        %swap3A_542 = tpu.vector_load %arg10[%swap3A_540, %swap3A_541] {strides = array<i32>} : memref<128x128xf32, #tpu.memory_space<vmem>>, vector<16xf32>,
        tpu.vector_store %arg10[%swap3A_540, %swap3A_541], %mul3A_539 {strides = array<i32>} : memref<128x128xf32, #tpu.memory_space<vmem>>, vector<16xf32>,
        %get3A_543 = arith.index_cast %add3A_509 : i32 to index
        %get3A_544 = arith.constant 64 : index
        %get3A_545 = tpu.vector_load %arg10[%get3A_543, %get3A_544] {strides = array<i32>} : memref<128x128xf32, #tpu.memory_space<vmem>>, vector<16xf32>,
        %mul3A_546 = arith.mulf %get3A_545, %gather3A_514 : vector<16xf32>
        %swap3A_547 = arith.index_cast %add3A_509 : i32 to index
        %swap3A_548 = arith.constant 64 : index
        %swap3A_549 = tpu.vector_load %arg10[%swap3A_547, %swap3A_548] {strides = array<i32>} : memref<128x128xf32, #tpu.memory_space<vmem>>, vector<16xf32>,
        tpu.vector_store %arg10[%swap3A_547, %swap3A_548], %mul3A_546 {strides = array<i32>} : memref<128x128xf32, #tpu.memory_space<vmem>>, vector<16xf32>,
        %get3A_550 = arith.index_cast %add3A_509 : i32 to index
        %get3A_551 = arith.constant 80 : index
        %get3A_552 = tpu.vector_load %arg10[%get3A_550, %get3A_551] {strides = array<i32>} : memref<128x128xf32, #tpu.memory_space<vmem>>, vector<16xf32>,
        %mul3A_553 = arith.mulf %get3A_552, %gather3A_514 : vector<16xf32>
        %swap3A_554 = arith.index_cast %add3A_509 : i32 to index
        %swap3A_555 = arith.constant 80 : index
        %swap3A_556 = tpu.vector_load %arg10[%swap3A_554, %swap3A_555] {strides = array<i32>} : memref<128x128xf32, #tpu.memory_space<vmem>>, vector<16xf32>,
        tpu.vector_store %arg10[%swap3A_554, %swap3A_555], %mul3A_553 {strides = array<i32>} : memref<128x128xf32, #tpu.memory_space<vmem>>, vector<16xf32>,
        %get3A_557 = arith.index_cast %add3A_509 : i32 to index
        %get3A_558 = arith.constant 96 : index
        %get3A_559 = tpu.vector_load %arg10[%get3A_557, %get3A_558] {strides = array<i32>} : memref<128x128xf32, #tpu.memory_space<vmem>>, vector<16xf32>,
        %mul3A_560 = arith.mulf %get3A_559, %gather3A_514 : vector<16xf32>
        %swap3A_561 = arith.index_cast %add3A_509 : i32 to index
        %swap3A_562 = arith.constant 96 : index
        %swap3A_563 = tpu.vector_load %arg10[%swap3A_561, %swap3A_562] {strides = array<i32>} : memref<128x128xf32, #tpu.memory_space<vmem>>, vector<16xf32>,
        tpu.vector_store %arg10[%swap3A_561, %swap3A_562], %mul3A_560 {strides = array<i32>} : memref<128x128xf32, #tpu.memory_space<vmem>>, vector<16xf32>,
        %get3A_564 = arith.index_cast %add3A_509 : i32 to index
        %get3A_565 = arith.constant 112 : index
        %get3A_566 = tpu.vector_load %arg10[%get3A_564, %get3A_565] {strides = array<i32>} : memref<128x128xf32, #tpu.memory_space<vmem>>, vector<16xf32>,
        %mul3A_567 = arith.mulf %get3A_566, %gather3A_514 : vector<16xf32>
        %swap3A_568 = arith.index_cast %add3A_509 : i32 to index
        %swap3A_569 = arith.constant 112 : index
        %swap3A_570 = tpu.vector_load %arg10[%swap3A_568, %swap3A_569] {strides = array<i32>} : memref<128x128xf32, #tpu.memory_space<vmem>>, vector<16xf32>,
        tpu.vector_store %arg10[%swap3A_568, %swap3A_569], %mul3A_567 {strides = array<i32>} : memref<128x128xf32, #tpu.memory_space<vmem>>, vector<16xf32>,
        %mul3A_571 = arith.constant 16 : i32
        %mul3A_572 = arith.muli %scan3A_54, %mul3A_571 : i32
        %add3A_573 = arith.constant 8 : i32
        %add3A_574 = arith.addi %mul3A_572, %add3A_573 : i32
        %broadcast_in_dim3A_575 = arith.constant 0 : i32
        %broadcast_in_dim3A_576 = vector.broadcast %broadcast_in_dim3A_575 : i32 to vector<16xi32>
        %add3A_577 = vector.broadcast %add3A_574 : i32 to vector<16xi32>
        %add3A_578 = arith.addi %broadcast_in_dim3A_576, %add3A_577 : vector<16xi32>
        %gather3A_579 = tpu.vector_load_idx %arg11[%add3A_578] : memref<128xf32, #tpu.memory_space<vmem>>[vector<16xi32>], vector<16xf32>,
        %get3A_580 = arith.index_cast %add3A_574 : i32 to index
        %get3A_581 = arith.constant 0 : index
        %get3A_582 = tpu.vector_load %arg10[%get3A_580, %get3A_581] {strides = array<i32>} : memref<128x128xf32, #tpu.memory_space<vmem>>, vector<16xf32>,
        %mul3A_583 = arith.mulf %get3A_582, %gather3A_579 : vector<16xf32>
        %swap3A_584 = arith.index_cast %add3A_574 : i32 to index
        %swap3A_585 = arith.constant 0 : index
        %swap3A_586 = tpu.vector_load %arg10[%swap3A_584, %swap3A_585] {strides = array<i32>} : memref<128x128xf32, #tpu.memory_space<vmem>>, vector<16xf32>,
        tpu.vector_store %arg10[%swap3A_584, %swap3A_585], %mul3A_583 {strides = array<i32>} : memref<128x128xf32, #tpu.memory_space<vmem>>, vector<16xf32>,
        %get3A_587 = arith.index_cast %add3A_574 : i32 to index
        %get3A_588 = arith.constant 16 : index
        %get3A_589 = tpu.vector_load %arg10[%get3A_587, %get3A_588] {strides = array<i32>} : memref<128x128xf32, #tpu.memory_space<vmem>>, vector<16xf32>,
        %mul3A_590 = arith.mulf %get3A_589, %gather3A_579 : vector<16xf32>
        %swap3A_591 = arith.index_cast %add3A_574 : i32 to index
        %swap3A_592 = arith.constant 16 : index
        %swap3A_593 = tpu.vector_load %arg10[%swap3A_591, %swap3A_592] {strides = array<i32>} : memref<128x128xf32, #tpu.memory_space<vmem>>, vector<16xf32>,
        tpu.vector_store %arg10[%swap3A_591, %swap3A_592], %mul3A_590 {strides = array<i32>} : memref<128x128xf32, #tpu.memory_space<vmem>>, vector<16xf32>,
        %get3A_594 = arith.index_cast %add3A_574 : i32 to index
        %get3A_595 = arith.constant 32 : index
        %get3A_596 = tpu.vector_load %arg10[%get3A_594, %get3A_595] {strides = array<i32>} : memref<128x128xf32, #tpu.memory_space<vmem>>, vector<16xf32>,
        %mul3A_597 = arith.mulf %get3A_596, %gather3A_579 : vector<16xf32>
        %swap3A_598 = arith.index_cast %add3A_574 : i32 to index
        %swap3A_599 = arith.constant 32 : index
        %swap3A_600 = tpu.vector_load %arg10[%swap3A_598, %swap3A_599] {strides = array<i32>} : memref<128x128xf32, #tpu.memory_space<vmem>>, vector<16xf32>,
        tpu.vector_store %arg10[%swap3A_598, %swap3A_599], %mul3A_597 {strides = array<i32>} : memref<128x128xf32, #tpu.memory_space<vmem>>, vector<16xf32>,
        %get3A_601 = arith.index_cast %add3A_574 : i32 to index
        %get3A_602 = arith.constant 48 : index
        %get3A_603 = tpu.vector_load %arg10[%get3A_601, %get3A_602] {strides = array<i32>} : memref<128x128xf32, #tpu.memory_space<vmem>>, vector<16xf32>,
        %mul3A_604 = arith.mulf %get3A_603, %gather3A_579 : vector<16xf32>
        %swap3A_605 = arith.index_cast %add3A_574 : i32 to index
        %swap3A_606 = arith.constant 48 : index
        %swap3A_607 = tpu.vector_load %arg10[%swap3A_605, %swap3A_606] {strides = array<i32>} : memref<128x128xf32, #tpu.memory_space<vmem>>, vector<16xf32>,
        tpu.vector_store %arg10[%swap3A_605, %swap3A_606], %mul3A_604 {strides = array<i32>} : memref<128x128xf32, #tpu.memory_space<vmem>>, vector<16xf32>,
        %get3A_608 = arith.index_cast %add3A_574 : i32 to index
        %get3A_609 = arith.constant 64 : index
        %get3A_610 = tpu.vector_load %arg10[%get3A_608, %get3A_609] {strides = array<i32>} : memref<128x128xf32, #tpu.memory_space<vmem>>, vector<16xf32>,
        %mul3A_611 = arith.mulf %get3A_610, %gather3A_579 : vector<16xf32>
        %swap3A_612 = arith.index_cast %add3A_574 : i32 to index
        %swap3A_613 = arith.constant 64 : index
        %swap3A_614 = tpu.vector_load %arg10[%swap3A_612, %swap3A_613] {strides = array<i32>} : memref<128x128xf32, #tpu.memory_space<vmem>>, vector<16xf32>,
        tpu.vector_store %arg10[%swap3A_612, %swap3A_613], %mul3A_611 {strides = array<i32>} : memref<128x128xf32, #tpu.memory_space<vmem>>, vector<16xf32>,
        %get3A_615 = arith.index_cast %add3A_574 : i32 to index
        %get3A_616 = arith.constant 80 : index
        %get3A_617 = tpu.vector_load %arg10[%get3A_615, %get3A_616] {strides = array<i32>} : memref<128x128xf32, #tpu.memory_space<vmem>>, vector<16xf32>,
        %mul3A_618 = arith.mulf %get3A_617, %gather3A_579 : vector<16xf32>
        %swap3A_619 = arith.index_cast %add3A_574 : i32 to index
        %swap3A_620 = arith.constant 80 : index
        %swap3A_621 = tpu.vector_load %arg10[%swap3A_619, %swap3A_620] {strides = array<i32>} : memref<128x128xf32, #tpu.memory_space<vmem>>, vector<16xf32>,
        tpu.vector_store %arg10[%swap3A_619, %swap3A_620], %mul3A_618 {strides = array<i32>} : memref<128x128xf32, #tpu.memory_space<vmem>>, vector<16xf32>,
        %get3A_622 = arith.index_cast %add3A_574 : i32 to index
        %get3A_623 = arith.constant 96 : index
        %get3A_624 = tpu.vector_load %arg10[%get3A_622, %get3A_623] {strides = array<i32>} : memref<128x128xf32, #tpu.memory_space<vmem>>, vector<16xf32>,
        %mul3A_625 = arith.mulf %get3A_624, %gather3A_579 : vector<16xf32>
        %swap3A_626 = arith.index_cast %add3A_574 : i32 to index
        %swap3A_627 = arith.constant 96 : index
        %swap3A_628 = tpu.vector_load %arg10[%swap3A_626, %swap3A_627] {strides = array<i32>} : memref<128x128xf32, #tpu.memory_space<vmem>>, vector<16xf32>,
        tpu.vector_store %arg10[%swap3A_626, %swap3A_627], %mul3A_625 {strides = array<i32>} : memref<128x128xf32, #tpu.memory_space<vmem>>, vector<16xf32>,
        %get3A_629 = arith.index_cast %add3A_574 : i32 to index
        %get3A_630 = arith.constant 112 : index
        %get3A_631 = tpu.vector_load %arg10[%get3A_629, %get3A_630] {strides = array<i32>} : memref<128x128xf32, #tpu.memory_space<vmem>>, vector<16xf32>,
        %mul3A_632 = arith.mulf %get3A_631, %gather3A_579 : vector<16xf32>
        %swap3A_633 = arith.index_cast %add3A_574 : i32 to index
        %swap3A_634 = arith.constant 112 : index
        %swap3A_635 = tpu.vector_load %arg10[%swap3A_633, %swap3A_634] {strides = array<i32>} : memref<128x128xf32, #tpu.memory_space<vmem>>, vector<16xf32>,
        tpu.vector_store %arg10[%swap3A_633, %swap3A_634], %mul3A_632 {strides = array<i32>} : memref<128x128xf32, #tpu.memory_space<vmem>>, vector<16xf32>,
        %mul3A_636 = arith.constant 16 : i32
        %mul3A_637 = arith.muli %scan3A_54, %mul3A_636 : i32
        %add3A_638 = arith.constant 9 : i32
        %add3A_639 = arith.addi %mul3A_637, %add3A_638 : i32
        %broadcast_in_dim3A_640 = arith.constant 0 : i32
        %broadcast_in_dim3A_641 = vector.broadcast %broadcast_in_dim3A_640 : i32 to vector<16xi32>
        %add3A_642 = vector.broadcast %add3A_639 : i32 to vector<16xi32>
        %add3A_643 = arith.addi %broadcast_in_dim3A_641, %add3A_642 : vector<16xi32>
        %gather3A_644 = tpu.vector_load_idx %arg11[%add3A_643] : memref<128xf32, #tpu.memory_space<vmem>>[vector<16xi32>], vector<16xf32>,
        %get3A_645 = arith.index_cast %add3A_639 : i32 to index
        %get3A_646 = arith.constant 0 : index
        %get3A_647 = tpu.vector_load %arg10[%get3A_645, %get3A_646] {strides = array<i32>} : memref<128x128xf32, #tpu.memory_space<vmem>>, vector<16xf32>,
        %mul3A_648 = arith.mulf %get3A_647, %gather3A_644 : vector<16xf32>
        %swap3A_649 = arith.index_cast %add3A_639 : i32 to index
        %swap3A_650 = arith.constant 0 : index
        %swap3A_651 = tpu.vector_load %arg10[%swap3A_649, %swap3A_650] {strides = array<i32>} : memref<128x128xf32, #tpu.memory_space<vmem>>, vector<16xf32>,
        tpu.vector_store %arg10[%swap3A_649, %swap3A_650], %mul3A_648 {strides = array<i32>} : memref<128x128xf32, #tpu.memory_space<vmem>>, vector<16xf32>,
        %get3A_652 = arith.index_cast %add3A_639 : i32 to index
        %get3A_653 = arith.constant 16 : index
        %get3A_654 = tpu.vector_load %arg10[%get3A_652, %get3A_653] {strides = array<i32>} : memref<128x128xf32, #tpu.memory_space<vmem>>, vector<16xf32>,
        %mul3A_655 = arith.mulf %get3A_654, %gather3A_644 : vector<16xf32>
        %swap3A_656 = arith.index_cast %add3A_639 : i32 to index
        %swap3A_657 = arith.constant 16 : index
        %swap3A_658 = tpu.vector_load %arg10[%swap3A_656, %swap3A_657] {strides = array<i32>} : memref<128x128xf32, #tpu.memory_space<vmem>>, vector<16xf32>,
        tpu.vector_store %arg10[%swap3A_656, %swap3A_657], %mul3A_655 {strides = array<i32>} : memref<128x128xf32, #tpu.memory_space<vmem>>, vector<16xf32>,
        %get3A_659 = arith.index_cast %add3A_639 : i32 to index
        %get3A_660 = arith.constant 32 : index
        %get3A_661 = tpu.vector_load %arg10[%get3A_659, %get3A_660] {strides = array<i32>} : memref<128x128xf32, #tpu.memory_space<vmem>>, vector<16xf32>,
        %mul3A_662 = arith.mulf %get3A_661, %gather3A_644 : vector<16xf32>
        %swap3A_663 = arith.index_cast %add3A_639 : i32 to index
        %swap3A_664 = arith.constant 32 : index
        %swap3A_665 = tpu.vector_load %arg10[%swap3A_663, %swap3A_664] {strides = array<i32>} : memref<128x128xf32, #tpu.memory_space<vmem>>, vector<16xf32>,
        tpu.vector_store %arg10[%swap3A_663, %swap3A_664], %mul3A_662 {strides = array<i32>} : memref<128x128xf32, #tpu.memory_space<vmem>>, vector<16xf32>,
        %get3A_666 = arith.index_cast %add3A_639 : i32 to index
        %get3A_667 = arith.constant 48 : index
        %get3A_668 = tpu.vector_load %arg10[%get3A_666, %get3A_667] {strides = array<i32>} : memref<128x128xf32, #tpu.memory_space<vmem>>, vector<16xf32>,
        %mul3A_669 = arith.mulf %get3A_668, %gather3A_644 : vector<16xf32>
        %swap3A_670 = arith.index_cast %add3A_639 : i32 to index
        %swap3A_671 = arith.constant 48 : index
        %swap3A_672 = tpu.vector_load %arg10[%swap3A_670, %swap3A_671] {strides = array<i32>} : memref<128x128xf32, #tpu.memory_space<vmem>>, vector<16xf32>,
        tpu.vector_store %arg10[%swap3A_670, %swap3A_671], %mul3A_669 {strides = array<i32>} : memref<128x128xf32, #tpu.memory_space<vmem>>, vector<16xf32>,
        %get3A_673 = arith.index_cast %add3A_639 : i32 to index
        %get3A_674 = arith.constant 64 : index
        %get3A_675 = tpu.vector_load %arg10[%get3A_673, %get3A_674] {strides = array<i32>} : memref<128x128xf32, #tpu.memory_space<vmem>>, vector<16xf32>,
        %mul3A_676 = arith.mulf %get3A_675, %gather3A_644 : vector<16xf32>
        %swap3A_677 = arith.index_cast %add3A_639 : i32 to index
        %swap3A_678 = arith.constant 64 : index
        %swap3A_679 = tpu.vector_load %arg10[%swap3A_677, %swap3A_678] {strides = array<i32>} : memref<128x128xf32, #tpu.memory_space<vmem>>, vector<16xf32>,
        tpu.vector_store %arg10[%swap3A_677, %swap3A_678], %mul3A_676 {strides = array<i32>} : memref<128x128xf32, #tpu.memory_space<vmem>>, vector<16xf32>,
        %get3A_680 = arith.index_cast %add3A_639 : i32 to index
        %get3A_681 = arith.constant 80 : index
        %get3A_682 = tpu.vector_load %arg10[%get3A_680, %get3A_681] {strides = array<i32>} : memref<128x128xf32, #tpu.memory_space<vmem>>, vector<16xf32>,
        %mul3A_683 = arith.mulf %get3A_682, %gather3A_644 : vector<16xf32>
        %swap3A_684 = arith.index_cast %add3A_639 : i32 to index
        %swap3A_685 = arith.constant 80 : index
        %swap3A_686 = tpu.vector_load %arg10[%swap3A_684, %swap3A_685] {strides = array<i32>} : memref<128x128xf32, #tpu.memory_space<vmem>>, vector<16xf32>,
        tpu.vector_store %arg10[%swap3A_684, %swap3A_685], %mul3A_683 {strides = array<i32>} : memref<128x128xf32, #tpu.memory_space<vmem>>, vector<16xf32>,
        %get3A_687 = arith.index_cast %add3A_639 : i32 to index
        %get3A_688 = arith.constant 96 : index
        %get3A_689 = tpu.vector_load %arg10[%get3A_687, %get3A_688] {strides = array<i32>} : memref<128x128xf32, #tpu.memory_space<vmem>>, vector<16xf32>,
        %mul3A_690 = arith.mulf %get3A_689, %gather3A_644 : vector<16xf32>
        %swap3A_691 = arith.index_cast %add3A_639 : i32 to index
        %swap3A_692 = arith.constant 96 : index
        %swap3A_693 = tpu.vector_load %arg10[%swap3A_691, %swap3A_692] {strides = array<i32>} : memref<128x128xf32, #tpu.memory_space<vmem>>, vector<16xf32>,
        tpu.vector_store %arg10[%swap3A_691, %swap3A_692], %mul3A_690 {strides = array<i32>} : memref<128x128xf32, #tpu.memory_space<vmem>>, vector<16xf32>,
        %get3A_694 = arith.index_cast %add3A_639 : i32 to index
        %get3A_695 = arith.constant 112 : index
        %get3A_696 = tpu.vector_load %arg10[%get3A_694, %get3A_695] {strides = array<i32>} : memref<128x128xf32, #tpu.memory_space<vmem>>, vector<16xf32>,
        %mul3A_697 = arith.mulf %get3A_696, %gather3A_644 : vector<16xf32>
        %swap3A_698 = arith.index_cast %add3A_639 : i32 to index
        %swap3A_699 = arith.constant 112 : index
        %swap3A_700 = tpu.vector_load %arg10[%swap3A_698, %swap3A_699] {strides = array<i32>} : memref<128x128xf32, #tpu.memory_space<vmem>>, vector<16xf32>,
        tpu.vector_store %arg10[%swap3A_698, %swap3A_699], %mul3A_697 {strides = array<i32>} : memref<128x128xf32, #tpu.memory_space<vmem>>, vector<16xf32>,
        %mul3A_701 = arith.constant 16 : i32
        %mul3A_702 = arith.muli %scan3A_54, %mul3A_701 : i32
        %add3A_703 = arith.constant 10 : i32
        %add3A_704 = arith.addi %mul3A_702, %add3A_703 : i32
        %broadcast_in_dim3A_705 = arith.constant 0 : i32
        %broadcast_in_dim3A_706 = vector.broadcast %broadcast_in_dim3A_705 : i32 to vector<16xi32>
        %add3A_707 = vector.broadcast %add3A_704 : i32 to vector<16xi32>
        %add3A_708 = arith.addi %broadcast_in_dim3A_706, %add3A_707 : vector<16xi32>
        %gather3A_709 = tpu.vector_load_idx %arg11[%add3A_708] : memref<128xf32, #tpu.memory_space<vmem>>[vector<16xi32>], vector<16xf32>,
        %get3A_710 = arith.index_cast %add3A_704 : i32 to index
        %get3A_711 = arith.constant 0 : index
        %get3A_712 = tpu.vector_load %arg10[%get3A_710, %get3A_711] {strides = array<i32>} : memref<128x128xf32, #tpu.memory_space<vmem>>, vector<16xf32>,
        %mul3A_713 = arith.mulf %get3A_712, %gather3A_709 : vector<16xf32>
        %swap3A_714 = arith.index_cast %add3A_704 : i32 to index
        %swap3A_715 = arith.constant 0 : index
        %swap3A_716 = tpu.vector_load %arg10[%swap3A_714, %swap3A_715] {strides = array<i32>} : memref<128x128xf32, #tpu.memory_space<vmem>>, vector<16xf32>,
        tpu.vector_store %arg10[%swap3A_714, %swap3A_715], %mul3A_713 {strides = array<i32>} : memref<128x128xf32, #tpu.memory_space<vmem>>, vector<16xf32>,
        %get3A_717 = arith.index_cast %add3A_704 : i32 to index
        %get3A_718 = arith.constant 16 : index
        %get3A_719 = tpu.vector_load %arg10[%get3A_717, %get3A_718] {strides = array<i32>} : memref<128x128xf32, #tpu.memory_space<vmem>>, vector<16xf32>,
        %mul3A_720 = arith.mulf %get3A_719, %gather3A_709 : vector<16xf32>
        %swap3A_721 = arith.index_cast %add3A_704 : i32 to index
        %swap3A_722 = arith.constant 16 : index
        %swap3A_723 = tpu.vector_load %arg10[%swap3A_721, %swap3A_722] {strides = array<i32>} : memref<128x128xf32, #tpu.memory_space<vmem>>, vector<16xf32>,
        tpu.vector_store %arg10[%swap3A_721, %swap3A_722], %mul3A_720 {strides = array<i32>} : memref<128x128xf32, #tpu.memory_space<vmem>>, vector<16xf32>,
        %get3A_724 = arith.index_cast %add3A_704 : i32 to index
        %get3A_725 = arith.constant 32 : index
        %get3A_726 = tpu.vector_load %arg10[%get3A_724, %get3A_725] {strides = array<i32>} : memref<128x128xf32, #tpu.memory_space<vmem>>, vector<16xf32>,
        %mul3A_727 = arith.mulf %get3A_726, %gather3A_709 : vector<16xf32>
        %swap3A_728 = arith.index_cast %add3A_704 : i32 to index
        %swap3A_729 = arith.constant 32 : index
        %swap3A_730 = tpu.vector_load %arg10[%swap3A_728, %swap3A_729] {strides = array<i32>} : memref<128x128xf32, #tpu.memory_space<vmem>>, vector<16xf32>,
        tpu.vector_store %arg10[%swap3A_728, %swap3A_729], %mul3A_727 {strides = array<i32>} : memref<128x128xf32, #tpu.memory_space<vmem>>, vector<16xf32>,
        %get3A_731 = arith.index_cast %add3A_704 : i32 to index
        %get3A_732 = arith.constant 48 : index
        %get3A_733 = tpu.vector_load %arg10[%get3A_731, %get3A_732] {strides = array<i32>} : memref<128x128xf32, #tpu.memory_space<vmem>>, vector<16xf32>,
        %mul3A_734 = arith.mulf %get3A_733, %gather3A_709 : vector<16xf32>
        %swap3A_735 = arith.index_cast %add3A_704 : i32 to index
        %swap3A_736 = arith.constant 48 : index
        %swap3A_737 = tpu.vector_load %arg10[%swap3A_735, %swap3A_736] {strides = array<i32>} : memref<128x128xf32, #tpu.memory_space<vmem>>, vector<16xf32>,
        tpu.vector_store %arg10[%swap3A_735, %swap3A_736], %mul3A_734 {strides = array<i32>} : memref<128x128xf32, #tpu.memory_space<vmem>>, vector<16xf32>,
        %get3A_738 = arith.index_cast %add3A_704 : i32 to index
        %get3A_739 = arith.constant 64 : index
        %get3A_740 = tpu.vector_load %arg10[%get3A_738, %get3A_739] {strides = array<i32>} : memref<128x128xf32, #tpu.memory_space<vmem>>, vector<16xf32>,
        %mul3A_741 = arith.mulf %get3A_740, %gather3A_709 : vector<16xf32>
        %swap3A_742 = arith.index_cast %add3A_704 : i32 to index
        %swap3A_743 = arith.constant 64 : index
        %swap3A_744 = tpu.vector_load %arg10[%swap3A_742, %swap3A_743] {strides = array<i32>} : memref<128x128xf32, #tpu.memory_space<vmem>>, vector<16xf32>,
        tpu.vector_store %arg10[%swap3A_742, %swap3A_743], %mul3A_741 {strides = array<i32>} : memref<128x128xf32, #tpu.memory_space<vmem>>, vector<16xf32>,
        %get3A_745 = arith.index_cast %add3A_704 : i32 to index
        %get3A_746 = arith.constant 80 : index
        %get3A_747 = tpu.vector_load %arg10[%get3A_745, %get3A_746] {strides = array<i32>} : memref<128x128xf32, #tpu.memory_space<vmem>>, vector<16xf32>,
        %mul3A_748 = arith.mulf %get3A_747, %gather3A_709 : vector<16xf32>
        %swap3A_749 = arith.index_cast %add3A_704 : i32 to index
        %swap3A_750 = arith.constant 80 : index
        %swap3A_751 = tpu.vector_load %arg10[%swap3A_749, %swap3A_750] {strides = array<i32>} : memref<128x128xf32, #tpu.memory_space<vmem>>, vector<16xf32>,
        tpu.vector_store %arg10[%swap3A_749, %swap3A_750], %mul3A_748 {strides = array<i32>} : memref<128x128xf32, #tpu.memory_space<vmem>>, vector<16xf32>,
        %get3A_752 = arith.index_cast %add3A_704 : i32 to index
        %get3A_753 = arith.constant 96 : index
        %get3A_754 = tpu.vector_load %arg10[%get3A_752, %get3A_753] {strides = array<i32>} : memref<128x128xf32, #tpu.memory_space<vmem>>, vector<16xf32>,
        %mul3A_755 = arith.mulf %get3A_754, %gather3A_709 : vector<16xf32>
        %swap3A_756 = arith.index_cast %add3A_704 : i32 to index
        %swap3A_757 = arith.constant 96 : index
        %swap3A_758 = tpu.vector_load %arg10[%swap3A_756, %swap3A_757] {strides = array<i32>} : memref<128x128xf32, #tpu.memory_space<vmem>>, vector<16xf32>,
        tpu.vector_store %arg10[%swap3A_756, %swap3A_757], %mul3A_755 {strides = array<i32>} : memref<128x128xf32, #tpu.memory_space<vmem>>, vector<16xf32>,
        %get3A_759 = arith.index_cast %add3A_704 : i32 to index
        %get3A_760 = arith.constant 112 : index
        %get3A_761 = tpu.vector_load %arg10[%get3A_759, %get3A_760] {strides = array<i32>} : memref<128x128xf32, #tpu.memory_space<vmem>>, vector<16xf32>,
        %mul3A_762 = arith.mulf %get3A_761, %gather3A_709 : vector<16xf32>
        %swap3A_763 = arith.index_cast %add3A_704 : i32 to index
        %swap3A_764 = arith.constant 112 : index
        %swap3A_765 = tpu.vector_load %arg10[%swap3A_763, %swap3A_764] {strides = array<i32>} : memref<128x128xf32, #tpu.memory_space<vmem>>, vector<16xf32>,
        tpu.vector_store %arg10[%swap3A_763, %swap3A_764], %mul3A_762 {strides = array<i32>} : memref<128x128xf32, #tpu.memory_space<vmem>>, vector<16xf32>,
        %mul3A_766 = arith.constant 16 : i32
        %mul3A_767 = arith.muli %scan3A_54, %mul3A_766 : i32
        %add3A_768 = arith.constant 11 : i32
        %add3A_769 = arith.addi %mul3A_767, %add3A_768 : i32
        %broadcast_in_dim3A_770 = arith.constant 0 : i32
        %broadcast_in_dim3A_771 = vector.broadcast %broadcast_in_dim3A_770 : i32 to vector<16xi32>
        %add3A_772 = vector.broadcast %add3A_769 : i32 to vector<16xi32>
        %add3A_773 = arith.addi %broadcast_in_dim3A_771, %add3A_772 : vector<16xi32>
        %gather3A_774 = tpu.vector_load_idx %arg11[%add3A_773] : memref<128xf32, #tpu.memory_space<vmem>>[vector<16xi32>], vector<16xf32>,
        %get3A_775 = arith.index_cast %add3A_769 : i32 to index
        %get3A_776 = arith.constant 0 : index
        %get3A_777 = tpu.vector_load %arg10[%get3A_775, %get3A_776] {strides = array<i32>} : memref<128x128xf32, #tpu.memory_space<vmem>>, vector<16xf32>,
        %mul3A_778 = arith.mulf %get3A_777, %gather3A_774 : vector<16xf32>
        %swap3A_779 = arith.index_cast %add3A_769 : i32 to index
        %swap3A_780 = arith.constant 0 : index
        %swap3A_781 = tpu.vector_load %arg10[%swap3A_779, %swap3A_780] {strides = array<i32>} : memref<128x128xf32, #tpu.memory_space<vmem>>, vector<16xf32>,
        tpu.vector_store %arg10[%swap3A_779, %swap3A_780], %mul3A_778 {strides = array<i32>} : memref<128x128xf32, #tpu.memory_space<vmem>>, vector<16xf32>,
        %get3A_782 = arith.index_cast %add3A_769 : i32 to index
        %get3A_783 = arith.constant 16 : index
        %get3A_784 = tpu.vector_load %arg10[%get3A_782, %get3A_783] {strides = array<i32>} : memref<128x128xf32, #tpu.memory_space<vmem>>, vector<16xf32>,
        %mul3A_785 = arith.mulf %get3A_784, %gather3A_774 : vector<16xf32>
        %swap3A_786 = arith.index_cast %add3A_769 : i32 to index
        %swap3A_787 = arith.constant 16 : index
        %swap3A_788 = tpu.vector_load %arg10[%swap3A_786, %swap3A_787] {strides = array<i32>} : memref<128x128xf32, #tpu.memory_space<vmem>>, vector<16xf32>,
        tpu.vector_store %arg10[%swap3A_786, %swap3A_787], %mul3A_785 {strides = array<i32>} : memref<128x128xf32, #tpu.memory_space<vmem>>, vector<16xf32>,
        %get3A_789 = arith.index_cast %add3A_769 : i32 to index
        %get3A_790 = arith.constant 32 : index
        %get3A_791 = tpu.vector_load %arg10[%get3A_789, %get3A_790] {strides = array<i32>} : memref<128x128xf32, #tpu.memory_space<vmem>>, vector<16xf32>,
        %mul3A_792 = arith.mulf %get3A_791, %gather3A_774 : vector<16xf32>
        %swap3A_793 = arith.index_cast %add3A_769 : i32 to index
        %swap3A_794 = arith.constant 32 : index
        %swap3A_795 = tpu.vector_load %arg10[%swap3A_793, %swap3A_794] {strides = array<i32>} : memref<128x128xf32, #tpu.memory_space<vmem>>, vector<16xf32>,
        tpu.vector_store %arg10[%swap3A_793, %swap3A_794], %mul3A_792 {strides = array<i32>} : memref<128x128xf32, #tpu.memory_space<vmem>>, vector<16xf32>,
        %get3A_796 = arith.index_cast %add3A_769 : i32 to index
        %get3A_797 = arith.constant 48 : index
        %get3A_798 = tpu.vector_load %arg10[%get3A_796, %get3A_797] {strides = array<i32>} : memref<128x128xf32, #tpu.memory_space<vmem>>, vector<16xf32>,
        %mul3A_799 = arith.mulf %get3A_798, %gather3A_774 : vector<16xf32>
        %swap3A_800 = arith.index_cast %add3A_769 : i32 to index
        %swap3A_801 = arith.constant 48 : index
        %swap3A_802 = tpu.vector_load %arg10[%swap3A_800, %swap3A_801] {strides = array<i32>} : memref<128x128xf32, #tpu.memory_space<vmem>>, vector<16xf32>,
        tpu.vector_store %arg10[%swap3A_800, %swap3A_801], %mul3A_799 {strides = array<i32>} : memref<128x128xf32, #tpu.memory_space<vmem>>, vector<16xf32>,
        %get3A_803 = arith.index_cast %add3A_769 : i32 to index
        %get3A_804 = arith.constant 64 : index
        %get3A_805 = tpu.vector_load %arg10[%get3A_803, %get3A_804] {strides = array<i32>} : memref<128x128xf32, #tpu.memory_space<vmem>>, vector<16xf32>,
        %mul3A_806 = arith.mulf %get3A_805, %gather3A_774 : vector<16xf32>
        %swap3A_807 = arith.index_cast %add3A_769 : i32 to index
        %swap3A_808 = arith.constant 64 : index
        %swap3A_809 = tpu.vector_load %arg10[%swap3A_807, %swap3A_808] {strides = array<i32>} : memref<128x128xf32, #tpu.memory_space<vmem>>, vector<16xf32>,
        tpu.vector_store %arg10[%swap3A_807, %swap3A_808], %mul3A_806 {strides = array<i32>} : memref<128x128xf32, #tpu.memory_space<vmem>>, vector<16xf32>,
        %get3A_810 = arith.index_cast %add3A_769 : i32 to index
        %get3A_811 = arith.constant 80 : index
        %get3A_812 = tpu.vector_load %arg10[%get3A_810, %get3A_811] {strides = array<i32>} : memref<128x128xf32, #tpu.memory_space<vmem>>, vector<16xf32>,
        %mul3A_813 = arith.mulf %get3A_812, %gather3A_774 : vector<16xf32>
        %swap3A_814 = arith.index_cast %add3A_769 : i32 to index
        %swap3A_815 = arith.constant 80 : index
        %swap3A_816 = tpu.vector_load %arg10[%swap3A_814, %swap3A_815] {strides = array<i32>} : memref<128x128xf32, #tpu.memory_space<vmem>>, vector<16xf32>,
        tpu.vector_store %arg10[%swap3A_814, %swap3A_815], %mul3A_813 {strides = array<i32>} : memref<128x128xf32, #tpu.memory_space<vmem>>, vector<16xf32>,
        %get3A_817 = arith.index_cast %add3A_769 : i32 to index
        %get3A_818 = arith.constant 96 : index
        %get3A_819 = tpu.vector_load %arg10[%get3A_817, %get3A_818] {strides = array<i32>} : memref<128x128xf32, #tpu.memory_space<vmem>>, vector<16xf32>,
        %mul3A_820 = arith.mulf %get3A_819, %gather3A_774 : vector<16xf32>
        %swap3A_821 = arith.index_cast %add3A_769 : i32 to index
        %swap3A_822 = arith.constant 96 : index
        %swap3A_823 = tpu.vector_load %arg10[%swap3A_821, %swap3A_822] {strides = array<i32>} : memref<128x128xf32, #tpu.memory_space<vmem>>, vector<16xf32>,
        tpu.vector_store %arg10[%swap3A_821, %swap3A_822], %mul3A_820 {strides = array<i32>} : memref<128x128xf32, #tpu.memory_space<vmem>>, vector<16xf32>,
        %get3A_824 = arith.index_cast %add3A_769 : i32 to index
        %get3A_825 = arith.constant 112 : index
        %get3A_826 = tpu.vector_load %arg10[%get3A_824, %get3A_825] {strides = array<i32>} : memref<128x128xf32, #tpu.memory_space<vmem>>, vector<16xf32>,
        %mul3A_827 = arith.mulf %get3A_826, %gather3A_774 : vector<16xf32>
        %swap3A_828 = arith.index_cast %add3A_769 : i32 to index
        %swap3A_829 = arith.constant 112 : index
        %swap3A_830 = tpu.vector_load %arg10[%swap3A_828, %swap3A_829] {strides = array<i32>} : memref<128x128xf32, #tpu.memory_space<vmem>>, vector<16xf32>,
        tpu.vector_store %arg10[%swap3A_828, %swap3A_829], %mul3A_827 {strides = array<i32>} : memref<128x128xf32, #tpu.memory_space<vmem>>, vector<16xf32>,
        %mul3A_831 = arith.constant 16 : i32
        %mul3A_832 = arith.muli %scan3A_54, %mul3A_831 : i32
        %add3A_833 = arith.constant 12 : i32
        %add3A_834 = arith.addi %mul3A_832, %add3A_833 : i32
        %broadcast_in_dim3A_835 = arith.constant 0 : i32
        %broadcast_in_dim3A_836 = vector.broadcast %broadcast_in_dim3A_835 : i32 to vector<16xi32>
        %add3A_837 = vector.broadcast %add3A_834 : i32 to vector<16xi32>
        %add3A_838 = arith.addi %broadcast_in_dim3A_836, %add3A_837 : vector<16xi32>
        %gather3A_839 = tpu.vector_load_idx %arg11[%add3A_838] : memref<128xf32, #tpu.memory_space<vmem>>[vector<16xi32>], vector<16xf32>,
        %get3A_840 = arith.index_cast %add3A_834 : i32 to index
        %get3A_841 = arith.constant 0 : index
        %get3A_842 = tpu.vector_load %arg10[%get3A_840, %get3A_841] {strides = array<i32>} : memref<128x128xf32, #tpu.memory_space<vmem>>, vector<16xf32>,
        %mul3A_843 = arith.mulf %get3A_842, %gather3A_839 : vector<16xf32>
        %swap3A_844 = arith.index_cast %add3A_834 : i32 to index
        %swap3A_845 = arith.constant 0 : index
        %swap3A_846 = tpu.vector_load %arg10[%swap3A_844, %swap3A_845] {strides = array<i32>} : memref<128x128xf32, #tpu.memory_space<vmem>>, vector<16xf32>,
        tpu.vector_store %arg10[%swap3A_844, %swap3A_845], %mul3A_843 {strides = array<i32>} : memref<128x128xf32, #tpu.memory_space<vmem>>, vector<16xf32>,
        %get3A_847 = arith.index_cast %add3A_834 : i32 to index
        %get3A_848 = arith.constant 16 : index
        %get3A_849 = tpu.vector_load %arg10[%get3A_847, %get3A_848] {strides = array<i32>} : memref<128x128xf32, #tpu.memory_space<vmem>>, vector<16xf32>,
        %mul3A_850 = arith.mulf %get3A_849, %gather3A_839 : vector<16xf32>
        %swap3A_851 = arith.index_cast %add3A_834 : i32 to index
        %swap3A_852 = arith.constant 16 : index
        %swap3A_853 = tpu.vector_load %arg10[%swap3A_851, %swap3A_852] {strides = array<i32>} : memref<128x128xf32, #tpu.memory_space<vmem>>, vector<16xf32>,
        tpu.vector_store %arg10[%swap3A_851, %swap3A_852], %mul3A_850 {strides = array<i32>} : memref<128x128xf32, #tpu.memory_space<vmem>>, vector<16xf32>,
        %get3A_854 = arith.index_cast %add3A_834 : i32 to index
        %get3A_855 = arith.constant 32 : index
        %get3A_856 = tpu.vector_load %arg10[%get3A_854, %get3A_855] {strides = array<i32>} : memref<128x128xf32, #tpu.memory_space<vmem>>, vector<16xf32>,
        %mul3A_857 = arith.mulf %get3A_856, %gather3A_839 : vector<16xf32>
        %swap3A_858 = arith.index_cast %add3A_834 : i32 to index
        %swap3A_859 = arith.constant 32 : index
        %swap3A_860 = tpu.vector_load %arg10[%swap3A_858, %swap3A_859] {strides = array<i32>} : memref<128x128xf32, #tpu.memory_space<vmem>>, vector<16xf32>,
        tpu.vector_store %arg10[%swap3A_858, %swap3A_859], %mul3A_857 {strides = array<i32>} : memref<128x128xf32, #tpu.memory_space<vmem>>, vector<16xf32>,
        %get3A_861 = arith.index_cast %add3A_834 : i32 to index
        %get3A_862 = arith.constant 48 : index
        %get3A_863 = tpu.vector_load %arg10[%get3A_861, %get3A_862] {strides = array<i32>} : memref<128x128xf32, #tpu.memory_space<vmem>>, vector<16xf32>,
        %mul3A_864 = arith.mulf %get3A_863, %gather3A_839 : vector<16xf32>
        %swap3A_865 = arith.index_cast %add3A_834 : i32 to index
        %swap3A_866 = arith.constant 48 : index
        %swap3A_867 = tpu.vector_load %arg10[%swap3A_865, %swap3A_866] {strides = array<i32>} : memref<128x128xf32, #tpu.memory_space<vmem>>, vector<16xf32>,
        tpu.vector_store %arg10[%swap3A_865, %swap3A_866], %mul3A_864 {strides = array<i32>} : memref<128x128xf32, #tpu.memory_space<vmem>>, vector<16xf32>,
        %get3A_868 = arith.index_cast %add3A_834 : i32 to index
        %get3A_869 = arith.constant 64 : index
        %get3A_870 = tpu.vector_load %arg10[%get3A_868, %get3A_869] {strides = array<i32>} : memref<128x128xf32, #tpu.memory_space<vmem>>, vector<16xf32>,
        %mul3A_871 = arith.mulf %get3A_870, %gather3A_839 : vector<16xf32>
        %swap3A_872 = arith.index_cast %add3A_834 : i32 to index
        %swap3A_873 = arith.constant 64 : index
        %swap3A_874 = tpu.vector_load %arg10[%swap3A_872, %swap3A_873] {strides = array<i32>} : memref<128x128xf32, #tpu.memory_space<vmem>>, vector<16xf32>,
        tpu.vector_store %arg10[%swap3A_872, %swap3A_873], %mul3A_871 {strides = array<i32>} : memref<128x128xf32, #tpu.memory_space<vmem>>, vector<16xf32>,
        %get3A_875 = arith.index_cast %add3A_834 : i32 to index
        %get3A_876 = arith.constant 80 : index
        %get3A_877 = tpu.vector_load %arg10[%get3A_875, %get3A_876] {strides = array<i32>} : memref<128x128xf32, #tpu.memory_space<vmem>>, vector<16xf32>,
        %mul3A_878 = arith.mulf %get3A_877, %gather3A_839 : vector<16xf32>
        %swap3A_879 = arith.index_cast %add3A_834 : i32 to index
        %swap3A_880 = arith.constant 80 : index
        %swap3A_881 = tpu.vector_load %arg10[%swap3A_879, %swap3A_880] {strides = array<i32>} : memref<128x128xf32, #tpu.memory_space<vmem>>, vector<16xf32>,
        tpu.vector_store %arg10[%swap3A_879, %swap3A_880], %mul3A_878 {strides = array<i32>} : memref<128x128xf32, #tpu.memory_space<vmem>>, vector<16xf32>,
        %get3A_882 = arith.index_cast %add3A_834 : i32 to index
        %get3A_883 = arith.constant 96 : index
        %get3A_884 = tpu.vector_load %arg10[%get3A_882, %get3A_883] {strides = array<i32>} : memref<128x128xf32, #tpu.memory_space<vmem>>, vector<16xf32>,
        %mul3A_885 = arith.mulf %get3A_884, %gather3A_839 : vector<16xf32>
        %swap3A_886 = arith.index_cast %add3A_834 : i32 to index
        %swap3A_887 = arith.constant 96 : index
        %swap3A_888 = tpu.vector_load %arg10[%swap3A_886, %swap3A_887] {strides = array<i32>} : memref<128x128xf32, #tpu.memory_space<vmem>>, vector<16xf32>,
        tpu.vector_store %arg10[%swap3A_886, %swap3A_887], %mul3A_885 {strides = array<i32>} : memref<128x128xf32, #tpu.memory_space<vmem>>, vector<16xf32>,
        %get3A_889 = arith.index_cast %add3A_834 : i32 to index
        %get3A_890 = arith.constant 112 : index
        %get3A_891 = tpu.vector_load %arg10[%get3A_889, %get3A_890] {strides = array<i32>} : memref<128x128xf32, #tpu.memory_space<vmem>>, vector<16xf32>,
        %mul3A_892 = arith.mulf %get3A_891, %gather3A_839 : vector<16xf32>
        %swap3A_893 = arith.index_cast %add3A_834 : i32 to index
        %swap3A_894 = arith.constant 112 : index
        %swap3A_895 = tpu.vector_load %arg10[%swap3A_893, %swap3A_894] {strides = array<i32>} : memref<128x128xf32, #tpu.memory_space<vmem>>, vector<16xf32>,
        tpu.vector_store %arg10[%swap3A_893, %swap3A_894], %mul3A_892 {strides = array<i32>} : memref<128x128xf32, #tpu.memory_space<vmem>>, vector<16xf32>,
        %mul3A_896 = arith.constant 16 : i32
        %mul3A_897 = arith.muli %scan3A_54, %mul3A_896 : i32
        %add3A_898 = arith.constant 13 : i32
        %add3A_899 = arith.addi %mul3A_897, %add3A_898 : i32
        %broadcast_in_dim3A_900 = arith.constant 0 : i32
        %broadcast_in_dim3A_901 = vector.broadcast %broadcast_in_dim3A_900 : i32 to vector<16xi32>
        %add3A_902 = vector.broadcast %add3A_899 : i32 to vector<16xi32>
        %add3A_903 = arith.addi %broadcast_in_dim3A_901, %add3A_902 : vector<16xi32>
        %gather3A_904 = tpu.vector_load_idx %arg11[%add3A_903] : memref<128xf32, #tpu.memory_space<vmem>>[vector<16xi32>], vector<16xf32>,
        %get3A_905 = arith.index_cast %add3A_899 : i32 to index
        %get3A_906 = arith.constant 0 : index
        %get3A_907 = tpu.vector_load %arg10[%get3A_905, %get3A_906] {strides = array<i32>} : memref<128x128xf32, #tpu.memory_space<vmem>>, vector<16xf32>,
        %mul3A_908 = arith.mulf %get3A_907, %gather3A_904 : vector<16xf32>
        %swap3A_909 = arith.index_cast %add3A_899 : i32 to index
        %swap3A_910 = arith.constant 0 : index
        %swap3A_911 = tpu.vector_load %arg10[%swap3A_909, %swap3A_910] {strides = array<i32>} : memref<128x128xf32, #tpu.memory_space<vmem>>, vector<16xf32>,
        tpu.vector_store %arg10[%swap3A_909, %swap3A_910], %mul3A_908 {strides = array<i32>} : memref<128x128xf32, #tpu.memory_space<vmem>>, vector<16xf32>,
        %get3A_912 = arith.index_cast %add3A_899 : i32 to index
        %get3A_913 = arith.constant 16 : index
        %get3A_914 = tpu.vector_load %arg10[%get3A_912, %get3A_913] {strides = array<i32>} : memref<128x128xf32, #tpu.memory_space<vmem>>, vector<16xf32>,
        %mul3A_915 = arith.mulf %get3A_914, %gather3A_904 : vector<16xf32>
        %swap3A_916 = arith.index_cast %add3A_899 : i32 to index
        %swap3A_917 = arith.constant 16 : index
        %swap3A_918 = tpu.vector_load %arg10[%swap3A_916, %swap3A_917] {strides = array<i32>} : memref<128x128xf32, #tpu.memory_space<vmem>>, vector<16xf32>,
        tpu.vector_store %arg10[%swap3A_916, %swap3A_917], %mul3A_915 {strides = array<i32>} : memref<128x128xf32, #tpu.memory_space<vmem>>, vector<16xf32>,
        %get3A_919 = arith.index_cast %add3A_899 : i32 to index
        %get3A_920 = arith.constant 32 : index
        %get3A_921 = tpu.vector_load %arg10[%get3A_919, %get3A_920] {strides = array<i32>} : memref<128x128xf32, #tpu.memory_space<vmem>>, vector<16xf32>,
        %mul3A_922 = arith.mulf %get3A_921, %gather3A_904 : vector<16xf32>
        %swap3A_923 = arith.index_cast %add3A_899 : i32 to index
        %swap3A_924 = arith.constant 32 : index
        %swap3A_925 = tpu.vector_load %arg10[%swap3A_923, %swap3A_924] {strides = array<i32>} : memref<128x128xf32, #tpu.memory_space<vmem>>, vector<16xf32>,
        tpu.vector_store %arg10[%swap3A_923, %swap3A_924], %mul3A_922 {strides = array<i32>} : memref<128x128xf32, #tpu.memory_space<vmem>>, vector<16xf32>,
        %get3A_926 = arith.index_cast %add3A_899 : i32 to index
        %get3A_927 = arith.constant 48 : index
        %get3A_928 = tpu.vector_load %arg10[%get3A_926, %get3A_927] {strides = array<i32>} : memref<128x128xf32, #tpu.memory_space<vmem>>, vector<16xf32>,
        %mul3A_929 = arith.mulf %get3A_928, %gather3A_904 : vector<16xf32>
        %swap3A_930 = arith.index_cast %add3A_899 : i32 to index
        %swap3A_931 = arith.constant 48 : index
        %swap3A_932 = tpu.vector_load %arg10[%swap3A_930, %swap3A_931] {strides = array<i32>} : memref<128x128xf32, #tpu.memory_space<vmem>>, vector<16xf32>,
        tpu.vector_store %arg10[%swap3A_930, %swap3A_931], %mul3A_929 {strides = array<i32>} : memref<128x128xf32, #tpu.memory_space<vmem>>, vector<16xf32>,
        %get3A_933 = arith.index_cast %add3A_899 : i32 to index
        %get3A_934 = arith.constant 64 : index
        %get3A_935 = tpu.vector_load %arg10[%get3A_933, %get3A_934] {strides = array<i32>} : memref<128x128xf32, #tpu.memory_space<vmem>>, vector<16xf32>,
        %mul3A_936 = arith.mulf %get3A_935, %gather3A_904 : vector<16xf32>
        %swap3A_937 = arith.index_cast %add3A_899 : i32 to index
        %swap3A_938 = arith.constant 64 : index
        %swap3A_939 = tpu.vector_load %arg10[%swap3A_937, %swap3A_938] {strides = array<i32>} : memref<128x128xf32, #tpu.memory_space<vmem>>, vector<16xf32>,
        tpu.vector_store %arg10[%swap3A_937, %swap3A_938], %mul3A_936 {strides = array<i32>} : memref<128x128xf32, #tpu.memory_space<vmem>>, vector<16xf32>,
        %get3A_940 = arith.index_cast %add3A_899 : i32 to index
        %get3A_941 = arith.constant 80 : index
        %get3A_942 = tpu.vector_load %arg10[%get3A_940, %get3A_941] {strides = array<i32>} : memref<128x128xf32, #tpu.memory_space<vmem>>, vector<16xf32>,
        %mul3A_943 = arith.mulf %get3A_942, %gather3A_904 : vector<16xf32>
        %swap3A_944 = arith.index_cast %add3A_899 : i32 to index
        %swap3A_945 = arith.constant 80 : index
        %swap3A_946 = tpu.vector_load %arg10[%swap3A_944, %swap3A_945] {strides = array<i32>} : memref<128x128xf32, #tpu.memory_space<vmem>>, vector<16xf32>,
        tpu.vector_store %arg10[%swap3A_944, %swap3A_945], %mul3A_943 {strides = array<i32>} : memref<128x128xf32, #tpu.memory_space<vmem>>, vector<16xf32>,
        %get3A_947 = arith.index_cast %add3A_899 : i32 to index
        %get3A_948 = arith.constant 96 : index
        %get3A_949 = tpu.vector_load %arg10[%get3A_947, %get3A_948] {strides = array<i32>} : memref<128x128xf32, #tpu.memory_space<vmem>>, vector<16xf32>,
        %mul3A_950 = arith.mulf %get3A_949, %gather3A_904 : vector<16xf32>
        %swap3A_951 = arith.index_cast %add3A_899 : i32 to index
        %swap3A_952 = arith.constant 96 : index
        %swap3A_953 = tpu.vector_load %arg10[%swap3A_951, %swap3A_952] {strides = array<i32>} : memref<128x128xf32, #tpu.memory_space<vmem>>, vector<16xf32>,
        tpu.vector_store %arg10[%swap3A_951, %swap3A_952], %mul3A_950 {strides = array<i32>} : memref<128x128xf32, #tpu.memory_space<vmem>>, vector<16xf32>,
        %get3A_954 = arith.index_cast %add3A_899 : i32 to index
        %get3A_955 = arith.constant 112 : index
        %get3A_956 = tpu.vector_load %arg10[%get3A_954, %get3A_955] {strides = array<i32>} : memref<128x128xf32, #tpu.memory_space<vmem>>, vector<16xf32>,
        %mul3A_957 = arith.mulf %get3A_956, %gather3A_904 : vector<16xf32>
        %swap3A_958 = arith.index_cast %add3A_899 : i32 to index
        %swap3A_959 = arith.constant 112 : index
        %swap3A_960 = tpu.vector_load %arg10[%swap3A_958, %swap3A_959] {strides = array<i32>} : memref<128x128xf32, #tpu.memory_space<vmem>>, vector<16xf32>,
        tpu.vector_store %arg10[%swap3A_958, %swap3A_959], %mul3A_957 {strides = array<i32>} : memref<128x128xf32, #tpu.memory_space<vmem>>, vector<16xf32>,
        %mul3A_961 = arith.constant 16 : i32
        %mul3A_962 = arith.muli %scan3A_54, %mul3A_961 : i32
        %add3A_963 = arith.constant 14 : i32
        %add3A_964 = arith.addi %mul3A_962, %add3A_963 : i32
        %broadcast_in_dim3A_965 = arith.constant 0 : i32
        %broadcast_in_dim3A_966 = vector.broadcast %broadcast_in_dim3A_965 : i32 to vector<16xi32>
        %add3A_967 = vector.broadcast %add3A_964 : i32 to vector<16xi32>
        %add3A_968 = arith.addi %broadcast_in_dim3A_966, %add3A_967 : vector<16xi32>
        %gather3A_969 = tpu.vector_load_idx %arg11[%add3A_968] : memref<128xf32, #tpu.memory_space<vmem>>[vector<16xi32>], vector<16xf32>,
        %get3A_970 = arith.index_cast %add3A_964 : i32 to index
        %get3A_971 = arith.constant 0 : index
        %get3A_972 = tpu.vector_load %arg10[%get3A_970, %get3A_971] {strides = array<i32>} : memref<128x128xf32, #tpu.memory_space<vmem>>, vector<16xf32>,
        %mul3A_973 = arith.mulf %get3A_972, %gather3A_969 : vector<16xf32>
        %swap3A_974 = arith.index_cast %add3A_964 : i32 to index
        %swap3A_975 = arith.constant 0 : index
        %swap3A_976 = tpu.vector_load %arg10[%swap3A_974, %swap3A_975] {strides = array<i32>} : memref<128x128xf32, #tpu.memory_space<vmem>>, vector<16xf32>,
        tpu.vector_store %arg10[%swap3A_974, %swap3A_975], %mul3A_973 {strides = array<i32>} : memref<128x128xf32, #tpu.memory_space<vmem>>, vector<16xf32>,
        %get3A_977 = arith.index_cast %add3A_964 : i32 to index
        %get3A_978 = arith.constant 16 : index
        %get3A_979 = tpu.vector_load %arg10[%get3A_977, %get3A_978] {strides = array<i32>} : memref<128x128xf32, #tpu.memory_space<vmem>>, vector<16xf32>,
        %mul3A_980 = arith.mulf %get3A_979, %gather3A_969 : vector<16xf32>
        %swap3A_981 = arith.index_cast %add3A_964 : i32 to index
        %swap3A_982 = arith.constant 16 : index
        %swap3A_983 = tpu.vector_load %arg10[%swap3A_981, %swap3A_982] {strides = array<i32>} : memref<128x128xf32, #tpu.memory_space<vmem>>, vector<16xf32>,
        tpu.vector_store %arg10[%swap3A_981, %swap3A_982], %mul3A_980 {strides = array<i32>} : memref<128x128xf32, #tpu.memory_space<vmem>>, vector<16xf32>,
        %get3A_984 = arith.index_cast %add3A_964 : i32 to index
        %get3A_985 = arith.constant 32 : index
        %get3A_986 = tpu.vector_load %arg10[%get3A_984, %get3A_985] {strides = array<i32>} : memref<128x128xf32, #tpu.memory_space<vmem>>, vector<16xf32>,
        %mul3A_987 = arith.mulf %get3A_986, %gather3A_969 : vector<16xf32>
        %swap3A_988 = arith.index_cast %add3A_964 : i32 to index
        %swap3A_989 = arith.constant 32 : index
        %swap3A_990 = tpu.vector_load %arg10[%swap3A_988, %swap3A_989] {strides = array<i32>} : memref<128x128xf32, #tpu.memory_space<vmem>>, vector<16xf32>,
        tpu.vector_store %arg10[%swap3A_988, %swap3A_989], %mul3A_987 {strides = array<i32>} : memref<128x128xf32, #tpu.memory_space<vmem>>, vector<16xf32>,
        %get3A_991 = arith.index_cast %add3A_964 : i32 to index
        %get3A_992 = arith.constant 48 : index
        %get3A_993 = tpu.vector_load %arg10[%get3A_991, %get3A_992] {strides = array<i32>} : memref<128x128xf32, #tpu.memory_space<vmem>>, vector<16xf32>,
        %mul3A_994 = arith.mulf %get3A_993, %gather3A_969 : vector<16xf32>
        %swap3A_995 = arith.index_cast %add3A_964 : i32 to index
        %swap3A_996 = arith.constant 48 : index
        %swap3A_997 = tpu.vector_load %arg10[%swap3A_995, %swap3A_996] {strides = array<i32>} : memref<128x128xf32, #tpu.memory_space<vmem>>, vector<16xf32>,
        tpu.vector_store %arg10[%swap3A_995, %swap3A_996], %mul3A_994 {strides = array<i32>} : memref<128x128xf32, #tpu.memory_space<vmem>>, vector<16xf32>,
        %get3A_998 = arith.index_cast %add3A_964 : i32 to index
        %get3A_999 = arith.constant 64 : index
        %get3A_1000 = tpu.vector_load %arg10[%get3A_998, %get3A_999] {strides = array<i32>} : memref<128x128xf32, #tpu.memory_space<vmem>>, vector<16xf32>,
        %mul3A_1001 = arith.mulf %get3A_1000, %gather3A_969 : vector<16xf32>
        %swap3A_1002 = arith.index_cast %add3A_964 : i32 to index
        %swap3A_1003 = arith.constant 64 : index
        %swap3A_1004 = tpu.vector_load %arg10[%swap3A_1002, %swap3A_1003] {strides = array<i32>} : memref<128x128xf32, #tpu.memory_space<vmem>>, vector<16xf32>,
        tpu.vector_store %arg10[%swap3A_1002, %swap3A_1003], %mul3A_1001 {strides = array<i32>} : memref<128x128xf32, #tpu.memory_space<vmem>>, vector<16xf32>,
        %get3A_1005 = arith.index_cast %add3A_964 : i32 to index
        %get3A_1006 = arith.constant 80 : index
        %get3A_1007 = tpu.vector_load %arg10[%get3A_1005, %get3A_1006] {strides = array<i32>} : memref<128x128xf32, #tpu.memory_space<vmem>>, vector<16xf32>,
        %mul3A_1008 = arith.mulf %get3A_1007, %gather3A_969 : vector<16xf32>
        %swap3A_1009 = arith.index_cast %add3A_964 : i32 to index
        %swap3A_1010 = arith.constant 80 : index
        %swap3A_1011 = tpu.vector_load %arg10[%swap3A_1009, %swap3A_1010] {strides = array<i32>} : memref<128x128xf32, #tpu.memory_space<vmem>>, vector<16xf32>,
        tpu.vector_store %arg10[%swap3A_1009, %swap3A_1010], %mul3A_1008 {strides = array<i32>} : memref<128x128xf32, #tpu.memory_space<vmem>>, vector<16xf32>,
        %get3A_1012 = arith.index_cast %add3A_964 : i32 to index
        %get3A_1013 = arith.constant 96 : index
        %get3A_1014 = tpu.vector_load %arg10[%get3A_1012, %get3A_1013] {strides = array<i32>} : memref<128x128xf32, #tpu.memory_space<vmem>>, vector<16xf32>,
        %mul3A_1015 = arith.mulf %get3A_1014, %gather3A_969 : vector<16xf32>
        %swap3A_1016 = arith.index_cast %add3A_964 : i32 to index
        %swap3A_1017 = arith.constant 96 : index
        %swap3A_1018 = tpu.vector_load %arg10[%swap3A_1016, %swap3A_1017] {strides = array<i32>} : memref<128x128xf32, #tpu.memory_space<vmem>>, vector<16xf32>,
        tpu.vector_store %arg10[%swap3A_1016, %swap3A_1017], %mul3A_1015 {strides = array<i32>} : memref<128x128xf32, #tpu.memory_space<vmem>>, vector<16xf32>,
        %get3A_1019 = arith.index_cast %add3A_964 : i32 to index
        %get3A_1020 = arith.constant 112 : index
        %get3A_1021 = tpu.vector_load %arg10[%get3A_1019, %get3A_1020] {strides = array<i32>} : memref<128x128xf32, #tpu.memory_space<vmem>>, vector<16xf32>,
        %mul3A_1022 = arith.mulf %get3A_1021, %gather3A_969 : vector<16xf32>
        %swap3A_1023 = arith.index_cast %add3A_964 : i32 to index
        %swap3A_1024 = arith.constant 112 : index
        %swap3A_1025 = tpu.vector_load %arg10[%swap3A_1023, %swap3A_1024] {strides = array<i32>} : memref<128x128xf32, #tpu.memory_space<vmem>>, vector<16xf32>,
        tpu.vector_store %arg10[%swap3A_1023, %swap3A_1024], %mul3A_1022 {strides = array<i32>} : memref<128x128xf32, #tpu.memory_space<vmem>>, vector<16xf32>,
        %mul3A_1026 = arith.constant 16 : i32
        %mul3A_1027 = arith.muli %scan3A_54, %mul3A_1026 : i32
        %add3A_1028 = arith.constant 15 : i32
        %add3A_1029 = arith.addi %mul3A_1027, %add3A_1028 : i32
        %broadcast_in_dim3A_1030 = arith.constant 0 : i32
        %broadcast_in_dim3A_1031 = vector.broadcast %broadcast_in_dim3A_1030 : i32 to vector<16xi32>
        %add3A_1032 = vector.broadcast %add3A_1029 : i32 to vector<16xi32>
        %add3A_1033 = arith.addi %broadcast_in_dim3A_1031, %add3A_1032 : vector<16xi32>
        %gather3A_1034 = tpu.vector_load_idx %arg11[%add3A_1033] : memref<128xf32, #tpu.memory_space<vmem>>[vector<16xi32>], vector<16xf32>,
        %get3A_1035 = arith.index_cast %add3A_1029 : i32 to index
        %get3A_1036 = arith.constant 0 : index
        %get3A_1037 = tpu.vector_load %arg10[%get3A_1035, %get3A_1036] {strides = array<i32>} : memref<128x128xf32, #tpu.memory_space<vmem>>, vector<16xf32>,
        %mul3A_1038 = arith.mulf %get3A_1037, %gather3A_1034 : vector<16xf32>
        %swap3A_1039 = arith.index_cast %add3A_1029 : i32 to index
        %swap3A_1040 = arith.constant 0 : index
        %swap3A_1041 = tpu.vector_load %arg10[%swap3A_1039, %swap3A_1040] {strides = array<i32>} : memref<128x128xf32, #tpu.memory_space<vmem>>, vector<16xf32>,
        tpu.vector_store %arg10[%swap3A_1039, %swap3A_1040], %mul3A_1038 {strides = array<i32>} : memref<128x128xf32, #tpu.memory_space<vmem>>, vector<16xf32>,
        %get3A_1042 = arith.index_cast %add3A_1029 : i32 to index
        %get3A_1043 = arith.constant 16 : index
        %get3A_1044 = tpu.vector_load %arg10[%get3A_1042, %get3A_1043] {strides = array<i32>} : memref<128x128xf32, #tpu.memory_space<vmem>>, vector<16xf32>,
        %mul3A_1045 = arith.mulf %get3A_1044, %gather3A_1034 : vector<16xf32>
        %swap3A_1046 = arith.index_cast %add3A_1029 : i32 to index
        %swap3A_1047 = arith.constant 16 : index
        %swap3A_1048 = tpu.vector_load %arg10[%swap3A_1046, %swap3A_1047] {strides = array<i32>} : memref<128x128xf32, #tpu.memory_space<vmem>>, vector<16xf32>,
        tpu.vector_store %arg10[%swap3A_1046, %swap3A_1047], %mul3A_1045 {strides = array<i32>} : memref<128x128xf32, #tpu.memory_space<vmem>>, vector<16xf32>,
        %get3A_1049 = arith.index_cast %add3A_1029 : i32 to index
        %get3A_1050 = arith.constant 32 : index
        %get3A_1051 = tpu.vector_load %arg10[%get3A_1049, %get3A_1050] {strides = array<i32>} : memref<128x128xf32, #tpu.memory_space<vmem>>, vector<16xf32>,
        %mul3A_1052 = arith.mulf %get3A_1051, %gather3A_1034 : vector<16xf32>
        %swap3A_1053 = arith.index_cast %add3A_1029 : i32 to index
        %swap3A_1054 = arith.constant 32 : index
        %swap3A_1055 = tpu.vector_load %arg10[%swap3A_1053, %swap3A_1054] {strides = array<i32>} : memref<128x128xf32, #tpu.memory_space<vmem>>, vector<16xf32>,
        tpu.vector_store %arg10[%swap3A_1053, %swap3A_1054], %mul3A_1052 {strides = array<i32>} : memref<128x128xf32, #tpu.memory_space<vmem>>, vector<16xf32>,
        %get3A_1056 = arith.index_cast %add3A_1029 : i32 to index
        %get3A_1057 = arith.constant 48 : index
        %get3A_1058 = tpu.vector_load %arg10[%get3A_1056, %get3A_1057] {strides = array<i32>} : memref<128x128xf32, #tpu.memory_space<vmem>>, vector<16xf32>,
        %mul3A_1059 = arith.mulf %get3A_1058, %gather3A_1034 : vector<16xf32>
        %swap3A_1060 = arith.index_cast %add3A_1029 : i32 to index
        %swap3A_1061 = arith.constant 48 : index
        %swap3A_1062 = tpu.vector_load %arg10[%swap3A_1060, %swap3A_1061] {strides = array<i32>} : memref<128x128xf32, #tpu.memory_space<vmem>>, vector<16xf32>,
        tpu.vector_store %arg10[%swap3A_1060, %swap3A_1061], %mul3A_1059 {strides = array<i32>} : memref<128x128xf32, #tpu.memory_space<vmem>>, vector<16xf32>,
        %get3A_1063 = arith.index_cast %add3A_1029 : i32 to index
        %get3A_1064 = arith.constant 64 : index
        %get3A_1065 = tpu.vector_load %arg10[%get3A_1063, %get3A_1064] {strides = array<i32>} : memref<128x128xf32, #tpu.memory_space<vmem>>, vector<16xf32>,
        %mul3A_1066 = arith.mulf %get3A_1065, %gather3A_1034 : vector<16xf32>
        %swap3A_1067 = arith.index_cast %add3A_1029 : i32 to index
        %swap3A_1068 = arith.constant 64 : index
        %swap3A_1069 = tpu.vector_load %arg10[%swap3A_1067, %swap3A_1068] {strides = array<i32>} : memref<128x128xf32, #tpu.memory_space<vmem>>, vector<16xf32>,
        tpu.vector_store %arg10[%swap3A_1067, %swap3A_1068], %mul3A_1066 {strides = array<i32>} : memref<128x128xf32, #tpu.memory_space<vmem>>, vector<16xf32>,
        %get3A_1070 = arith.index_cast %add3A_1029 : i32 to index
        %get3A_1071 = arith.constant 80 : index
        %get3A_1072 = tpu.vector_load %arg10[%get3A_1070, %get3A_1071] {strides = array<i32>} : memref<128x128xf32, #tpu.memory_space<vmem>>, vector<16xf32>,
        %mul3A_1073 = arith.mulf %get3A_1072, %gather3A_1034 : vector<16xf32>
        %swap3A_1074 = arith.index_cast %add3A_1029 : i32 to index
        %swap3A_1075 = arith.constant 80 : index
        %swap3A_1076 = tpu.vector_load %arg10[%swap3A_1074, %swap3A_1075] {strides = array<i32>} : memref<128x128xf32, #tpu.memory_space<vmem>>, vector<16xf32>,
        tpu.vector_store %arg10[%swap3A_1074, %swap3A_1075], %mul3A_1073 {strides = array<i32>} : memref<128x128xf32, #tpu.memory_space<vmem>>, vector<16xf32>,
        %get3A_1077 = arith.index_cast %add3A_1029 : i32 to index
        %get3A_1078 = arith.constant 96 : index
        %get3A_1079 = tpu.vector_load %arg10[%get3A_1077, %get3A_1078] {strides = array<i32>} : memref<128x128xf32, #tpu.memory_space<vmem>>, vector<16xf32>,
        %mul3A_1080 = arith.mulf %get3A_1079, %gather3A_1034 : vector<16xf32>
        %swap3A_1081 = arith.index_cast %add3A_1029 : i32 to index
        %swap3A_1082 = arith.constant 96 : index
        %swap3A_1083 = tpu.vector_load %arg10[%swap3A_1081, %swap3A_1082] {strides = array<i32>} : memref<128x128xf32, #tpu.memory_space<vmem>>, vector<16xf32>,
        tpu.vector_store %arg10[%swap3A_1081, %swap3A_1082], %mul3A_1080 {strides = array<i32>} : memref<128x128xf32, #tpu.memory_space<vmem>>, vector<16xf32>,
        %get3A_1084 = arith.index_cast %add3A_1029 : i32 to index
        %get3A_1085 = arith.constant 112 : index
        %get3A_1086 = tpu.vector_load %arg10[%get3A_1084, %get3A_1085] {strides = array<i32>} : memref<128x128xf32, #tpu.memory_space<vmem>>, vector<16xf32>,
        %mul3A_1087 = arith.mulf %get3A_1086, %gather3A_1034 : vector<16xf32>
        %swap3A_1088 = arith.index_cast %add3A_1029 : i32 to index
        %swap3A_1089 = arith.constant 112 : index
        %swap3A_1090 = tpu.vector_load %arg10[%swap3A_1088, %swap3A_1089] {strides = array<i32>} : memref<128x128xf32, #tpu.memory_space<vmem>>, vector<16xf32>,
        tpu.vector_store %arg10[%swap3A_1088, %swap3A_1089], %mul3A_1087 {strides = array<i32>} : memref<128x128xf32, #tpu.memory_space<vmem>>, vector<16xf32>,
      }
      %scan3A_53 = arith.constant 8 : i32
      "tpu.region"() ({
        %run_scoped3A = tpu.sem_alloc : memref<!tpu.dma_semaphore, #tpu.memory_space<semaphore_mem>>
        %dma_start3A_54 = arith.constant 0 : i32
        %dma_start3A_55 = arith.constant 0 : i32
        %dma_start3A_56 = tpu.memref_slice %arg12[%dma_start3A_54, %dma_start3A_55] : memref<10240x128xf32, #tpu.memory_space<vmem_shared>> -> memref<10240x128xf32, #tpu.memory_space<vmem_shared>>
        tpu.enqueue_indirect_dma source(%arg10 : memref<128x128xf32, #tpu.memory_space<vmem>>) target(%dma_start3A_56 : memref<10240x128xf32, #tpu.memory_space<vmem_shared>>) offsets(%arg9 : memref<128xi32, #tpu.memory_space<vmem>>) semaphore(%run_scoped3A : memref<!tpu.dma_semaphore, #tpu.memory_space<semaphore_mem>>) {add = true}
        %dma_wait3A_57 = arith.constant 0 : i32
        %dma_wait3A_58 = arith.constant 0 : i32
        %dma_wait3A_59 = tpu.memref_slice %arg12[%dma_wait3A_57, %dma_wait3A_58] : memref<10240x128xf32, #tpu.memory_space<vmem_shared>> -> memref<10240x128xf32, #tpu.memory_space<vmem_shared>>
        tpu.wait_indirect_dma semaphore(%run_scoped3A : memref<!tpu.dma_semaphore, #tpu.memory_space<semaphore_mem>>) src(%arg10 : memref<128x128xf32, #tpu.memory_space<vmem>>) dst(%dma_wait3A_59 : memref<10240x128xf32, #tpu.memory_space<vmem_shared>>)
        tpu.yield
      }) : () -> ()
    }
    %scan3A_9 = arith.constant 81 : i32
    %barrier3A_10 = arith.constant 0 : index
    tpu.barrier barrier_id(%barrier3A_10)
    "tpu.region"() ({
      %run_scoped3A = tpu.sem_alloc : memref<!tpu.dma_semaphore, #tpu.memory_space<semaphore_mem>>
      %dma_start3A = arith.constant 0 : i32
      %dma_start3A_11 = tpu.memref_slice %arg7[%arg0, %mul3A_2, %dma_start3A] : memref<2x10240x128xf32, #tpu.memory_space<hbm>> -> memref<1x640x128xf32, #tpu.memory_space<hbm>>
      %dma_start3A_12 = tpu.memref_squeeze %dma_start3A_11 : memref<1x640x128xf32, #tpu.memory_space<hbm>> -> memref<640x128xf32, #tpu.memory_space<hbm>>
      %dma_start3A_13 = arith.constant 0 : i32
      %dma_start3A_14 = tpu.memref_slice %arg12[%mul3A_2, %dma_start3A_13] : memref<10240x128xf32, #tpu.memory_space<vmem_shared>> -> memref<640x128xf32, #tpu.memory_space<vmem_shared>>
      tpu.enqueue_dma source(%dma_start3A_14 : memref<640x128xf32, #tpu.memory_space<vmem_shared>>) target(%dma_start3A_12 : memref<640x128xf32, #tpu.memory_space<hbm>>) target_semaphore(%run_scoped3A : memref<!tpu.dma_semaphore, #tpu.memory_space<semaphore_mem>>)
      %dma_wait3A = arith.constant 0 : i32
      %dma_wait3A_15 = tpu.memref_slice %arg7[%arg0, %mul3A_2, %dma_wait3A] : memref<2x10240x128xf32, #tpu.memory_space<hbm>> -> memref<1x640x128xf32, #tpu.memory_space<hbm>>
      %dma_wait3A_16 = tpu.memref_squeeze %dma_wait3A_15 : memref<1x640x128xf32, #tpu.memory_space<hbm>> -> memref<640x128xf32, #tpu.memory_space<hbm>>
      %dma_wait3A_17 = arith.constant 0 : i32
      %dma_wait3A_18 = tpu.memref_slice %arg12[%mul3A_2, %dma_wait3A_17] : memref<10240x128xf32, #tpu.memory_space<vmem_shared>> -> memref<640x128xf32, #tpu.memory_space<vmem_shared>>
      tpu.wait_dma2 semaphore(%run_scoped3A : memref<!tpu.dma_semaphore, #tpu.memory_space<semaphore_mem>>) src(%dma_wait3A_18 : memref<640x128xf32, #tpu.memory_space<vmem_shared>>) dst(%dma_wait3A_16 : memref<640x128xf32, #tpu.memory_space<hbm>>)
      tpu.yield
    }) : () -> ()
    return
  }
}

#map = affine_map<(d0, d1) -> (0)>
module attributes {stable_mosaic.version = 14 : i64} {
  func.func @pre_kernel(%arg0: i32, %arg1: i32, %arg2: memref<10008xf32, #tpu.memory_space<hbm>>, %arg3: memref<10008xf32, #tpu.memory_space<hbm>>, %arg4: memref<331776xi32, #tpu.memory_space<hbm>>, %arg5: memref<331776xi32, #tpu.memory_space<hbm>>, %arg6: memref<331776xf32, #tpu.memory_space<hbm>>, %arg7: memref<327680xf32, #tpu.memory_space<hbm>>, %arg8: memref<10008xf32, #tpu.memory_space<vmem>>, %arg9: memref<10008xf32, #tpu.memory_space<vmem>>, %arg10: memref<128xi32, #tpu.memory_space<vmem>>, %arg11: memref<128xi32, #tpu.memory_space<vmem>>, %arg12: memref<10368xf32, #tpu.memory_space<vmem>>, %arg13: memref<10240xf32, #tpu.memory_space<vmem>>, %arg14: memref<!tpu.dma_semaphore, #tpu.memory_space<semaphore_mem>>) attributes {dimension_semantics = [#tpu.dimension_semantics<core_parallel>, #tpu.dimension_semantics<subcore_parallel>], iteration_bounds = array<i64: 2, 16>, scalar_prefetch = 0 : i64, scratch_operands = 7 : i64, tpu.core_type = #tpu.core_type<sc_vector_subcore>, window_params = [{transform_indices = #map}, {transform_indices = #map}, {transform_indices = #map}, {transform_indices = #map}, {transform_indices = #map}, {transform_indices = #map}]} {
    %mul3A = arith.constant 16 : i32
    %mul3A_0 = arith.muli %arg0, %mul3A : i32
    %add3A = arith.addi %mul3A_0, %arg1 : i32
    "tpu.region"() ({
      %run_scoped3A = tpu.sem_alloc : memref<!tpu.dma_semaphore, #tpu.memory_space<semaphore_mem>>
      tpu.enqueue_dma source(%arg2 : memref<10008xf32, #tpu.memory_space<hbm>>) target(%arg8 : memref<10008xf32, #tpu.memory_space<vmem>>) target_semaphore(%run_scoped3A : memref<!tpu.dma_semaphore, #tpu.memory_space<semaphore_mem>>)
      tpu.wait_dma2 semaphore(%run_scoped3A : memref<!tpu.dma_semaphore, #tpu.memory_space<semaphore_mem>>) src(%arg2 : memref<10008xf32, #tpu.memory_space<hbm>>) dst(%arg8 : memref<10008xf32, #tpu.memory_space<vmem>>)
      tpu.yield
    }) : () -> ()
    "tpu.region"() ({
      %run_scoped3A = tpu.sem_alloc : memref<!tpu.dma_semaphore, #tpu.memory_space<semaphore_mem>>
      tpu.enqueue_dma source(%arg3 : memref<10008xf32, #tpu.memory_space<hbm>>) target(%arg9 : memref<10008xf32, #tpu.memory_space<vmem>>) target_semaphore(%run_scoped3A : memref<!tpu.dma_semaphore, #tpu.memory_space<semaphore_mem>>)
      tpu.wait_dma2 semaphore(%run_scoped3A : memref<!tpu.dma_semaphore, #tpu.memory_space<semaphore_mem>>) src(%arg3 : memref<10008xf32, #tpu.memory_space<hbm>>) dst(%arg9 : memref<10008xf32, #tpu.memory_space<vmem>>)
      tpu.yield
    }) : () -> ()
    %broadcast_in_dim3A = arith.constant 0.000000e+00 : f32
    %broadcast_in_dim3A_1 = vector.broadcast %broadcast_in_dim3A : f32 to vector<16xf32>
    %scan3A = arith.constant 0 : i32
    %scan3A_2 = arith.constant 0 : i32
    %scan3A_3 = arith.constant 640 : i32
    %scan3A_4 = arith.addi %scan3A_2, %scan3A_3 : i32
    %scan3A_5 = arith.constant 1 : i32
    scf.for %scan3A_23 = %scan3A_2 to %scan3A_4 step %scan3A_5  : i32 {
      %mul3A_24 = arith.constant 16 : i32
      %mul3A_25 = arith.muli %scan3A_23, %mul3A_24 : i32
      %swap3A = arith.index_cast %mul3A_25 : i32 to index
      %swap3A_26 = tpu.vector_load %arg13[%swap3A] {strides = array<i32>} : memref<10240xf32, #tpu.memory_space<vmem>>, vector<16xf32>,
      tpu.vector_store %arg13[%swap3A], %broadcast_in_dim3A_1 {strides = array<i32>} : memref<10240xf32, #tpu.memory_space<vmem>>, vector<16xf32>,
    }
    %scan3A_6 = arith.constant 640 : i32
    %mul3A_7 = arith.constant 10368 : i32
    %mul3A_8 = arith.muli %add3A, %mul3A_7 : i32
    %scan3A_9 = arith.constant 0 : i32
    %scan3A_10 = arith.constant 0 : i32
    %scan3A_11 = arith.constant 81 : i32
    %scan3A_12 = arith.addi %scan3A_10, %scan3A_11 : i32
    %scan3A_13 = arith.constant 1 : i32
    scf.for %scan3A_23 = %scan3A_10 to %scan3A_12 step %scan3A_13  : i32 {
      %mul3A_24 = arith.constant 128 : i32
      %mul3A_25 = arith.muli %scan3A_23, %mul3A_24 : i32
      %add3A_26 = arith.addi %mul3A_8, %mul3A_25 : i32
      %dma_start3A = tpu.memref_slice %arg4[%add3A_26] : memref<331776xi32, #tpu.memory_space<hbm>> -> memref<128xi32, #tpu.memory_space<hbm>>
      %dma_start3A_27 = tpu.memref_slice %arg4[%add3A_26] : memref<331776xi32, #tpu.memory_space<hbm>> -> memref<128xi32, #tpu.memory_space<hbm>>
      tpu.enqueue_dma source(%dma_start3A_27 : memref<128xi32, #tpu.memory_space<hbm>>) target(%arg10 : memref<128xi32, #tpu.memory_space<vmem>>) target_semaphore(%arg14 : memref<!tpu.dma_semaphore, #tpu.memory_space<semaphore_mem>>)
      %dma_start3A_28 = tpu.memref_slice %arg5[%add3A_26] : memref<331776xi32, #tpu.memory_space<hbm>> -> memref<128xi32, #tpu.memory_space<hbm>>
      %dma_start3A_29 = tpu.memref_slice %arg5[%add3A_26] : memref<331776xi32, #tpu.memory_space<hbm>> -> memref<128xi32, #tpu.memory_space<hbm>>
      tpu.enqueue_dma source(%dma_start3A_29 : memref<128xi32, #tpu.memory_space<hbm>>) target(%arg11 : memref<128xi32, #tpu.memory_space<vmem>>) target_semaphore(%arg14 : memref<!tpu.dma_semaphore, #tpu.memory_space<semaphore_mem>>)
      %dma_wait3A = tpu.memref_slice %arg4[%add3A_26] : memref<331776xi32, #tpu.memory_space<hbm>> -> memref<128xi32, #tpu.memory_space<hbm>>
      %dma_wait3A_30 = tpu.memref_slice %arg4[%add3A_26] : memref<331776xi32, #tpu.memory_space<hbm>> -> memref<128xi32, #tpu.memory_space<hbm>>
      tpu.wait_dma2 semaphore(%arg14 : memref<!tpu.dma_semaphore, #tpu.memory_space<semaphore_mem>>) src(%dma_wait3A_30 : memref<128xi32, #tpu.memory_space<hbm>>) dst(%arg10 : memref<128xi32, #tpu.memory_space<vmem>>)
      %dma_wait3A_31 = tpu.memref_slice %arg5[%add3A_26] : memref<331776xi32, #tpu.memory_space<hbm>> -> memref<128xi32, #tpu.memory_space<hbm>>
      %dma_wait3A_32 = tpu.memref_slice %arg5[%add3A_26] : memref<331776xi32, #tpu.memory_space<hbm>> -> memref<128xi32, #tpu.memory_space<hbm>>
      tpu.wait_dma2 semaphore(%arg14 : memref<!tpu.dma_semaphore, #tpu.memory_space<semaphore_mem>>) src(%dma_wait3A_32 : memref<128xi32, #tpu.memory_space<hbm>>) dst(%arg11 : memref<128xi32, #tpu.memory_space<vmem>>)
      %get3A = arith.constant 0 : index
      %get3A_33 = tpu.vector_load %arg10[%get3A] {strides = array<i32>} : memref<128xi32, #tpu.memory_space<vmem>>, vector<16xi32>,
      %get3A_34 = arith.constant 0 : index
      %get3A_35 = tpu.vector_load %arg11[%get3A_34] {strides = array<i32>} : memref<128xi32, #tpu.memory_space<vmem>>, vector<16xi32>,
      %mul3A_36 = arith.constant 1 : i32
      %mul3A_37 = vector.broadcast %mul3A_36 : i32 to vector<16xi32>
      %mul3A_38 = arith.muli %get3A_33, %mul3A_37 : vector<16xi32>
      %add3A_39 = arith.constant 0 : i32
      %add3A_40 = vector.broadcast %add3A_39 : i32 to vector<16xi32>
      %add3A_41 = arith.addi %mul3A_38, %add3A_40 : vector<16xi32>
      %gather3A = tpu.vector_load_idx %arg8[%add3A_41] : memref<10008xf32, #tpu.memory_space<vmem>>[vector<16xi32>], vector<16xf32>,
      %mul3A_42 = arith.constant 1 : i32
      %mul3A_43 = vector.broadcast %mul3A_42 : i32 to vector<16xi32>
      %mul3A_44 = arith.muli %get3A_35, %mul3A_43 : vector<16xi32>
      %add3A_45 = arith.constant 0 : i32
      %add3A_46 = vector.broadcast %add3A_45 : i32 to vector<16xi32>
      %add3A_47 = arith.addi %mul3A_44, %add3A_46 : vector<16xi32>
      %gather3A_48 = tpu.vector_load_idx %arg9[%add3A_47] : memref<10008xf32, #tpu.memory_space<vmem>>[vector<16xi32>], vector<16xf32>,
      %add3A_49 = arith.addf %gather3A, %gather3A_48 : vector<16xf32>
      %ge3A = arith.constant 0.000000e+00 : f32
      %ge3A_50 = vector.broadcast %ge3A : f32 to vector<16xf32>
      %ge3A_51 = arith.cmpf oge, %add3A_49, %ge3A_50 : vector<16xf32>
      %mul3A_52 = arith.constant 2.000000e-01 : f32
      %mul3A_53 = vector.broadcast %mul3A_52 : f32 to vector<16xf32>
      %mul3A_54 = arith.mulf %add3A_49, %mul3A_53 : vector<16xf32>
      %select_n3A = arith.select %ge3A_51, %add3A_49, %mul3A_54 : vector<16xi1>, vector<16xf32>
      %exp3A = math.exp %select_n3A : vector<16xf32>
      %mul3A_55 = arith.constant 128 : i32
      %mul3A_56 = arith.muli %scan3A_23, %mul3A_55 : i32
      %add3A_57 = arith.constant 0 : i32
      %add3A_58 = arith.addi %add3A_57, %mul3A_56 : i32
      %add3A_59 = arith.constant 0 : i32
      %add3A_60 = arith.addi %add3A_58, %add3A_59 : i32
      %swap3A = arith.index_cast %add3A_60 : i32 to index
      %swap3A_61 = tpu.vector_load %arg12[%swap3A] {strides = array<i32>} : memref<10368xf32, #tpu.memory_space<vmem>>, vector<16xf32>,
      tpu.vector_store %arg12[%swap3A], %exp3A {strides = array<i32>} : memref<10368xf32, #tpu.memory_space<vmem>>, vector<16xf32>,
      %mul3A_62 = arith.constant 1 : i32
      %mul3A_63 = vector.broadcast %mul3A_62 : i32 to vector<16xi32>
      %mul3A_64 = arith.muli %get3A_35, %mul3A_63 : vector<16xi32>
      %add3A_65 = arith.constant 0 : i32
      %add3A_66 = vector.broadcast %add3A_65 : i32 to vector<16xi32>
      %add3A_67 = arith.addi %mul3A_64, %add3A_66 : vector<16xi32>
      tpu.vector_store_idx %arg13[%add3A_67], %exp3A {add = true} : memref<10240xf32, #tpu.memory_space<vmem>>[vector<16xi32>], vector<16xf32>,
      %get3A_68 = arith.constant 16 : index
      %get3A_69 = tpu.vector_load %arg10[%get3A_68] {strides = array<i32>} : memref<128xi32, #tpu.memory_space<vmem>>, vector<16xi32>,
      %get3A_70 = arith.constant 16 : index
      %get3A_71 = tpu.vector_load %arg11[%get3A_70] {strides = array<i32>} : memref<128xi32, #tpu.memory_space<vmem>>, vector<16xi32>,
      %mul3A_72 = arith.constant 1 : i32
      %mul3A_73 = vector.broadcast %mul3A_72 : i32 to vector<16xi32>
      %mul3A_74 = arith.muli %get3A_69, %mul3A_73 : vector<16xi32>
      %add3A_75 = arith.constant 0 : i32
      %add3A_76 = vector.broadcast %add3A_75 : i32 to vector<16xi32>
      %add3A_77 = arith.addi %mul3A_74, %add3A_76 : vector<16xi32>
      %gather3A_78 = tpu.vector_load_idx %arg8[%add3A_77] : memref<10008xf32, #tpu.memory_space<vmem>>[vector<16xi32>], vector<16xf32>,
      %mul3A_79 = arith.constant 1 : i32
      %mul3A_80 = vector.broadcast %mul3A_79 : i32 to vector<16xi32>
      %mul3A_81 = arith.muli %get3A_71, %mul3A_80 : vector<16xi32>
      %add3A_82 = arith.constant 0 : i32
      %add3A_83 = vector.broadcast %add3A_82 : i32 to vector<16xi32>
      %add3A_84 = arith.addi %mul3A_81, %add3A_83 : vector<16xi32>
      %gather3A_85 = tpu.vector_load_idx %arg9[%add3A_84] : memref<10008xf32, #tpu.memory_space<vmem>>[vector<16xi32>], vector<16xf32>,
      %add3A_86 = arith.addf %gather3A_78, %gather3A_85 : vector<16xf32>
      %ge3A_87 = arith.constant 0.000000e+00 : f32
      %ge3A_88 = vector.broadcast %ge3A_87 : f32 to vector<16xf32>
      %ge3A_89 = arith.cmpf oge, %add3A_86, %ge3A_88 : vector<16xf32>
      %mul3A_90 = arith.constant 2.000000e-01 : f32
      %mul3A_91 = vector.broadcast %mul3A_90 : f32 to vector<16xf32>
      %mul3A_92 = arith.mulf %add3A_86, %mul3A_91 : vector<16xf32>
      %select_n3A_93 = arith.select %ge3A_89, %add3A_86, %mul3A_92 : vector<16xi1>, vector<16xf32>
      %exp3A_94 = math.exp %select_n3A_93 : vector<16xf32>
      %mul3A_95 = arith.constant 128 : i32
      %mul3A_96 = arith.muli %scan3A_23, %mul3A_95 : i32
      %add3A_97 = arith.constant 0 : i32
      %add3A_98 = arith.addi %add3A_97, %mul3A_96 : i32
      %add3A_99 = arith.constant 16 : i32
      %add3A_100 = arith.addi %add3A_98, %add3A_99 : i32
      %swap3A_101 = arith.index_cast %add3A_100 : i32 to index
      %swap3A_102 = tpu.vector_load %arg12[%swap3A_101] {strides = array<i32>} : memref<10368xf32, #tpu.memory_space<vmem>>, vector<16xf32>,
      tpu.vector_store %arg12[%swap3A_101], %exp3A_94 {strides = array<i32>} : memref<10368xf32, #tpu.memory_space<vmem>>, vector<16xf32>,
      %mul3A_103 = arith.constant 1 : i32
      %mul3A_104 = vector.broadcast %mul3A_103 : i32 to vector<16xi32>
      %mul3A_105 = arith.muli %get3A_71, %mul3A_104 : vector<16xi32>
      %add3A_106 = arith.constant 0 : i32
      %add3A_107 = vector.broadcast %add3A_106 : i32 to vector<16xi32>
      %add3A_108 = arith.addi %mul3A_105, %add3A_107 : vector<16xi32>
      tpu.vector_store_idx %arg13[%add3A_108], %exp3A_94 {add = true} : memref<10240xf32, #tpu.memory_space<vmem>>[vector<16xi32>], vector<16xf32>,
      %get3A_109 = arith.constant 32 : index
      %get3A_110 = tpu.vector_load %arg10[%get3A_109] {strides = array<i32>} : memref<128xi32, #tpu.memory_space<vmem>>, vector<16xi32>,
      %get3A_111 = arith.constant 32 : index
      %get3A_112 = tpu.vector_load %arg11[%get3A_111] {strides = array<i32>} : memref<128xi32, #tpu.memory_space<vmem>>, vector<16xi32>,
      %mul3A_113 = arith.constant 1 : i32
      %mul3A_114 = vector.broadcast %mul3A_113 : i32 to vector<16xi32>
      %mul3A_115 = arith.muli %get3A_110, %mul3A_114 : vector<16xi32>
      %add3A_116 = arith.constant 0 : i32
      %add3A_117 = vector.broadcast %add3A_116 : i32 to vector<16xi32>
      %add3A_118 = arith.addi %mul3A_115, %add3A_117 : vector<16xi32>
      %gather3A_119 = tpu.vector_load_idx %arg8[%add3A_118] : memref<10008xf32, #tpu.memory_space<vmem>>[vector<16xi32>], vector<16xf32>,
      %mul3A_120 = arith.constant 1 : i32
      %mul3A_121 = vector.broadcast %mul3A_120 : i32 to vector<16xi32>
      %mul3A_122 = arith.muli %get3A_112, %mul3A_121 : vector<16xi32>
      %add3A_123 = arith.constant 0 : i32
      %add3A_124 = vector.broadcast %add3A_123 : i32 to vector<16xi32>
      %add3A_125 = arith.addi %mul3A_122, %add3A_124 : vector<16xi32>
      %gather3A_126 = tpu.vector_load_idx %arg9[%add3A_125] : memref<10008xf32, #tpu.memory_space<vmem>>[vector<16xi32>], vector<16xf32>,
      %add3A_127 = arith.addf %gather3A_119, %gather3A_126 : vector<16xf32>
      %ge3A_128 = arith.constant 0.000000e+00 : f32
      %ge3A_129 = vector.broadcast %ge3A_128 : f32 to vector<16xf32>
      %ge3A_130 = arith.cmpf oge, %add3A_127, %ge3A_129 : vector<16xf32>
      %mul3A_131 = arith.constant 2.000000e-01 : f32
      %mul3A_132 = vector.broadcast %mul3A_131 : f32 to vector<16xf32>
      %mul3A_133 = arith.mulf %add3A_127, %mul3A_132 : vector<16xf32>
      %select_n3A_134 = arith.select %ge3A_130, %add3A_127, %mul3A_133 : vector<16xi1>, vector<16xf32>
      %exp3A_135 = math.exp %select_n3A_134 : vector<16xf32>
      %mul3A_136 = arith.constant 128 : i32
      %mul3A_137 = arith.muli %scan3A_23, %mul3A_136 : i32
      %add3A_138 = arith.constant 0 : i32
      %add3A_139 = arith.addi %add3A_138, %mul3A_137 : i32
      %add3A_140 = arith.constant 32 : i32
      %add3A_141 = arith.addi %add3A_139, %add3A_140 : i32
      %swap3A_142 = arith.index_cast %add3A_141 : i32 to index
      %swap3A_143 = tpu.vector_load %arg12[%swap3A_142] {strides = array<i32>} : memref<10368xf32, #tpu.memory_space<vmem>>, vector<16xf32>,
      tpu.vector_store %arg12[%swap3A_142], %exp3A_135 {strides = array<i32>} : memref<10368xf32, #tpu.memory_space<vmem>>, vector<16xf32>,
      %mul3A_144 = arith.constant 1 : i32
      %mul3A_145 = vector.broadcast %mul3A_144 : i32 to vector<16xi32>
      %mul3A_146 = arith.muli %get3A_112, %mul3A_145 : vector<16xi32>
      %add3A_147 = arith.constant 0 : i32
      %add3A_148 = vector.broadcast %add3A_147 : i32 to vector<16xi32>
      %add3A_149 = arith.addi %mul3A_146, %add3A_148 : vector<16xi32>
      tpu.vector_store_idx %arg13[%add3A_149], %exp3A_135 {add = true} : memref<10240xf32, #tpu.memory_space<vmem>>[vector<16xi32>], vector<16xf32>,
      %get3A_150 = arith.constant 48 : index
      %get3A_151 = tpu.vector_load %arg10[%get3A_150] {strides = array<i32>} : memref<128xi32, #tpu.memory_space<vmem>>, vector<16xi32>,
      %get3A_152 = arith.constant 48 : index
      %get3A_153 = tpu.vector_load %arg11[%get3A_152] {strides = array<i32>} : memref<128xi32, #tpu.memory_space<vmem>>, vector<16xi32>,
      %mul3A_154 = arith.constant 1 : i32
      %mul3A_155 = vector.broadcast %mul3A_154 : i32 to vector<16xi32>
      %mul3A_156 = arith.muli %get3A_151, %mul3A_155 : vector<16xi32>
      %add3A_157 = arith.constant 0 : i32
      %add3A_158 = vector.broadcast %add3A_157 : i32 to vector<16xi32>
      %add3A_159 = arith.addi %mul3A_156, %add3A_158 : vector<16xi32>
      %gather3A_160 = tpu.vector_load_idx %arg8[%add3A_159] : memref<10008xf32, #tpu.memory_space<vmem>>[vector<16xi32>], vector<16xf32>,
      %mul3A_161 = arith.constant 1 : i32
      %mul3A_162 = vector.broadcast %mul3A_161 : i32 to vector<16xi32>
      %mul3A_163 = arith.muli %get3A_153, %mul3A_162 : vector<16xi32>
      %add3A_164 = arith.constant 0 : i32
      %add3A_165 = vector.broadcast %add3A_164 : i32 to vector<16xi32>
      %add3A_166 = arith.addi %mul3A_163, %add3A_165 : vector<16xi32>
      %gather3A_167 = tpu.vector_load_idx %arg9[%add3A_166] : memref<10008xf32, #tpu.memory_space<vmem>>[vector<16xi32>], vector<16xf32>,
      %add3A_168 = arith.addf %gather3A_160, %gather3A_167 : vector<16xf32>
      %ge3A_169 = arith.constant 0.000000e+00 : f32
      %ge3A_170 = vector.broadcast %ge3A_169 : f32 to vector<16xf32>
      %ge3A_171 = arith.cmpf oge, %add3A_168, %ge3A_170 : vector<16xf32>
      %mul3A_172 = arith.constant 2.000000e-01 : f32
      %mul3A_173 = vector.broadcast %mul3A_172 : f32 to vector<16xf32>
      %mul3A_174 = arith.mulf %add3A_168, %mul3A_173 : vector<16xf32>
      %select_n3A_175 = arith.select %ge3A_171, %add3A_168, %mul3A_174 : vector<16xi1>, vector<16xf32>
      %exp3A_176 = math.exp %select_n3A_175 : vector<16xf32>
      %mul3A_177 = arith.constant 128 : i32
      %mul3A_178 = arith.muli %scan3A_23, %mul3A_177 : i32
      %add3A_179 = arith.constant 0 : i32
      %add3A_180 = arith.addi %add3A_179, %mul3A_178 : i32
      %add3A_181 = arith.constant 48 : i32
      %add3A_182 = arith.addi %add3A_180, %add3A_181 : i32
      %swap3A_183 = arith.index_cast %add3A_182 : i32 to index
      %swap3A_184 = tpu.vector_load %arg12[%swap3A_183] {strides = array<i32>} : memref<10368xf32, #tpu.memory_space<vmem>>, vector<16xf32>,
      tpu.vector_store %arg12[%swap3A_183], %exp3A_176 {strides = array<i32>} : memref<10368xf32, #tpu.memory_space<vmem>>, vector<16xf32>,
      %mul3A_185 = arith.constant 1 : i32
      %mul3A_186 = vector.broadcast %mul3A_185 : i32 to vector<16xi32>
      %mul3A_187 = arith.muli %get3A_153, %mul3A_186 : vector<16xi32>
      %add3A_188 = arith.constant 0 : i32
      %add3A_189 = vector.broadcast %add3A_188 : i32 to vector<16xi32>
      %add3A_190 = arith.addi %mul3A_187, %add3A_189 : vector<16xi32>
      tpu.vector_store_idx %arg13[%add3A_190], %exp3A_176 {add = true} : memref<10240xf32, #tpu.memory_space<vmem>>[vector<16xi32>], vector<16xf32>,
      %get3A_191 = arith.constant 64 : index
      %get3A_192 = tpu.vector_load %arg10[%get3A_191] {strides = array<i32>} : memref<128xi32, #tpu.memory_space<vmem>>, vector<16xi32>,
      %get3A_193 = arith.constant 64 : index
      %get3A_194 = tpu.vector_load %arg11[%get3A_193] {strides = array<i32>} : memref<128xi32, #tpu.memory_space<vmem>>, vector<16xi32>,
      %mul3A_195 = arith.constant 1 : i32
      %mul3A_196 = vector.broadcast %mul3A_195 : i32 to vector<16xi32>
      %mul3A_197 = arith.muli %get3A_192, %mul3A_196 : vector<16xi32>
      %add3A_198 = arith.constant 0 : i32
      %add3A_199 = vector.broadcast %add3A_198 : i32 to vector<16xi32>
      %add3A_200 = arith.addi %mul3A_197, %add3A_199 : vector<16xi32>
      %gather3A_201 = tpu.vector_load_idx %arg8[%add3A_200] : memref<10008xf32, #tpu.memory_space<vmem>>[vector<16xi32>], vector<16xf32>,
      %mul3A_202 = arith.constant 1 : i32
      %mul3A_203 = vector.broadcast %mul3A_202 : i32 to vector<16xi32>
      %mul3A_204 = arith.muli %get3A_194, %mul3A_203 : vector<16xi32>
      %add3A_205 = arith.constant 0 : i32
      %add3A_206 = vector.broadcast %add3A_205 : i32 to vector<16xi32>
      %add3A_207 = arith.addi %mul3A_204, %add3A_206 : vector<16xi32>
      %gather3A_208 = tpu.vector_load_idx %arg9[%add3A_207] : memref<10008xf32, #tpu.memory_space<vmem>>[vector<16xi32>], vector<16xf32>,
      %add3A_209 = arith.addf %gather3A_201, %gather3A_208 : vector<16xf32>
      %ge3A_210 = arith.constant 0.000000e+00 : f32
      %ge3A_211 = vector.broadcast %ge3A_210 : f32 to vector<16xf32>
      %ge3A_212 = arith.cmpf oge, %add3A_209, %ge3A_211 : vector<16xf32>
      %mul3A_213 = arith.constant 2.000000e-01 : f32
      %mul3A_214 = vector.broadcast %mul3A_213 : f32 to vector<16xf32>
      %mul3A_215 = arith.mulf %add3A_209, %mul3A_214 : vector<16xf32>
      %select_n3A_216 = arith.select %ge3A_212, %add3A_209, %mul3A_215 : vector<16xi1>, vector<16xf32>
      %exp3A_217 = math.exp %select_n3A_216 : vector<16xf32>
      %mul3A_218 = arith.constant 128 : i32
      %mul3A_219 = arith.muli %scan3A_23, %mul3A_218 : i32
      %add3A_220 = arith.constant 0 : i32
      %add3A_221 = arith.addi %add3A_220, %mul3A_219 : i32
      %add3A_222 = arith.constant 64 : i32
      %add3A_223 = arith.addi %add3A_221, %add3A_222 : i32
      %swap3A_224 = arith.index_cast %add3A_223 : i32 to index
      %swap3A_225 = tpu.vector_load %arg12[%swap3A_224] {strides = array<i32>} : memref<10368xf32, #tpu.memory_space<vmem>>, vector<16xf32>,
      tpu.vector_store %arg12[%swap3A_224], %exp3A_217 {strides = array<i32>} : memref<10368xf32, #tpu.memory_space<vmem>>, vector<16xf32>,
      %mul3A_226 = arith.constant 1 : i32
      %mul3A_227 = vector.broadcast %mul3A_226 : i32 to vector<16xi32>
      %mul3A_228 = arith.muli %get3A_194, %mul3A_227 : vector<16xi32>
      %add3A_229 = arith.constant 0 : i32
      %add3A_230 = vector.broadcast %add3A_229 : i32 to vector<16xi32>
      %add3A_231 = arith.addi %mul3A_228, %add3A_230 : vector<16xi32>
      tpu.vector_store_idx %arg13[%add3A_231], %exp3A_217 {add = true} : memref<10240xf32, #tpu.memory_space<vmem>>[vector<16xi32>], vector<16xf32>,
      %get3A_232 = arith.constant 80 : index
      %get3A_233 = tpu.vector_load %arg10[%get3A_232] {strides = array<i32>} : memref<128xi32, #tpu.memory_space<vmem>>, vector<16xi32>,
      %get3A_234 = arith.constant 80 : index
      %get3A_235 = tpu.vector_load %arg11[%get3A_234] {strides = array<i32>} : memref<128xi32, #tpu.memory_space<vmem>>, vector<16xi32>,
      %mul3A_236 = arith.constant 1 : i32
      %mul3A_237 = vector.broadcast %mul3A_236 : i32 to vector<16xi32>
      %mul3A_238 = arith.muli %get3A_233, %mul3A_237 : vector<16xi32>
      %add3A_239 = arith.constant 0 : i32
      %add3A_240 = vector.broadcast %add3A_239 : i32 to vector<16xi32>
      %add3A_241 = arith.addi %mul3A_238, %add3A_240 : vector<16xi32>
      %gather3A_242 = tpu.vector_load_idx %arg8[%add3A_241] : memref<10008xf32, #tpu.memory_space<vmem>>[vector<16xi32>], vector<16xf32>,
      %mul3A_243 = arith.constant 1 : i32
      %mul3A_244 = vector.broadcast %mul3A_243 : i32 to vector<16xi32>
      %mul3A_245 = arith.muli %get3A_235, %mul3A_244 : vector<16xi32>
      %add3A_246 = arith.constant 0 : i32
      %add3A_247 = vector.broadcast %add3A_246 : i32 to vector<16xi32>
      %add3A_248 = arith.addi %mul3A_245, %add3A_247 : vector<16xi32>
      %gather3A_249 = tpu.vector_load_idx %arg9[%add3A_248] : memref<10008xf32, #tpu.memory_space<vmem>>[vector<16xi32>], vector<16xf32>,
      %add3A_250 = arith.addf %gather3A_242, %gather3A_249 : vector<16xf32>
      %ge3A_251 = arith.constant 0.000000e+00 : f32
      %ge3A_252 = vector.broadcast %ge3A_251 : f32 to vector<16xf32>
      %ge3A_253 = arith.cmpf oge, %add3A_250, %ge3A_252 : vector<16xf32>
      %mul3A_254 = arith.constant 2.000000e-01 : f32
      %mul3A_255 = vector.broadcast %mul3A_254 : f32 to vector<16xf32>
      %mul3A_256 = arith.mulf %add3A_250, %mul3A_255 : vector<16xf32>
      %select_n3A_257 = arith.select %ge3A_253, %add3A_250, %mul3A_256 : vector<16xi1>, vector<16xf32>
      %exp3A_258 = math.exp %select_n3A_257 : vector<16xf32>
      %mul3A_259 = arith.constant 128 : i32
      %mul3A_260 = arith.muli %scan3A_23, %mul3A_259 : i32
      %add3A_261 = arith.constant 0 : i32
      %add3A_262 = arith.addi %add3A_261, %mul3A_260 : i32
      %add3A_263 = arith.constant 80 : i32
      %add3A_264 = arith.addi %add3A_262, %add3A_263 : i32
      %swap3A_265 = arith.index_cast %add3A_264 : i32 to index
      %swap3A_266 = tpu.vector_load %arg12[%swap3A_265] {strides = array<i32>} : memref<10368xf32, #tpu.memory_space<vmem>>, vector<16xf32>,
      tpu.vector_store %arg12[%swap3A_265], %exp3A_258 {strides = array<i32>} : memref<10368xf32, #tpu.memory_space<vmem>>, vector<16xf32>,
      %mul3A_267 = arith.constant 1 : i32
      %mul3A_268 = vector.broadcast %mul3A_267 : i32 to vector<16xi32>
      %mul3A_269 = arith.muli %get3A_235, %mul3A_268 : vector<16xi32>
      %add3A_270 = arith.constant 0 : i32
      %add3A_271 = vector.broadcast %add3A_270 : i32 to vector<16xi32>
      %add3A_272 = arith.addi %mul3A_269, %add3A_271 : vector<16xi32>
      tpu.vector_store_idx %arg13[%add3A_272], %exp3A_258 {add = true} : memref<10240xf32, #tpu.memory_space<vmem>>[vector<16xi32>], vector<16xf32>,
      %get3A_273 = arith.constant 96 : index
      %get3A_274 = tpu.vector_load %arg10[%get3A_273] {strides = array<i32>} : memref<128xi32, #tpu.memory_space<vmem>>, vector<16xi32>,
      %get3A_275 = arith.constant 96 : index
      %get3A_276 = tpu.vector_load %arg11[%get3A_275] {strides = array<i32>} : memref<128xi32, #tpu.memory_space<vmem>>, vector<16xi32>,
      %mul3A_277 = arith.constant 1 : i32
      %mul3A_278 = vector.broadcast %mul3A_277 : i32 to vector<16xi32>
      %mul3A_279 = arith.muli %get3A_274, %mul3A_278 : vector<16xi32>
      %add3A_280 = arith.constant 0 : i32
      %add3A_281 = vector.broadcast %add3A_280 : i32 to vector<16xi32>
      %add3A_282 = arith.addi %mul3A_279, %add3A_281 : vector<16xi32>
      %gather3A_283 = tpu.vector_load_idx %arg8[%add3A_282] : memref<10008xf32, #tpu.memory_space<vmem>>[vector<16xi32>], vector<16xf32>,
      %mul3A_284 = arith.constant 1 : i32
      %mul3A_285 = vector.broadcast %mul3A_284 : i32 to vector<16xi32>
      %mul3A_286 = arith.muli %get3A_276, %mul3A_285 : vector<16xi32>
      %add3A_287 = arith.constant 0 : i32
      %add3A_288 = vector.broadcast %add3A_287 : i32 to vector<16xi32>
      %add3A_289 = arith.addi %mul3A_286, %add3A_288 : vector<16xi32>
      %gather3A_290 = tpu.vector_load_idx %arg9[%add3A_289] : memref<10008xf32, #tpu.memory_space<vmem>>[vector<16xi32>], vector<16xf32>,
      %add3A_291 = arith.addf %gather3A_283, %gather3A_290 : vector<16xf32>
      %ge3A_292 = arith.constant 0.000000e+00 : f32
      %ge3A_293 = vector.broadcast %ge3A_292 : f32 to vector<16xf32>
      %ge3A_294 = arith.cmpf oge, %add3A_291, %ge3A_293 : vector<16xf32>
      %mul3A_295 = arith.constant 2.000000e-01 : f32
      %mul3A_296 = vector.broadcast %mul3A_295 : f32 to vector<16xf32>
      %mul3A_297 = arith.mulf %add3A_291, %mul3A_296 : vector<16xf32>
      %select_n3A_298 = arith.select %ge3A_294, %add3A_291, %mul3A_297 : vector<16xi1>, vector<16xf32>
      %exp3A_299 = math.exp %select_n3A_298 : vector<16xf32>
      %mul3A_300 = arith.constant 128 : i32
      %mul3A_301 = arith.muli %scan3A_23, %mul3A_300 : i32
      %add3A_302 = arith.constant 0 : i32
      %add3A_303 = arith.addi %add3A_302, %mul3A_301 : i32
      %add3A_304 = arith.constant 96 : i32
      %add3A_305 = arith.addi %add3A_303, %add3A_304 : i32
      %swap3A_306 = arith.index_cast %add3A_305 : i32 to index
      %swap3A_307 = tpu.vector_load %arg12[%swap3A_306] {strides = array<i32>} : memref<10368xf32, #tpu.memory_space<vmem>>, vector<16xf32>,
      tpu.vector_store %arg12[%swap3A_306], %exp3A_299 {strides = array<i32>} : memref<10368xf32, #tpu.memory_space<vmem>>, vector<16xf32>,
      %mul3A_308 = arith.constant 1 : i32
      %mul3A_309 = vector.broadcast %mul3A_308 : i32 to vector<16xi32>
      %mul3A_310 = arith.muli %get3A_276, %mul3A_309 : vector<16xi32>
      %add3A_311 = arith.constant 0 : i32
      %add3A_312 = vector.broadcast %add3A_311 : i32 to vector<16xi32>
      %add3A_313 = arith.addi %mul3A_310, %add3A_312 : vector<16xi32>
      tpu.vector_store_idx %arg13[%add3A_313], %exp3A_299 {add = true} : memref<10240xf32, #tpu.memory_space<vmem>>[vector<16xi32>], vector<16xf32>,
      %get3A_314 = arith.constant 112 : index
      %get3A_315 = tpu.vector_load %arg10[%get3A_314] {strides = array<i32>} : memref<128xi32, #tpu.memory_space<vmem>>, vector<16xi32>,
      %get3A_316 = arith.constant 112 : index
      %get3A_317 = tpu.vector_load %arg11[%get3A_316] {strides = array<i32>} : memref<128xi32, #tpu.memory_space<vmem>>, vector<16xi32>,
      %mul3A_318 = arith.constant 1 : i32
      %mul3A_319 = vector.broadcast %mul3A_318 : i32 to vector<16xi32>
      %mul3A_320 = arith.muli %get3A_315, %mul3A_319 : vector<16xi32>
      %add3A_321 = arith.constant 0 : i32
      %add3A_322 = vector.broadcast %add3A_321 : i32 to vector<16xi32>
      %add3A_323 = arith.addi %mul3A_320, %add3A_322 : vector<16xi32>
      %gather3A_324 = tpu.vector_load_idx %arg8[%add3A_323] : memref<10008xf32, #tpu.memory_space<vmem>>[vector<16xi32>], vector<16xf32>,
      %mul3A_325 = arith.constant 1 : i32
      %mul3A_326 = vector.broadcast %mul3A_325 : i32 to vector<16xi32>
      %mul3A_327 = arith.muli %get3A_317, %mul3A_326 : vector<16xi32>
      %add3A_328 = arith.constant 0 : i32
      %add3A_329 = vector.broadcast %add3A_328 : i32 to vector<16xi32>
      %add3A_330 = arith.addi %mul3A_327, %add3A_329 : vector<16xi32>
      %gather3A_331 = tpu.vector_load_idx %arg9[%add3A_330] : memref<10008xf32, #tpu.memory_space<vmem>>[vector<16xi32>], vector<16xf32>,
      %add3A_332 = arith.addf %gather3A_324, %gather3A_331 : vector<16xf32>
      %ge3A_333 = arith.constant 0.000000e+00 : f32
      %ge3A_334 = vector.broadcast %ge3A_333 : f32 to vector<16xf32>
      %ge3A_335 = arith.cmpf oge, %add3A_332, %ge3A_334 : vector<16xf32>
      %mul3A_336 = arith.constant 2.000000e-01 : f32
      %mul3A_337 = vector.broadcast %mul3A_336 : f32 to vector<16xf32>
      %mul3A_338 = arith.mulf %add3A_332, %mul3A_337 : vector<16xf32>
      %select_n3A_339 = arith.select %ge3A_335, %add3A_332, %mul3A_338 : vector<16xi1>, vector<16xf32>
      %exp3A_340 = math.exp %select_n3A_339 : vector<16xf32>
      %mul3A_341 = arith.constant 128 : i32
      %mul3A_342 = arith.muli %scan3A_23, %mul3A_341 : i32
      %add3A_343 = arith.constant 0 : i32
      %add3A_344 = arith.addi %add3A_343, %mul3A_342 : i32
      %add3A_345 = arith.constant 112 : i32
      %add3A_346 = arith.addi %add3A_344, %add3A_345 : i32
      %swap3A_347 = arith.index_cast %add3A_346 : i32 to index
      %swap3A_348 = tpu.vector_load %arg12[%swap3A_347] {strides = array<i32>} : memref<10368xf32, #tpu.memory_space<vmem>>, vector<16xf32>,
      tpu.vector_store %arg12[%swap3A_347], %exp3A_340 {strides = array<i32>} : memref<10368xf32, #tpu.memory_space<vmem>>, vector<16xf32>,
      %mul3A_349 = arith.constant 1 : i32
      %mul3A_350 = vector.broadcast %mul3A_349 : i32 to vector<16xi32>
      %mul3A_351 = arith.muli %get3A_317, %mul3A_350 : vector<16xi32>
      %add3A_352 = arith.constant 0 : i32
      %add3A_353 = vector.broadcast %add3A_352 : i32 to vector<16xi32>
      %add3A_354 = arith.addi %mul3A_351, %add3A_353 : vector<16xi32>
      tpu.vector_store_idx %arg13[%add3A_354], %exp3A_340 {add = true} : memref<10240xf32, #tpu.memory_space<vmem>>[vector<16xi32>], vector<16xf32>,
    }
    %scan3A_14 = arith.constant 81 : i32
    %mul3A_15 = arith.constant 1 : i32
    %mul3A_16 = arith.muli %add3A, %mul3A_15 : i32
    %mul3A_17 = arith.constant 10368 : i32
    %mul3A_18 = arith.muli %mul3A_16, %mul3A_17 : i32
    "tpu.region"() ({
      %run_scoped3A = tpu.sem_alloc : memref<!tpu.dma_semaphore, #tpu.memory_space<semaphore_mem>>
      %dma_start3A = tpu.memref_slice %arg6[%mul3A_18] : memref<331776xf32, #tpu.memory_space<hbm>> -> memref<10368xf32, #tpu.memory_space<hbm>>
      %dma_start3A_23 = tpu.memref_slice %arg6[%mul3A_18] : memref<331776xf32, #tpu.memory_space<hbm>> -> memref<10368xf32, #tpu.memory_space<hbm>>
      tpu.enqueue_dma source(%arg12 : memref<10368xf32, #tpu.memory_space<vmem>>) target(%dma_start3A_23 : memref<10368xf32, #tpu.memory_space<hbm>>) target_semaphore(%run_scoped3A : memref<!tpu.dma_semaphore, #tpu.memory_space<semaphore_mem>>)
      %dma_wait3A = tpu.memref_slice %arg6[%mul3A_18] : memref<331776xf32, #tpu.memory_space<hbm>> -> memref<10368xf32, #tpu.memory_space<hbm>>
      %dma_wait3A_24 = tpu.memref_slice %arg6[%mul3A_18] : memref<331776xf32, #tpu.memory_space<hbm>> -> memref<10368xf32, #tpu.memory_space<hbm>>
      tpu.wait_dma2 semaphore(%run_scoped3A : memref<!tpu.dma_semaphore, #tpu.memory_space<semaphore_mem>>) src(%arg12 : memref<10368xf32, #tpu.memory_space<vmem>>) dst(%dma_wait3A_24 : memref<10368xf32, #tpu.memory_space<hbm>>)
      tpu.yield
    }) : () -> ()
    %mul3A_19 = arith.constant 10240 : i32
    %mul3A_20 = arith.muli %add3A, %mul3A_19 : i32
    %mul3A_21 = arith.constant 1 : i32
    %mul3A_22 = arith.muli %mul3A_20, %mul3A_21 : i32
    "tpu.region"() ({
      %run_scoped3A = tpu.sem_alloc : memref<!tpu.dma_semaphore, #tpu.memory_space<semaphore_mem>>
      %dma_start3A = tpu.memref_slice %arg7[%mul3A_22] : memref<327680xf32, #tpu.memory_space<hbm>> -> memref<10240xf32, #tpu.memory_space<hbm>>
      %dma_start3A_23 = tpu.memref_slice %arg7[%mul3A_22] : memref<327680xf32, #tpu.memory_space<hbm>> -> memref<10240xf32, #tpu.memory_space<hbm>>
      tpu.enqueue_dma source(%arg13 : memref<10240xf32, #tpu.memory_space<vmem>>) target(%dma_start3A_23 : memref<10240xf32, #tpu.memory_space<hbm>>) target_semaphore(%run_scoped3A : memref<!tpu.dma_semaphore, #tpu.memory_space<semaphore_mem>>)
      %dma_wait3A = tpu.memref_slice %arg7[%mul3A_22] : memref<327680xf32, #tpu.memory_space<hbm>> -> memref<10240xf32, #tpu.memory_space<hbm>>
      %dma_wait3A_24 = tpu.memref_slice %arg7[%mul3A_22] : memref<327680xf32, #tpu.memory_space<hbm>> -> memref<10240xf32, #tpu.memory_space<hbm>>
      tpu.wait_dma2 semaphore(%run_scoped3A : memref<!tpu.dma_semaphore, #tpu.memory_space<semaphore_mem>>) src(%arg13 : memref<10240xf32, #tpu.memory_space<vmem>>) dst(%dma_wait3A_24 : memref<10240xf32, #tpu.memory_space<hbm>>)
      tpu.yield
    }) : () -> ()
    return
  }
}

module attributes {stable_mosaic.version = 14 : i64} {
  func.func @_ka_body(%arg0: i32, %arg1: memref<1000x128xf32, #tpu.memory_space<vmem>>, %arg2: memref<128x128xf32, #tpu.memory_space<vmem>>, %arg3: memref<128x2xf32, #tpu.memory_space<vmem>>, %arg4: memref<128x2xf32, #tpu.memory_space<vmem>>, %arg5: memref<1000x128xf32, #tpu.memory_space<vmem>>, %arg6: memref<1000x2xf32, #tpu.memory_space<vmem>>, %arg7: memref<1000x2xf32, #tpu.memory_space<vmem>>) attributes {dimension_semantics = [#tpu.dimension_semantics<arbitrary>], iteration_bounds = array<i64: 10>, scalar_prefetch = 0 : i64, scratch_operands = 0 : i64, tpu.core_type = #tpu.core_type<tc>, window_params = [{transform_indices = @transform_0, window_bounds = array<i64: 1000, 128>}, {pipeline_mode = #tpu.pipeline_mode<synchronous>, transform_indices = @transform_1, window_bounds = array<i64: 128, 128>}, {pipeline_mode = #tpu.pipeline_mode<synchronous>, transform_indices = @transform_2, window_bounds = array<i64: 128, 2>}, {pipeline_mode = #tpu.pipeline_mode<synchronous>, transform_indices = @transform_3, window_bounds = array<i64: 128, 2>}, {transform_indices = @transform_4, window_bounds = array<i64: 1000, 128>}, {transform_indices = @transform_5, window_bounds = array<i64: 1000, 2>}, {transform_indices = @transform_6, window_bounds = array<i64: 1000, 2>}]} {
    %get3A = arith.constant 0 : index
    %get3A_0 = arith.constant 0 : index
    %get3A_1 = vector.load %arg1[%get3A, %get3A_0] : memref<1000x128xf32, #tpu.memory_space<vmem>>, vector<1000x128xf32>
    %get3A_2 = arith.constant 0 : index
    %get3A_3 = arith.constant 0 : index
    %get3A_4 = vector.load %arg2[%get3A_2, %get3A_3] : memref<128x128xf32, #tpu.memory_space<vmem>>, vector<128x128xf32>
    %dot_general3A = arith.constant dense<0.000000e+00> : vector<1000x128xf32>
    %dot_general3A_5 = tpu.matmul %get3A_1, %get3A_4, %dot_general3A {dimension_numbers = #tpu.dot_dimension_numbers<[1], [0], [0], [1], [0, 0, 1, 1], [], []>, transpose_lhs_hint = false} : vector<1000x128xf32>, vector<128x128xf32>, vector<1000x128xf32> -> vector<1000x128xf32>
    %swap3A = arith.constant 0 : index
    %swap3A_6 = arith.constant 0 : index
    %swap3A_7 = vector.load %arg5[%swap3A, %swap3A_6] : memref<1000x128xf32, #tpu.memory_space<vmem>>, vector<1000x128xf32>
    tpu.vector_store %arg5[%swap3A, %swap3A_6], %dot_general3A_5 {strides = array<i32>} : memref<1000x128xf32, #tpu.memory_space<vmem>>, vector<1000x128xf32>,
    %get3A_8 = arith.constant 0 : index
    %get3A_9 = arith.constant 0 : index
    %get3A_10 = vector.load %arg3[%get3A_8, %get3A_9] : memref<128x2xf32, #tpu.memory_space<vmem>>, vector<128x2xf32>
    %dot_general3A_11 = arith.constant dense<0.000000e+00> : vector<1000x2xf32>
    %dot_general3A_12 = tpu.matmul %dot_general3A_5, %get3A_10, %dot_general3A_11 {dimension_numbers = #tpu.dot_dimension_numbers<[1], [0], [0], [1], [0, 0, 1, 1], [], []>, transpose_lhs_hint = false} : vector<1000x128xf32>, vector<128x2xf32>, vector<1000x2xf32> -> vector<1000x2xf32>
    %swap3A_13 = arith.constant 0 : index
    %swap3A_14 = arith.constant 0 : index
    %swap3A_15 = vector.load %arg6[%swap3A_13, %swap3A_14] : memref<1000x2xf32, #tpu.memory_space<vmem>>, vector<1000x2xf32>
    tpu.vector_store %arg6[%swap3A_13, %swap3A_14], %dot_general3A_12 {strides = array<i32>} : memref<1000x2xf32, #tpu.memory_space<vmem>>, vector<1000x2xf32>,
    %get3A_16 = arith.constant 0 : index
    %get3A_17 = arith.constant 0 : index
    %get3A_18 = vector.load %arg4[%get3A_16, %get3A_17] : memref<128x2xf32, #tpu.memory_space<vmem>>, vector<128x2xf32>
    %dot_general3A_19 = arith.constant dense<0.000000e+00> : vector<1000x2xf32>
    %dot_general3A_20 = tpu.matmul %dot_general3A_5, %get3A_18, %dot_general3A_19 {dimension_numbers = #tpu.dot_dimension_numbers<[1], [0], [0], [1], [0, 0, 1, 1], [], []>, transpose_lhs_hint = false} : vector<1000x128xf32>, vector<128x2xf32>, vector<1000x2xf32> -> vector<1000x2xf32>
    %swap3A_21 = arith.constant 0 : index
    %swap3A_22 = arith.constant 0 : index
    %swap3A_23 = vector.load %arg7[%swap3A_21, %swap3A_22] : memref<1000x2xf32, #tpu.memory_space<vmem>>, vector<1000x2xf32>
    tpu.vector_store %arg7[%swap3A_21, %swap3A_22], %dot_general3A_20 {strides = array<i32>} : memref<1000x2xf32, #tpu.memory_space<vmem>>, vector<1000x2xf32>,
    return
  }
  func.func @transform_0(%arg0: i32) -> (i32, i32) {
    %c0_i32 = arith.constant 0 : i32
    %c0_i32_0 = arith.constant 0 : i32
    return %arg0, %c0_i32 : i32, i32
  }
  func.func @transform_1(%arg0: i32) -> (i32, i32) {
    %c0_i32 = arith.constant 0 : i32
    %c0_i32_0 = arith.constant 0 : i32
    %c0_i32_1 = arith.constant 0 : i32
    return %c0_i32, %c0_i32_0 : i32, i32
  }
  func.func @transform_2(%arg0: i32) -> (i32, i32) {
    %c0_i32 = arith.constant 0 : i32
    %c0_i32_0 = arith.constant 0 : i32
    %c0_i32_1 = arith.constant 0 : i32
    return %c0_i32, %c0_i32_0 : i32, i32
  }
  func.func @transform_3(%arg0: i32) -> (i32, i32) {
    %c0_i32 = arith.constant 0 : i32
    %c0_i32_0 = arith.constant 0 : i32
    %c0_i32_1 = arith.constant 0 : i32
    return %c0_i32, %c0_i32_0 : i32, i32
  }
  func.func @transform_4(%arg0: i32) -> (i32, i32) {
    %c0_i32 = arith.constant 0 : i32
    %c0_i32_0 = arith.constant 0 : i32
    return %arg0, %c0_i32 : i32, i32
  }
  func.func @transform_5(%arg0: i32) -> (i32, i32) {
    %c0_i32 = arith.constant 0 : i32
    %c0_i32_0 = arith.constant 0 : i32
    return %arg0, %c0_i32 : i32, i32
  }
  func.func @transform_6(%arg0: i32) -> (i32, i32) {
    %c0_i32 = arith.constant 0 : i32
    %c0_i32_0 = arith.constant 0 : i32
    return %arg0, %c0_i32 : i32, i32
  }
}

module attributes {stable_mosaic.version = 14 : i64} {
  func.func @_kb_body(%arg0: i32, %arg1: memref<1000x128xf32, #tpu.memory_space<vmem>>, %arg2: memref<1000x128xf32, #tpu.memory_space<vmem>>, %arg3: memref<32x1000x2xf32, #tpu.memory_space<vmem>>, %arg4: memref<1x128xf32, #tpu.memory_space<vmem>>, %arg5: memref<128x64xf32, #tpu.memory_space<vmem>>, %arg6: memref<64x2xf32, #tpu.memory_space<vmem>>, %arg7: memref<1000x64xf32, #tpu.memory_space<vmem>>, %arg8: memref<1000x2xf32, #tpu.memory_space<vmem>>) attributes {dimension_semantics = [#tpu.dimension_semantics<arbitrary>], iteration_bounds = array<i64: 10>, scalar_prefetch = 0 : i64, scratch_operands = 0 : i64, tpu.core_type = #tpu.core_type<tc>, window_params = [{transform_indices = @transform_0, window_bounds = array<i64: 1000, 128>}, {transform_indices = @transform_1, window_bounds = array<i64: 1000, 128>}, {transform_indices = @transform_2, window_bounds = array<i64: 32, 1000, 2>}, {pipeline_mode = #tpu.pipeline_mode<synchronous>, transform_indices = @transform_3, window_bounds = array<i64: 1, 128>}, {pipeline_mode = #tpu.pipeline_mode<synchronous>, transform_indices = @transform_4, window_bounds = array<i64: 128, 64>}, {pipeline_mode = #tpu.pipeline_mode<synchronous>, transform_indices = @transform_5, window_bounds = array<i64: 64, 2>}, {transform_indices = @transform_6, window_bounds = array<i64: 1000, 64>}, {transform_indices = @transform_7, window_bounds = array<i64: 1000, 2>}]} {
    %get3A = arith.constant 0 : index
    %get3A_0 = arith.constant 0 : index
    %get3A_1 = arith.constant 0 : index
    %get3A_2 = vector.load %arg3[%get3A, %get3A_0, %get3A_1] : memref<32x1000x2xf32, #tpu.memory_space<vmem>>, vector<32x1000x2xf32>
    %reduce_sum3A = arith.constant dense<0.000000e+00> : vector<1000x2xf32>
    %reduce_sum3A_3 = vector.multi_reduction <add>, %get3A_2, %reduce_sum3A [0] : vector<32x1000x2xf32> to vector<1000x2xf32>
    %get3A_4 = arith.constant 0 : index
    %get3A_5 = arith.constant 0 : index
    %get3A_6 = vector.load %arg1[%get3A_4, %get3A_5] : memref<1000x128xf32, #tpu.memory_space<vmem>>, vector<1000x128xf32>
    %get3A_7 = arith.constant 0 : index
    %get3A_8 = arith.constant 0 : index
    %get3A_9 = vector.load %arg2[%get3A_7, %get3A_8] : memref<1000x128xf32, #tpu.memory_space<vmem>>, vector<1000x128xf32>
    %add3A = arith.addf %get3A_6, %get3A_9 : vector<1000x128xf32>
    %slice3A = vector.extract_strided_slice %reduce_sum3A_3 {offsets = [0, 0], sizes = [1000, 1], strides = [1, 1]} : vector<1000x2xf32> to vector<1000x1xf32>
    %add3A_10 = arith.constant 1.000000e-16 : f32
    %add3A_11 = vector.broadcast %add3A_10 : f32 to vector<1000x1xf32>
    %add3A_12 = arith.addf %slice3A, %add3A_11 : vector<1000x1xf32>
    %slice3A_13 = vector.extract_strided_slice %reduce_sum3A_3 {offsets = [0, 1], sizes = [1000, 1], strides = [1, 1]} : vector<1000x2xf32> to vector<1000x1xf32>
    %add3A_14 = arith.constant 1.000000e-16 : f32
    %add3A_15 = vector.broadcast %add3A_14 : f32 to vector<1000x1xf32>
    %add3A_16 = arith.addf %slice3A_13, %add3A_15 : vector<1000x1xf32>
    %slice3A_17 = vector.extract_strided_slice %add3A {offsets = [0, 0], sizes = [1000, 64], strides = [1, 1]} : vector<1000x128xf32> to vector<1000x64xf32>
    %div3A = vector.broadcast %add3A_12 : vector<1000x1xf32> to vector<1000x64xf32>
    %div3A_18 = arith.divf %slice3A_17, %div3A : vector<1000x64xf32>
    %slice3A_19 = vector.extract_strided_slice %add3A {offsets = [0, 64], sizes = [1000, 64], strides = [1, 1]} : vector<1000x128xf32> to vector<1000x64xf32>
    %div3A_20 = vector.broadcast %add3A_16 : vector<1000x1xf32> to vector<1000x64xf32>
    %div3A_21 = arith.divf %slice3A_19, %div3A_20 : vector<1000x64xf32>
    %concatenate3A = tpu.concatenate %div3A_18, %div3A_21 in 1 : vector<1000x64xf32>, vector<1000x64xf32> -> vector<1000x128xf32>
    %get3A_22 = arith.constant 0 : index
    %get3A_23 = arith.constant 0 : index
    %get3A_24 = vector.load %arg4[%get3A_22, %get3A_23] : memref<1x128xf32, #tpu.memory_space<vmem>>, vector<1x128xf32>
    %add3A_25 = vector.broadcast %get3A_24 : vector<1x128xf32> to vector<1000x128xf32>
    %add3A_26 = arith.addf %concatenate3A, %add3A_25 : vector<1000x128xf32>
    %gt3A = arith.constant 0.000000e+00 : f32
    %gt3A_27 = vector.broadcast %gt3A : f32 to vector<1000x128xf32>
    %gt3A_28 = arith.cmpf ogt, %add3A_26, %gt3A_27 : vector<1000x128xf32>
    %exp3A = math.exp %add3A_26 : vector<1000x128xf32>
    %sub3A = arith.constant 1.000000e+00 : f32
    %sub3A_29 = vector.broadcast %sub3A : f32 to vector<1000x128xf32>
    %sub3A_30 = arith.subf %exp3A, %sub3A_29 : vector<1000x128xf32>
    %select_n3A = arith.select %gt3A_28, %add3A_26, %sub3A_30 : vector<1000x128xi1>, vector<1000x128xf32>
    %get3A_31 = arith.constant 0 : index
    %get3A_32 = arith.constant 0 : index
    %get3A_33 = vector.load %arg5[%get3A_31, %get3A_32] : memref<128x64xf32, #tpu.memory_space<vmem>>, vector<128x64xf32>
    %dot_general3A = arith.constant dense<0.000000e+00> : vector<1000x64xf32>
    %dot_general3A_34 = tpu.matmul %select_n3A, %get3A_33, %dot_general3A {dimension_numbers = #tpu.dot_dimension_numbers<[1], [0], [0], [1], [0, 0, 1, 1], [], []>, transpose_lhs_hint = false} : vector<1000x128xf32>, vector<128x64xf32>, vector<1000x64xf32> -> vector<1000x64xf32>
    %swap3A = arith.constant 0 : index
    %swap3A_35 = arith.constant 0 : index
    %swap3A_36 = vector.load %arg7[%swap3A, %swap3A_35] : memref<1000x64xf32, #tpu.memory_space<vmem>>, vector<1000x64xf32>
    tpu.vector_store %arg7[%swap3A, %swap3A_35], %dot_general3A_34 {strides = array<i32>} : memref<1000x64xf32, #tpu.memory_space<vmem>>, vector<1000x64xf32>,
    %get3A_37 = arith.constant 0 : index
    %get3A_38 = arith.constant 0 : index
    %get3A_39 = vector.load %arg6[%get3A_37, %get3A_38] : memref<64x2xf32, #tpu.memory_space<vmem>>, vector<64x2xf32>
    %dot_general3A_40 = arith.constant dense<0.000000e+00> : vector<1000x2xf32>
    %dot_general3A_41 = tpu.matmul %dot_general3A_34, %get3A_39, %dot_general3A_40 {dimension_numbers = #tpu.dot_dimension_numbers<[1], [0], [0], [1], [0, 0, 1, 1], [], []>, transpose_lhs_hint = false} : vector<1000x64xf32>, vector<64x2xf32>, vector<1000x2xf32> -> vector<1000x2xf32>
    %swap3A_42 = arith.constant 0 : index
    %swap3A_43 = arith.constant 0 : index
    %swap3A_44 = vector.load %arg8[%swap3A_42, %swap3A_43] : memref<1000x2xf32, #tpu.memory_space<vmem>>, vector<1000x2xf32>
    tpu.vector_store %arg8[%swap3A_42, %swap3A_43], %dot_general3A_41 {strides = array<i32>} : memref<1000x2xf32, #tpu.memory_space<vmem>>, vector<1000x2xf32>,
    return
  }
  func.func @transform_0(%arg0: i32) -> (i32, i32) {
    %c0_i32 = arith.constant 0 : i32
    %c0_i32_0 = arith.constant 0 : i32
    return %arg0, %c0_i32 : i32, i32
  }
  func.func @transform_1(%arg0: i32) -> (i32, i32) {
    %c0_i32 = arith.constant 0 : i32
    %c0_i32_0 = arith.constant 0 : i32
    return %arg0, %c0_i32 : i32, i32
  }
  func.func @transform_2(%arg0: i32) -> (i32, i32, i32) {
    %c0_i32 = arith.constant 0 : i32
    %c0_i32_0 = arith.constant 0 : i32
    %c0_i32_1 = arith.constant 0 : i32
    return %c0_i32, %arg0, %c0_i32_0 : i32, i32, i32
  }
  func.func @transform_3(%arg0: i32) -> (i32, i32) {
    %c0_i32 = arith.constant 0 : i32
    %c0_i32_0 = arith.constant 0 : i32
    %c0_i32_1 = arith.constant 0 : i32
    return %c0_i32, %c0_i32_0 : i32, i32
  }
  func.func @transform_4(%arg0: i32) -> (i32, i32) {
    %c0_i32 = arith.constant 0 : i32
    %c0_i32_0 = arith.constant 0 : i32
    %c0_i32_1 = arith.constant 0 : i32
    return %c0_i32, %c0_i32_0 : i32, i32
  }
  func.func @transform_5(%arg0: i32) -> (i32, i32) {
    %c0_i32 = arith.constant 0 : i32
    %c0_i32_0 = arith.constant 0 : i32
    %c0_i32_1 = arith.constant 0 : i32
    return %c0_i32, %c0_i32_0 : i32, i32
  }
  func.func @transform_6(%arg0: i32) -> (i32, i32) {
    %c0_i32 = arith.constant 0 : i32
    %c0_i32_0 = arith.constant 0 : i32
    return %arg0, %c0_i32 : i32, i32
  }
  func.func @transform_7(%arg0: i32) -> (i32, i32) {
    %c0_i32 = arith.constant 0 : i32
    %c0_i32_0 = arith.constant 0 : i32
    return %arg0, %c0_i32 : i32, i32
  }
}

module attributes {stable_mosaic.version = 14 : i64} {
  func.func @_kc_body(%arg0: i32, %arg1: memref<1000x64xf32, #tpu.memory_space<vmem>>, %arg2: memref<1000x64xf32, #tpu.memory_space<vmem>>, %arg3: memref<32x1000x1xf32, #tpu.memory_space<vmem>>, %arg4: memref<1x64xf32, #tpu.memory_space<vmem>>, %arg5: memref<64x1xf32, #tpu.memory_space<vmem>>, %arg6: memref<1x1xf32, #tpu.memory_space<vmem>>, %arg7: memref<1000x1xf32, #tpu.memory_space<vmem>>) attributes {dimension_semantics = [#tpu.dimension_semantics<arbitrary>], iteration_bounds = array<i64: 10>, scalar_prefetch = 0 : i64, scratch_operands = 0 : i64, tpu.core_type = #tpu.core_type<tc>, window_params = [{transform_indices = @transform_0, window_bounds = array<i64: 1000, 64>}, {transform_indices = @transform_1, window_bounds = array<i64: 1000, 64>}, {transform_indices = @transform_2, window_bounds = array<i64: 32, 1000, 1>}, {pipeline_mode = #tpu.pipeline_mode<synchronous>, transform_indices = @transform_3, window_bounds = array<i64: 1, 64>}, {pipeline_mode = #tpu.pipeline_mode<synchronous>, transform_indices = @transform_4, window_bounds = array<i64: 64, 1>}, {pipeline_mode = #tpu.pipeline_mode<synchronous>, transform_indices = @transform_5, window_bounds = array<i64: 1, 1>}, {transform_indices = @transform_6, window_bounds = array<i64: 1000, 1>}]} {
    %get3A = arith.constant 0 : index
    %get3A_0 = arith.constant 0 : index
    %get3A_1 = arith.constant 0 : index
    %get3A_2 = vector.load %arg3[%get3A, %get3A_0, %get3A_1] : memref<32x1000x1xf32, #tpu.memory_space<vmem>>, vector<32x1000x1xf32>
    %reduce_sum3A = arith.constant dense<0.000000e+00> : vector<1000x1xf32>
    %reduce_sum3A_3 = vector.multi_reduction <add>, %get3A_2, %reduce_sum3A [0] : vector<32x1000x1xf32> to vector<1000x1xf32>
    %add3A = arith.constant 1.000000e-16 : f32
    %add3A_4 = vector.broadcast %add3A : f32 to vector<1000x1xf32>
    %add3A_5 = arith.addf %reduce_sum3A_3, %add3A_4 : vector<1000x1xf32>
    %get3A_6 = arith.constant 0 : index
    %get3A_7 = arith.constant 0 : index
    %get3A_8 = vector.load %arg1[%get3A_6, %get3A_7] : memref<1000x64xf32, #tpu.memory_space<vmem>>, vector<1000x64xf32>
    %get3A_9 = arith.constant 0 : index
    %get3A_10 = arith.constant 0 : index
    %get3A_11 = vector.load %arg2[%get3A_9, %get3A_10] : memref<1000x64xf32, #tpu.memory_space<vmem>>, vector<1000x64xf32>
    %add3A_12 = arith.addf %get3A_8, %get3A_11 : vector<1000x64xf32>
    %div3A = vector.broadcast %add3A_5 : vector<1000x1xf32> to vector<1000x64xf32>
    %div3A_13 = arith.divf %add3A_12, %div3A : vector<1000x64xf32>
    %get3A_14 = arith.constant 0 : index
    %get3A_15 = arith.constant 0 : index
    %get3A_16 = vector.load %arg4[%get3A_14, %get3A_15] : memref<1x64xf32, #tpu.memory_space<vmem>>, vector<1x64xf32>
    %add3A_17 = vector.broadcast %get3A_16 : vector<1x64xf32> to vector<1000x64xf32>
    %add3A_18 = arith.addf %div3A_13, %add3A_17 : vector<1000x64xf32>
    %get3A_19 = arith.constant 0 : index
    %get3A_20 = arith.constant 0 : index
    %get3A_21 = vector.load %arg5[%get3A_19, %get3A_20] : memref<64x1xf32, #tpu.memory_space<vmem>>, vector<64x1xf32>
    %dot_general3A = arith.constant dense<0.000000e+00> : vector<1000x1xf32>
    %dot_general3A_22 = tpu.matmul %add3A_18, %get3A_21, %dot_general3A {dimension_numbers = #tpu.dot_dimension_numbers<[1], [0], [0], [1], [0, 0, 1, 1], [], []>, transpose_lhs_hint = false} : vector<1000x64xf32>, vector<64x1xf32>, vector<1000x1xf32> -> vector<1000x1xf32>
    %get3A_23 = arith.constant 0 : index
    %get3A_24 = arith.constant 0 : index
    %get3A_25 = vector.load %arg6[%get3A_23, %get3A_24] : memref<1x1xf32, #tpu.memory_space<vmem>>, vector<1x1xf32>
    %add3A_26 = vector.broadcast %get3A_25 : vector<1x1xf32> to vector<1000x1xf32>
    %add3A_27 = arith.addf %dot_general3A_22, %add3A_26 : vector<1000x1xf32>
    %swap3A = arith.constant 0 : index
    %swap3A_28 = arith.constant 0 : index
    %swap3A_29 = vector.load %arg7[%swap3A, %swap3A_28] : memref<1000x1xf32, #tpu.memory_space<vmem>>, vector<1000x1xf32>
    tpu.vector_store %arg7[%swap3A, %swap3A_28], %add3A_27 {strides = array<i32>} : memref<1000x1xf32, #tpu.memory_space<vmem>>, vector<1000x1xf32>,
    return
  }
  func.func @transform_0(%arg0: i32) -> (i32, i32) {
    %c0_i32 = arith.constant 0 : i32
    %c0_i32_0 = arith.constant 0 : i32
    return %arg0, %c0_i32 : i32, i32
  }
  func.func @transform_1(%arg0: i32) -> (i32, i32) {
    %c0_i32 = arith.constant 0 : i32
    %c0_i32_0 = arith.constant 0 : i32
    return %arg0, %c0_i32 : i32, i32
  }
  func.func @transform_2(%arg0: i32) -> (i32, i32, i32) {
    %c0_i32 = arith.constant 0 : i32
    %c0_i32_0 = arith.constant 0 : i32
    %c0_i32_1 = arith.constant 0 : i32
    return %c0_i32, %arg0, %c0_i32_0 : i32, i32, i32
  }
  func.func @transform_3(%arg0: i32) -> (i32, i32) {
    %c0_i32 = arith.constant 0 : i32
    %c0_i32_0 = arith.constant 0 : i32
    %c0_i32_1 = arith.constant 0 : i32
    return %c0_i32, %c0_i32_0 : i32, i32
  }
  func.func @transform_4(%arg0: i32) -> (i32, i32) {
    %c0_i32 = arith.constant 0 : i32
    %c0_i32_0 = arith.constant 0 : i32
    %c0_i32_1 = arith.constant 0 : i32
    return %c0_i32, %c0_i32_0 : i32, i32
  }
  func.func @transform_5(%arg0: i32) -> (i32, i32) {
    %c0_i32 = arith.constant 0 : i32
    %c0_i32_0 = arith.constant 0 : i32
    %c0_i32_1 = arith.constant 0 : i32
    return %c0_i32, %c0_i32_0 : i32, i32
  }
  func.func @transform_6(%arg0: i32) -> (i32, i32) {
    %c0_i32 = arith.constant 0 : i32
    %c0_i32_0 = arith.constant 0 : i32
    return %arg0, %c0_i32 : i32, i32
  }
}

</mosaic_0001>

<sc_bundles>
// kernel: kernel.12.cloned.1.call-start
scs
__scs_entry_jumppad:
0x0: {  	(pc) =	sbr.rel $0x88, $3  }
0x1: {  	(tag) =	ssettag $0x0;
	lr =	simm.s32 $0x1  }
0x2: {  	[smem:$0x3F95] =	sst lr;
	_ =	strace $0xD0000000  }
0x3: {  	_ = 	snop  }
0x4: {  	_ = 	snop  }
0x5: {  	_ = 	snop  }
0x6: {  	_ = 	snop  }
0x7: {  	_ = 	snop  }
__scs_overlays_trampoline_lowered:
0x8: {  	[smem:$0x3FA4] =	sst s0  }
0x9: {  	[smem:$0x3FA5] =	sst s1  }
0xa: {  	[smem:$0x3FA6] =	sst s2  }
0xb: {  	[smem:$0x3FA7] =	sst s3  }
0xc: {  	[smem:$0x3FA8] =	sst s4  }
0xd: {  	[smem:$0x3FA9] =	sst s5  }
0xe: {  	[smem:$0x3FAA] =	sst s6  }
0xf: {  	[smem:$0x3FAB] =	sst s7  }
0x10: {  	[smem:$0x3FAC] =	sst s8  }
0x11: {  	[smem:$0x3FAD] =	sst s9;
	s0 =	simm.s32 @!p0 $0x0  }
0x12: {  	s1 =	sld [smem:$0x3F93];
	s0 =	simm.s32 @p0 $0x1  }
0x13: {  	[smem:$0x3FAE] =	sst s0;
	s0 =	simm.s32 @!p1 $0x0  }
0x14: {  	s2 =	sld [smem:$0x3F92];
	s0 =	simm.s32 @p1 $0x1  }
0x15: {  	[smem:$0x3FAF] =	sst s0;
	s0 =	simm.s32 @!p2 $0x0  }
0x16: {  	s3 =	sld [smem:$0x3FDB];
	s0 =	simm.s32 @p2 $0x1  }
0x17: {  	s4 =	simm.s32 $0x1BF5;
	[smem:$0x3FB1] =	sst s0  }
0x18: {  	s0 =	sld [smem:$0x3F94];
	_ =	swait.ge [sflag:s4], $0x0  }
0x19: {  	s7 =	sld [smem:$0x3F95]  }
0x1a: {  	s8 =	sadd.s32 $0xFFFFE003, lr  }
0x1b: {  	s9 =	sadd.s32 $0xFFFFFEF7, lr;
	s5 =	simm.s32 $0xFFFFFFFF;
	p2 =	slt.u32 s8, $0xFFFFF086  }
0x1c: {  	p1 =	slt.u32 s9, $0xF7A;
	s5 =	simm.s32 @!p2 $0x0  }
0x1d: {  	s5 =	simm.s32 @p1 $0x1;
	p0 =	seq.s32 s7, s2  }
0x1e: {  	s7 =	smul.u32 @!p0 $0xF7A, s2;
	p2 =	seq.s32 @!p0 s5, $0x0  }
0x1f: {  	s9 =	smul.u32 $0xF7A, s1;
	s8 =	simm.s32 @!p0 $0x1BF5;
	p2 =	por !p2, p0  }
0x20: {  	[sflag:s8] =	ssyncset.s32 @!p0 $0xFFFFF086;
	s6 =	sadd.s32 @!p0 s3, s7;
	s7 =	simm.s32 @!p0 $0x108  }
0x21: {  	s3 =	sadd.s32 s3, s9;
	s6 =	sadd.s32 @!p0 $0x88, s6;
	s7 =	simm.s32 @p2 $0x1082  }
0x22: {  	[simem:s7], [sflag:s8] =	dma.local @!p0 [hbm:s6], $0xF7A  }
0x23: {  	s9 =	sor.u32 $0xD0000000, s2;
	s6 =	simm.s32 $0x108;
	_ =	swait.ge @!p0 [sflag:s8], $0x0  }
0x24: {  	s3 =	sadd.s32 $0x88, s3;
	s6 =	simm.s32 @!p1 $0x1082;
	[sflag:s4] =	ssyncset.s32 $0xFFFFF086  }
0x25: {  	[simem:s6], [sflag:s4] =	dma.local [hbm:s3], $0xF7A  }
0x26: {  	[smem:$0x3F95] =	sst s1;
	(tag) =	ssettag s2;
	_ =	strace s9  }
0x27: {  	s1 =	sld [smem:$0x3FA5]  }
0x28: {  	s2 =	sld [smem:$0x3FA6]  }
0x29: {  	s4 =	sld [smem:$0x3FA8]  }
0x2a: {  	p0 =	seq.s32 s5, $0x0;
	s5 =	sld [smem:$0x3FA9]  }
0x2b: {  	s6 =	sld [smem:$0x3FAA]  }
0x2c: {  	s7 =	sld [smem:$0x3FAB]  }
0x2d: {  	s3 =	simm.s32 $0x108;
	s8 =	sld [smem:$0x3FAC]  }
0x2e: {  	s3 =	simm.s32 @!p0 $0x1082;
	s9 =	sld [smem:$0x3FAD]  }
0x2f: {  	lr =	sadd.s32 s0, s3;
	s0 =	sld [smem:$0x3FA4]  }
0x30: {  	s3 =	sld [smem:$0x3FA7]  }
0x31: {  	[smem:$0x3FB0] =	sst s10  }
0x32: {  	s10 =	sld [smem:$0x3FAE];
	_ =	sdelay $0x3  }
0x33: {  	p0 =	seq.s32 s10, $0x1;
	s10 =	sld [smem:$0x3FB0];
	_ =	sdelay $0x3  }
0x34: {  	[smem:$0x3FB0] =	sst s10  }
0x35: {  	s10 =	sld [smem:$0x3FAF];
	_ =	sdelay $0x3  }
0x36: {  	p1 =	seq.s32 s10, $0x1;
	s10 =	sld [smem:$0x3FB0];
	_ =	sdelay $0x3  }
0x37: {  	[smem:$0x3FB0] =	sst s10  }
0x38: {  	s10 =	sld [smem:$0x3FB1]  }
0x39: {  	_ = 	snop;
	(pc) =	sbr.ind lr, $3  }
0x3a: {  	_ = 	snop  }
0x3b: {  	_ = 	snop  }
0x3c: {  	p2 =	seq.s32 s10, $0x1;
	s10 =	sld [smem:$0x3FB0]  }
0x3d: {  	_ =	shalt  }
0x3e: {  	_ =	shalt  }
0x3f: {  	_ =	shalt  }
0x40: {  	_ =	shalt  }
0x41: {  	_ =	shalt  }
0x42: {  	_ =	shalt  }
0x43: {  	_ =	shalt  }
0x44: {  	_ =	shalt  }
0x45: {  	_ =	shalt  }
0x46: {  	_ =	shalt  }
0x47: {  	_ =	shalt  }
0x48: {  	_ =	shalt  }
0x49: {  	_ =	shalt  }
0x4a: {  	_ =	shalt  }
0x4b: {  	_ =	shalt  }
0x4c: {  	_ =	shalt  }
0x4d: {  	_ =	shalt  }
0x4e: {  	_ =	shalt  }
0x4f: {  	_ =	shalt  }
0x50: {  	_ =	shalt  }
0x51: {  	_ =	shalt  }
0x52: {  	_ =	shalt  }
0x53: {  	_ =	shalt  }
0x54: {  	_ =	shalt  }
0x55: {  	_ =	shalt  }
0x56: {  	_ =	shalt  }
0x57: {  	_ =	shalt  }
0x58: {  	_ =	shalt  }
0x59: {  	_ =	shalt  }
0x5a: {  	_ =	shalt  }
0x5b: {  	_ =	shalt  }
0x5c: {  	_ =	shalt  }
0x5d: {  	_ =	shalt  }
0x5e: {  	_ =	shalt  }
0x5f: {  	_ =	shalt  }
0x60: {  	_ =	shalt  }
0x61: {  	_ =	shalt  }
0x62: {  	_ =	shalt  }
0x63: {  	_ =	shalt  }
0x64: {  	_ =	shalt  }
0x65: {  	_ =	shalt  }
0x66: {  	_ =	shalt  }
0x67: {  	_ =	shalt  }
0x68: {  	_ =	shalt  }
0x69: {  	_ =	shalt  }
0x6a: {  	_ =	shalt  }
0x6b: {  	_ =	shalt  }
0x6c: {  	_ =	shalt  }
0x6d: {  	_ =	shalt  }
0x6e: {  	_ =	shalt  }
0x6f: {  	_ =	shalt  }
0x70: {  	_ =	shalt  }
0x71: {  	_ =	shalt  }
0x72: {  	_ =	shalt  }
0x73: {  	_ =	shalt  }
0x74: {  	_ =	shalt  }
0x75: {  	_ =	shalt  }
0x76: {  	_ =	shalt  }
0x77: {  	_ =	shalt  }
0x78: {  	_ =	shalt  }
0x79: {  	_ =	shalt  }
0x7a: {  	_ =	shalt  }
0x7b: {  	_ =	shalt  }
0x7c: {  	_ =	shalt  }
0x7d: {  	_ =	shalt  }
0x7e: {  	_ =	shalt  }
0x7f: {  	_ =	shalt  }
0x80: {  	_ =	shalt  }
0x81: {  	_ =	shalt  }
0x82: {  	_ =	shalt  }
0x83: {  	_ =	shalt  }
0x84: {  	_ =	shalt  }
0x85: {  	_ =	shalt  }
0x86: {  	_ =	shalt  }
0x87: {  	_ =	shalt  }
.Lfunc_end0:
.L_simem_size_0:
called_computation.1_lowered:
.L_overlay_start_0:
0x88: {  	s2 =	sld [smem:$0x3FD9]  }
0x89: {  	s3 =	sld [smem:$0x3FFE];
	_ =	sdelay $0x1  }
0x8a: {  	s1 =	srdreg.scid  }
0x8b: {  	s0 =	sand.u32 $0x1, s1  }
0x8c: {  	s16 =	sshll.u32 s0, $0xA;
	s2 =	sadd.s32 s3, s2  }
0x8d: {  	s2 =	sadd.s32 s2, s16  }
0x8e: {  	[smem:$0x3FBC] =	sst s2  }
0x8f: {  	_ = 	snop  }
0x90: {  	(tm) =	ssettm $0x1  }
0x91: {  	s17 =	sld [smem:$0x3FFB];
	_ =	sdelay $0x3  }
0x92: {  	_ =	strace s17  }
0x93: {  	s2 =	sld [smem:$0x3FFC];
	_ =	sdelay $0x3  }
0x94: {  	_ =	strace s2  }
0x95: {  	s2 =	sld [smem:$0x3FFD];
	_ =	sdelay $0x3  }
0x96: {  	_ =	strace s2  }
0x97: {  	_ =	strace $0x8FFFFFFF  }
0x98: {  	s18 =	sld [smem:$0x3FDB];
	_ =	sdelay $0x1  }
0x99: {  	s19 =	simm.s32 $_scs_section_size  }
0x9a: {  	s4 =	simm.s32 $_size__tile_overlayer_lowered;
	s5 =	simm.s32 $_tile_overlayer_lowered  }
0x9b: {  	s22 =	simm.s32 $0x1BFF;
	s21 =	sshll.u32 s5, $0x1;
	s2 =	sadd.s32 s19, s18  }
0x9c: {  	s6 =	simm.s32 $0x0;
	s20 =	sshll.u32 s4, $0x1;
	s4 =	sadd.s32 s21, s2  }
0x9d: {  	[timem:s6], [sflag:s22] =	dma.local [hbm:s4], s20  }
0x9e: {  	_ =	swait.ge [sflag:s22], s20  }
0x9f: {  	s3 =	ssub.s32 $0x0, s20;
	[sflag:s22] =	ssyncset.done $0x0  }
0xa0: {  	[sflag:s22] =	ssyncadd.s32 s3;
	_ =	sdelay $0x1  }
0xa1: {  	s23 =	simm.s32 $0x1B8B  }
0xa2: {  	_ =	swait.ge [sflag:s23], $0x1  }
0xa3: {  	[sflag:s23] =	ssyncset.done $0x0  }
0xa4: {  	s25 =	simm.s32 $0x1B8E;
	s24 =	sld [smem:$0x3FFE];
	[sflag:s23] =	ssyncadd.s32 $0xFFFFFFFF  }
0xa5: {  	s26 =	simm.s32 $execute0_lowered;
	[smem:$0x3FD2] =	sst s25  }
0xa6: {  	s4 =	sshll.u32 s26, $0x1;
	_ =	strace $0x80000049;
	[dreg:$0x1] =	wrdreg $0xFFFFFFFF  }
0xa7: {  	s28 =	simm.s32 $_size_execute0_lowered;
	s2 =	sadd.s32 s2, s4;
	[dreg:$0x0] =	wrdreg $0x0  }
0xa8: {  	s4 =	sshll.u32 s28, $0x1;
	[dreg:$0x2] =	wrdreg s2  }
0xa9: {  	[dreg:$0x3] =	wrdreg s4  }
0xaa: {  	[dreg:$0x4] =	wrdreg $0xC0  }
0xab: {  	_ =	task [dreg:s6], $0x5FFFF  }
0xac: {  	[dreg:$0x1] =	wrdreg $0xFFFFFFFF  }
0xad: {  	[dreg:$0x0] =	wrdreg $0x60  }
0xae: {  	[dreg:$0x2] =	wrdreg s24  }
0xaf: {  	[dreg:$0x3] =	wrdreg $0x42000  }
0xb0: {  	[dreg:$0x4] =	wrdreg $0x9  }
0xb1: {  	_ =	task.clear_ibuf [dreg:s6], $0x5FFFF;
	_ =	strace $0x90000049  }
0xb2: {  	s29 =	simm.s32 $0x9;
	_ =	strace $0x8000004B  }
0xb3: {  	_ =	swait.ge [sflag:s29], $0x1  }
0xb4: {  	[sflag:s29] =	ssyncadd.s32 $0xFFFFFFFF  }
0xb5: {  	_ =	strace $0x9000004B  }
0xb6: {  	_ =	sfence  }
0xb7: {  	s30 =	sld [smem:$0x0];
	_ =	sdelay $0x2  }
0xb8: {  	s31 =	sshll.u32 s1, $0xD;
	s1 =	sshrl.u32 s1, $0x2  }
0xb9: {  	s3 =	sand.u32 $0x4000, s31;
	s1 =	sadd.s32 s1, s30  }
0xba: {  	s0 =	sor.u32 s3, s0;
	s1 =	sshll.u32 s1, $0x11  }
0xbb: {  	s0 =	sor.u32 s1, s0  }
0xbc: {  	s0 =	sadd.s32 $0x8F2B, s0  }
0xbd: {  	[sflag:s0] =	ssyncadd.remote.s32 $0x1  }
0xbe: {  	_ =	sfence.sel $0xFFFF  }
0xbf: {  	[dreg:$0x0] =	wrdreg $0xFFFFFFFF;
	(pc) =	sbr.abs _section_cstart, $3  }
0xc0: {  	[dreg:$0x1] =	wrdreg $0xFFFFFFFF  }
0xc1: {  	_ =	task.clear_ibuf [dreg:s6], $0x2FFFF;
	_ =	strace $0x9FFFFFFF  }
0xc2: {  	(tm) =	ssettm $0x7FFFFFFF  }
0xc3: {  	_ =	shalt  }
tec
execute0_lowered:
.L_overlay_start_1:
0x0: {  	(tag) =	ssettag $0x1  }
0x1: {  	s8 =	rddreg [dreg:$0x0]  }
0x2: {  	s2 =	rddreg [dreg:$0x1]  }
0x3: {  	s0 =	rddreg [dreg:$0x2];
	s3 =	simm.s32 $0x0;
	s1 =	stileid.u32  }
0x4: {  	s4 =	srdreg.scid;
	s18 =	simm.s32 $0x4100;
	s19 =	simm.s32 $0x4180  }
0x5: {  	s20 =	simm.s32 $0x2;
	s21 =	simm.s32 $0x100;
	s22 =	simm.s32 $0x1  }
0x6: {  	[smem:$0x7FF] =	sst s3;
	s9 =	smul.u32 $0x14000, s1;
	s10 =	sand.u32 $0x1, s4  }
0x7: {  	s4 =	sadd.s32 $0x3FE00, s8;
	s5 =	sadd.s32 $0x2BA00, s8;
	s6 =	sadd.s32 $0x3600, s8  }
0x8: {  	s7 =	sadd.s32 $0xD800, s8;
	s14 =	smul.u32 $0x50000, s1;
	s31 =	sshll.u32 s1, $0x6  }
0x9: {  	_ =	strace $0x8000004A;
	s11 =	smul.u32 $0x140000, s10;
	s28 =	ssub.s32 $0x2, s10  }
0xa: {  	s10 =	sshll.u32 s10, $0x4;
	s12 =	sshrl.u32 s9, $0x3;
	s13 =	sshrl.u32 s28, $0x1  }
0xb: {  	s29 =	sor.u32 s1, s10;
	s30 =	sshrl.u32 s14, $0x2;
	s10 =	sor.u32 $0x1C03, s31  }
0xc: {  	s9 =	sadd.s32 s9, s11;
	s26 =	sadd.s32 s12, s8;
	s16 =	ssub.s32 s28, s13  }
0xd: {  	s17 =	sadd.s32 s30, s2;
	s11 =	smul.u32 $0x2880, s29;
	s9 =	sshrl.u32 s9, $0x3  }
0xe: {  	s14 =	smax.u32 s16, $0x1;
	s15 =	sadd.s32 s9, s8;
	s8 =	smul.u32 $0x5100, s29  }
0xf: {  	s16 =	simm.s32 $0x3;
	s9 =	sadd.s32 $0x67000, s26;
	s13 =	sadd.s32 $0x8F000, s15  }
0x10: {  	s15 =	sshrl.u32 s17, $0x3;
	s17 =	simm.s32 $0x80;
	s12 =	sadd.s32 $0x2880, s8  }
.LBB2_1:
0x11: {  	[spmem:s15], [sflag:s10] =	dma.local [hbm:s9], $0x2800  }
0x12: {  	_ =	swait.ge [sflag:s16], $0x2800  }
0x13: {  	[sflag:s16] =	ssyncset.done $0x0  }
0x14: {  	[sflag:s16] =	ssyncadd.s32 $0xFFFFD800  }
0x15: {  	s23 =	simm.s32 $0x0;
	[bflag:$0x0] =	sbarrier.arrive $0xFFFF  }
.LBB2_2:
0x16: {  	s25 =	sshll.u32 s23, $0x7  }
0x17: {  	s24 =	sadd.s32 s11, s25  }
0x18: {  	s26 =	sshrl.u32 s24, $0x3  }
0x19: {  	s24 =	simm.s32 $0x0;
	s28 =	sadd.s32 s6, s26  }
0x1a: {  	[tilespmem:s24], [sflag:$0x2] =	stream.linear.gather [hbm4b:s28+s24], $0x80, $0x38;
	[tilespmem:$0x18200] =	vst v63  }
0x1b: {  	s31 =	sadd.s32 s8, s25;
	s26 =	sadd.s32 s7, s26  }
0x1c: {  	[tilespmem:s17], [sflag:$0x2] =	stream.linear.gather [hbm4b:s26+s24], $0x80, $0x38;
	[tilespmem:$0x18200] =	vst v63  }
0x1d: {  	s25 =	sadd.s32 s12, s25;
	s26 =	sshrl.u32 s31, $0x3  }
0x1e: {  	s25 =	sshrl.u32 s25, $0x3;
	s26 =	sadd.s32 s5, s26  }
0x1f: {  	[tilespmem:s18], [sflag:$0x2] =	stream.linear.gather [hbm4b:s26+s24], $0x80, $0x38;
	[tilespmem:$0x18200] =	vst v63  }
0x20: {  	s25 =	sadd.s32 s5, s25  }
0x21: {  	[tilespmem:s19], [sflag:$0x2] =	stream.linear.gather [hbm4b:s25+s24], $0x80, $0x38;
	[tilespmem:$0x18200] =	vst v63  }
0x22: {  	_ =	swait.ge [sflag:s20], $0x80  }
0x23: {  	[sflag:s20] =	ssyncset.done $0x0  }
0x24: {  	[sflag:s20] =	ssyncadd.s32 $0xFFFFFF80  }
0x25: {  	[tilespmem:s21], [sflag:$0x1] =	stream.indirect.gather [hbm4b:s4+s17], $0x80, s24, s17, $0xb8;
	[tilespmem:$0x18200] =	vst v63  }
0x26: {  	_ =	swait.ge [sflag:s20], $0x80  }
0x27: {  	[sflag:s20] =	ssyncset.done $0x0  }
0x28: {  	[sflag:s20] =	ssyncadd.s32 $0xFFFFFF80  }
0x29: {  	_ =	swait.ge [sflag:s20], $0x80  }
0x2a: {  	[sflag:s20] =	ssyncset.done $0x0  }
0x2b: {  	[sflag:s20] =	ssyncadd.s32 $0xFFFFFF80  }
0x2c: {  	_ =	swait.ge [sflag:s20], $0x80  }
0x2d: {  	[sflag:s20] =	ssyncset.done $0x0  }
0x2e: {  	[sflag:s20] =	ssyncadd.s32 $0xFFFFFF80  }
0x2f: {  	_ =	swait.ge [sflag:s22], $0x4000  }
0x30: {  	[sflag:s22] =	ssyncset.done $0x0  }
0x31: {  	[sflag:s22] =	ssyncadd.s32 $0xFFFFC000  }
.LBB2_3:
0x32: {  	s25 =	sshll.u32 s24, $0x4  }
0x33: {  	v0 =	vmov s25;
	_ =	sdelay $0x1  }
0x34: {  	s26 =	sshll.u32 s24, $0xB  }
0x35: {  	s26 =	sand.u32 $0x3FFFF800, s26  }
0x36: {  	v2 =	vld [tilespmem:s26+$0x100]  }
0x37: {  	v1 =	vld.idx.msk [tilespmem:v0+s18+$0x0], $0xffff  }
0x38: {  	v3 =	vld [tilespmem:s26+$0x110]  }
0x39: {  	v4 =	vld [tilespmem:s26+$0x120]  }
0x3a: {  	v5 =	vld [tilespmem:s26+$0x130];
	_ =	sdelay $0x1  }
0x3b: {  	v2 =	vmul.f32 v2, v1  }
0x3c: {  	v0 =	vor.u32 $0x80, v0;
	v3 =	vmul.f32 v3, v1  }
0x3d: {  	v35 =	vmul.f32 v4, v1;
	[tilespmem:s26+$0x100] =	vst v2  }
0x3e: {  	v1 =	vmul.f32 v5, v1;
	[tilespmem:s26+$0x110] =	vst v3  }
0x3f: {  	[tilespmem:s26+$0x120] =	vst v35  }
0x40: {  	v36 =	vld [tilespmem:s26+$0x140];
	[tilespmem:s26+$0x130] =	vst v1  }
0x41: {  	v0 =	vld.idx.msk [tilespmem:v0+s18+$0x0], $0xffff  }
0x42: {  	v37 =	vld [tilespmem:s26+$0x150]  }
0x43: {  	v38 =	vld [tilespmem:s26+$0x160]  }
0x44: {  	v39 =	vld [tilespmem:s26+$0x170];
	_ =	sdelay $0x1  }
0x45: {  	s28 =	sor.u32 $0x1, s25;
	v1 =	vmul.f32 v36, v0  }
0x46: {  	v40 =	vmov s28;
	v2 =	vmul.f32 v37, v0  }
0x47: {  	v41 =	vmul.f32 v38, v0;
	[tilespmem:s26+$0x140] =	vst v1  }
0x48: {  	v0 =	vmul.f32 v39, v0;
	[tilespmem:s26+$0x150] =	vst v2  }
0x49: {  	[tilespmem:s26+$0x160] =	vst v41  }
0x4a: {  	s28 =	sshll.u32 s28, $0x7;
	[tilespmem:s26+$0x170] =	vst v0  }
0x4b: {  	s26 =	sand.u32 $0x3FFFF880, s28;
	v0 =	vld.idx.msk [tilespmem:v40+s18+$0x0], $0xffff  }
0x4c: {  	v1 =	vld [tilespmem:s26+$0x100]  }
0x4d: {  	v2 =	vld [tilespmem:s26+$0x110]  }
0x4e: {  	v42 =	vld [tilespmem:s26+$0x120]  }
0x4f: {  	v43 =	vld [tilespmem:s26+$0x130];
	_ =	sdelay $0x1  }
0x50: {  	v1 =	vmul.f32 v1, v0  }
0x51: {  	v5 =	vor.u32 $0x80, v40;
	v2 =	vmul.f32 v2, v0  }
0x52: {  	v44 =	vmul.f32 v42, v0;
	[tilespmem:s26+$0x100] =	vst v1  }
0x53: {  	v0 =	vmul.f32 v43, v0;
	[tilespmem:s26+$0x110] =	vst v2  }
0x54: {  	[tilespmem:s26+$0x120] =	vst v44  }
0x55: {  	v45 =	vld [tilespmem:s26+$0x140];
	[tilespmem:s26+$0x130] =	vst v0  }
0x56: {  	v0 =	vld.idx.msk [tilespmem:v5+s18+$0x0], $0xffff  }
0x57: {  	v46 =	vld [tilespmem:s26+$0x150]  }
0x58: {  	v47 =	vld [tilespmem:s26+$0x160]  }
0x59: {  	v48 =	vld [tilespmem:s26+$0x170];
	_ =	sdelay $0x1  }
0x5a: {  	s29 =	sor.u32 $0x2, s25;
	v1 =	vmul.f32 v45, v0  }
0x5b: {  	v49 =	vmov s29;
	v2 =	vmul.f32 v46, v0  }
0x5c: {  	v50 =	vmul.f32 v47, v0;
	[tilespmem:s26+$0x140] =	vst v1  }
0x5d: {  	v0 =	vmul.f32 v48, v0;
	[tilespmem:s26+$0x150] =	vst v2  }
0x5e: {  	[tilespmem:s26+$0x160] =	vst v50  }
0x5f: {  	s30 =	sshll.u32 s29, $0x7;
	[tilespmem:s26+$0x170] =	vst v0  }
0x60: {  	s26 =	sand.u32 $0x3FFFF900, s30;
	v0 =	vld.idx.msk [tilespmem:v49+s18+$0x0], $0xffff  }
0x61: {  	v1 =	vld [tilespmem:s26+$0x100]  }
0x62: {  	v2 =	vld [tilespmem:s26+$0x110]  }
0x63: {  	v51 =	vld [tilespmem:s26+$0x120]  }
0x64: {  	v52 =	vld [tilespmem:s26+$0x130];
	_ =	sdelay $0x1  }
0x65: {  	v1 =	vmul.f32 v1, v0  }
0x66: {  	v5 =	vor.u32 $0x80, v49;
	v2 =	vmul.f32 v2, v0  }
0x67: {  	v53 =	vmul.f32 v51, v0;
	[tilespmem:s26+$0x100] =	vst v1  }
0x68: {  	v0 =	vmul.f32 v52, v0;
	[tilespmem:s26+$0x110] =	vst v2  }
0x69: {  	[tilespmem:s26+$0x120] =	vst v53  }
0x6a: {  	v54 =	vld [tilespmem:s26+$0x140];
	[tilespmem:s26+$0x130] =	vst v0  }
0x6b: {  	v0 =	vld.idx.msk [tilespmem:v5+s18+$0x0], $0xffff  }
0x6c: {  	v55 =	vld [tilespmem:s26+$0x150]  }
0x6d: {  	v56 =	vld [tilespmem:s26+$0x160]  }
0x6e: {  	v57 =	vld [tilespmem:s26+$0x170];
	_ =	sdelay $0x1  }
0x6f: {  	s31 =	sor.u32 $0x3, s25;
	v1 =	vmul.f32 v54, v0  }
0x70: {  	v58 =	vmov s31;
	v2 =	vmul.f32 v55, v0  }
0x71: {  	v59 =	vmul.f32 v56, v0;
	[tilespmem:s26+$0x140] =	vst v1  }
0x72: {  	v0 =	vmul.f32 v57, v0;
	[tilespmem:s26+$0x150] =	vst v2  }
0x73: {  	[tilespmem:s26+$0x160] =	vst v59  }
0x74: {  	s28 =	sshll.u32 s31, $0x7;
	[tilespmem:s26+$0x170] =	vst v0  }
0x75: {  	s26 =	sand.u32 $0x3FFFF980, s28;
	v0 =	vld.idx.msk [tilespmem:v58+s18+$0x0], $0xffff  }
0x76: {  	v1 =	vld [tilespmem:s26+$0x100]  }
0x77: {  	v2 =	vld [tilespmem:s26+$0x110]  }
0x78: {  	v60 =	vld [tilespmem:s26+$0x120]  }
0x79: {  	v61 =	vld [tilespmem:s26+$0x130];
	_ =	sdelay $0x1  }
0x7a: {  	v1 =	vmul.f32 v1, v0  }
0x7b: {  	v5 =	vor.u32 $0x80, v58;
	v2 =	vmul.f32 v2, v0  }
0x7c: {  	v62 =	vmul.f32 v60, v0;
	[tilespmem:s26+$0x100] =	vst v1  }
0x7d: {  	v0 =	vmul.f32 v61, v0;
	[tilespmem:s26+$0x110] =	vst v2  }
0x7e: {  	[tilespmem:s26+$0x120] =	vst v62  }
0x7f: {  	v63 =	vld [tilespmem:s26+$0x140];
	[tilespmem:s26+$0x130] =	vst v0  }
0x80: {  	v0 =	vld.idx.msk [tilespmem:v5+s18+$0x0], $0xffff  }
0x81: {  	v8 =	vld [tilespmem:s26+$0x150]  }
0x82: {  	v9 =	vld [tilespmem:s26+$0x160]  }
0x83: {  	v10 =	vld [tilespmem:s26+$0x170];
	_ =	sdelay $0x1  }
0x84: {  	s29 =	sor.u32 $0x4, s25;
	v1 =	vmul.f32 v63, v0  }
0x85: {  	v11 =	vmov s29;
	v2 =	vmul.f32 v8, v0  }
0x86: {  	v12 =	vmul.f32 v9, v0;
	[tilespmem:s26+$0x140] =	vst v1  }
0x87: {  	v0 =	vmul.f32 v10, v0;
	[tilespmem:s26+$0x150] =	vst v2  }
0x88: {  	[tilespmem:s26+$0x160] =	vst v12  }
0x89: {  	s30 =	sshll.u32 s29, $0x7;
	[tilespmem:s26+$0x170] =	vst v0  }
0x8a: {  	s26 =	sand.u32 $0x3FFFFA00, s30;
	v0 =	vld.idx.msk [tilespmem:v11+s18+$0x0], $0xffff  }
0x8b: {  	v1 =	vld [tilespmem:s26+$0x100]  }
0x8c: {  	v2 =	vld [tilespmem:s26+$0x110]  }
0x8d: {  	v13 =	vld [tilespmem:s26+$0x120]  }
0x8e: {  	v14 =	vld [tilespmem:s26+$0x130];
	_ =	sdelay $0x1  }
0x8f: {  	v1 =	vmul.f32 v1, v0  }
0x90: {  	v5 =	vor.u32 $0x80, v11;
	v2 =	vmul.f32 v2, v0  }
0x91: {  	v15 =	vmul.f32 v13, v0;
	[tilespmem:s26+$0x100] =	vst v1  }
0x92: {  	v0 =	vmul.f32 v14, v0;
	[tilespmem:s26+$0x110] =	vst v2  }
0x93: {  	[tilespmem:s26+$0x120] =	vst v15  }
0x94: {  	v16 =	vld [tilespmem:s26+$0x140];
	[tilespmem:s26+$0x130] =	vst v0  }
0x95: {  	v0 =	vld.idx.msk [tilespmem:v5+s18+$0x0], $0xffff  }
0x96: {  	v17 =	vld [tilespmem:s26+$0x150]  }
0x97: {  	v18 =	vld [tilespmem:s26+$0x160]  }
0x98: {  	v19 =	vld [tilespmem:s26+$0x170];
	_ =	sdelay $0x1  }
0x99: {  	s31 =	sor.u32 $0x5, s25;
	v1 =	vmul.f32 v16, v0  }
0x9a: {  	v20 =	vmov s31;
	v2 =	vmul.f32 v17, v0  }
0x9b: {  	v21 =	vmul.f32 v18, v0;
	[tilespmem:s26+$0x140] =	vst v1  }
0x9c: {  	v0 =	vmul.f32 v19, v0;
	[tilespmem:s26+$0x150] =	vst v2  }
0x9d: {  	[tilespmem:s26+$0x160] =	vst v21  }
0x9e: {  	s28 =	sshll.u32 s31, $0x7;
	[tilespmem:s26+$0x170] =	vst v0  }
0x9f: {  	s26 =	sand.u32 $0x3FFFFA80, s28;
	v0 =	vld.idx.msk [tilespmem:v20+s18+$0x0], $0xffff  }
0xa0: {  	v1 =	vld [tilespmem:s26+$0x100]  }
0xa1: {  	v2 =	vld [tilespmem:s26+$0x110]  }
0xa2: {  	v22 =	vld [tilespmem:s26+$0x120]  }
0xa3: {  	v23 =	vld [tilespmem:s26+$0x130];
	_ =	sdelay $0x1  }
0xa4: {  	v1 =	vmul.f32 v1, v0  }
0xa5: {  	v5 =	vor.u32 $0x80, v20;
	v2 =	vmul.f32 v2, v0  }
0xa6: {  	v24 =	vmul.f32 v22, v0;
	[tilespmem:s26+$0x100] =	vst v1  }
0xa7: {  	v0 =	vmul.f32 v23, v0;
	[tilespmem:s26+$0x110] =	vst v2  }
0xa8: {  	[tilespmem:s26+$0x120] =	vst v24  }
0xa9: {  	v25 =	vld [tilespmem:s26+$0x140];
	[tilespmem:s26+$0x130] =	vst v0  }
0xaa: {  	v0 =	vld.idx.msk [tilespmem:v5+s18+$0x0], $0xffff  }
0xab: {  	v26 =	vld [tilespmem:s26+$0x150]  }
0xac: {  	v27 =	vld [tilespmem:s26+$0x160]  }
0xad: {  	v28 =	vld [tilespmem:s26+$0x170];
	_ =	sdelay $0x1  }
0xae: {  	s29 =	sor.u32 $0x6, s25;
	v1 =	vmul.f32 v25, v0  }
0xaf: {  	v29 =	vmov s29;
	v2 =	vmul.f32 v26, v0  }
0xb0: {  	v30 =	vmul.f32 v27, v0;
	[tilespmem:s26+$0x140] =	vst v1  }
0xb1: {  	v0 =	vmul.f32 v28, v0;
	[tilespmem:s26+$0x150] =	vst v2  }
0xb2: {  	[tilespmem:s26+$0x160] =	vst v30  }
0xb3: {  	s30 =	sshll.u32 s29, $0x7;
	[tilespmem:s26+$0x170] =	vst v0  }
0xb4: {  	s26 =	sand.u32 $0x3FFFFB00, s30;
	v0 =	vld.idx.msk [tilespmem:v29+s18+$0x0], $0xffff  }
0xb5: {  	v1 =	vld [tilespmem:s26+$0x100]  }
0xb6: {  	v2 =	vld [tilespmem:s26+$0x110]  }
0xb7: {  	v31 =	vld [tilespmem:s26+$0x120]  }
0xb8: {  	v32 =	vld [tilespmem:s26+$0x130];
	_ =	sdelay $0x1  }
0xb9: {  	v1 =	vmul.f32 v1, v0  }
0xba: {  	v5 =	vor.u32 $0x80, v29;
	v2 =	vmul.f32 v2, v0  }
0xbb: {  	v33 =	vmul.f32 v31, v0;
	[tilespmem:s26+$0x100] =	vst v1  }
0xbc: {  	v0 =	vmul.f32 v32, v0;
	[tilespmem:s26+$0x110] =	vst v2  }
0xbd: {  	[tilespmem:s26+$0x120] =	vst v33  }
0xbe: {  	v34 =	vld [tilespmem:s26+$0x140];
	[tilespmem:s26+$0x130] =	vst v0  }
0xbf: {  	v0 =	vld.idx.msk [tilespmem:v5+s18+$0x0], $0xffff  }
0xc0: {  	v35 =	vld [tilespmem:s26+$0x150]  }
0xc1: {  	v36 =	vld [tilespmem:s26+$0x160]  }
0xc2: {  	v37 =	vld [tilespmem:s26+$0x170];
	_ =	sdelay $0x1  }
0xc3: {  	s31 =	sor.u32 $0x7, s25;
	v1 =	vmul.f32 v34, v0  }
0xc4: {  	v38 =	vmov s31;
	v2 =	vmul.f32 v35, v0  }
0xc5: {  	v39 =	vmul.f32 v36, v0;
	[tilespmem:s26+$0x140] =	vst v1  }
0xc6: {  	v0 =	vmul.f32 v37, v0;
	[tilespmem:s26+$0x150] =	vst v2  }
0xc7: {  	[tilespmem:s26+$0x160] =	vst v39  }
0xc8: {  	s28 =	sshll.u32 s31, $0x7;
	[tilespmem:s26+$0x170] =	vst v0  }
0xc9: {  	s26 =	sand.u32 $0x3FFFFB80, s28;
	v0 =	vld.idx.msk [tilespmem:v38+s18+$0x0], $0xffff  }
0xca: {  	v1 =	vld [tilespmem:s26+$0x100]  }
0xcb: {  	v2 =	vld [tilespmem:s26+$0x110]  }
0xcc: {  	v40 =	vld [tilespmem:s26+$0x120]  }
0xcd: {  	v41 =	vld [tilespmem:s26+$0x130];
	_ =	sdelay $0x1  }
0xce: {  	v1 =	vmul.f32 v1, v0  }
0xcf: {  	v5 =	vor.u32 $0x80, v38;
	v2 =	vmul.f32 v2, v0  }
0xd0: {  	v42 =	vmul.f32 v40, v0;
	[tilespmem:s26+$0x100] =	vst v1  }
0xd1: {  	v0 =	vmul.f32 v41, v0;
	[tilespmem:s26+$0x110] =	vst v2  }
0xd2: {  	[tilespmem:s26+$0x120] =	vst v42  }
0xd3: {  	v43 =	vld [tilespmem:s26+$0x140];
	[tilespmem:s26+$0x130] =	vst v0  }
0xd4: {  	v0 =	vld.idx.msk [tilespmem:v5+s18+$0x0], $0xffff  }
0xd5: {  	v44 =	vld [tilespmem:s26+$0x150]  }
0xd6: {  	v45 =	vld [tilespmem:s26+$0x160]  }
0xd7: {  	v46 =	vld [tilespmem:s26+$0x170];
	_ =	sdelay $0x1  }
0xd8: {  	s29 =	sor.u32 $0x8, s25;
	v1 =	vmul.f32 v43, v0  }
0xd9: {  	v47 =	vmov s29;
	v2 =	vmul.f32 v44, v0  }
0xda: {  	v48 =	vmul.f32 v45, v0;
	[tilespmem:s26+$0x140] =	vst v1  }
0xdb: {  	v0 =	vmul.f32 v46, v0;
	[tilespmem:s26+$0x150] =	vst v2  }
0xdc: {  	[tilespmem:s26+$0x160] =	vst v48  }
0xdd: {  	s30 =	sshll.u32 s29, $0x7;
	[tilespmem:s26+$0x170] =	vst v0  }
0xde: {  	s26 =	sand.u32 $0x3FFFFC00, s30;
	v0 =	vld.idx.msk [tilespmem:v47+s18+$0x0], $0xffff  }
0xdf: {  	v1 =	vld [tilespmem:s26+$0x100]  }
0xe0: {  	v2 =	vld [tilespmem:s26+$0x110]  }
0xe1: {  	v49 =	vld [tilespmem:s26+$0x120]  }
0xe2: {  	v50 =	vld [tilespmem:s26+$0x130];
	_ =	sdelay $0x1  }
0xe3: {  	v1 =	vmul.f32 v1, v0  }
0xe4: {  	v5 =	vor.u32 $0x80, v47;
	v2 =	vmul.f32 v2, v0  }
0xe5: {  	v51 =	vmul.f32 v49, v0;
	[tilespmem:s26+$0x100] =	vst v1  }
0xe6: {  	v0 =	vmul.f32 v50, v0;
	[tilespmem:s26+$0x110] =	vst v2  }
0xe7: {  	[tilespmem:s26+$0x120] =	vst v51  }
0xe8: {  	v52 =	vld [tilespmem:s26+$0x140];
	[tilespmem:s26+$0x130] =	vst v0  }
0xe9: {  	v0 =	vld.idx.msk [tilespmem:v5+s18+$0x0], $0xffff  }
0xea: {  	v53 =	vld [tilespmem:s26+$0x150]  }
0xeb: {  	v54 =	vld [tilespmem:s26+$0x160]  }
0xec: {  	v55 =	vld [tilespmem:s26+$0x170];
	_ =	sdelay $0x1  }
0xed: {  	s31 =	sor.u32 $0x9, s25;
	v1 =	vmul.f32 v52, v0  }
0xee: {  	v56 =	vmov s31;
	v2 =	vmul.f32 v53, v0  }
0xef: {  	v57 =	vmul.f32 v54, v0;
	[tilespmem:s26+$0x140] =	vst v1  }
0xf0: {  	v0 =	vmul.f32 v55, v0;
	[tilespmem:s26+$0x150] =	vst v2  }
0xf1: {  	[tilespmem:s26+$0x160] =	vst v57  }
0xf2: {  	s28 =	sshll.u32 s31, $0x7;
	[tilespmem:s26+$0x170] =	vst v0  }
0xf3: {  	s26 =	sand.u32 $0x3FFFFC80, s28;
	v0 =	vld.idx.msk [tilespmem:v56+s18+$0x0], $0xffff  }
0xf4: {  	v1 =	vld [tilespmem:s26+$0x100]  }
0xf5: {  	v2 =	vld [tilespmem:s26+$0x110]  }
0xf6: {  	v58 =	vld [tilespmem:s26+$0x120]  }
0xf7: {  	v59 =	vld [tilespmem:s26+$0x130];
	_ =	sdelay $0x1  }
0xf8: {  	v1 =	vmul.f32 v1, v0  }
0xf9: {  	v5 =	vor.u32 $0x80, v56;
	v2 =	vmul.f32 v2, v0  }
0xfa: {  	v60 =	vmul.f32 v58, v0;
	[tilespmem:s26+$0x100] =	vst v1  }
0xfb: {  	v0 =	vmul.f32 v59, v0;
	[tilespmem:s26+$0x110] =	vst v2  }
0xfc: {  	[tilespmem:s26+$0x120] =	vst v60  }
0xfd: {  	v61 =	vld [tilespmem:s26+$0x140];
	[tilespmem:s26+$0x130] =	vst v0  }
0xfe: {  	v0 =	vld.idx.msk [tilespmem:v5+s18+$0x0], $0xffff  }
0xff: {  	v62 =	vld [tilespmem:s26+$0x150]  }
0x100: {  	v63 =	vld [tilespmem:s26+$0x160]  }
0x101: {  	v8 =	vld [tilespmem:s26+$0x170];
	_ =	sdelay $0x1  }
0x102: {  	s29 =	sor.u32 $0xA, s25;
	v1 =	vmul.f32 v61, v0  }
0x103: {  	v9 =	vmov s29;
	v2 =	vmul.f32 v62, v0  }
0x104: {  	v10 =	vmul.f32 v63, v0;
	[tilespmem:s26+$0x140] =	vst v1  }
0x105: {  	v0 =	vmul.f32 v8, v0;
	[tilespmem:s26+$0x150] =	vst v2  }
0x106: {  	[tilespmem:s26+$0x160] =	vst v10  }
0x107: {  	s30 =	sshll.u32 s29, $0x7;
	[tilespmem:s26+$0x170] =	vst v0  }
0x108: {  	s26 =	sand.u32 $0x3FFFFD00, s30;
	v0 =	vld.idx.msk [tilespmem:v9+s18+$0x0], $0xffff  }
0x109: {  	v1 =	vld [tilespmem:s26+$0x100]  }
0x10a: {  	v2 =	vld [tilespmem:s26+$0x110]  }
0x10b: {  	v11 =	vld [tilespmem:s26+$0x120]  }
0x10c: {  	v12 =	vld [tilespmem:s26+$0x130];
	_ =	sdelay $0x1  }
0x10d: {  	v1 =	vmul.f32 v1, v0  }
0x10e: {  	v5 =	vor.u32 $0x80, v9;
	v2 =	vmul.f32 v2, v0  }
0x10f: {  	v13 =	vmul.f32 v11, v0;
	[tilespmem:s26+$0x100] =	vst v1  }
0x110: {  	v0 =	vmul.f32 v12, v0;
	[tilespmem:s26+$0x110] =	vst v2  }
0x111: {  	[tilespmem:s26+$0x120] =	vst v13  }
0x112: {  	v14 =	vld [tilespmem:s26+$0x140];
	[tilespmem:s26+$0x130] =	vst v0  }
0x113: {  	v0 =	vld.idx.msk [tilespmem:v5+s18+$0x0], $0xffff  }
0x114: {  	v15 =	vld [tilespmem:s26+$0x150]  }
0x115: {  	v16 =	vld [tilespmem:s26+$0x160]  }
0x116: {  	v17 =	vld [tilespmem:s26+$0x170];
	_ =	sdelay $0x1  }
0x117: {  	s31 =	sor.u32 $0xB, s25;
	v1 =	vmul.f32 v14, v0  }
0x118: {  	v18 =	vmov s31;
	v2 =	vmul.f32 v15, v0  }
0x119: {  	v19 =	vmul.f32 v16, v0;
	[tilespmem:s26+$0x140] =	vst v1  }
0x11a: {  	v0 =	vmul.f32 v17, v0;
	[tilespmem:s26+$0x150] =	vst v2  }
0x11b: {  	[tilespmem:s26+$0x160] =	vst v19  }
0x11c: {  	s28 =	sshll.u32 s31, $0x7;
	[tilespmem:s26+$0x170] =	vst v0  }
0x11d: {  	s26 =	sand.u32 $0x3FFFFD80, s28;
	v0 =	vld.idx.msk [tilespmem:v18+s18+$0x0], $0xffff  }
0x11e: {  	v1 =	vld [tilespmem:s26+$0x100]  }
0x11f: {  	v2 =	vld [tilespmem:s26+$0x110]  }
0x120: {  	v20 =	vld [tilespmem:s26+$0x120]  }
0x121: {  	v21 =	vld [tilespmem:s26+$0x130];
	_ =	sdelay $0x1  }
0x122: {  	v1 =	vmul.f32 v1, v0  }
0x123: {  	v5 =	vor.u32 $0x80, v18;
	v2 =	vmul.f32 v2, v0  }
0x124: {  	v22 =	vmul.f32 v20, v0;
	[tilespmem:s26+$0x100] =	vst v1  }
0x125: {  	v0 =	vmul.f32 v21, v0;
	[tilespmem:s26+$0x110] =	vst v2  }
0x126: {  	[tilespmem:s26+$0x120] =	vst v22  }
0x127: {  	v23 =	vld [tilespmem:s26+$0x140];
	[tilespmem:s26+$0x130] =	vst v0  }
0x128: {  	v0 =	vld.idx.msk [tilespmem:v5+s18+$0x0], $0xffff  }
0x129: {  	v24 =	vld [tilespmem:s26+$0x150]  }
0x12a: {  	v25 =	vld [tilespmem:s26+$0x160]  }
0x12b: {  	v26 =	vld [tilespmem:s26+$0x170];
	_ =	sdelay $0x1  }
0x12c: {  	s29 =	sor.u32 $0xC, s25;
	v1 =	vmul.f32 v23, v0  }
0x12d: {  	v27 =	vmov s29;
	v2 =	vmul.f32 v24, v0  }
0x12e: {  	v28 =	vmul.f32 v25, v0;
	[tilespmem:s26+$0x140] =	vst v1  }
0x12f: {  	v0 =	vmul.f32 v26, v0;
	[tilespmem:s26+$0x150] =	vst v2  }
0x130: {  	[tilespmem:s26+$0x160] =	vst v28  }
0x131: {  	s30 =	sshll.u32 s29, $0x7;
	[tilespmem:s26+$0x170] =	vst v0  }
0x132: {  	s26 =	sand.u32 $0x3FFFFE00, s30;
	v0 =	vld.idx.msk [tilespmem:v27+s18+$0x0], $0xffff  }
0x133: {  	v1 =	vld [tilespmem:s26+$0x100]  }
0x134: {  	v2 =	vld [tilespmem:s26+$0x110]  }
0x135: {  	v29 =	vld [tilespmem:s26+$0x120]  }
0x136: {  	v30 =	vld [tilespmem:s26+$0x130];
	_ =	sdelay $0x1  }
0x137: {  	v1 =	vmul.f32 v1, v0  }
0x138: {  	v5 =	vor.u32 $0x80, v27;
	v2 =	vmul.f32 v2, v0  }
0x139: {  	v31 =	vmul.f32 v29, v0;
	[tilespmem:s26+$0x100] =	vst v1  }
0x13a: {  	v0 =	vmul.f32 v30, v0;
	[tilespmem:s26+$0x110] =	vst v2  }
0x13b: {  	[tilespmem:s26+$0x120] =	vst v31  }
0x13c: {  	v32 =	vld [tilespmem:s26+$0x140];
	[tilespmem:s26+$0x130] =	vst v0  }
0x13d: {  	v0 =	vld.idx.msk [tilespmem:v5+s18+$0x0], $0xffff  }
0x13e: {  	v33 =	vld [tilespmem:s26+$0x150]  }
0x13f: {  	v34 =	vld [tilespmem:s26+$0x160]  }
0x140: {  	v35 =	vld [tilespmem:s26+$0x170];
	_ =	sdelay $0x1  }
0x141: {  	s31 =	sor.u32 $0xD, s25;
	v1 =	vmul.f32 v32, v0  }
0x142: {  	v36 =	vmov s31;
	v2 =	vmul.f32 v33, v0  }
0x143: {  	v37 =	vmul.f32 v34, v0;
	[tilespmem:s26+$0x140] =	vst v1  }
0x144: {  	v0 =	vmul.f32 v35, v0;
	[tilespmem:s26+$0x150] =	vst v2  }
0x145: {  	[tilespmem:s26+$0x160] =	vst v37  }
0x146: {  	s29 =	sshll.u32 s31, $0x7;
	[tilespmem:s26+$0x170] =	vst v0  }
0x147: {  	s26 =	sand.u32 $0x3FFFFE80, s29;
	v0 =	vld.idx.msk [tilespmem:v36+s18+$0x0], $0xffff  }
0x148: {  	v1 =	vld [tilespmem:s26+$0x100]  }
0x149: {  	v2 =	vld [tilespmem:s26+$0x110]  }
0x14a: {  	v38 =	vld [tilespmem:s26+$0x120]  }
0x14b: {  	v39 =	vld [tilespmem:s26+$0x130];
	_ =	sdelay $0x1  }
0x14c: {  	v1 =	vmul.f32 v1, v0  }
0x14d: {  	v5 =	vor.u32 $0x80, v36;
	v2 =	vmul.f32 v2, v0  }
0x14e: {  	v40 =	vmul.f32 v38, v0;
	[tilespmem:s26+$0x100] =	vst v1  }
0x14f: {  	v0 =	vmul.f32 v39, v0;
	[tilespmem:s26+$0x110] =	vst v2  }
0x150: {  	[tilespmem:s26+$0x120] =	vst v40  }
0x151: {  	v41 =	vld [tilespmem:s26+$0x140];
	[tilespmem:s26+$0x130] =	vst v0  }
0x152: {  	v0 =	vld.idx.msk [tilespmem:v5+s18+$0x0], $0xffff  }
0x153: {  	v42 =	vld [tilespmem:s26+$0x150]  }
0x154: {  	v43 =	vld [tilespmem:s26+$0x160]  }
0x155: {  	v44 =	vld [tilespmem:s26+$0x170];
	_ =	sdelay $0x1  }
0x156: {  	s25 =	sor.u32 $0xE, s25;
	v1 =	vmul.f32 v41, v0  }
0x157: {  	v45 =	vmov s25;
	v2 =	vmul.f32 v42, v0  }
0x158: {  	v46 =	vmul.f32 v43, v0;
	[tilespmem:s26+$0x140] =	vst v1  }
0x159: {  	v0 =	vmul.f32 v44, v0;
	[tilespmem:s26+$0x150] =	vst v2  }
0x15a: {  	[tilespmem:s26+$0x160] =	vst v46  }
0x15b: {  	s25 =	sshll.u32 s25, $0x7;
	[tilespmem:s26+$0x170] =	vst v0  }
0x15c: {  	s25 =	sand.u32 $0x3FFFFF00, s25;
	v0 =	vld.idx.msk [tilespmem:v45+s18+$0x0], $0xffff  }
0x15d: {  	v1 =	vld [tilespmem:s25+$0x100]  }
0x15e: {  	v2 =	vld [tilespmem:s25+$0x110]  }
0x15f: {  	v47 =	vld [tilespmem:s25+$0x120]  }
0x160: {  	v48 =	vld [tilespmem:s25+$0x130];
	_ =	sdelay $0x1  }
0x161: {  	v1 =	vmul.f32 v1, v0  }
0x162: {  	v5 =	vor.u32 $0x80, v45;
	v2 =	vmul.f32 v2, v0  }
0x163: {  	v49 =	vmul.f32 v47, v0;
	[tilespmem:s25+$0x100] =	vst v1  }
0x164: {  	v0 =	vmul.f32 v48, v0;
	[tilespmem:s25+$0x110] =	vst v2  }
0x165: {  	[tilespmem:s25+$0x120] =	vst v49  }
0x166: {  	v50 =	vld [tilespmem:s25+$0x140];
	[tilespmem:s25+$0x130] =	vst v0  }
0x167: {  	v0 =	vld.idx.msk [tilespmem:v5+s18+$0x0], $0xffff  }
0x168: {  	v51 =	vld [tilespmem:s25+$0x150]  }
0x169: {  	v52 =	vld [tilespmem:s25+$0x160]  }
0x16a: {  	v53 =	vld [tilespmem:s25+$0x170];
	_ =	sdelay $0x1  }
0x16b: {  	s30 =	sshllo.u32 s24, $0x4;
	v1 =	vmul.f32 v50, v0  }
0x16c: {  	v54 =	vmov s30;
	v2 =	vmul.f32 v51, v0  }
0x16d: {  	v55 =	vmul.f32 v52, v0;
	[tilespmem:s25+$0x140] =	vst v1  }
0x16e: {  	v0 =	vmul.f32 v53, v0;
	[tilespmem:s25+$0x150] =	vst v2  }
0x16f: {  	[tilespmem:s25+$0x160] =	vst v55  }
0x170: {  	s31 =	sshll.u32 s30, $0x7;
	[tilespmem:s25+$0x170] =	vst v0  }
0x171: {  	s25 =	sand.u32 $0x3FFFFF80, s31;
	v0 =	vld.idx.msk [tilespmem:v54+s18+$0x0], $0xffff  }
0x172: {  	v1 =	vld [tilespmem:s25+$0x100]  }
0x173: {  	v2 =	vld [tilespmem:s25+$0x110]  }
0x174: {  	v56 =	vld [tilespmem:s25+$0x120]  }
0x175: {  	v57 =	vld [tilespmem:s25+$0x130];
	_ =	sdelay $0x1  }
0x176: {  	v1 =	vmul.f32 v1, v0  }
0x177: {  	v5 =	vor.u32 $0x80, v54;
	v2 =	vmul.f32 v2, v0  }
0x178: {  	v58 =	vmul.f32 v56, v0;
	[tilespmem:s25+$0x100] =	vst v1  }
0x179: {  	v0 =	vmul.f32 v57, v0;
	[tilespmem:s25+$0x110] =	vst v2  }
0x17a: {  	[tilespmem:s25+$0x120] =	vst v58  }
0x17b: {  	v59 =	vld [tilespmem:s25+$0x140];
	[tilespmem:s25+$0x130] =	vst v0  }
0x17c: {  	v0 =	vld.idx.msk [tilespmem:v5+s18+$0x0], $0xffff  }
0x17d: {  	v60 =	vld [tilespmem:s25+$0x150]  }
0x17e: {  	v61 =	vld [tilespmem:s25+$0x160]  }
0x17f: {  	v62 =	vld [tilespmem:s25+$0x170];
	_ =	sdelay $0x1  }
0x180: {  	p0 =	sne.s32 s24, $0x7;
	v1 =	vmul.f32 v59, v0  }
.Ltmp0:
0x181: {  	v2 =	vmul.f32 v60, v0;
	(pc) =	sbr.rel @p0 .LBB2_3-.Ltmp0, $4  }
0x182: {  	v63 =	vmul.f32 v61, v0;
	[tilespmem:s25+$0x140] =	vst v1  }
0x183: {  	v0 =	vmul.f32 v62, v0;
	[tilespmem:s25+$0x150] =	vst v2  }
0x184: {  	[tilespmem:s25+$0x160] =	vst v63  }
0x185: {  	s24 =	sadd.s32 $0x1, s24;
	[tilespmem:s25+$0x170] =	vst v0  }
0x186: {  	s23 =	sadd.s32 $0x1, s23  }
0x187: {  	p0 =	sne.s32 s23, $0x51  }
.Ltmp1:
0x188: {  	_ = 	snop;
	(pc) =	sbr.rel @p0 .LBB2_2-.Ltmp1, $4  }
0x189: {  	[spmem:s2] =	stream.indirect.scatter.add.f32 [tilespmem:s21], [sflag:$0x3], $0x80, s17, s17, $0xb8;
	[tilespmem:$0x18200] =	vst v63  }
0x18a: {  	_ =	swait.ge [sflag:s16], $0x4000  }
0x18b: {  	[sflag:s16] =	ssyncset.done $0x0  }
0x18c: {  	[sflag:s16] =	ssyncadd.s32 $0xFFFFC000  }
0x18d: {  	s3 =	sadd.s32 $0x1, s3  }
0x18e: {  	p0 =	sne.s32 s3, s14  }
.Ltmp2:
0x18f: {  	[bflag:$0x0] =	sbarrier.arrive $0xFFFF;
	(pc) =	sbr.rel @p0 .LBB2_1-.Ltmp2, $4  }
0x190: {  	[hbm:s13], [sflag:s10] =	dma.local [spmem:s15], $0x2800  }
0x191: {  	_ =	swait.ge [sflag:s16], $0x2800  }
0x192: {  	[sflag:s16] =	ssyncset.done $0x0  }
0x193: {  	[sflag:s16] =	ssyncadd.s32 $0xFFFFD800  }
0x194: {  	_ =	sfence.sel $0x180000  }
0x195: {  	[bflag:$0x0] =	sbarrier.arrive $0xFFFF  }
0x196: {  	p0 =	sne.s32 s1, $0x0;
	_ =	strace $0x9000004A  }
0x197: {  	s0 =	sadd.s32 @!p0 $0x100000, s0;
	[bflag:$0x2] =	sbarrier.arrive $0xFFFF  }
0x198: {  	[sflag:s0] =	ssyncadd.tile.s32 @!p0 $0x1;
	_ =	shalt  }
.Lfunc_end2:
_tile_overlayer_lowered:
.L_overlay_start_2:
0x199: {  	(tag) =	ssettag $0x2  }
0x19a: {  	s0 =	rddreg [dreg:$0x0];
	s2 =	stileid.u32  }
0x19b: {  	s1 =	rddreg [dreg:$0x1];
	p0 =	sne.s32 s2, $0x0  }
0x19c: {  	s3 =	rddreg [dreg:$0x2];
	[bflag:$0x3] =	sbarrier.arrive $0xFFFF;
	s2 =	simm.s32 @!p0 $0x1C03  }
0x19d: {  	[timem:s3], [sflag:s2] =	dma.local @!p0 [hbm:s0], s1  }
0x19e: {  	s0 =	simm.s32 @!p0 $0x3  }
0x19f: {  	_ =	swait.ge @!p0 [sflag:s0], s1  }
0x1a0: {  	s1 =	ssub.s32 @!p0 $0x0, s1;
	[sflag:s0] =	ssyncset.done @!p0 $0x0  }
0x1a1: {  	[sflag:s0] =	ssyncadd.s32 @!p0 s1  }
0x1a2: {  	[bflag:$0x3] =	sbarrier.arrive $0xFFFF  }
0x1a3: {  	_ =	shalt  }

// kernel: kernel.15.cloned.1.call-start
scs
__scs_entry_jumppad:
0x0: {  	(pc) =	sbr.rel $0x88, $3  }
0x1: {  	(tag) =	ssettag $0x0;
	lr =	simm.s32 $0x1  }
0x2: {  	[smem:$0x3F95] =	sst lr;
	_ =	strace $0xD0000000  }
0x3: {  	_ = 	snop  }
0x4: {  	_ = 	snop  }
0x5: {  	_ = 	snop  }
0x6: {  	_ = 	snop  }
0x7: {  	_ = 	snop  }
__scs_overlays_trampoline_lowered:
0x8: {  	[smem:$0x3FA4] =	sst s0  }
0x9: {  	[smem:$0x3FA5] =	sst s1  }
0xa: {  	[smem:$0x3FA6] =	sst s2  }
0xb: {  	[smem:$0x3FA7] =	sst s3  }
0xc: {  	[smem:$0x3FA8] =	sst s4  }
0xd: {  	[smem:$0x3FA9] =	sst s5  }
0xe: {  	[smem:$0x3FAA] =	sst s6  }
0xf: {  	[smem:$0x3FAB] =	sst s7  }
0x10: {  	[smem:$0x3FAC] =	sst s8  }
0x11: {  	[smem:$0x3FAD] =	sst s9;
	s0 =	simm.s32 @!p0 $0x0  }
0x12: {  	s1 =	sld [smem:$0x3F93];
	s0 =	simm.s32 @p0 $0x1  }
0x13: {  	[smem:$0x3FAE] =	sst s0;
	s0 =	simm.s32 @!p1 $0x0  }
0x14: {  	s2 =	sld [smem:$0x3F92];
	s0 =	simm.s32 @p1 $0x1  }
0x15: {  	[smem:$0x3FAF] =	sst s0;
	s0 =	simm.s32 @!p2 $0x0  }
0x16: {  	s3 =	sld [smem:$0x3FDB];
	s0 =	simm.s32 @p2 $0x1  }
0x17: {  	s4 =	simm.s32 $0x1BF5;
	[smem:$0x3FB1] =	sst s0  }
0x18: {  	s0 =	sld [smem:$0x3F94];
	_ =	swait.ge [sflag:s4], $0x0  }
0x19: {  	s7 =	sld [smem:$0x3F95]  }
0x1a: {  	s8 =	sadd.s32 $0xFFFFE003, lr  }
0x1b: {  	s9 =	sadd.s32 $0xFFFFFEF7, lr;
	s5 =	simm.s32 $0xFFFFFFFF;
	p2 =	slt.u32 s8, $0xFFFFF086  }
0x1c: {  	p1 =	slt.u32 s9, $0xF7A;
	s5 =	simm.s32 @!p2 $0x0  }
0x1d: {  	s5 =	simm.s32 @p1 $0x1;
	p0 =	seq.s32 s7, s2  }
0x1e: {  	s7 =	smul.u32 @!p0 $0xF7A, s2;
	p2 =	seq.s32 @!p0 s5, $0x0  }
0x1f: {  	s9 =	smul.u32 $0xF7A, s1;
	s8 =	simm.s32 @!p0 $0x1BF5;
	p2 =	por !p2, p0  }
0x20: {  	[sflag:s8] =	ssyncset.s32 @!p0 $0xFFFFF086;
	s6 =	sadd.s32 @!p0 s3, s7;
	s7 =	simm.s32 @!p0 $0x108  }
0x21: {  	s3 =	sadd.s32 s3, s9;
	s6 =	sadd.s32 @!p0 $0x88, s6;
	s7 =	simm.s32 @p2 $0x1082  }
0x22: {  	[simem:s7], [sflag:s8] =	dma.local @!p0 [hbm:s6], $0xF7A  }
0x23: {  	s9 =	sor.u32 $0xD0000000, s2;
	s6 =	simm.s32 $0x108;
	_ =	swait.ge @!p0 [sflag:s8], $0x0  }
0x24: {  	s3 =	sadd.s32 $0x88, s3;
	s6 =	simm.s32 @!p1 $0x1082;
	[sflag:s4] =	ssyncset.s32 $0xFFFFF086  }
0x25: {  	[simem:s6], [sflag:s4] =	dma.local [hbm:s3], $0xF7A  }
0x26: {  	[smem:$0x3F95] =	sst s1;
	(tag) =	ssettag s2;
	_ =	strace s9  }
0x27: {  	s1 =	sld [smem:$0x3FA5]  }
0x28: {  	s2 =	sld [smem:$0x3FA6]  }
0x29: {  	s4 =	sld [smem:$0x3FA8]  }
0x2a: {  	p0 =	seq.s32 s5, $0x0;
	s5 =	sld [smem:$0x3FA9]  }
0x2b: {  	s6 =	sld [smem:$0x3FAA]  }
0x2c: {  	s7 =	sld [smem:$0x3FAB]  }
0x2d: {  	s3 =	simm.s32 $0x108;
	s8 =	sld [smem:$0x3FAC]  }
0x2e: {  	s3 =	simm.s32 @!p0 $0x1082;
	s9 =	sld [smem:$0x3FAD]  }
0x2f: {  	lr =	sadd.s32 s0, s3;
	s0 =	sld [smem:$0x3FA4]  }
0x30: {  	s3 =	sld [smem:$0x3FA7]  }
0x31: {  	[smem:$0x3FB0] =	sst s10  }
0x32: {  	s10 =	sld [smem:$0x3FAE];
	_ =	sdelay $0x3  }
0x33: {  	p0 =	seq.s32 s10, $0x1;
	s10 =	sld [smem:$0x3FB0];
	_ =	sdelay $0x3  }
0x34: {  	[smem:$0x3FB0] =	sst s10  }
0x35: {  	s10 =	sld [smem:$0x3FAF];
	_ =	sdelay $0x3  }
0x36: {  	p1 =	seq.s32 s10, $0x1;
	s10 =	sld [smem:$0x3FB0];
	_ =	sdelay $0x3  }
0x37: {  	[smem:$0x3FB0] =	sst s10  }
0x38: {  	s10 =	sld [smem:$0x3FB1]  }
0x39: {  	_ = 	snop;
	(pc) =	sbr.ind lr, $3  }
0x3a: {  	_ = 	snop  }
0x3b: {  	_ = 	snop  }
0x3c: {  	p2 =	seq.s32 s10, $0x1;
	s10 =	sld [smem:$0x3FB0]  }
0x3d: {  	_ =	shalt  }
0x3e: {  	_ =	shalt  }
0x3f: {  	_ =	shalt  }
0x40: {  	_ =	shalt  }
0x41: {  	_ =	shalt  }
0x42: {  	_ =	shalt  }
0x43: {  	_ =	shalt  }
0x44: {  	_ =	shalt  }
0x45: {  	_ =	shalt  }
0x46: {  	_ =	shalt  }
0x47: {  	_ =	shalt  }
0x48: {  	_ =	shalt  }
0x49: {  	_ =	shalt  }
0x4a: {  	_ =	shalt  }
0x4b: {  	_ =	shalt  }
0x4c: {  	_ =	shalt  }
0x4d: {  	_ =	shalt  }
0x4e: {  	_ =	shalt  }
0x4f: {  	_ =	shalt  }
0x50: {  	_ =	shalt  }
0x51: {  	_ =	shalt  }
0x52: {  	_ =	shalt  }
0x53: {  	_ =	shalt  }
0x54: {  	_ =	shalt  }
0x55: {  	_ =	shalt  }
0x56: {  	_ =	shalt  }
0x57: {  	_ =	shalt  }
0x58: {  	_ =	shalt  }
0x59: {  	_ =	shalt  }
0x5a: {  	_ =	shalt  }
0x5b: {  	_ =	shalt  }
0x5c: {  	_ =	shalt  }
0x5d: {  	_ =	shalt  }
0x5e: {  	_ =	shalt  }
0x5f: {  	_ =	shalt  }
0x60: {  	_ =	shalt  }
0x61: {  	_ =	shalt  }
0x62: {  	_ =	shalt  }
0x63: {  	_ =	shalt  }
0x64: {  	_ =	shalt  }
0x65: {  	_ =	shalt  }
0x66: {  	_ =	shalt  }
0x67: {  	_ =	shalt  }
0x68: {  	_ =	shalt  }
0x69: {  	_ =	shalt  }
0x6a: {  	_ =	shalt  }
0x6b: {  	_ =	shalt  }
0x6c: {  	_ =	shalt  }
0x6d: {  	_ =	shalt  }
0x6e: {  	_ =	shalt  }
0x6f: {  	_ =	shalt  }
0x70: {  	_ =	shalt  }
0x71: {  	_ =	shalt  }
0x72: {  	_ =	shalt  }
0x73: {  	_ =	shalt  }
0x74: {  	_ =	shalt  }
0x75: {  	_ =	shalt  }
0x76: {  	_ =	shalt  }
0x77: {  	_ =	shalt  }
0x78: {  	_ =	shalt  }
0x79: {  	_ =	shalt  }
0x7a: {  	_ =	shalt  }
0x7b: {  	_ =	shalt  }
0x7c: {  	_ =	shalt  }
0x7d: {  	_ =	shalt  }
0x7e: {  	_ =	shalt  }
0x7f: {  	_ =	shalt  }
0x80: {  	_ =	shalt  }
0x81: {  	_ =	shalt  }
0x82: {  	_ =	shalt  }
0x83: {  	_ =	shalt  }
0x84: {  	_ =	shalt  }
0x85: {  	_ =	shalt  }
0x86: {  	_ =	shalt  }
0x87: {  	_ =	shalt  }
.Lfunc_end0:
.L_simem_size_0:
called_computation.2_lowered:
.L_overlay_start_0:
0x88: {  	s2 =	sld [smem:$0x3FD9]  }
0x89: {  	s3 =	sld [smem:$0x3FFE];
	_ =	sdelay $0x1  }
0x8a: {  	s1 =	srdreg.scid  }
0x8b: {  	s0 =	sand.u32 $0x1, s1  }
0x8c: {  	s17 =	sshll.u32 s0, $0xA;
	s2 =	sadd.s32 s3, s2  }
0x8d: {  	s2 =	sadd.s32 s2, s17  }
0x8e: {  	[smem:$0x3FBC] =	sst s2  }
0x8f: {  	_ = 	snop  }
0x90: {  	s2 =	sld [smem:$0x3FD0];
	(tm) =	ssettm $0x1  }
0x91: {  	s18 =	sld [smem:$0x3FFB];
	_ =	sdelay $0x3  }
0x92: {  	_ =	strace s18  }
0x93: {  	s3 =	sld [smem:$0x3FFC];
	_ =	sdelay $0x3  }
0x94: {  	_ =	strace s3  }
0x95: {  	s3 =	sld [smem:$0x3FFD];
	_ =	sdelay $0x3  }
0x96: {  	_ =	strace s3  }
0x97: {  	_ =	strace $0x8FFFFFFF  }
0x98: {  	s19 =	sld [smem:$0x3FDB];
	_ =	sdelay $0x1  }
0x99: {  	s4 =	simm.s32 $_scs_section_size  }
0x9a: {  	s5 =	simm.s32 $_size__tile_overlayer_lowered;
	s6 =	simm.s32 $_tile_overlayer_lowered  }
0x9b: {  	s22 =	simm.s32 $0x1BFF;
	s21 =	sshll.u32 s6, $0x1;
	s3 =	sadd.s32 s4, s19  }
0x9c: {  	s7 =	simm.s32 $0x0;
	s20 =	sshll.u32 s5, $0x1;
	s5 =	sadd.s32 s21, s3  }
0x9d: {  	[timem:s7], [sflag:s22] =	dma.local [hbm:s5], s20  }
0x9e: {  	_ =	swait.ge [sflag:s22], s20  }
0x9f: {  	s4 =	ssub.s32 $0x0, s20;
	[sflag:s22] =	ssyncset.done $0x0  }
0xa0: {  	[sflag:s22] =	ssyncadd.s32 s4;
	_ =	sdelay $0x1  }
0xa1: {  	s23 =	simm.s32 $0x1B8B  }
0xa2: {  	_ =	swait.ge [sflag:s23], $0x1  }
0xa3: {  	[sflag:s23] =	ssyncset.done $0x0  }
0xa4: {  	s25 =	simm.s32 $0x1B8E;
	s24 =	sld [smem:$0x3FFE];
	[sflag:s23] =	ssyncadd.s32 $0xFFFFFFFF  }
0xa5: {  	s26 =	simm.s32 $execute0_lowered;
	[smem:$0x3FD2] =	sst s25  }
0xa6: {  	s5 =	sshll.u32 s26, $0x1;
	_ =	strace $0x8000004C;
	[dreg:$0x1] =	wrdreg $0xFFFFFFFF  }
0xa7: {  	s28 =	simm.s32 $_size_execute0_lowered;
	s3 =	sadd.s32 s3, s5;
	[dreg:$0x0] =	wrdreg $0x0  }
0xa8: {  	s5 =	sshll.u32 s28, $0x1;
	[dreg:$0x2] =	wrdreg s3  }
0xa9: {  	[dreg:$0x3] =	wrdreg s5  }
0xaa: {  	[dreg:$0x4] =	wrdreg $0xC0  }
0xab: {  	_ =	task [dreg:s7], $0x5FFFF  }
0xac: {  	[dreg:$0x1] =	wrdreg $0xFFFFFFFF  }
0xad: {  	[dreg:$0x0] =	wrdreg $0x60  }
0xae: {  	[dreg:$0x2] =	wrdreg s2  }
0xaf: {  	[dreg:$0x3] =	wrdreg s24  }
0xb0: {  	[dreg:$0x4] =	wrdreg $0x9  }
0xb1: {  	_ =	task.clear_ibuf [dreg:s7], $0x5FFFF;
	_ =	strace $0x9000004C  }
0xb2: {  	s29 =	simm.s32 $0x9;
	_ =	strace $0x8000004E  }
0xb3: {  	_ =	swait.ge [sflag:s29], $0x1  }
0xb4: {  	[sflag:s29] =	ssyncadd.s32 $0xFFFFFFFF  }
0xb5: {  	_ =	strace $0x9000004E  }
0xb6: {  	_ =	sfence  }
0xb7: {  	s30 =	sld [smem:$0x0];
	_ =	sdelay $0x2  }
0xb8: {  	s31 =	sshll.u32 s1, $0xD;
	s1 =	sshrl.u32 s1, $0x2  }
0xb9: {  	s3 =	sand.u32 $0x4000, s31;
	s1 =	sadd.s32 s1, s30  }
0xba: {  	s0 =	sor.u32 s3, s0;
	s1 =	sshll.u32 s1, $0x11  }
0xbb: {  	s0 =	sor.u32 s1, s0  }
0xbc: {  	s0 =	sadd.s32 $0x8F2B, s0  }
0xbd: {  	[sflag:s0] =	ssyncadd.remote.s32 $0x1  }
0xbe: {  	_ =	sfence.sel $0xFFFF  }
0xbf: {  	[dreg:$0x0] =	wrdreg $0xFFFFFFFF;
	(pc) =	sbr.abs _section_cstart, $3  }
0xc0: {  	[dreg:$0x1] =	wrdreg $0xFFFFFFFF  }
0xc1: {  	_ =	task.clear_ibuf [dreg:s7], $0x2FFFF;
	_ =	strace $0x9FFFFFFF  }
0xc2: {  	(tm) =	ssettm $0x7FFFFFFF  }
0xc3: {  	_ =	shalt  }
tec
execute0_lowered:
.L_overlay_start_1:
0x0: {  	(tag) =	ssettag $0x1  }
0x1: {  	s1 =	rddreg [dreg:$0x0]  }
0x2: {  	s6 =	rddreg [dreg:$0x1]  }
0x3: {  	s0 =	srdreg.scid;
	s2 =	rddreg [dreg:$0x2];
	s3 =	simm.s32 $0x0  }
0x4: {  	s11 =	simm.s32 $0x2780;
	s12 =	simm.s32 $0x4F00;
	s13 =	simm.s32 $0x4F80  }
0x5: {  	s14 =	simm.s32 $0x1;
	s15 =	simm.s32 $0x7880;
	s16 =	simm.s32 $0x5000  }
0x6: {  	s17 =	simm.s32 $0x0;
	s5 =	sand.u32 $0x1, s0;
	s0 =	stileid.u32  }
0x7: {  	[smem:$0x7FF] =	sst s3;
	s4 =	smul.u32 $0x28800, s5;
	s8 =	sshll.u32 s5, $0x4  }
0x8: {  	s7 =	smul.u32 $0x2880, s0;
	s5 =	ssub.s32 $0x2, s5;
	s8 =	sor.u32 s0, s8  }
0x9: {  	_ =	strace $0x8000004D;
	s30 =	sshrl.u32 s5, $0x1;
	s9 =	smul.u32 $0x2880, s8  }
0xa: {  	s7 =	sadd.s32 s7, s4;
	s4 =	sadd.s32 $0x2200, s6;
	s8 =	smul.u32 $0x500, s8  }
0xb: {  	s31 =	ssub.s32 s5, s30;
	s7 =	sshrl.u32 s7, $0x3;
	s9 =	sshrl.u32 s9, $0x3  }
0xc: {  	s10 =	sadd.s32 s7, s6;
	s7 =	smax.u32 s31, $0x1;
	s29 =	sadd.s32 s9, s6  }
0xd: {  	s6 =	sadd.s32 s8, s6;
	s8 =	sadd.s32 $0xD800, s10;
	s9 =	sadd.s32 $0x3600, s10  }
0xe: {  	v0 =	vimm.f32 $0.0e+00;
	s10 =	simm.s32 $0x2;
	s5 =	sadd.s32 $0x21A00, s29;
	s6 =	sadd.s32 $0x17A00, s6  }
.LBB2_1:
0xf: {  	[tilespmem:s3], [sflag:$0x2] =	stream.linear.gather [hbm4b:s1+s3], $0x2780, $0x38;
	[tilespmem:$0xA080] =	vst v63  }
0x10: {  	_ =	swait.ge [sflag:s10], $0x2780  }
0x11: {  	[sflag:s10] =	ssyncset.done $0x0  }
0x12: {  	[sflag:s10] =	ssyncadd.s32 $0xFFFFD880  }
0x13: {  	[tilespmem:s11], [sflag:$0x2] =	stream.linear.gather [hbm4b:s4+s3], $0x2780, $0x38;
	[tilespmem:$0xA080] =	vst v63  }
0x14: {  	_ =	swait.ge [sflag:s10], $0x2780  }
0x15: {  	[sflag:s10] =	ssyncset.done $0x0  }
0x16: {  	s18 =	simm.s32 $0x0;
	[sflag:s10] =	ssyncadd.s32 $0xFFFFD880  }
.LBB2_2:
0x17: {  	p0 =	sne.s32 s18, $0x9FC0  }
.Ltmp0:
0x18: {  	_ = 	snop;
	(pc) =	sbr.rel @p0 .LBB2_2-.Ltmp0, $3  }
0x19: {  	_ =	sdelay $0x1  }
0x1a: {  	s19 =	sshra.s32 s18, $0x2  }
0x1b: {  	s18 =	sadd.s32 $0x40, s18;
	[tilespmem:s19+$0x7880] =	vst v0  }
0x1c: {  	s18 =	simm.s32 $0x0;
	s19 =	simm.s32 $0x5040  }
.LBB2_4:
0x1d: {  	s20 =	sadd.s32 s18, s9  }
0x1e: {  	[tilespmem:s12], [sflag:$0x1] =	stream.linear.gather [hbm4b:s20+s3], $0x80, $0x38;
	[tilespmem:$0xA080] =	vst v63  }
0x1f: {  	s31 =	sadd.s32 s18, s8  }
0x20: {  	[tilespmem:s13], [sflag:$0x1] =	stream.linear.gather [hbm4b:s31+s3], $0x80, $0x38;
	[tilespmem:$0xA080] =	vst v63  }
0x21: {  	_ =	swait.ge [sflag:s14], $0x80  }
0x22: {  	[sflag:s14] =	ssyncset.done $0x0  }
0x23: {  	[sflag:s14] =	ssyncadd.s32 $0xFFFFFF80  }
0x24: {  	_ =	swait.ge [sflag:s14], $0x80  }
0x25: {  	[sflag:s14] =	ssyncset.done $0x0  }
0x26: {  	[sflag:s14] =	ssyncadd.s32 $0xFFFFFF80  }
0x27: {  	v1 =	vld [tilespmem:$0x4F00]  }
0x28: {  	v2 =	vld [tilespmem:$0x4F80];
	_ =	sdelay $0x6  }
0x29: {  	v1 =	vld.idx.msk [tilespmem:v1+s3+$0x0], $0xffff  }
0x2a: {  	v3 =	vld.idx.msk [tilespmem:v2+s11+$0x0], $0xffff;
	_ =	sdelay $0x4  }
0x2b: {  	v1 =	vadd.f32 v3, v1;
	_ =	sdelay $0x1  }
0x2c: {  	v3 =	vmul.f32 $2.000000030e-01, v1  }
0x2d: {  	vm0 =	vge.f32 v1, $0.0e+00  }
0x2e: {  	v1 =	vsel vm0, v1, v3  }
0x2f: {  	v1 =	vmul.f32 $1.442695020e+00, v1;
	_ =	sdelay $0x1  }
0x30: {  	(erf) = vpow2.f32 v1;
	_ =	sdelay $0x8  }
0x31: {  	v1 =	vpop (erf)  }
0x32: {  	[tilespmem:s19+$0xFFFFFFC0] =	vst v1  }
0x33: {  	[tilespmem:v2+s15+$0x0] =	vst.idx.add.f32.msk $0xffff, v1  }
0x34: {  	v1 =	vld [tilespmem:$0x4F10]  }
0x35: {  	v2 =	vld [tilespmem:$0x4F90];
	_ =	sdelay $0x6  }
0x36: {  	v1 =	vld.idx.msk [tilespmem:v1+s3+$0x0], $0xffff  }
0x37: {  	v3 =	vld.idx.msk [tilespmem:v2+s11+$0x0], $0xffff;
	_ =	sdelay $0x4  }
0x38: {  	v1 =	vadd.f32 v3, v1;
	_ =	sdelay $0x1  }
0x39: {  	v3 =	vmul.f32 $2.000000030e-01, v1  }
0x3a: {  	vm9 =	vge.f32 v1, $0.0e+00  }
0x3b: {  	v1 =	vsel vm9, v1, v3  }
0x3c: {  	v1 =	vmul.f32 $1.442695020e+00, v1;
	_ =	sdelay $0x1  }
0x3d: {  	(erf) = vpow2.f32 v1;
	_ =	sdelay $0x8  }
0x3e: {  	v1 =	vpop (erf)  }
0x3f: {  	[tilespmem:s19+$0xFFFFFFD0] =	vst v1  }
0x40: {  	[tilespmem:v2+s15+$0x0] =	vst.idx.add.f32.msk $0xffff, v1  }
0x41: {  	v1 =	vld [tilespmem:$0x4F20]  }
0x42: {  	v2 =	vld [tilespmem:$0x4FA0];
	_ =	sdelay $0x6  }
0x43: {  	v1 =	vld.idx.msk [tilespmem:v1+s3+$0x0], $0xffff  }
0x44: {  	v3 =	vld.idx.msk [tilespmem:v2+s11+$0x0], $0xffff;
	_ =	sdelay $0x4  }
0x45: {  	v1 =	vadd.f32 v3, v1;
	_ =	sdelay $0x1  }
0x46: {  	v3 =	vmul.f32 $2.000000030e-01, v1  }
0x47: {  	vm10 =	vge.f32 v1, $0.0e+00  }
0x48: {  	v1 =	vsel vm10, v1, v3  }
0x49: {  	v1 =	vmul.f32 $1.442695020e+00, v1;
	_ =	sdelay $0x1  }
0x4a: {  	(erf) = vpow2.f32 v1;
	_ =	sdelay $0x8  }
0x4b: {  	v1 =	vpop (erf)  }
0x4c: {  	[tilespmem:s19+$0xFFFFFFE0] =	vst v1  }
0x4d: {  	[tilespmem:v2+s15+$0x0] =	vst.idx.add.f32.msk $0xffff, v1  }
0x4e: {  	v1 =	vld [tilespmem:$0x4F30]  }
0x4f: {  	v2 =	vld [tilespmem:$0x4FB0];
	_ =	sdelay $0x6  }
0x50: {  	v1 =	vld.idx.msk [tilespmem:v1+s3+$0x0], $0xffff  }
0x51: {  	v3 =	vld.idx.msk [tilespmem:v2+s11+$0x0], $0xffff;
	_ =	sdelay $0x4  }
0x52: {  	v1 =	vadd.f32 v3, v1;
	_ =	sdelay $0x1  }
0x53: {  	v3 =	vmul.f32 $2.000000030e-01, v1  }
0x54: {  	vm11 =	vge.f32 v1, $0.0e+00  }
0x55: {  	v1 =	vsel vm11, v1, v3  }
0x56: {  	v1 =	vmul.f32 $1.442695020e+00, v1;
	_ =	sdelay $0x1  }
0x57: {  	(erf) = vpow2.f32 v1;
	_ =	sdelay $0x8  }
0x58: {  	v1 =	vpop (erf)  }
0x59: {  	[tilespmem:s19+$0xFFFFFFF0] =	vst v1  }
0x5a: {  	[tilespmem:v2+s15+$0x0] =	vst.idx.add.f32.msk $0xffff, v1  }
0x5b: {  	v1 =	vld [tilespmem:$0x4F40]  }
0x5c: {  	v2 =	vld [tilespmem:$0x4FC0];
	_ =	sdelay $0x6  }
0x5d: {  	v1 =	vld.idx.msk [tilespmem:v1+s3+$0x0], $0xffff  }
0x5e: {  	v3 =	vld.idx.msk [tilespmem:v2+s11+$0x0], $0xffff;
	_ =	sdelay $0x4  }
0x5f: {  	v1 =	vadd.f32 v3, v1;
	_ =	sdelay $0x1  }
0x60: {  	v3 =	vmul.f32 $2.000000030e-01, v1  }
0x61: {  	vm12 =	vge.f32 v1, $0.0e+00  }
0x62: {  	v1 =	vsel vm12, v1, v3  }
0x63: {  	v1 =	vmul.f32 $1.442695020e+00, v1;
	_ =	sdelay $0x1  }
0x64: {  	(erf) = vpow2.f32 v1;
	_ =	sdelay $0x8  }
0x65: {  	v1 =	vpop (erf)  }
0x66: {  	[tilespmem:s19+$0x0] =	vst v1  }
0x67: {  	[tilespmem:v2+s15+$0x0] =	vst.idx.add.f32.msk $0xffff, v1  }
0x68: {  	v1 =	vld [tilespmem:$0x4F50]  }
0x69: {  	v2 =	vld [tilespmem:$0x4FD0];
	_ =	sdelay $0x6  }
0x6a: {  	v1 =	vld.idx.msk [tilespmem:v1+s3+$0x0], $0xffff  }
0x6b: {  	v3 =	vld.idx.msk [tilespmem:v2+s11+$0x0], $0xffff;
	_ =	sdelay $0x4  }
0x6c: {  	v1 =	vadd.f32 v3, v1;
	_ =	sdelay $0x1  }
0x6d: {  	v3 =	vmul.f32 $2.000000030e-01, v1  }
0x6e: {  	vm13 =	vge.f32 v1, $0.0e+00  }
0x6f: {  	v1 =	vsel vm13, v1, v3  }
0x70: {  	v1 =	vmul.f32 $1.442695020e+00, v1;
	_ =	sdelay $0x1  }
0x71: {  	(erf) = vpow2.f32 v1;
	_ =	sdelay $0x8  }
0x72: {  	v1 =	vpop (erf)  }
0x73: {  	[tilespmem:s19+$0x10] =	vst v1  }
0x74: {  	[tilespmem:v2+s15+$0x0] =	vst.idx.add.f32.msk $0xffff, v1  }
0x75: {  	v1 =	vld [tilespmem:$0x4F60]  }
0x76: {  	v2 =	vld [tilespmem:$0x4FE0];
	_ =	sdelay $0x6  }
0x77: {  	v1 =	vld.idx.msk [tilespmem:v1+s3+$0x0], $0xffff  }
0x78: {  	v3 =	vld.idx.msk [tilespmem:v2+s11+$0x0], $0xffff;
	_ =	sdelay $0x4  }
0x79: {  	v1 =	vadd.f32 v3, v1;
	_ =	sdelay $0x1  }
0x7a: {  	v3 =	vmul.f32 $2.000000030e-01, v1  }
0x7b: {  	vm14 =	vge.f32 v1, $0.0e+00  }
0x7c: {  	v1 =	vsel vm14, v1, v3  }
0x7d: {  	v1 =	vmul.f32 $1.442695020e+00, v1;
	_ =	sdelay $0x1  }
0x7e: {  	(erf) = vpow2.f32 v1;
	_ =	sdelay $0x8  }
0x7f: {  	v1 =	vpop (erf)  }
0x80: {  	[tilespmem:s19+$0x20] =	vst v1  }
0x81: {  	[tilespmem:v2+s15+$0x0] =	vst.idx.add.f32.msk $0xffff, v1  }
0x82: {  	v1 =	vld [tilespmem:$0x4F70]  }
0x83: {  	v2 =	vld [tilespmem:$0x4FF0];
	_ =	sdelay $0x6  }
0x84: {  	v1 =	vld.idx.msk [tilespmem:v1+s3+$0x0], $0xffff  }
0x85: {  	v3 =	vld.idx.msk [tilespmem:v2+s11+$0x0], $0xffff;
	_ =	sdelay $0x4  }
0x86: {  	v1 =	vadd.f32 v3, v1;
	_ =	sdelay $0x1  }
0x87: {  	v3 =	vmul.f32 $2.000000030e-01, v1  }
0x88: {  	vm15 =	vge.f32 v1, $0.0e+00  }
0x89: {  	v1 =	vsel vm15, v1, v3  }
0x8a: {  	v1 =	vmul.f32 $1.442695020e+00, v1;
	_ =	sdelay $0x1  }
0x8b: {  	(erf) = vpow2.f32 v1;
	_ =	sdelay $0x5  }
0x8c: {  	p0 =	sne.s32 s18, $0x500  }
.Ltmp1:
0x8d: {  	_ = 	snop;
	(pc) =	sbr.rel @p0 .LBB2_4-.Ltmp1, $4  }
0x8e: {  	_ = 	snop  }
0x8f: {  	v1 =	vpop (erf)  }
0x90: {  	[tilespmem:s19+$0x30] =	vst v1  }
0x91: {  	s18 =	sadd.s32 $0x10, s18;
	s19 =	sadd.s32 $0x80, s19;
	[tilespmem:v2+s15+$0x0] =	vst.idx.add.f32.msk $0xffff, v1  }
0x92: {  	[hbm4b:s5+s3] =	stream.linear.scatter [tilespmem:s16], [sflag:$0x2], $0x2880, $0x38;
	[tilespmem:$0xA080] =	vst v63  }
0x93: {  	s17 =	sadd.s32 $0x1, s17;
	_ =	swait.ge [sflag:s10], $0x2880  }
0x94: {  	p0 =	sne.s32 s17, s7;
	[sflag:s10] =	ssyncset.done $0x0  }
.Ltmp2:
0x95: {  	[sflag:s10] =	ssyncadd.s32 $0xFFFFD780;
	(pc) =	sbr.rel @p0 .LBB2_1-.Ltmp2, $4  }
0x96: {  	[hbm4b:s6+s3] =	stream.linear.scatter [tilespmem:s15], [sflag:$0x2], $0x2800, $0x38;
	[tilespmem:$0xA080] =	vst v63  }
0x97: {  	_ =	swait.ge [sflag:s10], $0x2800  }
0x98: {  	[sflag:s10] =	ssyncset.done $0x0  }
0x99: {  	[sflag:s10] =	ssyncadd.s32 $0xFFFFD800  }
0x9a: {  	_ =	sfence.sel $0x180000  }
0x9b: {  	[bflag:$0x0] =	sbarrier.arrive $0xFFFF  }
0x9c: {  	p0 =	sne.s32 s0, $0x0;
	_ =	strace $0x9000004D  }
0x9d: {  	s0 =	sadd.s32 @!p0 $0x100000, s2;
	[bflag:$0x2] =	sbarrier.arrive $0xFFFF  }
0x9e: {  	[sflag:s0] =	ssyncadd.tile.s32 @!p0 $0x1;
	_ =	shalt  }
.Lfunc_end2:
_tile_overlayer_lowered:
.L_overlay_start_2:
0x9f: {  	(tag) =	ssettag $0x2  }
0xa0: {  	s0 =	rddreg [dreg:$0x0];
	s2 =	stileid.u32  }
0xa1: {  	s1 =	rddreg [dreg:$0x1];
	p0 =	sne.s32 s2, $0x0  }
0xa2: {  	s3 =	rddreg [dreg:$0x2];
	[bflag:$0x3] =	sbarrier.arrive $0xFFFF;
	s2 =	simm.s32 @!p0 $0x1C02  }
0xa3: {  	[timem:s3], [sflag:s2] =	dma.local @!p0 [hbm:s0], s1  }
0xa4: {  	s0 =	simm.s32 @!p0 $0x2  }
0xa5: {  	_ =	swait.ge @!p0 [sflag:s0], s1  }
0xa6: {  	s1 =	ssub.s32 @!p0 $0x0, s1;
	[sflag:s0] =	ssyncset.done @!p0 $0x0  }
0xa7: {  	[sflag:s0] =	ssyncadd.s32 @!p0 s1  }
0xa8: {  	[bflag:$0x3] =	sbarrier.arrive $0xFFFF  }
0xa9: {  	_ =	shalt  }

// kernel: kernel.18.cloned.1.call-start
scs
__scs_entry_jumppad:
0x0: {  	(pc) =	sbr.rel $0x88, $3  }
0x1: {  	(tag) =	ssettag $0x0;
	lr =	simm.s32 $0x1  }
0x2: {  	[smem:$0x3F95] =	sst lr;
	_ =	strace $0xD0000000  }
0x3: {  	_ = 	snop  }
0x4: {  	_ = 	snop  }
0x5: {  	_ = 	snop  }
0x6: {  	_ = 	snop  }
0x7: {  	_ = 	snop  }
__scs_overlays_trampoline_lowered:
0x8: {  	[smem:$0x3FA4] =	sst s0  }
0x9: {  	[smem:$0x3FA5] =	sst s1  }
0xa: {  	[smem:$0x3FA6] =	sst s2  }
0xb: {  	[smem:$0x3FA7] =	sst s3  }
0xc: {  	[smem:$0x3FA8] =	sst s4  }
0xd: {  	[smem:$0x3FA9] =	sst s5  }
0xe: {  	[smem:$0x3FAA] =	sst s6  }
0xf: {  	[smem:$0x3FAB] =	sst s7  }
0x10: {  	[smem:$0x3FAC] =	sst s8  }
0x11: {  	[smem:$0x3FAD] =	sst s9;
	s0 =	simm.s32 @!p0 $0x0  }
0x12: {  	s1 =	sld [smem:$0x3F93];
	s0 =	simm.s32 @p0 $0x1  }
0x13: {  	[smem:$0x3FAE] =	sst s0;
	s0 =	simm.s32 @!p1 $0x0  }
0x14: {  	s2 =	sld [smem:$0x3F92];
	s0 =	simm.s32 @p1 $0x1  }
0x15: {  	[smem:$0x3FAF] =	sst s0;
	s0 =	simm.s32 @!p2 $0x0  }
0x16: {  	s3 =	sld [smem:$0x3FDB];
	s0 =	simm.s32 @p2 $0x1  }
0x17: {  	s4 =	simm.s32 $0x1BF5;
	[smem:$0x3FB1] =	sst s0  }
0x18: {  	s0 =	sld [smem:$0x3F94];
	_ =	swait.ge [sflag:s4], $0x0  }
0x19: {  	s7 =	sld [smem:$0x3F95]  }
0x1a: {  	s8 =	sadd.s32 $0xFFFFE003, lr  }
0x1b: {  	s9 =	sadd.s32 $0xFFFFFEF7, lr;
	s5 =	simm.s32 $0xFFFFFFFF;
	p2 =	slt.u32 s8, $0xFFFFF086  }
0x1c: {  	p1 =	slt.u32 s9, $0xF7A;
	s5 =	simm.s32 @!p2 $0x0  }
0x1d: {  	s5 =	simm.s32 @p1 $0x1;
	p0 =	seq.s32 s7, s2  }
0x1e: {  	s7 =	smul.u32 @!p0 $0xF7A, s2;
	p2 =	seq.s32 @!p0 s5, $0x0  }
0x1f: {  	s9 =	smul.u32 $0xF7A, s1;
	s8 =	simm.s32 @!p0 $0x1BF5;
	p2 =	por !p2, p0  }
0x20: {  	[sflag:s8] =	ssyncset.s32 @!p0 $0xFFFFF086;
	s6 =	sadd.s32 @!p0 s3, s7;
	s7 =	simm.s32 @!p0 $0x108  }
0x21: {  	s3 =	sadd.s32 s3, s9;
	s6 =	sadd.s32 @!p0 $0x88, s6;
	s7 =	simm.s32 @p2 $0x1082  }
0x22: {  	[simem:s7], [sflag:s8] =	dma.local @!p0 [hbm:s6], $0xF7A  }
0x23: {  	s9 =	sor.u32 $0xD0000000, s2;
	s6 =	simm.s32 $0x108;
	_ =	swait.ge @!p0 [sflag:s8], $0x0  }
0x24: {  	s3 =	sadd.s32 $0x88, s3;
	s6 =	simm.s32 @!p1 $0x1082;
	[sflag:s4] =	ssyncset.s32 $0xFFFFF086  }
0x25: {  	[simem:s6], [sflag:s4] =	dma.local [hbm:s3], $0xF7A  }
0x26: {  	[smem:$0x3F95] =	sst s1;
	(tag) =	ssettag s2;
	_ =	strace s9  }
0x27: {  	s1 =	sld [smem:$0x3FA5]  }
0x28: {  	s2 =	sld [smem:$0x3FA6]  }
0x29: {  	s4 =	sld [smem:$0x3FA8]  }
0x2a: {  	p0 =	seq.s32 s5, $0x0;
	s5 =	sld [smem:$0x3FA9]  }
0x2b: {  	s6 =	sld [smem:$0x3FAA]  }
0x2c: {  	s7 =	sld [smem:$0x3FAB]  }
0x2d: {  	s3 =	simm.s32 $0x108;
	s8 =	sld [smem:$0x3FAC]  }
0x2e: {  	s3 =	simm.s32 @!p0 $0x1082;
	s9 =	sld [smem:$0x3FAD]  }
0x2f: {  	lr =	sadd.s32 s0, s3;
	s0 =	sld [smem:$0x3FA4]  }
0x30: {  	s3 =	sld [smem:$0x3FA7]  }
0x31: {  	[smem:$0x3FB0] =	sst s10  }
0x32: {  	s10 =	sld [smem:$0x3FAE];
	_ =	sdelay $0x3  }
0x33: {  	p0 =	seq.s32 s10, $0x1;
	s10 =	sld [smem:$0x3FB0];
	_ =	sdelay $0x3  }
0x34: {  	[smem:$0x3FB0] =	sst s10  }
0x35: {  	s10 =	sld [smem:$0x3FAF];
	_ =	sdelay $0x3  }
0x36: {  	p1 =	seq.s32 s10, $0x1;
	s10 =	sld [smem:$0x3FB0];
	_ =	sdelay $0x3  }
0x37: {  	[smem:$0x3FB0] =	sst s10  }
0x38: {  	s10 =	sld [smem:$0x3FB1]  }
0x39: {  	_ = 	snop;
	(pc) =	sbr.ind lr, $3  }
0x3a: {  	_ = 	snop  }
0x3b: {  	_ = 	snop  }
0x3c: {  	p2 =	seq.s32 s10, $0x1;
	s10 =	sld [smem:$0x3FB0]  }
0x3d: {  	_ =	shalt  }
0x3e: {  	_ =	shalt  }
0x3f: {  	_ =	shalt  }
0x40: {  	_ =	shalt  }
0x41: {  	_ =	shalt  }
0x42: {  	_ =	shalt  }
0x43: {  	_ =	shalt  }
0x44: {  	_ =	shalt  }
0x45: {  	_ =	shalt  }
0x46: {  	_ =	shalt  }
0x47: {  	_ =	shalt  }
0x48: {  	_ =	shalt  }
0x49: {  	_ =	shalt  }
0x4a: {  	_ =	shalt  }
0x4b: {  	_ =	shalt  }
0x4c: {  	_ =	shalt  }
0x4d: {  	_ =	shalt  }
0x4e: {  	_ =	shalt  }
0x4f: {  	_ =	shalt  }
0x50: {  	_ =	shalt  }
0x51: {  	_ =	shalt  }
0x52: {  	_ =	shalt  }
0x53: {  	_ =	shalt  }
0x54: {  	_ =	shalt  }
0x55: {  	_ =	shalt  }
0x56: {  	_ =	shalt  }
0x57: {  	_ =	shalt  }
0x58: {  	_ =	shalt  }
0x59: {  	_ =	shalt  }
0x5a: {  	_ =	shalt  }
0x5b: {  	_ =	shalt  }
0x5c: {  	_ =	shalt  }
0x5d: {  	_ =	shalt  }
0x5e: {  	_ =	shalt  }
0x5f: {  	_ =	shalt  }
0x60: {  	_ =	shalt  }
0x61: {  	_ =	shalt  }
0x62: {  	_ =	shalt  }
0x63: {  	_ =	shalt  }
0x64: {  	_ =	shalt  }
0x65: {  	_ =	shalt  }
0x66: {  	_ =	shalt  }
0x67: {  	_ =	shalt  }
0x68: {  	_ =	shalt  }
0x69: {  	_ =	shalt  }
0x6a: {  	_ =	shalt  }
0x6b: {  	_ =	shalt  }
0x6c: {  	_ =	shalt  }
0x6d: {  	_ =	shalt  }
0x6e: {  	_ =	shalt  }
0x6f: {  	_ =	shalt  }
0x70: {  	_ =	shalt  }
0x71: {  	_ =	shalt  }
0x72: {  	_ =	shalt  }
0x73: {  	_ =	shalt  }
0x74: {  	_ =	shalt  }
0x75: {  	_ =	shalt  }
0x76: {  	_ =	shalt  }
0x77: {  	_ =	shalt  }
0x78: {  	_ =	shalt  }
0x79: {  	_ =	shalt  }
0x7a: {  	_ =	shalt  }
0x7b: {  	_ =	shalt  }
0x7c: {  	_ =	shalt  }
0x7d: {  	_ =	shalt  }
0x7e: {  	_ =	shalt  }
0x7f: {  	_ =	shalt  }
0x80: {  	_ =	shalt  }
0x81: {  	_ =	shalt  }
0x82: {  	_ =	shalt  }
0x83: {  	_ =	shalt  }
0x84: {  	_ =	shalt  }
0x85: {  	_ =	shalt  }
0x86: {  	_ =	shalt  }
0x87: {  	_ =	shalt  }
.Lfunc_end0:
.L_simem_size_0:
called_computation.3_lowered:
.L_overlay_start_0:
0x88: {  	s2 =	sld [smem:$0x3FD9]  }
0x89: {  	s3 =	sld [smem:$0x3FFE];
	_ =	sdelay $0x1  }
0x8a: {  	s1 =	srdreg.scid  }
0x8b: {  	s0 =	sand.u32 $0x1, s1  }
0x8c: {  	s16 =	sshll.u32 s0, $0xA;
	s2 =	sadd.s32 s3, s2  }
0x8d: {  	s2 =	sadd.s32 s2, s16  }
0x8e: {  	[smem:$0x3FBC] =	sst s2  }
0x8f: {  	_ = 	snop  }
0x90: {  	(tm) =	ssettm $0x1  }
0x91: {  	s17 =	sld [smem:$0x3FFB];
	_ =	sdelay $0x3  }
0x92: {  	_ =	strace s17  }
0x93: {  	s2 =	sld [smem:$0x3FFC];
	_ =	sdelay $0x3  }
0x94: {  	_ =	strace s2  }
0x95: {  	s2 =	sld [smem:$0x3FFD];
	_ =	sdelay $0x3  }
0x96: {  	_ =	strace s2  }
0x97: {  	_ =	strace $0x8FFFFFFF  }
0x98: {  	s18 =	sld [smem:$0x3FDB];
	_ =	sdelay $0x1  }
0x99: {  	s19 =	simm.s32 $_scs_section_size  }
0x9a: {  	s4 =	simm.s32 $_size__tile_overlayer_lowered;
	s5 =	simm.s32 $_tile_overlayer_lowered  }
0x9b: {  	s22 =	simm.s32 $0x1BFF;
	s21 =	sshll.u32 s5, $0x1;
	s2 =	sadd.s32 s19, s18  }
0x9c: {  	s6 =	simm.s32 $0x0;
	s20 =	sshll.u32 s4, $0x1;
	s4 =	sadd.s32 s21, s2  }
0x9d: {  	[timem:s6], [sflag:s22] =	dma.local [hbm:s4], s20  }
0x9e: {  	_ =	swait.ge [sflag:s22], s20  }
0x9f: {  	s3 =	ssub.s32 $0x0, s20;
	[sflag:s22] =	ssyncset.done $0x0  }
0xa0: {  	[sflag:s22] =	ssyncadd.s32 s3;
	_ =	sdelay $0x1  }
0xa1: {  	s23 =	simm.s32 $0x1B8B  }
0xa2: {  	_ =	swait.ge [sflag:s23], $0x1  }
0xa3: {  	[sflag:s23] =	ssyncset.done $0x0  }
0xa4: {  	s25 =	simm.s32 $0x1B8E;
	s24 =	sld [smem:$0x3FFE];
	[sflag:s23] =	ssyncadd.s32 $0xFFFFFFFF  }
0xa5: {  	s26 =	simm.s32 $execute0_lowered;
	[smem:$0x3FD2] =	sst s25  }
0xa6: {  	s4 =	sshll.u32 s26, $0x1;
	_ =	strace $0x8000004F;
	[dreg:$0x1] =	wrdreg $0xFFFFFFFF  }
0xa7: {  	s28 =	simm.s32 $_size_execute0_lowered;
	s2 =	sadd.s32 s2, s4;
	[dreg:$0x0] =	wrdreg $0x0  }
0xa8: {  	s4 =	sshll.u32 s28, $0x1;
	[dreg:$0x2] =	wrdreg s2  }
0xa9: {  	[dreg:$0x3] =	wrdreg s4  }
0xaa: {  	[dreg:$0x4] =	wrdreg $0xC0  }
0xab: {  	_ =	task [dreg:s6], $0x5FFFF  }
0xac: {  	[dreg:$0x1] =	wrdreg $0xFFFFFFFF  }
0xad: {  	[dreg:$0x0] =	wrdreg $0x60  }
0xae: {  	[dreg:$0x2] =	wrdreg s24  }
0xaf: {  	[dreg:$0x3] =	wrdreg $0x41800  }
0xb0: {  	[dreg:$0x4] =	wrdreg $0x9  }
0xb1: {  	_ =	task.clear_ibuf [dreg:s6], $0x5FFFF;
	_ =	strace $0x9000004F  }
0xb2: {  	s29 =	simm.s32 $0x9;
	_ =	strace $0x80000051  }
0xb3: {  	_ =	swait.ge [sflag:s29], $0x1  }
0xb4: {  	[sflag:s29] =	ssyncadd.s32 $0xFFFFFFFF  }
0xb5: {  	_ =	strace $0x90000051  }
0xb6: {  	_ =	sfence  }
0xb7: {  	s30 =	sld [smem:$0x0];
	_ =	sdelay $0x2  }
0xb8: {  	s31 =	sshll.u32 s1, $0xD;
	s1 =	sshrl.u32 s1, $0x2  }
0xb9: {  	s3 =	sand.u32 $0x4000, s31;
	s1 =	sadd.s32 s1, s30  }
0xba: {  	s0 =	sor.u32 s3, s0;
	s1 =	sshll.u32 s1, $0x11  }
0xbb: {  	s0 =	sor.u32 s1, s0  }
0xbc: {  	s0 =	sadd.s32 $0x8F2B, s0  }
0xbd: {  	[sflag:s0] =	ssyncadd.remote.s32 $0x1  }
0xbe: {  	_ =	sfence.sel $0xFFFF  }
0xbf: {  	[dreg:$0x0] =	wrdreg $0xFFFFFFFF;
	(pc) =	sbr.abs _section_cstart, $3  }
0xc0: {  	[dreg:$0x1] =	wrdreg $0xFFFFFFFF  }
0xc1: {  	_ =	task.clear_ibuf [dreg:s6], $0x2FFFF;
	_ =	strace $0x9FFFFFFF  }
0xc2: {  	(tm) =	ssettm $0x7FFFFFFF  }
0xc3: {  	_ =	shalt  }
tec
execute0_lowered:
.L_overlay_start_1:
0x0: {  	(tag) =	ssettag $0x1  }
0x1: {  	s8 =	rddreg [dreg:$0x0]  }
0x2: {  	s2 =	rddreg [dreg:$0x1]  }
0x3: {  	s0 =	rddreg [dreg:$0x2];
	s3 =	simm.s32 $0x0;
	s1 =	stileid.u32  }
0x4: {  	s4 =	srdreg.scid;
	s16 =	simm.s32 $0x4100;
	s17 =	simm.s32 $0x2  }
0x5: {  	s18 =	simm.s32 $0x100;
	s19 =	simm.s32 $0x1;
	[smem:$0x7FF] =	sst s3  }
0x6: {  	s9 =	smul.u32 $0x14000, s1;
	s10 =	sand.u32 $0x1, s4;
	s4 =	sadd.s32 $0x2BC00, s8  }
0x7: {  	s5 =	sadd.s32 $0x21A00, s8;
	s6 =	sadd.s32 $0x3600, s8;
	s7 =	sadd.s32 $0xD800, s8  }
0x8: {  	s13 =	smul.u32 $0x50000, s1;
	s31 =	sshll.u32 s1, $0x6;
	_ =	strace $0x80000050  }
0x9: {  	s11 =	smul.u32 $0x140000, s10;
	s26 =	ssub.s32 $0x2, s10;
	s29 =	sshll.u32 s10, $0x4  }
0xa: {  	s12 =	sshrl.u32 s9, $0x3;
	s28 =	sshrl.u32 s26, $0x1;
	s30 =	sshrl.u32 s13, $0x2  }
0xb: {  	s10 =	sor.u32 s1, s29;
	s9 =	sadd.s32 s9, s11;
	s12 =	sadd.s32 s12, s8  }
0xc: {  	s15 =	ssub.s32 s26, s28;
	s13 =	sadd.s32 s30, s2;
	s9 =	sshrl.u32 s9, $0x3  }
0xd: {  	s10 =	smul.u32 $0x51, s10;
	s13 =	sshrl.u32 s13, $0x3;
	s14 =	sadd.s32 s9, s8  }
0xe: {  	s8 =	sadd.s32 $0x67000, s12;
	s9 =	sor.u32 $0x1C03, s31;
	s12 =	smax.u32 s15, $0x1  }
0xf: {  	s15 =	simm.s32 $0x80;
	s11 =	sadd.s32 $0x8F000, s14;
	s14 =	simm.s32 $0x3  }
.LBB2_1:
0x10: {  	[spmem:s13], [sflag:s9] =	dma.local [hbm:s8], $0x2800  }
0x11: {  	_ =	swait.ge [sflag:s14], $0x2800  }
0x12: {  	[sflag:s14] =	ssyncset.done $0x0  }
0x13: {  	[sflag:s14] =	ssyncadd.s32 $0xFFFFD800  }
0x14: {  	s20 =	simm.s32 $0x0;
	[bflag:$0x0] =	sbarrier.arrive $0xFFFF  }
.LBB2_2:
0x15: {  	s21 =	sadd.s32 s10, s20  }
0x16: {  	s22 =	sshll.u32 s21, $0x4  }
0x17: {  	s21 =	simm.s32 $0x0;
	s23 =	sadd.s32 s6, s22  }
0x18: {  	[tilespmem:s21], [sflag:$0x2] =	stream.linear.gather [hbm4b:s23+s21], $0x80, $0x38;
	[tilespmem:$0x18180] =	vst v63  }
0x19: {  	s31 =	sadd.s32 s7, s22  }
0x1a: {  	[tilespmem:s15], [sflag:$0x2] =	stream.linear.gather [hbm4b:s31+s21], $0x80, $0x38;
	[tilespmem:$0x18180] =	vst v63  }
0x1b: {  	s22 =	sadd.s32 s5, s22  }
0x1c: {  	[tilespmem:s16], [sflag:$0x2] =	stream.linear.gather [hbm4b:s22+s21], $0x80, $0x38;
	[tilespmem:$0x18180] =	vst v63  }
0x1d: {  	_ =	swait.ge [sflag:s17], $0x80  }
0x1e: {  	[sflag:s17] =	ssyncset.done $0x0  }
0x1f: {  	[sflag:s17] =	ssyncadd.s32 $0xFFFFFF80  }
0x20: {  	[tilespmem:s18], [sflag:$0x1] =	stream.indirect.gather [hbm4b:s4+s15], $0x80, s21, s15, $0xb8;
	[tilespmem:$0x18180] =	vst v63  }
0x21: {  	_ =	swait.ge [sflag:s17], $0x80  }
0x22: {  	[sflag:s17] =	ssyncset.done $0x0  }
0x23: {  	[sflag:s17] =	ssyncadd.s32 $0xFFFFFF80  }
0x24: {  	_ =	swait.ge [sflag:s17], $0x80  }
0x25: {  	[sflag:s17] =	ssyncset.done $0x0  }
0x26: {  	[sflag:s17] =	ssyncadd.s32 $0xFFFFFF80  }
0x27: {  	_ =	swait.ge [sflag:s19], $0x4000  }
0x28: {  	[sflag:s19] =	ssyncset.done $0x0  }
0x29: {  	[sflag:s19] =	ssyncadd.s32 $0xFFFFC000  }
.LBB2_3:
0x2a: {  	s22 =	sshll.u32 s21, $0x4  }
0x2b: {  	v0 =	vmov s22  }
0x2c: {  	v0 =	vbroadcast v0, $0x0;
	_ =	sdelay $0x2  }
0x2d: {  	s23 =	sshll.u32 s21, $0xB  }
0x2e: {  	s23 =	sand.u32 $0x3FFFF800, s23  }
0x2f: {  	v1 =	vld [tilespmem:s23+$0x100]  }
0x30: {  	v0 =	vld.idx.msk [tilespmem:v0+s16+$0x0], $0xffff  }
0x31: {  	v2 =	vld [tilespmem:s23+$0x110]  }
0x32: {  	v3 =	vld [tilespmem:s23+$0x120]  }
0x33: {  	v4 =	vld [tilespmem:s23+$0x130]  }
0x34: {  	v5 =	vld [tilespmem:s23+$0x140]  }
0x35: {  	v6 =	vld [tilespmem:s23+$0x150];
	v1 =	vmul.f32 v1, v0  }
0x36: {  	v7 =	vld [tilespmem:s23+$0x160];
	v2 =	vmul.f32 v2, v0  }
0x37: {  	v45 =	vld [tilespmem:s23+$0x170];
	v44 =	vmul.f32 v3, v0;
	[tilespmem:s23+$0x100] =	vst v1  }
0x38: {  	s24 =	sor.u32 $0x1, s22;
	v46 =	vmul.f32 v4, v0;
	[tilespmem:s23+$0x110] =	vst v2  }
0x39: {  	v47 =	vmov s24;
	v48 =	vmul.f32 v5, v0;
	[tilespmem:s23+$0x120] =	vst v44  }
0x3a: {  	v4 =	vbroadcast v47, $0x0;
	v49 =	vmul.f32 v6, v0;
	[tilespmem:s23+$0x130] =	vst v46  }
0x3b: {  	v50 =	vmul.f32 v7, v0;
	[tilespmem:s23+$0x140] =	vst v48  }
0x3c: {  	v0 =	vmul.f32 v45, v0;
	[tilespmem:s23+$0x150] =	vst v49  }
0x3d: {  	s30 =	sshll.u32 s24, $0x7;
	[tilespmem:s23+$0x160] =	vst v50  }
0x3e: {  	[tilespmem:s23+$0x170] =	vst v0;
	s23 =	sand.u32 $0x3FFFF880, s30  }
0x3f: {  	v1 =	vld [tilespmem:s23+$0x100]  }
0x40: {  	v0 =	vld.idx.msk [tilespmem:v4+s16+$0x0], $0xffff  }
0x41: {  	v2 =	vld [tilespmem:s23+$0x110]  }
0x42: {  	v51 =	vld [tilespmem:s23+$0x120]  }
0x43: {  	v52 =	vld [tilespmem:s23+$0x130]  }
0x44: {  	v53 =	vld [tilespmem:s23+$0x140]  }
0x45: {  	v54 =	vld [tilespmem:s23+$0x150];
	v1 =	vmul.f32 v1, v0  }
0x46: {  	v55 =	vld [tilespmem:s23+$0x160];
	v2 =	vmul.f32 v2, v0  }
0x47: {  	s31 =	sor.u32 $0x2, s22;
	v57 =	vld [tilespmem:s23+$0x170];
	v56 =	vmul.f32 v51, v0;
	[tilespmem:s23+$0x100] =	vst v1  }
0x48: {  	v59 =	vmov s31;
	v58 =	vmul.f32 v52, v0;
	[tilespmem:s23+$0x110] =	vst v2  }
0x49: {  	v4 =	vbroadcast v59, $0x0;
	v60 =	vmul.f32 v53, v0;
	[tilespmem:s23+$0x120] =	vst v56  }
0x4a: {  	v61 =	vmul.f32 v54, v0;
	[tilespmem:s23+$0x130] =	vst v58  }
0x4b: {  	v62 =	vmul.f32 v55, v0;
	[tilespmem:s23+$0x140] =	vst v60  }
0x4c: {  	v0 =	vmul.f32 v57, v0;
	[tilespmem:s23+$0x150] =	vst v61  }
0x4d: {  	[tilespmem:s23+$0x160] =	vst v62  }
0x4e: {  	s25 =	sshll.u32 s31, $0x7;
	[tilespmem:s23+$0x170] =	vst v0  }
0x4f: {  	s23 =	sand.u32 $0x3FFFF900, s25;
	v0 =	vld.idx.msk [tilespmem:v4+s16+$0x0], $0xffff  }
0x50: {  	v1 =	vld [tilespmem:s23+$0x100]  }
0x51: {  	v2 =	vld [tilespmem:s23+$0x110]  }
0x52: {  	v63 =	vld [tilespmem:s23+$0x120]  }
0x53: {  	v9 =	vld [tilespmem:s23+$0x130]  }
0x54: {  	v10 =	vld [tilespmem:s23+$0x140]  }
0x55: {  	v11 =	vld [tilespmem:s23+$0x150];
	v1 =	vmul.f32 v1, v0  }
0x56: {  	v12 =	vld [tilespmem:s23+$0x160];
	v2 =	vmul.f32 v2, v0  }
0x57: {  	s26 =	sor.u32 $0x3, s22;
	v14 =	vld [tilespmem:s23+$0x170];
	v13 =	vmul.f32 v63, v0;
	[tilespmem:s23+$0x100] =	vst v1  }
0x58: {  	v16 =	vmov s26;
	v15 =	vmul.f32 v9, v0;
	[tilespmem:s23+$0x110] =	vst v2  }
0x59: {  	v4 =	vbroadcast v16, $0x0;
	v17 =	vmul.f32 v10, v0;
	[tilespmem:s23+$0x120] =	vst v13  }
0x5a: {  	v18 =	vmul.f32 v11, v0;
	[tilespmem:s23+$0x130] =	vst v15  }
0x5b: {  	v19 =	vmul.f32 v12, v0;
	[tilespmem:s23+$0x140] =	vst v17  }
0x5c: {  	v0 =	vmul.f32 v14, v0;
	[tilespmem:s23+$0x150] =	vst v18  }
0x5d: {  	[tilespmem:s23+$0x160] =	vst v19  }
0x5e: {  	s28 =	sshll.u32 s26, $0x7;
	[tilespmem:s23+$0x170] =	vst v0  }
0x5f: {  	s23 =	sand.u32 $0x3FFFF980, s28;
	v0 =	vld.idx.msk [tilespmem:v4+s16+$0x0], $0xffff  }
0x60: {  	v1 =	vld [tilespmem:s23+$0x100]  }
0x61: {  	v2 =	vld [tilespmem:s23+$0x110]  }
0x62: {  	v20 =	vld [tilespmem:s23+$0x120]  }
0x63: {  	v21 =	vld [tilespmem:s23+$0x130]  }
0x64: {  	v22 =	vld [tilespmem:s23+$0x140]  }
0x65: {  	v23 =	vld [tilespmem:s23+$0x150];
	v1 =	vmul.f32 v1, v0  }
0x66: {  	v24 =	vld [tilespmem:s23+$0x160];
	v2 =	vmul.f32 v2, v0  }
0x67: {  	s29 =	sor.u32 $0x4, s22;
	v26 =	vld [tilespmem:s23+$0x170];
	v25 =	vmul.f32 v20, v0;
	[tilespmem:s23+$0x100] =	vst v1  }
0x68: {  	v28 =	vmov s29;
	v27 =	vmul.f32 v21, v0;
	[tilespmem:s23+$0x110] =	vst v2  }
0x69: {  	v4 =	vbroadcast v28, $0x0;
	v29 =	vmul.f32 v22, v0;
	[tilespmem:s23+$0x120] =	vst v25  }
0x6a: {  	v30 =	vmul.f32 v23, v0;
	[tilespmem:s23+$0x130] =	vst v27  }
0x6b: {  	v31 =	vmul.f32 v24, v0;
	[tilespmem:s23+$0x140] =	vst v29  }
0x6c: {  	v0 =	vmul.f32 v26, v0;
	[tilespmem:s23+$0x150] =	vst v30  }
0x6d: {  	[tilespmem:s23+$0x160] =	vst v31  }
0x6e: {  	s30 =	sshll.u32 s29, $0x7;
	[tilespmem:s23+$0x170] =	vst v0  }
0x6f: {  	s23 =	sand.u32 $0x3FFFFA00, s30;
	v0 =	vld.idx.msk [tilespmem:v4+s16+$0x0], $0xffff  }
0x70: {  	v1 =	vld [tilespmem:s23+$0x100]  }
0x71: {  	v2 =	vld [tilespmem:s23+$0x110]  }
0x72: {  	v32 =	vld [tilespmem:s23+$0x120]  }
0x73: {  	v33 =	vld [tilespmem:s23+$0x130]  }
0x74: {  	v34 =	vld [tilespmem:s23+$0x140]  }
0x75: {  	v35 =	vld [tilespmem:s23+$0x150];
	v1 =	vmul.f32 v1, v0  }
0x76: {  	v36 =	vld [tilespmem:s23+$0x160];
	v2 =	vmul.f32 v2, v0  }
0x77: {  	s31 =	sor.u32 $0x5, s22;
	v38 =	vld [tilespmem:s23+$0x170];
	v37 =	vmul.f32 v32, v0;
	[tilespmem:s23+$0x100] =	vst v1  }
0x78: {  	v40 =	vmov s31;
	v39 =	vmul.f32 v33, v0;
	[tilespmem:s23+$0x110] =	vst v2  }
0x79: {  	v4 =	vbroadcast v40, $0x0;
	v41 =	vmul.f32 v34, v0;
	[tilespmem:s23+$0x120] =	vst v37  }
0x7a: {  	v42 =	vmul.f32 v35, v0;
	[tilespmem:s23+$0x130] =	vst v39  }
0x7b: {  	v43 =	vmul.f32 v36, v0;
	[tilespmem:s23+$0x140] =	vst v41  }
0x7c: {  	v0 =	vmul.f32 v38, v0;
	[tilespmem:s23+$0x150] =	vst v42  }
0x7d: {  	[tilespmem:s23+$0x160] =	vst v43  }
0x7e: {  	s25 =	sshll.u32 s31, $0x7;
	[tilespmem:s23+$0x170] =	vst v0  }
0x7f: {  	s23 =	sand.u32 $0x3FFFFA80, s25;
	v0 =	vld.idx.msk [tilespmem:v4+s16+$0x0], $0xffff  }
0x80: {  	v1 =	vld [tilespmem:s23+$0x100]  }
0x81: {  	v2 =	vld [tilespmem:s23+$0x110]  }
0x82: {  	v44 =	vld [tilespmem:s23+$0x120]  }
0x83: {  	v45 =	vld [tilespmem:s23+$0x130]  }
0x84: {  	v46 =	vld [tilespmem:s23+$0x140]  }
0x85: {  	v47 =	vld [tilespmem:s23+$0x150];
	v1 =	vmul.f32 v1, v0  }
0x86: {  	v48 =	vld [tilespmem:s23+$0x160];
	v2 =	vmul.f32 v2, v0  }
0x87: {  	s26 =	sor.u32 $0x6, s22;
	v50 =	vld [tilespmem:s23+$0x170];
	v49 =	vmul.f32 v44, v0;
	[tilespmem:s23+$0x100] =	vst v1  }
0x88: {  	v52 =	vmov s26;
	v51 =	vmul.f32 v45, v0;
	[tilespmem:s23+$0x110] =	vst v2  }
0x89: {  	v4 =	vbroadcast v52, $0x0;
	v53 =	vmul.f32 v46, v0;
	[tilespmem:s23+$0x120] =	vst v49  }
0x8a: {  	v54 =	vmul.f32 v47, v0;
	[tilespmem:s23+$0x130] =	vst v51  }
0x8b: {  	v55 =	vmul.f32 v48, v0;
	[tilespmem:s23+$0x140] =	vst v53  }
0x8c: {  	v0 =	vmul.f32 v50, v0;
	[tilespmem:s23+$0x150] =	vst v54  }
0x8d: {  	[tilespmem:s23+$0x160] =	vst v55  }
0x8e: {  	s28 =	sshll.u32 s26, $0x7;
	[tilespmem:s23+$0x170] =	vst v0  }
0x8f: {  	s23 =	sand.u32 $0x3FFFFB00, s28;
	v0 =	vld.idx.msk [tilespmem:v4+s16+$0x0], $0xffff  }
0x90: {  	v1 =	vld [tilespmem:s23+$0x100]  }
0x91: {  	v2 =	vld [tilespmem:s23+$0x110]  }
0x92: {  	v56 =	vld [tilespmem:s23+$0x120]  }
0x93: {  	v57 =	vld [tilespmem:s23+$0x130]  }
0x94: {  	v58 =	vld [tilespmem:s23+$0x140]  }
0x95: {  	v59 =	vld [tilespmem:s23+$0x150];
	v1 =	vmul.f32 v1, v0  }
0x96: {  	v60 =	vld [tilespmem:s23+$0x160];
	v2 =	vmul.f32 v2, v0  }
0x97: {  	s29 =	sor.u32 $0x7, s22;
	v62 =	vld [tilespmem:s23+$0x170];
	v61 =	vmul.f32 v56, v0;
	[tilespmem:s23+$0x100] =	vst v1  }
0x98: {  	v8 =	vmov s29;
	v63 =	vmul.f32 v57, v0;
	[tilespmem:s23+$0x110] =	vst v2  }
0x99: {  	v4 =	vbroadcast v8, $0x0;
	v9 =	vmul.f32 v58, v0;
	[tilespmem:s23+$0x120] =	vst v61  }
0x9a: {  	v10 =	vmul.f32 v59, v0;
	[tilespmem:s23+$0x130] =	vst v63  }
0x9b: {  	v11 =	vmul.f32 v60, v0;
	[tilespmem:s23+$0x140] =	vst v9  }
0x9c: {  	v0 =	vmul.f32 v62, v0;
	[tilespmem:s23+$0x150] =	vst v10  }
0x9d: {  	[tilespmem:s23+$0x160] =	vst v11  }
0x9e: {  	s30 =	sshll.u32 s29, $0x7;
	[tilespmem:s23+$0x170] =	vst v0  }
0x9f: {  	s23 =	sand.u32 $0x3FFFFB80, s30;
	v0 =	vld.idx.msk [tilespmem:v4+s16+$0x0], $0xffff  }
0xa0: {  	v1 =	vld [tilespmem:s23+$0x100]  }
0xa1: {  	v2 =	vld [tilespmem:s23+$0x110]  }
0xa2: {  	v12 =	vld [tilespmem:s23+$0x120]  }
0xa3: {  	v13 =	vld [tilespmem:s23+$0x130]  }
0xa4: {  	v14 =	vld [tilespmem:s23+$0x140]  }
0xa5: {  	v15 =	vld [tilespmem:s23+$0x150];
	v1 =	vmul.f32 v1, v0  }
0xa6: {  	v16 =	vld [tilespmem:s23+$0x160];
	v2 =	vmul.f32 v2, v0  }
0xa7: {  	s31 =	sor.u32 $0x8, s22;
	v18 =	vld [tilespmem:s23+$0x170];
	v17 =	vmul.f32 v12, v0;
	[tilespmem:s23+$0x100] =	vst v1  }
0xa8: {  	v20 =	vmov s31;
	v19 =	vmul.f32 v13, v0;
	[tilespmem:s23+$0x110] =	vst v2  }
0xa9: {  	v4 =	vbroadcast v20, $0x0;
	v21 =	vmul.f32 v14, v0;
	[tilespmem:s23+$0x120] =	vst v17  }
0xaa: {  	v22 =	vmul.f32 v15, v0;
	[tilespmem:s23+$0x130] =	vst v19  }
0xab: {  	v23 =	vmul.f32 v16, v0;
	[tilespmem:s23+$0x140] =	vst v21  }
0xac: {  	v0 =	vmul.f32 v18, v0;
	[tilespmem:s23+$0x150] =	vst v22  }
0xad: {  	[tilespmem:s23+$0x160] =	vst v23  }
0xae: {  	s25 =	sshll.u32 s31, $0x7;
	[tilespmem:s23+$0x170] =	vst v0  }
0xaf: {  	s23 =	sand.u32 $0x3FFFFC00, s25;
	v0 =	vld.idx.msk [tilespmem:v4+s16+$0x0], $0xffff  }
0xb0: {  	v1 =	vld [tilespmem:s23+$0x100]  }
0xb1: {  	v2 =	vld [tilespmem:s23+$0x110]  }
0xb2: {  	v24 =	vld [tilespmem:s23+$0x120]  }
0xb3: {  	v25 =	vld [tilespmem:s23+$0x130]  }
0xb4: {  	v26 =	vld [tilespmem:s23+$0x140]  }
0xb5: {  	v27 =	vld [tilespmem:s23+$0x150];
	v1 =	vmul.f32 v1, v0  }
0xb6: {  	v28 =	vld [tilespmem:s23+$0x160];
	v2 =	vmul.f32 v2, v0  }
0xb7: {  	s26 =	sor.u32 $0x9, s22;
	v30 =	vld [tilespmem:s23+$0x170];
	v29 =	vmul.f32 v24, v0;
	[tilespmem:s23+$0x100] =	vst v1  }
0xb8: {  	v32 =	vmov s26;
	v31 =	vmul.f32 v25, v0;
	[tilespmem:s23+$0x110] =	vst v2  }
0xb9: {  	v4 =	vbroadcast v32, $0x0;
	v33 =	vmul.f32 v26, v0;
	[tilespmem:s23+$0x120] =	vst v29  }
0xba: {  	v34 =	vmul.f32 v27, v0;
	[tilespmem:s23+$0x130] =	vst v31  }
0xbb: {  	v35 =	vmul.f32 v28, v0;
	[tilespmem:s23+$0x140] =	vst v33  }
0xbc: {  	v0 =	vmul.f32 v30, v0;
	[tilespmem:s23+$0x150] =	vst v34  }
0xbd: {  	[tilespmem:s23+$0x160] =	vst v35  }
0xbe: {  	s28 =	sshll.u32 s26, $0x7;
	[tilespmem:s23+$0x170] =	vst v0  }
0xbf: {  	s23 =	sand.u32 $0x3FFFFC80, s28;
	v0 =	vld.idx.msk [tilespmem:v4+s16+$0x0], $0xffff  }
0xc0: {  	v1 =	vld [tilespmem:s23+$0x100]  }
0xc1: {  	v2 =	vld [tilespmem:s23+$0x110]  }
0xc2: {  	v36 =	vld [tilespmem:s23+$0x120]  }
0xc3: {  	v37 =	vld [tilespmem:s23+$0x130]  }
0xc4: {  	v38 =	vld [tilespmem:s23+$0x140]  }
0xc5: {  	v39 =	vld [tilespmem:s23+$0x150];
	v1 =	vmul.f32 v1, v0  }
0xc6: {  	v40 =	vld [tilespmem:s23+$0x160];
	v2 =	vmul.f32 v2, v0  }
0xc7: {  	s29 =	sor.u32 $0xA, s22;
	v42 =	vld [tilespmem:s23+$0x170];
	v41 =	vmul.f32 v36, v0;
	[tilespmem:s23+$0x100] =	vst v1  }
0xc8: {  	v44 =	vmov s29;
	v43 =	vmul.f32 v37, v0;
	[tilespmem:s23+$0x110] =	vst v2  }
0xc9: {  	v4 =	vbroadcast v44, $0x0;
	v45 =	vmul.f32 v38, v0;
	[tilespmem:s23+$0x120] =	vst v41  }
0xca: {  	v46 =	vmul.f32 v39, v0;
	[tilespmem:s23+$0x130] =	vst v43  }
0xcb: {  	v47 =	vmul.f32 v40, v0;
	[tilespmem:s23+$0x140] =	vst v45  }
0xcc: {  	v0 =	vmul.f32 v42, v0;
	[tilespmem:s23+$0x150] =	vst v46  }
0xcd: {  	[tilespmem:s23+$0x160] =	vst v47  }
0xce: {  	s30 =	sshll.u32 s29, $0x7;
	[tilespmem:s23+$0x170] =	vst v0  }
0xcf: {  	s23 =	sand.u32 $0x3FFFFD00, s30;
	v0 =	vld.idx.msk [tilespmem:v4+s16+$0x0], $0xffff  }
0xd0: {  	v1 =	vld [tilespmem:s23+$0x100]  }
0xd1: {  	v2 =	vld [tilespmem:s23+$0x110]  }
0xd2: {  	v48 =	vld [tilespmem:s23+$0x120]  }
0xd3: {  	v49 =	vld [tilespmem:s23+$0x130]  }
0xd4: {  	v50 =	vld [tilespmem:s23+$0x140]  }
0xd5: {  	v51 =	vld [tilespmem:s23+$0x150];
	v1 =	vmul.f32 v1, v0  }
0xd6: {  	v52 =	vld [tilespmem:s23+$0x160];
	v2 =	vmul.f32 v2, v0  }
0xd7: {  	s31 =	sor.u32 $0xB, s22;
	v54 =	vld [tilespmem:s23+$0x170];
	v53 =	vmul.f32 v48, v0;
	[tilespmem:s23+$0x100] =	vst v1  }
0xd8: {  	v56 =	vmov s31;
	v55 =	vmul.f32 v49, v0;
	[tilespmem:s23+$0x110] =	vst v2  }
0xd9: {  	v4 =	vbroadcast v56, $0x0;
	v57 =	vmul.f32 v50, v0;
	[tilespmem:s23+$0x120] =	vst v53  }
0xda: {  	v58 =	vmul.f32 v51, v0;
	[tilespmem:s23+$0x130] =	vst v55  }
0xdb: {  	v59 =	vmul.f32 v52, v0;
	[tilespmem:s23+$0x140] =	vst v57  }
0xdc: {  	v0 =	vmul.f32 v54, v0;
	[tilespmem:s23+$0x150] =	vst v58  }
0xdd: {  	[tilespmem:s23+$0x160] =	vst v59  }
0xde: {  	s24 =	sshll.u32 s31, $0x7;
	[tilespmem:s23+$0x170] =	vst v0  }
0xdf: {  	s23 =	sand.u32 $0x3FFFFD80, s24;
	v0 =	vld.idx.msk [tilespmem:v4+s16+$0x0], $0xffff  }
0xe0: {  	v1 =	vld [tilespmem:s23+$0x100]  }
0xe1: {  	v2 =	vld [tilespmem:s23+$0x110]  }
0xe2: {  	v60 =	vld [tilespmem:s23+$0x120]  }
0xe3: {  	v61 =	vld [tilespmem:s23+$0x130]  }
0xe4: {  	v62 =	vld [tilespmem:s23+$0x140]  }
0xe5: {  	v63 =	vld [tilespmem:s23+$0x150];
	v1 =	vmul.f32 v1, v0  }
0xe6: {  	v9 =	vld [tilespmem:s23+$0x160];
	v2 =	vmul.f32 v2, v0  }
0xe7: {  	s25 =	sor.u32 $0xC, s22;
	v11 =	vld [tilespmem:s23+$0x170];
	v10 =	vmul.f32 v60, v0;
	[tilespmem:s23+$0x100] =	vst v1  }
0xe8: {  	v13 =	vmov s25;
	v12 =	vmul.f32 v61, v0;
	[tilespmem:s23+$0x110] =	vst v2  }
0xe9: {  	v4 =	vbroadcast v13, $0x0;
	v14 =	vmul.f32 v62, v0;
	[tilespmem:s23+$0x120] =	vst v10  }
0xea: {  	v15 =	vmul.f32 v63, v0;
	[tilespmem:s23+$0x130] =	vst v12  }
0xeb: {  	v16 =	vmul.f32 v9, v0;
	[tilespmem:s23+$0x140] =	vst v14  }
0xec: {  	v0 =	vmul.f32 v11, v0;
	[tilespmem:s23+$0x150] =	vst v15  }
0xed: {  	[tilespmem:s23+$0x160] =	vst v16  }
0xee: {  	s26 =	sshll.u32 s25, $0x7;
	[tilespmem:s23+$0x170] =	vst v0  }
0xef: {  	s23 =	sand.u32 $0x3FFFFE00, s26;
	v0 =	vld.idx.msk [tilespmem:v4+s16+$0x0], $0xffff  }
0xf0: {  	v1 =	vld [tilespmem:s23+$0x100]  }
0xf1: {  	v2 =	vld [tilespmem:s23+$0x110]  }
0xf2: {  	v17 =	vld [tilespmem:s23+$0x120]  }
0xf3: {  	v18 =	vld [tilespmem:s23+$0x130]  }
0xf4: {  	v19 =	vld [tilespmem:s23+$0x140]  }
0xf5: {  	v20 =	vld [tilespmem:s23+$0x150];
	v1 =	vmul.f32 v1, v0  }
0xf6: {  	v21 =	vld [tilespmem:s23+$0x160];
	v2 =	vmul.f32 v2, v0  }
0xf7: {  	s28 =	sor.u32 $0xD, s22;
	v23 =	vld [tilespmem:s23+$0x170];
	v22 =	vmul.f32 v17, v0;
	[tilespmem:s23+$0x100] =	vst v1  }
0xf8: {  	v25 =	vmov s28;
	v24 =	vmul.f32 v18, v0;
	[tilespmem:s23+$0x110] =	vst v2  }
0xf9: {  	v4 =	vbroadcast v25, $0x0;
	v26 =	vmul.f32 v19, v0;
	[tilespmem:s23+$0x120] =	vst v22  }
0xfa: {  	v27 =	vmul.f32 v20, v0;
	[tilespmem:s23+$0x130] =	vst v24  }
0xfb: {  	v28 =	vmul.f32 v21, v0;
	[tilespmem:s23+$0x140] =	vst v26  }
0xfc: {  	v0 =	vmul.f32 v23, v0;
	[tilespmem:s23+$0x150] =	vst v27  }
0xfd: {  	[tilespmem:s23+$0x160] =	vst v28  }
0xfe: {  	s29 =	sshll.u32 s28, $0x7;
	[tilespmem:s23+$0x170] =	vst v0  }
0xff: {  	s23 =	sand.u32 $0x3FFFFE80, s29;
	v0 =	vld.idx.msk [tilespmem:v4+s16+$0x0], $0xffff  }
0x100: {  	v1 =	vld [tilespmem:s23+$0x100]  }
0x101: {  	v2 =	vld [tilespmem:s23+$0x110]  }
0x102: {  	v29 =	vld [tilespmem:s23+$0x120]  }
0x103: {  	v30 =	vld [tilespmem:s23+$0x130]  }
0x104: {  	v31 =	vld [tilespmem:s23+$0x140]  }
0x105: {  	v32 =	vld [tilespmem:s23+$0x150];
	v1 =	vmul.f32 v1, v0  }
0x106: {  	v33 =	vld [tilespmem:s23+$0x160];
	v2 =	vmul.f32 v2, v0  }
0x107: {  	s22 =	sor.u32 $0xE, s22;
	v35 =	vld [tilespmem:s23+$0x170];
	v34 =	vmul.f32 v29, v0;
	[tilespmem:s23+$0x100] =	vst v1  }
0x108: {  	v37 =	vmov s22;
	v36 =	vmul.f32 v30, v0;
	[tilespmem:s23+$0x110] =	vst v2  }
0x109: {  	v4 =	vbroadcast v37, $0x0;
	v38 =	vmul.f32 v31, v0;
	[tilespmem:s23+$0x120] =	vst v34  }
0x10a: {  	v39 =	vmul.f32 v32, v0;
	[tilespmem:s23+$0x130] =	vst v36  }
0x10b: {  	v40 =	vmul.f32 v33, v0;
	[tilespmem:s23+$0x140] =	vst v38  }
0x10c: {  	v0 =	vmul.f32 v35, v0;
	[tilespmem:s23+$0x150] =	vst v39  }
0x10d: {  	[tilespmem:s23+$0x160] =	vst v40  }
0x10e: {  	s22 =	sshll.u32 s22, $0x7;
	[tilespmem:s23+$0x170] =	vst v0  }
0x10f: {  	s22 =	sand.u32 $0x3FFFFF00, s22;
	v0 =	vld.idx.msk [tilespmem:v4+s16+$0x0], $0xffff  }
0x110: {  	v1 =	vld [tilespmem:s22+$0x100]  }
0x111: {  	v2 =	vld [tilespmem:s22+$0x110]  }
0x112: {  	v41 =	vld [tilespmem:s22+$0x120]  }
0x113: {  	v42 =	vld [tilespmem:s22+$0x130]  }
0x114: {  	v43 =	vld [tilespmem:s22+$0x140]  }
0x115: {  	v44 =	vld [tilespmem:s22+$0x150];
	v1 =	vmul.f32 v1, v0  }
0x116: {  	v45 =	vld [tilespmem:s22+$0x160];
	v2 =	vmul.f32 v2, v0  }
0x117: {  	v47 =	vld [tilespmem:s22+$0x170];
	v46 =	vmul.f32 v41, v0;
	[tilespmem:s22+$0x100] =	vst v1  }
0x118: {  	v48 =	vmul.f32 v42, v0;
	[tilespmem:s22+$0x110] =	vst v2  }
0x119: {  	s30 =	sshllo.u32 s21, $0x4;
	v49 =	vmul.f32 v43, v0;
	[tilespmem:s22+$0x120] =	vst v46  }
0x11a: {  	v51 =	vmov s30;
	v50 =	vmul.f32 v44, v0;
	[tilespmem:s22+$0x130] =	vst v48  }
0x11b: {  	v52 =	vmul.f32 v45, v0;
	[tilespmem:s22+$0x140] =	vst v49  }
0x11c: {  	v0 =	vmul.f32 v47, v0;
	[tilespmem:s22+$0x150] =	vst v50  }
0x11d: {  	[tilespmem:s22+$0x160] =	vst v52  }
0x11e: {  	s31 =	sshll.u32 s30, $0x7;
	[tilespmem:s22+$0x170] =	vst v0  }
0x11f: {  	s22 =	sand.u32 $0x3FFFFF80, s31;
	v0 =	vld.idx.msk [tilespmem:v51+s16+$0x0], $0xffff  }
0x120: {  	v1 =	vld [tilespmem:s22+$0x100]  }
0x121: {  	v2 =	vld [tilespmem:s22+$0x110]  }
0x122: {  	v53 =	vld [tilespmem:s22+$0x120]  }
0x123: {  	v54 =	vld [tilespmem:s22+$0x130]  }
0x124: {  	v55 =	vld [tilespmem:s22+$0x140]  }
0x125: {  	v56 =	vld [tilespmem:s22+$0x150];
	v1 =	vmul.f32 v1, v0  }
0x126: {  	v57 =	vld [tilespmem:s22+$0x160];
	v2 =	vmul.f32 v2, v0  }
0x127: {  	v59 =	vld [tilespmem:s22+$0x170];
	v58 =	vmul.f32 v53, v0;
	[tilespmem:s22+$0x100] =	vst v1  }
0x128: {  	v60 =	vmul.f32 v54, v0;
	[tilespmem:s22+$0x110] =	vst v2  }
0x129: {  	p0 =	sne.s32 s21, $0x7;
	v61 =	vmul.f32 v55, v0;
	[tilespmem:s22+$0x120] =	vst v58  }
.Ltmp0:
0x12a: {  	v62 =	vmul.f32 v56, v0;
	[tilespmem:s22+$0x130] =	vst v60;
	(pc) =	sbr.rel @p0 .LBB2_3-.Ltmp0, $4  }
0x12b: {  	v63 =	vmul.f32 v57, v0;
	[tilespmem:s22+$0x140] =	vst v61  }
0x12c: {  	v0 =	vmul.f32 v59, v0;
	[tilespmem:s22+$0x150] =	vst v62  }
0x12d: {  	[tilespmem:s22+$0x160] =	vst v63  }
0x12e: {  	s21 =	sadd.s32 $0x1, s21;
	[tilespmem:s22+$0x170] =	vst v0  }
0x12f: {  	s20 =	sadd.s32 $0x1, s20  }
0x130: {  	p0 =	sne.s32 s20, $0x51  }
.Ltmp1:
0x131: {  	_ = 	snop;
	(pc) =	sbr.rel @p0 .LBB2_2-.Ltmp1, $4  }
0x132: {  	[spmem:s2] =	stream.indirect.scatter.add.f32 [tilespmem:s18], [sflag:$0x3], $0x80, s15, s15, $0xb8;
	[tilespmem:$0x18180] =	vst v63  }
0x133: {  	_ =	swait.ge [sflag:s14], $0x4000  }
0x134: {  	[sflag:s14] =	ssyncset.done $0x0  }
0x135: {  	[sflag:s14] =	ssyncadd.s32 $0xFFFFC000  }
0x136: {  	s3 =	sadd.s32 $0x1, s3  }
0x137: {  	p0 =	sne.s32 s3, s12  }
.Ltmp2:
0x138: {  	[bflag:$0x0] =	sbarrier.arrive $0xFFFF;
	(pc) =	sbr.rel @p0 .LBB2_1-.Ltmp2, $4  }
0x139: {  	[hbm:s11], [sflag:s9] =	dma.local [spmem:s13], $0x2800  }
0x13a: {  	_ =	swait.ge [sflag:s14], $0x2800  }
0x13b: {  	[sflag:s14] =	ssyncset.done $0x0  }
0x13c: {  	[sflag:s14] =	ssyncadd.s32 $0xFFFFD800  }
0x13d: {  	_ =	sfence.sel $0x180000  }
0x13e: {  	[bflag:$0x0] =	sbarrier.arrive $0xFFFF  }
0x13f: {  	p0 =	sne.s32 s1, $0x0;
	_ =	strace $0x90000050  }
0x140: {  	s0 =	sadd.s32 @!p0 $0x100000, s0;
	[bflag:$0x2] =	sbarrier.arrive $0xFFFF  }
0x141: {  	[sflag:s0] =	ssyncadd.tile.s32 @!p0 $0x1;
	_ =	shalt  }
.Lfunc_end2:
_tile_overlayer_lowered:
.L_overlay_start_2:
0x142: {  	(tag) =	ssettag $0x2  }
0x143: {  	s0 =	rddreg [dreg:$0x0];
	s2 =	stileid.u32  }
0x144: {  	s1 =	rddreg [dreg:$0x1];
	p0 =	sne.s32 s2, $0x0  }
0x145: {  	s3 =	rddreg [dreg:$0x2];
	[bflag:$0x3] =	sbarrier.arrive $0xFFFF;
	s2 =	simm.s32 @!p0 $0x1C03  }
0x146: {  	[timem:s3], [sflag:s2] =	dma.local @!p0 [hbm:s0], s1  }
0x147: {  	s0 =	simm.s32 @!p0 $0x3  }
0x148: {  	_ =	swait.ge @!p0 [sflag:s0], s1  }
0x149: {  	s1 =	ssub.s32 @!p0 $0x0, s1;
	[sflag:s0] =	ssyncset.done @!p0 $0x0  }
0x14a: {  	[sflag:s0] =	ssyncadd.s32 @!p0 s1  }
0x14b: {  	[bflag:$0x3] =	sbarrier.arrive $0xFFFF  }
0x14c: {  	_ =	shalt  }

// kernel: kernel.9.cloned.1.call-start
scs
__scs_entry_jumppad:
0x0: {  	(pc) =	sbr.rel $0x88, $3  }
0x1: {  	(tag) =	ssettag $0x0;
	lr =	simm.s32 $0x1  }
0x2: {  	[smem:$0x3F95] =	sst lr;
	_ =	strace $0xD0000000  }
0x3: {  	_ = 	snop  }
0x4: {  	_ = 	snop  }
0x5: {  	_ = 	snop  }
0x6: {  	_ = 	snop  }
0x7: {  	_ = 	snop  }
__scs_overlays_trampoline_lowered:
0x8: {  	[smem:$0x3FA4] =	sst s0  }
0x9: {  	[smem:$0x3FA5] =	sst s1  }
0xa: {  	[smem:$0x3FA6] =	sst s2  }
0xb: {  	[smem:$0x3FA7] =	sst s3  }
0xc: {  	[smem:$0x3FA8] =	sst s4  }
0xd: {  	[smem:$0x3FA9] =	sst s5  }
0xe: {  	[smem:$0x3FAA] =	sst s6  }
0xf: {  	[smem:$0x3FAB] =	sst s7  }
0x10: {  	[smem:$0x3FAC] =	sst s8  }
0x11: {  	[smem:$0x3FAD] =	sst s9;
	s0 =	simm.s32 @!p0 $0x0  }
0x12: {  	s1 =	sld [smem:$0x3F93];
	s0 =	simm.s32 @p0 $0x1  }
0x13: {  	[smem:$0x3FAE] =	sst s0;
	s0 =	simm.s32 @!p1 $0x0  }
0x14: {  	s2 =	sld [smem:$0x3F92];
	s0 =	simm.s32 @p1 $0x1  }
0x15: {  	[smem:$0x3FAF] =	sst s0;
	s0 =	simm.s32 @!p2 $0x0  }
0x16: {  	s3 =	sld [smem:$0x3FDB];
	s0 =	simm.s32 @p2 $0x1  }
0x17: {  	s4 =	simm.s32 $0x1BF5;
	[smem:$0x3FB1] =	sst s0  }
0x18: {  	s0 =	sld [smem:$0x3F94];
	_ =	swait.ge [sflag:s4], $0x0  }
0x19: {  	s7 =	sld [smem:$0x3F95]  }
0x1a: {  	s8 =	sadd.s32 $0xFFFFE003, lr  }
0x1b: {  	s9 =	sadd.s32 $0xFFFFFEF7, lr;
	s5 =	simm.s32 $0xFFFFFFFF;
	p2 =	slt.u32 s8, $0xFFFFF086  }
0x1c: {  	p1 =	slt.u32 s9, $0xF7A;
	s5 =	simm.s32 @!p2 $0x0  }
0x1d: {  	s5 =	simm.s32 @p1 $0x1;
	p0 =	seq.s32 s7, s2  }
0x1e: {  	s7 =	smul.u32 @!p0 $0xF7A, s2;
	p2 =	seq.s32 @!p0 s5, $0x0  }
0x1f: {  	s9 =	smul.u32 $0xF7A, s1;
	s8 =	simm.s32 @!p0 $0x1BF5;
	p2 =	por !p2, p0  }
0x20: {  	[sflag:s8] =	ssyncset.s32 @!p0 $0xFFFFF086;
	s6 =	sadd.s32 @!p0 s3, s7;
	s7 =	simm.s32 @!p0 $0x108  }
0x21: {  	s3 =	sadd.s32 s3, s9;
	s6 =	sadd.s32 @!p0 $0x88, s6;
	s7 =	simm.s32 @p2 $0x1082  }
0x22: {  	[simem:s7], [sflag:s8] =	dma.local @!p0 [hbm:s6], $0xF7A  }
0x23: {  	s9 =	sor.u32 $0xD0000000, s2;
	s6 =	simm.s32 $0x108;
	_ =	swait.ge @!p0 [sflag:s8], $0x0  }
0x24: {  	s3 =	sadd.s32 $0x88, s3;
	s6 =	simm.s32 @!p1 $0x1082;
	[sflag:s4] =	ssyncset.s32 $0xFFFFF086  }
0x25: {  	[simem:s6], [sflag:s4] =	dma.local [hbm:s3], $0xF7A  }
0x26: {  	[smem:$0x3F95] =	sst s1;
	(tag) =	ssettag s2;
	_ =	strace s9  }
0x27: {  	s1 =	sld [smem:$0x3FA5]  }
0x28: {  	s2 =	sld [smem:$0x3FA6]  }
0x29: {  	s4 =	sld [smem:$0x3FA8]  }
0x2a: {  	p0 =	seq.s32 s5, $0x0;
	s5 =	sld [smem:$0x3FA9]  }
0x2b: {  	s6 =	sld [smem:$0x3FAA]  }
0x2c: {  	s7 =	sld [smem:$0x3FAB]  }
0x2d: {  	s3 =	simm.s32 $0x108;
	s8 =	sld [smem:$0x3FAC]  }
0x2e: {  	s3 =	simm.s32 @!p0 $0x1082;
	s9 =	sld [smem:$0x3FAD]  }
0x2f: {  	lr =	sadd.s32 s0, s3;
	s0 =	sld [smem:$0x3FA4]  }
0x30: {  	s3 =	sld [smem:$0x3FA7]  }
0x31: {  	[smem:$0x3FB0] =	sst s10  }
0x32: {  	s10 =	sld [smem:$0x3FAE];
	_ =	sdelay $0x3  }
0x33: {  	p0 =	seq.s32 s10, $0x1;
	s10 =	sld [smem:$0x3FB0];
	_ =	sdelay $0x3  }
0x34: {  	[smem:$0x3FB0] =	sst s10  }
0x35: {  	s10 =	sld [smem:$0x3FAF];
	_ =	sdelay $0x3  }
0x36: {  	p1 =	seq.s32 s10, $0x1;
	s10 =	sld [smem:$0x3FB0];
	_ =	sdelay $0x3  }
0x37: {  	[smem:$0x3FB0] =	sst s10  }
0x38: {  	s10 =	sld [smem:$0x3FB1]  }
0x39: {  	_ = 	snop;
	(pc) =	sbr.ind lr, $3  }
0x3a: {  	_ = 	snop  }
0x3b: {  	_ = 	snop  }
0x3c: {  	p2 =	seq.s32 s10, $0x1;
	s10 =	sld [smem:$0x3FB0]  }
0x3d: {  	_ =	shalt  }
0x3e: {  	_ =	shalt  }
0x3f: {  	_ =	shalt  }
0x40: {  	_ =	shalt  }
0x41: {  	_ =	shalt  }
0x42: {  	_ =	shalt  }
0x43: {  	_ =	shalt  }
0x44: {  	_ =	shalt  }
0x45: {  	_ =	shalt  }
0x46: {  	_ =	shalt  }
0x47: {  	_ =	shalt  }
0x48: {  	_ =	shalt  }
0x49: {  	_ =	shalt  }
0x4a: {  	_ =	shalt  }
0x4b: {  	_ =	shalt  }
0x4c: {  	_ =	shalt  }
0x4d: {  	_ =	shalt  }
0x4e: {  	_ =	shalt  }
0x4f: {  	_ =	shalt  }
0x50: {  	_ =	shalt  }
0x51: {  	_ =	shalt  }
0x52: {  	_ =	shalt  }
0x53: {  	_ =	shalt  }
0x54: {  	_ =	shalt  }
0x55: {  	_ =	shalt  }
0x56: {  	_ =	shalt  }
0x57: {  	_ =	shalt  }
0x58: {  	_ =	shalt  }
0x59: {  	_ =	shalt  }
0x5a: {  	_ =	shalt  }
0x5b: {  	_ =	shalt  }
0x5c: {  	_ =	shalt  }
0x5d: {  	_ =	shalt  }
0x5e: {  	_ =	shalt  }
0x5f: {  	_ =	shalt  }
0x60: {  	_ =	shalt  }
0x61: {  	_ =	shalt  }
0x62: {  	_ =	shalt  }
0x63: {  	_ =	shalt  }
0x64: {  	_ =	shalt  }
0x65: {  	_ =	shalt  }
0x66: {  	_ =	shalt  }
0x67: {  	_ =	shalt  }
0x68: {  	_ =	shalt  }
0x69: {  	_ =	shalt  }
0x6a: {  	_ =	shalt  }
0x6b: {  	_ =	shalt  }
0x6c: {  	_ =	shalt  }
0x6d: {  	_ =	shalt  }
0x6e: {  	_ =	shalt  }
0x6f: {  	_ =	shalt  }
0x70: {  	_ =	shalt  }
0x71: {  	_ =	shalt  }
0x72: {  	_ =	shalt  }
0x73: {  	_ =	shalt  }
0x74: {  	_ =	shalt  }
0x75: {  	_ =	shalt  }
0x76: {  	_ =	shalt  }
0x77: {  	_ =	shalt  }
0x78: {  	_ =	shalt  }
0x79: {  	_ =	shalt  }
0x7a: {  	_ =	shalt  }
0x7b: {  	_ =	shalt  }
0x7c: {  	_ =	shalt  }
0x7d: {  	_ =	shalt  }
0x7e: {  	_ =	shalt  }
0x7f: {  	_ =	shalt  }
0x80: {  	_ =	shalt  }
0x81: {  	_ =	shalt  }
0x82: {  	_ =	shalt  }
0x83: {  	_ =	shalt  }
0x84: {  	_ =	shalt  }
0x85: {  	_ =	shalt  }
0x86: {  	_ =	shalt  }
0x87: {  	_ =	shalt  }
.Lfunc_end0:
.L_simem_size_0:
called_computation_lowered:
.L_overlay_start_0:
0x88: {  	s2 =	sld [smem:$0x3FD9]  }
0x89: {  	s3 =	sld [smem:$0x3FFE];
	_ =	sdelay $0x1  }
0x8a: {  	s1 =	srdreg.scid  }
0x8b: {  	s0 =	sand.u32 $0x1, s1  }
0x8c: {  	s16 =	sshll.u32 s0, $0xA;
	s2 =	sadd.s32 s3, s2  }
0x8d: {  	s2 =	sadd.s32 s2, s16  }
0x8e: {  	[smem:$0x3FBC] =	sst s2  }
0x8f: {  	_ = 	snop  }
0x90: {  	(tm) =	ssettm $0x1  }
0x91: {  	s17 =	sld [smem:$0x3FFB];
	_ =	sdelay $0x3  }
0x92: {  	_ =	strace s17  }
0x93: {  	s2 =	sld [smem:$0x3FFC];
	_ =	sdelay $0x3  }
0x94: {  	_ =	strace s2  }
0x95: {  	s2 =	sld [smem:$0x3FFD];
	_ =	sdelay $0x3  }
0x96: {  	_ =	strace s2  }
0x97: {  	_ =	strace $0x8FFFFFFF  }
0x98: {  	s18 =	sld [smem:$0x3FDB];
	_ =	sdelay $0x1  }
0x99: {  	s19 =	simm.s32 $_scs_section_size  }
0x9a: {  	s4 =	simm.s32 $_size__tile_overlayer_lowered;
	s5 =	simm.s32 $_tile_overlayer_lowered  }
0x9b: {  	s22 =	simm.s32 $0x1BFF;
	s21 =	sshll.u32 s5, $0x1;
	s2 =	sadd.s32 s19, s18  }
0x9c: {  	s6 =	simm.s32 $0x0;
	s20 =	sshll.u32 s4, $0x1;
	s4 =	sadd.s32 s21, s2  }
0x9d: {  	[timem:s6], [sflag:s22] =	dma.local [hbm:s4], s20  }
0x9e: {  	_ =	swait.ge [sflag:s22], s20  }
0x9f: {  	s3 =	ssub.s32 $0x0, s20;
	[sflag:s22] =	ssyncset.done $0x0  }
0xa0: {  	[sflag:s22] =	ssyncadd.s32 s3;
	_ =	sdelay $0x1  }
0xa1: {  	s23 =	simm.s32 $0x1B8B  }
0xa2: {  	_ =	swait.ge [sflag:s23], $0x1  }
0xa3: {  	[sflag:s23] =	ssyncset.done $0x0  }
0xa4: {  	s25 =	simm.s32 $0x1B8E;
	s24 =	sld [smem:$0x3FFE];
	[sflag:s23] =	ssyncadd.s32 $0xFFFFFFFF  }
0xa5: {  	s26 =	simm.s32 $execute0_lowered;
	[smem:$0x3FD2] =	sst s25  }
0xa6: {  	s4 =	sshll.u32 s26, $0x1;
	_ =	strace $0x80000046;
	[dreg:$0x1] =	wrdreg $0xFFFFFFFF  }
0xa7: {  	s28 =	simm.s32 $_size_execute0_lowered;
	s2 =	sadd.s32 s2, s4;
	[dreg:$0x0] =	wrdreg $0x0  }
0xa8: {  	s4 =	sshll.u32 s28, $0x1;
	[dreg:$0x2] =	wrdreg s2  }
0xa9: {  	[dreg:$0x3] =	wrdreg s4  }
0xaa: {  	[dreg:$0x4] =	wrdreg $0xC0  }
0xab: {  	_ =	task [dreg:s6], $0x5FFFF  }
0xac: {  	[dreg:$0x1] =	wrdreg $0xFFFFFFFF  }
0xad: {  	[dreg:$0x0] =	wrdreg $0x60  }
0xae: {  	[dreg:$0x2] =	wrdreg s24  }
0xaf: {  	[dreg:$0x3] =	wrdreg $0x9  }
0xb0: {  	_ =	task.clear_ibuf [dreg:s6], $0x4FFFF;
	_ =	strace $0x90000046  }
0xb1: {  	s29 =	simm.s32 $0x9;
	_ =	strace $0x80000048  }
0xb2: {  	_ =	swait.ge [sflag:s29], $0x1  }
0xb3: {  	[sflag:s29] =	ssyncadd.s32 $0xFFFFFFFF  }
0xb4: {  	_ =	strace $0x90000048  }
0xb5: {  	_ =	sfence  }
0xb6: {  	s30 =	sld [smem:$0x0];
	_ =	sdelay $0x2  }
0xb7: {  	s31 =	sshll.u32 s1, $0xD;
	s1 =	sshrl.u32 s1, $0x2  }
0xb8: {  	s3 =	sand.u32 $0x4000, s31;
	s1 =	sadd.s32 s1, s30  }
0xb9: {  	s0 =	sor.u32 s3, s0;
	s1 =	sshll.u32 s1, $0x11  }
0xba: {  	s0 =	sor.u32 s1, s0  }
0xbb: {  	s0 =	sadd.s32 $0x8F2B, s0  }
0xbc: {  	[sflag:s0] =	ssyncadd.remote.s32 $0x1  }
0xbd: {  	_ =	sfence.sel $0xFFFF  }
0xbe: {  	[dreg:$0x0] =	wrdreg $0xFFFFFFFF;
	(pc) =	sbr.abs _section_cstart, $3  }
0xbf: {  	[dreg:$0x1] =	wrdreg $0xFFFFFFFF  }
0xc0: {  	_ =	task.clear_ibuf [dreg:s6], $0x2FFFF;
	_ =	strace $0x9FFFFFFF  }
0xc1: {  	(tm) =	ssettm $0x7FFFFFFF  }
tec
execute0_lowered:
.L_overlay_start_1:
0x0: {  	(tag) =	ssettag $0x1  }
0x1: {  	s5 =	rddreg [dreg:$0x0]  }
0x2: {  	s1 =	srdreg.scid;
	s0 =	rddreg [dreg:$0x1];
	s2 =	simm.s32 $0x0  }
0x3: {  	s11 =	simm.s32 $0x4E80;
	s12 =	simm.s32 $0x9D00;
	s13 =	simm.s32 $0x9D80  }
0x4: {  	s14 =	simm.s32 $0x1;
	s15 =	simm.s32 $0xEF00;
	s16 =	simm.s32 $0x9E00  }
0x5: {  	s17 =	simm.s32 $0x0;
	s6 =	sand.u32 $0x1, s1;
	s1 =	stileid.u32  }
0x6: {  	[smem:$0x7FF] =	sst s2;
	s7 =	smul.u32 $0x28800, s6;
	s4 =	sshll.u32 s6, $0x4  }
0x7: {  	s3 =	sadd.s32 $0x2200, s5;
	s8 =	smul.u32 $0x2880, s1;
	s9 =	sor.u32 s1, s4  }
0x8: {  	_ =	strace $0x80000047;
	s6 =	ssub.s32 $0x2, s6;
	s29 =	smul.u32 $0xA20, s9  }
0x9: {  	s31 =	sshrl.u32 s6, $0x1;
	s7 =	sadd.s32 s8, s7;
	s9 =	smul.u32 $0xA00, s9  }
0xa: {  	s4 =	sadd.s32 $0x2C00, s5;
	s8 =	ssub.s32 s6, s31;
	s7 =	sshrl.u32 s7, $0x3  }
0xb: {  	s10 =	sadd.s32 s7, s5;
	s30 =	sadd.s32 s29, s5;
	s9 =	sadd.s32 s9, s5  }
0xc: {  	s7 =	smax.u32 s8, $0x1;
	s5 =	sadd.s32 $0x2BA00, s30;
	s6 =	sadd.s32 $0x17A00, s9  }
0xd: {  	v0 =	vimm.f32 $0.0e+00;
	s8 =	sadd.s32 $0x3600, s10;
	s9 =	sadd.s32 $0xD800, s10;
	s10 =	simm.s32 $0x2  }
.LBB2_1:
0xe: {  	[tilespmem:s2], [sflag:$0x2] =	stream.linear.gather [hbm4b:s3+s2], $0x4E80, $0x38;
	[tilespmem:$0x13F00] =	vst v63  }
0xf: {  	_ =	swait.ge [sflag:s10], $0x4E80  }
0x10: {  	[sflag:s10] =	ssyncset.done $0x0  }
0x11: {  	[sflag:s10] =	ssyncadd.s32 $0xFFFFB180  }
0x12: {  	[tilespmem:s11], [sflag:$0x2] =	stream.linear.gather [hbm4b:s4+s2], $0x4E80, $0x38;
	[tilespmem:$0x13F00] =	vst v63  }
0x13: {  	_ =	swait.ge [sflag:s10], $0x4E80  }
0x14: {  	[sflag:s10] =	ssyncset.done $0x0  }
0x15: {  	s18 =	simm.s32 $0x0;
	[sflag:s10] =	ssyncadd.s32 $0xFFFFB180  }
.LBB2_2:
0x16: {  	p0 =	sne.s32 s18, $0x13FC0  }
.Ltmp0:
0x17: {  	_ = 	snop;
	(pc) =	sbr.rel @p0 .LBB2_2-.Ltmp0, $3  }
0x18: {  	_ =	sdelay $0x1  }
0x19: {  	s19 =	sshra.s32 s18, $0x2  }
0x1a: {  	s18 =	sadd.s32 $0x40, s18;
	[tilespmem:s19+$0xEF00] =	vst v0  }
0x1b: {  	s18 =	simm.s32 $0x0;
	s19 =	smov.u32 s9;
	s20 =	smov.u32 s8  }
.LBB2_4:
0x1c: {  	[tilespmem:s12], [sflag:$0x1] =	stream.linear.gather [hbm4b:s20+s2], $0x80, $0x38;
	[tilespmem:$0x13F00] =	vst v63  }
0x1d: {  	_ = 	snop  }
0x1e: {  	[tilespmem:s13], [sflag:$0x1] =	stream.linear.gather [hbm4b:s19+s2], $0x80, $0x38;
	[tilespmem:$0x13F00] =	vst v63  }
0x1f: {  	_ =	swait.ge [sflag:s14], $0x80  }
0x20: {  	[sflag:s14] =	ssyncset.done $0x0  }
0x21: {  	[sflag:s14] =	ssyncadd.s32 $0xFFFFFF80  }
0x22: {  	_ =	swait.ge [sflag:s14], $0x80  }
0x23: {  	[sflag:s14] =	ssyncset.done $0x0  }
0x24: {  	[sflag:s14] =	ssyncadd.s32 $0xFFFFFF80  }
0x25: {  	v1 =	vld [tilespmem:$0x9D00]  }
0x26: {  	v2 =	vld [tilespmem:$0x9D80];
	_ =	sdelay $0x3  }
0x27: {  	v1 =	vshll.u32 v1, $0x1  }
0x28: {  	v2 =	vshll.u32 v2, $0x1;
	_ =	sdelay $0x3  }
0x29: {  	v3 =	vld.idx.msk [tilespmem:v1+s2+$0x0], $0xffff  }
0x2a: {  	v4 =	vld.idx.msk [tilespmem:v2+s11+$0x0], $0xffff;
	_ =	sdelay $0x4  }
0x2b: {  	v3 =	vadd.f32 v4, v3;
	_ =	sdelay $0x1  }
0x2c: {  	v4 =	vmul.f32 $2.000000030e-01, v3  }
0x2d: {  	vm0 =	vge.f32 v3, $0.0e+00  }
0x2e: {  	v3 =	vsel vm0, v3, v4  }
0x2f: {  	v3 =	vmul.f32 $1.442695020e+00, v3;
	_ =	sdelay $0x1  }
0x30: {  	(erf) = vpow2.f32 v3;
	_ =	sdelay $0x6  }
0x31: {  	v1 =	vor.u32 $0x1, v1  }
0x32: {  	v3 =	vor.u32 $0x1, v2  }
0x33: {  	s21 =	sshra.s32 s18, $0x2;
	v56 =	vpop (erf)  }
0x34: {  	[tilespmem:s21+$0x9E00] =	vst v56  }
0x35: {  	[tilespmem:v2+s15+$0x0] =	vst.idx.add.f32.msk $0xffff, v56  }
0x36: {  	v1 =	vld.idx.msk [tilespmem:v1+s2+$0x0], $0xffff  }
0x37: {  	v2 =	vld.idx.msk [tilespmem:v3+s11+$0x0], $0xffff;
	_ =	sdelay $0x4  }
0x38: {  	v1 =	vadd.f32 v2, v1;
	_ =	sdelay $0x1  }
0x39: {  	v2 =	vmul.f32 $2.000000030e-01, v1  }
0x3a: {  	vm13 =	vge.f32 v1, $0.0e+00  }
0x3b: {  	v1 =	vsel vm13, v1, v2  }
0x3c: {  	v1 =	vmul.f32 $1.442695020e+00, v1;
	_ =	sdelay $0x1  }
0x3d: {  	(erf) = vpow2.f32 v1;
	_ =	sdelay $0x8  }
0x3e: {  	v1 =	vpop (erf)  }
0x3f: {  	[tilespmem:s21+$0xC680] =	vst v1  }
0x40: {  	[tilespmem:v3+s15+$0x0] =	vst.idx.add.f32.msk $0xffff, v1  }
0x41: {  	v1 =	vld [tilespmem:$0x9D10]  }
0x42: {  	v2 =	vld [tilespmem:$0x9D90];
	_ =	sdelay $0x3  }
0x43: {  	v1 =	vshll.u32 v1, $0x1  }
0x44: {  	v2 =	vshll.u32 v2, $0x1;
	_ =	sdelay $0x3  }
0x45: {  	v3 =	vld.idx.msk [tilespmem:v1+s2+$0x0], $0xffff  }
0x46: {  	v4 =	vld.idx.msk [tilespmem:v2+s11+$0x0], $0xffff;
	_ =	sdelay $0x4  }
0x47: {  	v3 =	vadd.f32 v4, v3;
	_ =	sdelay $0x1  }
0x48: {  	v4 =	vmul.f32 $2.000000030e-01, v3  }
0x49: {  	vm14 =	vge.f32 v3, $0.0e+00  }
0x4a: {  	v3 =	vsel vm14, v3, v4  }
0x4b: {  	v3 =	vmul.f32 $1.442695020e+00, v3;
	_ =	sdelay $0x1  }
0x4c: {  	(erf) = vpow2.f32 v3;
	_ =	sdelay $0x6  }
0x4d: {  	v1 =	vor.u32 $0x1, v1  }
0x4e: {  	v3 =	vor.u32 $0x1, v2  }
0x4f: {  	v57 =	vpop (erf)  }
0x50: {  	[tilespmem:s21+$0x9E10] =	vst v57  }
0x51: {  	[tilespmem:v2+s15+$0x0] =	vst.idx.add.f32.msk $0xffff, v57  }
0x52: {  	v1 =	vld.idx.msk [tilespmem:v1+s2+$0x0], $0xffff  }
0x53: {  	v2 =	vld.idx.msk [tilespmem:v3+s11+$0x0], $0xffff;
	_ =	sdelay $0x4  }
0x54: {  	v1 =	vadd.f32 v2, v1;
	_ =	sdelay $0x1  }
0x55: {  	v2 =	vmul.f32 $2.000000030e-01, v1  }
0x56: {  	vm15 =	vge.f32 v1, $0.0e+00  }
0x57: {  	v1 =	vsel vm15, v1, v2  }
0x58: {  	v1 =	vmul.f32 $1.442695020e+00, v1;
	_ =	sdelay $0x1  }
0x59: {  	(erf) = vpow2.f32 v1;
	_ =	sdelay $0x8  }
0x5a: {  	v1 =	vpop (erf)  }
0x5b: {  	[tilespmem:s21+$0xC690] =	vst v1  }
0x5c: {  	[tilespmem:v3+s15+$0x0] =	vst.idx.add.f32.msk $0xffff, v1  }
0x5d: {  	v1 =	vld [tilespmem:$0x9D20]  }
0x5e: {  	v2 =	vld [tilespmem:$0x9DA0];
	_ =	sdelay $0x3  }
0x5f: {  	v1 =	vshll.u32 v1, $0x1  }
0x60: {  	v2 =	vshll.u32 v2, $0x1;
	_ =	sdelay $0x3  }
0x61: {  	v3 =	vld.idx.msk [tilespmem:v1+s2+$0x0], $0xffff  }
0x62: {  	v4 =	vld.idx.msk [tilespmem:v2+s11+$0x0], $0xffff;
	_ =	sdelay $0x4  }
0x63: {  	v3 =	vadd.f32 v4, v3;
	_ =	sdelay $0x1  }
0x64: {  	v4 =	vmul.f32 $2.000000030e-01, v3  }
0x65: {  	vm4 =	vge.f32 v3, $0.0e+00  }
0x66: {  	v3 =	vsel vm4, v3, v4  }
0x67: {  	v3 =	vmul.f32 $1.442695020e+00, v3;
	_ =	sdelay $0x1  }
0x68: {  	(erf) = vpow2.f32 v3;
	_ =	sdelay $0x6  }
0x69: {  	v1 =	vor.u32 $0x1, v1  }
0x6a: {  	v3 =	vor.u32 $0x1, v2  }
0x6b: {  	v58 =	vpop (erf)  }
0x6c: {  	[tilespmem:s21+$0x9E20] =	vst v58  }
0x6d: {  	[tilespmem:v2+s15+$0x0] =	vst.idx.add.f32.msk $0xffff, v58  }
0x6e: {  	v1 =	vld.idx.msk [tilespmem:v1+s2+$0x0], $0xffff  }
0x6f: {  	v2 =	vld.idx.msk [tilespmem:v3+s11+$0x0], $0xffff;
	_ =	sdelay $0x4  }
0x70: {  	v1 =	vadd.f32 v2, v1;
	_ =	sdelay $0x1  }
0x71: {  	v2 =	vmul.f32 $2.000000030e-01, v1  }
0x72: {  	vm5 =	vge.f32 v1, $0.0e+00  }
0x73: {  	v1 =	vsel vm5, v1, v2  }
0x74: {  	v1 =	vmul.f32 $1.442695020e+00, v1;
	_ =	sdelay $0x1  }
0x75: {  	(erf) = vpow2.f32 v1;
	_ =	sdelay $0x8  }
0x76: {  	v1 =	vpop (erf)  }
0x77: {  	[tilespmem:s21+$0xC6A0] =	vst v1  }
0x78: {  	[tilespmem:v3+s15+$0x0] =	vst.idx.add.f32.msk $0xffff, v1  }
0x79: {  	v1 =	vld [tilespmem:$0x9D30]  }
0x7a: {  	v2 =	vld [tilespmem:$0x9DB0];
	_ =	sdelay $0x3  }
0x7b: {  	v1 =	vshll.u32 v1, $0x1  }
0x7c: {  	v2 =	vshll.u32 v2, $0x1;
	_ =	sdelay $0x3  }
0x7d: {  	v3 =	vld.idx.msk [tilespmem:v1+s2+$0x0], $0xffff  }
0x7e: {  	v4 =	vld.idx.msk [tilespmem:v2+s11+$0x0], $0xffff;
	_ =	sdelay $0x4  }
0x7f: {  	v3 =	vadd.f32 v4, v3;
	_ =	sdelay $0x1  }
0x80: {  	v4 =	vmul.f32 $2.000000030e-01, v3  }
0x81: {  	vm6 =	vge.f32 v3, $0.0e+00  }
0x82: {  	v3 =	vsel vm6, v3, v4  }
0x83: {  	v3 =	vmul.f32 $1.442695020e+00, v3;
	_ =	sdelay $0x1  }
0x84: {  	(erf) = vpow2.f32 v3;
	_ =	sdelay $0x6  }
0x85: {  	v1 =	vor.u32 $0x1, v1  }
0x86: {  	v3 =	vor.u32 $0x1, v2  }
0x87: {  	v59 =	vpop (erf)  }
0x88: {  	[tilespmem:s21+$0x9E30] =	vst v59  }
0x89: {  	[tilespmem:v2+s15+$0x0] =	vst.idx.add.f32.msk $0xffff, v59  }
0x8a: {  	v1 =	vld.idx.msk [tilespmem:v1+s2+$0x0], $0xffff  }
0x8b: {  	v2 =	vld.idx.msk [tilespmem:v3+s11+$0x0], $0xffff;
	_ =	sdelay $0x4  }
0x8c: {  	v1 =	vadd.f32 v2, v1;
	_ =	sdelay $0x1  }
0x8d: {  	v2 =	vmul.f32 $2.000000030e-01, v1  }
0x8e: {  	vm7 =	vge.f32 v1, $0.0e+00  }
0x8f: {  	v1 =	vsel vm7, v1, v2  }
0x90: {  	v1 =	vmul.f32 $1.442695020e+00, v1;
	_ =	sdelay $0x1  }
0x91: {  	(erf) = vpow2.f32 v1;
	_ =	sdelay $0x8  }
0x92: {  	v1 =	vpop (erf)  }
0x93: {  	[tilespmem:s21+$0xC6B0] =	vst v1  }
0x94: {  	[tilespmem:v3+s15+$0x0] =	vst.idx.add.f32.msk $0xffff, v1  }
0x95: {  	v1 =	vld [tilespmem:$0x9D40]  }
0x96: {  	v2 =	vld [tilespmem:$0x9DC0];
	_ =	sdelay $0x3  }
0x97: {  	v1 =	vshll.u32 v1, $0x1  }
0x98: {  	v2 =	vshll.u32 v2, $0x1;
	_ =	sdelay $0x3  }
0x99: {  	v3 =	vld.idx.msk [tilespmem:v1+s2+$0x0], $0xffff  }
0x9a: {  	v4 =	vld.idx.msk [tilespmem:v2+s11+$0x0], $0xffff;
	_ =	sdelay $0x4  }
0x9b: {  	v3 =	vadd.f32 v4, v3;
	_ =	sdelay $0x1  }
0x9c: {  	v4 =	vmul.f32 $2.000000030e-01, v3  }
0x9d: {  	vm8 =	vge.f32 v3, $0.0e+00  }
0x9e: {  	v3 =	vsel vm8, v3, v4  }
0x9f: {  	v3 =	vmul.f32 $1.442695020e+00, v3;
	_ =	sdelay $0x1  }
0xa0: {  	(erf) = vpow2.f32 v3;
	_ =	sdelay $0x6  }
0xa1: {  	v1 =	vor.u32 $0x1, v1  }
0xa2: {  	v3 =	vor.u32 $0x1, v2  }
0xa3: {  	v60 =	vpop (erf)  }
0xa4: {  	[tilespmem:s21+$0x9E40] =	vst v60  }
0xa5: {  	[tilespmem:v2+s15+$0x0] =	vst.idx.add.f32.msk $0xffff, v60  }
0xa6: {  	v1 =	vld.idx.msk [tilespmem:v1+s2+$0x0], $0xffff  }
0xa7: {  	v2 =	vld.idx.msk [tilespmem:v3+s11+$0x0], $0xffff;
	_ =	sdelay $0x4  }
0xa8: {  	v1 =	vadd.f32 v2, v1;
	_ =	sdelay $0x1  }
0xa9: {  	v2 =	vmul.f32 $2.000000030e-01, v1  }
0xaa: {  	vm9 =	vge.f32 v1, $0.0e+00  }
0xab: {  	v1 =	vsel vm9, v1, v2  }
0xac: {  	v1 =	vmul.f32 $1.442695020e+00, v1;
	_ =	sdelay $0x1  }
0xad: {  	(erf) = vpow2.f32 v1;
	_ =	sdelay $0x8  }
0xae: {  	v1 =	vpop (erf)  }
0xaf: {  	[tilespmem:s21+$0xC6C0] =	vst v1  }
0xb0: {  	[tilespmem:v3+s15+$0x0] =	vst.idx.add.f32.msk $0xffff, v1  }
0xb1: {  	v1 =	vld [tilespmem:$0x9D50]  }
0xb2: {  	v2 =	vld [tilespmem:$0x9DD0];
	_ =	sdelay $0x3  }
0xb3: {  	v1 =	vshll.u32 v1, $0x1  }
0xb4: {  	v2 =	vshll.u32 v2, $0x1;
	_ =	sdelay $0x3  }
0xb5: {  	v3 =	vld.idx.msk [tilespmem:v1+s2+$0x0], $0xffff  }
0xb6: {  	v4 =	vld.idx.msk [tilespmem:v2+s11+$0x0], $0xffff;
	_ =	sdelay $0x4  }
0xb7: {  	v3 =	vadd.f32 v4, v3;
	_ =	sdelay $0x1  }
0xb8: {  	v4 =	vmul.f32 $2.000000030e-01, v3  }
0xb9: {  	vm10 =	vge.f32 v3, $0.0e+00  }
0xba: {  	v3 =	vsel vm10, v3, v4  }
0xbb: {  	v3 =	vmul.f32 $1.442695020e+00, v3;
	_ =	sdelay $0x1  }
0xbc: {  	(erf) = vpow2.f32 v3;
	_ =	sdelay $0x6  }
0xbd: {  	v1 =	vor.u32 $0x1, v1  }
0xbe: {  	v3 =	vor.u32 $0x1, v2  }
0xbf: {  	v61 =	vpop (erf)  }
0xc0: {  	[tilespmem:s21+$0x9E50] =	vst v61  }
0xc1: {  	[tilespmem:v2+s15+$0x0] =	vst.idx.add.f32.msk $0xffff, v61  }
0xc2: {  	v1 =	vld.idx.msk [tilespmem:v1+s2+$0x0], $0xffff  }
0xc3: {  	v2 =	vld.idx.msk [tilespmem:v3+s11+$0x0], $0xffff;
	_ =	sdelay $0x4  }
0xc4: {  	v1 =	vadd.f32 v2, v1;
	_ =	sdelay $0x1  }
0xc5: {  	v2 =	vmul.f32 $2.000000030e-01, v1  }
0xc6: {  	vm11 =	vge.f32 v1, $0.0e+00  }
0xc7: {  	v1 =	vsel vm11, v1, v2  }
0xc8: {  	v1 =	vmul.f32 $1.442695020e+00, v1;
	_ =	sdelay $0x1  }
0xc9: {  	(erf) = vpow2.f32 v1;
	_ =	sdelay $0x8  }
0xca: {  	v1 =	vpop (erf)  }
0xcb: {  	[tilespmem:s21+$0xC6D0] =	vst v1  }
0xcc: {  	[tilespmem:v3+s15+$0x0] =	vst.idx.add.f32.msk $0xffff, v1  }
0xcd: {  	v1 =	vld [tilespmem:$0x9D60]  }
0xce: {  	v2 =	vld [tilespmem:$0x9DE0];
	_ =	sdelay $0x3  }
0xcf: {  	v1 =	vshll.u32 v1, $0x1  }
0xd0: {  	v2 =	vshll.u32 v2, $0x1;
	_ =	sdelay $0x3  }
0xd1: {  	v3 =	vld.idx.msk [tilespmem:v1+s2+$0x0], $0xffff  }
0xd2: {  	v4 =	vld.idx.msk [tilespmem:v2+s11+$0x0], $0xffff;
	_ =	sdelay $0x4  }
0xd3: {  	v3 =	vadd.f32 v4, v3;
	_ =	sdelay $0x1  }
0xd4: {  	v4 =	vmul.f32 $2.000000030e-01, v3  }
0xd5: {  	vm12 =	vge.f32 v3, $0.0e+00  }
0xd6: {  	v3 =	vsel vm12, v3, v4  }
0xd7: {  	v3 =	vmul.f32 $1.442695020e+00, v3;
	_ =	sdelay $0x1  }
0xd8: {  	(erf) = vpow2.f32 v3;
	_ =	sdelay $0x6  }
0xd9: {  	v1 =	vor.u32 $0x1, v1  }
0xda: {  	v3 =	vor.u32 $0x1, v2  }
0xdb: {  	v62 =	vpop (erf)  }
0xdc: {  	[tilespmem:s21+$0x9E60] =	vst v62  }
0xdd: {  	[tilespmem:v2+s15+$0x0] =	vst.idx.add.f32.msk $0xffff, v62  }
0xde: {  	v1 =	vld.idx.msk [tilespmem:v1+s2+$0x0], $0xffff  }
0xdf: {  	v2 =	vld.idx.msk [tilespmem:v3+s11+$0x0], $0xffff;
	_ =	sdelay $0x4  }
0xe0: {  	v1 =	vadd.f32 v2, v1;
	_ =	sdelay $0x1  }
0xe1: {  	v2 =	vmul.f32 $2.000000030e-01, v1  }
0xe2: {  	vm13 =	vge.f32 v1, $0.0e+00  }
0xe3: {  	v1 =	vsel vm13, v1, v2  }
0xe4: {  	v1 =	vmul.f32 $1.442695020e+00, v1;
	_ =	sdelay $0x1  }
0xe5: {  	(erf) = vpow2.f32 v1;
	_ =	sdelay $0x8  }
0xe6: {  	v1 =	vpop (erf)  }
0xe7: {  	[tilespmem:s21+$0xC6E0] =	vst v1  }
0xe8: {  	[tilespmem:v3+s15+$0x0] =	vst.idx.add.f32.msk $0xffff, v1  }
0xe9: {  	v1 =	vld [tilespmem:$0x9D70]  }
0xea: {  	v2 =	vld [tilespmem:$0x9DF0];
	_ =	sdelay $0x3  }
0xeb: {  	v1 =	vshll.u32 v1, $0x1  }
0xec: {  	v2 =	vshll.u32 v2, $0x1;
	_ =	sdelay $0x3  }
0xed: {  	v3 =	vld.idx.msk [tilespmem:v1+s2+$0x0], $0xffff  }
0xee: {  	v4 =	vld.idx.msk [tilespmem:v2+s11+$0x0], $0xffff;
	_ =	sdelay $0x4  }
0xef: {  	v3 =	vadd.f32 v4, v3;
	_ =	sdelay $0x1  }
0xf0: {  	v4 =	vmul.f32 $2.000000030e-01, v3  }
0xf1: {  	vm14 =	vge.f32 v3, $0.0e+00  }
0xf2: {  	v3 =	vsel vm14, v3, v4  }
0xf3: {  	v3 =	vmul.f32 $1.442695020e+00, v3;
	_ =	sdelay $0x1  }
0xf4: {  	(erf) = vpow2.f32 v3;
	_ =	sdelay $0x6  }
0xf5: {  	v1 =	vor.u32 $0x1, v1  }
0xf6: {  	v3 =	vor.u32 $0x1, v2  }
0xf7: {  	v63 =	vpop (erf)  }
0xf8: {  	[tilespmem:s21+$0x9E70] =	vst v63  }
0xf9: {  	[tilespmem:v2+s15+$0x0] =	vst.idx.add.f32.msk $0xffff, v63  }
0xfa: {  	v1 =	vld.idx.msk [tilespmem:v1+s2+$0x0], $0xffff  }
0xfb: {  	v2 =	vld.idx.msk [tilespmem:v3+s11+$0x0], $0xffff;
	_ =	sdelay $0x4  }
0xfc: {  	v1 =	vadd.f32 v2, v1;
	_ =	sdelay $0x1  }
0xfd: {  	v2 =	vmul.f32 $2.000000030e-01, v1  }
0xfe: {  	vm15 =	vge.f32 v1, $0.0e+00  }
0xff: {  	v1 =	vsel vm15, v1, v2  }
0x100: {  	v1 =	vmul.f32 $1.442695020e+00, v1;
	_ =	sdelay $0x1  }
0x101: {  	(erf) = vpow2.f32 v1;
	_ =	sdelay $0x5  }
0x102: {  	p0 =	sne.s32 s18, $0xA000  }
.Ltmp1:
0x103: {  	_ = 	snop;
	(pc) =	sbr.rel @p0 .LBB2_4-.Ltmp1, $4  }
0x104: {  	_ = 	snop  }
0x105: {  	v1 =	vpop (erf)  }
0x106: {  	[tilespmem:s21+$0xC6F0] =	vst v1  }
0x107: {  	s20 =	sadd.s32 $0x10, s20;
	s18 =	sadd.s32 $0x200, s18;
	s19 =	sadd.s32 $0x10, s19;
	[tilespmem:v3+s15+$0x0] =	vst.idx.add.f32.msk $0xffff, v1  }
0x108: {  	[hbm4b:s5+s2] =	stream.linear.scatter [tilespmem:s16], [sflag:$0x2], $0x5100, $0x38;
	[tilespmem:$0x13F00] =	vst v63  }
0x109: {  	s17 =	sadd.s32 $0x1, s17;
	_ =	swait.ge [sflag:s10], $0x5100  }
0x10a: {  	p0 =	sne.s32 s17, s7;
	[sflag:s10] =	ssyncset.done $0x0  }
.Ltmp2:
0x10b: {  	[sflag:s10] =	ssyncadd.s32 $0xFFFFAF00;
	(pc) =	sbr.rel @p0 .LBB2_1-.Ltmp2, $4  }
0x10c: {  	[hbm4b:s6+s2] =	stream.linear.scatter [tilespmem:s15], [sflag:$0x2], $0x5000, $0x38;
	[tilespmem:$0x13F00] =	vst v63  }
0x10d: {  	_ =	swait.ge [sflag:s10], $0x5000  }
0x10e: {  	[sflag:s10] =	ssyncset.done $0x0  }
0x10f: {  	[sflag:s10] =	ssyncadd.s32 $0xFFFFB000  }
0x110: {  	_ =	sfence.sel $0x180000  }
0x111: {  	[bflag:$0x0] =	sbarrier.arrive $0xFFFF  }
0x112: {  	p0 =	sne.s32 s1, $0x0;
	_ =	strace $0x90000047  }
0x113: {  	s0 =	sadd.s32 @!p0 $0x100000, s0;
	[bflag:$0x2] =	sbarrier.arrive $0xFFFF  }
0x114: {  	[sflag:s0] =	ssyncadd.tile.s32 @!p0 $0x1;
	_ =	shalt  }
.Lfunc_end2:
_tile_overlayer_lowered:
.L_overlay_start_2:
0x115: {  	(tag) =	ssettag $0x2  }
0x116: {  	s0 =	rddreg [dreg:$0x0];
	s2 =	stileid.u32  }
0x117: {  	s1 =	rddreg [dreg:$0x1];
	p0 =	sne.s32 s2, $0x0  }
0x118: {  	s3 =	rddreg [dreg:$0x2];
	[bflag:$0x3] =	sbarrier.arrive $0xFFFF;
	s2 =	simm.s32 @!p0 $0x1C02  }
0x119: {  	[timem:s3], [sflag:s2] =	dma.local @!p0 [hbm:s0], s1  }
0x11a: {  	s0 =	simm.s32 @!p0 $0x2  }
0x11b: {  	_ =	swait.ge @!p0 [sflag:s0], s1  }
0x11c: {  	s1 =	ssub.s32 @!p0 $0x0, s1;
	[sflag:s0] =	ssyncset.done @!p0 $0x0  }
0x11d: {  	[sflag:s0] =	ssyncadd.s32 @!p0 s1  }
0x11e: {  	[bflag:$0x3] =	sbarrier.arrive $0xFFFF  }
0x11f: {  	_ =	shalt  }

</sc_bundles>
